<compile_context>
chip_gen: v7x
topology: tpu7x:2x2x1
jax: 0.10.2.dev20260603
libtpu: 0.0.44.dev20260713+nightly
codegen_flags: <defaults>
</compile_context>

<pallas_src>
import functools

import jax
import jax.numpy as jnp
from jax import lax
from jax.experimental import pallas as pl
from jax.experimental.pallas import tpu as pltpu
from jax.experimental.pallas import tpu_sc as plsc

_M = 10
_K = 256
_SUB = 30
_SUBP = 32
_NC = 2
_NS = 16
_NW = _NC * _NS
_C = 128
_LANES = 16


@functools.lru_cache(maxsize=None)
def _build(num_tokens: int, vec_elems: int):
    tokens_per_worker = num_tokens // _NW
    num_chunks = tokens_per_worker // _C
    mesh = plsc.VectorSubcoreMesh(
        core_axis_name="c", subcore_axis_name="s",
        num_cores=_NC, num_subcores=_NS)

    @functools.partial(
        pl.kernel,
        out_type=jax.ShapeDtypeStruct((num_tokens, _M * _SUBP), jnp.float32),
        mesh=mesh,
        scratch_types=[
            pltpu.VMEM((tokens_per_worker,), jnp.int32),
            pltpu.VMEM((_M, _C), jnp.int32),
            pltpu.VMEM((_M, _C), jnp.int32),
            pltpu.VMEM((_M, _C), jnp.int32),
            pltpu.VMEM((_M, _C, _SUBP), jnp.float32),
            pltpu.VMEM_SHARED((vec_elems,), jnp.int32),
            pltpu.VMEM_SHARED((_M * _K, _SUBP), jnp.float32),
            pltpu.SemaphoreType.DMA,
            pltpu.SemaphoreType.DMA,
            pltpu.SemaphoreType.DMA,
        ],
        compiler_params=pltpu.CompilerParams(use_tc_tiling_on_sc=False),
    )
    def pq_lookup(ids_hbm, vec_hbm, cw_hbm, out_hbm,
                  ids_v, idx1_v, codes_v, idx2_v, rows_v, vec_sh, cw_sh,
                  sem_codes, sem_rows, sem_w):
        wid = lax.axis_index("s") * _NC + lax.axis_index("c")
        base0 = wid * tokens_per_worker

        @pl.when(lax.axis_index("s") == 0)
        def _load_tables():
            pltpu.sync_copy(vec_hbm, vec_sh)
            pltpu.sync_copy(cw_hbm, cw_sh)
        plsc.subcore_barrier()

        pltpu.sync_copy(ids_hbm.at[pl.ds(base0, tokens_per_worker)], ids_v)

        def chunk_body(c, carry):
            tok = base0 + c * _C
            loc = c * _C

            for j in range(_M):
                def mk1(k, carry2, j=j):
                    s = pl.ds(k * _LANES, _LANES)
                    idx1_v[j, s] = ids_v[pl.ds(loc + k * _LANES, _LANES)] * _M + j
                    return carry2
                lax.fori_loop(0, _C // _LANES, mk1, 0, unroll=True)

            code_copies = [
                pltpu.async_copy(
                    vec_sh.at[idx1_v.at[j]], codes_v.at[j], sem_codes)
                for j in range(_M)]
            for cp in code_copies:
                cp.wait()

            for j in range(_M):
                def mk2(k, carry2, j=j):
                    s = pl.ds(k * _LANES, _LANES)
                    idx2_v[j, s] = codes_v[j, s] + j * _K
                    return carry2
                lax.fori_loop(0, _C // _LANES, mk2, 0, unroll=True)

            @pl.when(c > 0)
            def _drain_prev():
                for j in range(_M):
                    pltpu.make_async_copy(
                        rows_v.at[j],
                        out_hbm.at[pl.ds(tok - _C, _C),
                                   pl.ds(j * _SUBP, _SUBP)],
                        sem_w).wait()

            row_copies = [
                pltpu.async_copy(
                    cw_sh.at[idx2_v.at[j]], rows_v.at[j], sem_rows)
                for j in range(_M)]
            for cp in row_copies:
                cp.wait()

            for j in range(_M):
                pltpu.async_copy(
                    rows_v.at[j],
                    out_hbm.at[pl.ds(tok, _C), pl.ds(j * _SUBP, _SUBP)],
                    sem_w)
            return carry

        lax.fori_loop(0, num_chunks, chunk_body, 0)

        last = base0 + (num_chunks - 1) * _C
        for j in range(_M):
            pltpu.make_async_copy(
                rows_v.at[j],
                out_hbm.at[pl.ds(last, _C), pl.ds(j * _SUBP, _SUBP)],
                sem_w).wait()

    return pq_lookup


@functools.lru_cache(maxsize=None)
def _build_strip(b: int, l: int):
    bb = 64
    grid = b // bb

    def body(x_ref, o_ref):
        x = x_ref[...]
        parts = [x[:, j * _SUBP:j * _SUBP + _SUB] for j in range(_M)]
        o_ref[...] = jnp.concatenate(parts, axis=1).reshape(bb, l, _M * _SUB)

    return pl.pallas_call(
        body,
        grid=(grid,),
        in_specs=[pl.BlockSpec((bb * l, _M * _SUBP), lambda i: (i, 0))],
        out_specs=pl.BlockSpec((bb, l, _M * _SUB), lambda i: (i, 0, 0)),
        out_shape=jax.ShapeDtypeStruct((b, l, _M * _SUB), jnp.float32),
    )


def kernel(input_ids, codewords, vectors):
    b, l = input_ids.shape
    n = b * l
    ids = input_ids.reshape(n)
    vec = vectors.reshape(-1)
    cw = jnp.pad(codewords.reshape(_M * _K, _SUB),
                 ((0, 0), (0, _SUBP - _SUB)))
    out = _build(n, vec.shape[0])(ids, vec, cw)
    return _build_strip(b, l)(out)

# --- scband reference (transcript-rebuilt; emitter-appended) ---
"""Pipeline reference for scband-glo-ve-pqembedding-1821066133506 (READ-ONLY COPY).

The authoritative reference and input builder live on the scoring server;
editing this copy changes nothing except your own understanding.
"""

import jax, jax.numpy as jnp
import numpy as np

VOCAB = 100000
M = 10
K = 256
SUB = 30

def setup_inputs(seed: int = 0) -> dict:
    key = jax.random.key(seed)
    k1, k2, k3 = jax.random.split(key, 3)
    codewords = jax.random.normal(k1, (M, K, SUB), dtype=jnp.float32)
    vectors = jax.random.randint(k2, (VOCAB, M), 0, K, dtype=jnp.int32)
    input_ids = jax.random.randint(k3, (4096, 50), 0, VOCAB, dtype=jnp.int32)
    return {"input_ids": input_ids, "codewords": codewords, "vectors": vectors}

def reference(input_ids, codewords, vectors):
    # codes = self.vectors[input_ids]  -> gather PQ codes per token
    codes = jnp.take(vectors, input_ids, axis=0)  # [B, L, M]
    # per-subspace codebook gather, then concat along feature dim
    parts = []
    for i in range(codes.shape[-1]):
        parts.append(jnp.take(codewords[i], codes[..., i], axis=0))  # [B, L, SUB]
    return jnp.concatenate(parts, axis=-1)  # [B, L, M*SUB] = [4096, 50, 300]

if __name__ == "__main__":
    import jax
    _d = setup_inputs()
    print(jax.jit(kernel)(*tuple(_d.values())))

</pallas_src>

<mosaic_0001>
#map = affine_map<(d0, d1) -> (0)>
#map1 = affine_map<(d0, d1) -> (0, 0)>
module attributes {stable_mosaic.version = 14 : i64} {
  func.func @pq_lookup(%arg0: i32, %arg1: i32, %arg2: memref<204800xi32, #tpu.memory_space<hbm>>, %arg3: memref<1000000xi32, #tpu.memory_space<hbm>>, %arg4: memref<2560x32xf32, #tpu.memory_space<hbm>>, %arg5: memref<204800x320xf32, #tpu.memory_space<hbm>>, %arg6: memref<6400xi32, #tpu.memory_space<vmem>>, %arg7: memref<10x128xi32, #tpu.memory_space<vmem>>, %arg8: memref<10x128xi32, #tpu.memory_space<vmem>>, %arg9: memref<10x128xi32, #tpu.memory_space<vmem>>, %arg10: memref<10x128x32xf32, #tpu.memory_space<vmem>>, %arg11: memref<1000000xi32, #tpu.memory_space<vmem_shared>>, %arg12: memref<2560x32xf32, #tpu.memory_space<vmem_shared>>, %arg13: memref<!tpu.dma_semaphore, #tpu.memory_space<semaphore_mem>>, %arg14: memref<!tpu.dma_semaphore, #tpu.memory_space<semaphore_mem>>, %arg15: memref<!tpu.dma_semaphore, #tpu.memory_space<semaphore_mem>>) attributes {dimension_semantics = [#tpu.dimension_semantics<core_parallel>, #tpu.dimension_semantics<subcore_parallel>], iteration_bounds = array<i64: 2, 16>, scalar_prefetch = 0 : i64, scratch_operands = 10 : i64, tpu.core_type = #tpu.core_type<sc_vector_subcore>, window_params = [{transform_indices = #map}, {transform_indices = #map}, {transform_indices = #map1}, {transform_indices = #map1}]} {
    %mul3A = arith.constant 2 : i32
    %mul3A_0 = arith.muli %arg1, %mul3A : i32
    %add3A = arith.addi %mul3A_0, %arg0 : i32
    %mul3A_1 = arith.constant 6400 : i32
    %mul3A_2 = arith.muli %add3A, %mul3A_1 : i32
    %eq3A = arith.constant 0 : i32
    %eq3A_3 = arith.cmpi eq, %arg1, %eq3A : i32
    %convert_element_type3A = arith.extui %eq3A_3 : i1 to i32
    %cond3A = arith.constant 0 : i32
    %cond3A_4 = arith.cmpi ne, %convert_element_type3A, %cond3A : i32
    scf.if %cond3A_4 {
      "tpu.region"() ({
        %run_scoped3A = tpu.sem_alloc : memref<!tpu.dma_semaphore, #tpu.memory_space<semaphore_mem>>
        tpu.enqueue_dma source(%arg3 : memref<1000000xi32, #tpu.memory_space<hbm>>) target(%arg11 : memref<1000000xi32, #tpu.memory_space<vmem_shared>>) target_semaphore(%run_scoped3A : memref<!tpu.dma_semaphore, #tpu.memory_space<semaphore_mem>>)
        tpu.wait_dma2 semaphore(%run_scoped3A : memref<!tpu.dma_semaphore, #tpu.memory_space<semaphore_mem>>) src(%arg3 : memref<1000000xi32, #tpu.memory_space<hbm>>) dst(%arg11 : memref<1000000xi32, #tpu.memory_space<vmem_shared>>)
        tpu.yield
      }) : () -> ()
      "tpu.region"() ({
        %run_scoped3A = tpu.sem_alloc : memref<!tpu.dma_semaphore, #tpu.memory_space<semaphore_mem>>
        tpu.enqueue_dma source(%arg4 : memref<2560x32xf32, #tpu.memory_space<hbm>>) target(%arg12 : memref<2560x32xf32, #tpu.memory_space<vmem_shared>>) target_semaphore(%run_scoped3A : memref<!tpu.dma_semaphore, #tpu.memory_space<semaphore_mem>>)
        tpu.wait_dma2 semaphore(%run_scoped3A : memref<!tpu.dma_semaphore, #tpu.memory_space<semaphore_mem>>) src(%arg4 : memref<2560x32xf32, #tpu.memory_space<hbm>>) dst(%arg12 : memref<2560x32xf32, #tpu.memory_space<vmem_shared>>)
        tpu.yield
      }) : () -> ()
    } else {
    }
    %barrier3A = arith.constant 0 : index
    tpu.barrier barrier_id(%barrier3A)
    "tpu.region"() ({
      %run_scoped3A = tpu.sem_alloc : memref<!tpu.dma_semaphore, #tpu.memory_space<semaphore_mem>>
      %dma_start3A = tpu.memref_slice %arg2[%mul3A_2] : memref<204800xi32, #tpu.memory_space<hbm>> -> memref<6400xi32, #tpu.memory_space<hbm>>
      %dma_start3A_141 = tpu.memref_slice %arg2[%mul3A_2] : memref<204800xi32, #tpu.memory_space<hbm>> -> memref<6400xi32, #tpu.memory_space<hbm>>
      tpu.enqueue_dma source(%dma_start3A_141 : memref<6400xi32, #tpu.memory_space<hbm>>) target(%arg6 : memref<6400xi32, #tpu.memory_space<vmem>>) target_semaphore(%run_scoped3A : memref<!tpu.dma_semaphore, #tpu.memory_space<semaphore_mem>>)
      %dma_wait3A_142 = tpu.memref_slice %arg2[%mul3A_2] : memref<204800xi32, #tpu.memory_space<hbm>> -> memref<6400xi32, #tpu.memory_space<hbm>>
      %dma_wait3A_143 = tpu.memref_slice %arg2[%mul3A_2] : memref<204800xi32, #tpu.memory_space<hbm>> -> memref<6400xi32, #tpu.memory_space<hbm>>
      tpu.wait_dma2 semaphore(%run_scoped3A : memref<!tpu.dma_semaphore, #tpu.memory_space<semaphore_mem>>) src(%dma_wait3A_143 : memref<6400xi32, #tpu.memory_space<hbm>>) dst(%arg6 : memref<6400xi32, #tpu.memory_space<vmem>>)
      tpu.yield
    }) : () -> ()
    %scan3A = arith.constant 0 : i32
    %scan3A_5 = arith.constant 0 : i32
    %scan3A_6 = arith.constant 50 : i32
    %scan3A_7 = arith.addi %scan3A_5, %scan3A_6 : i32
    %scan3A_8 = arith.constant 1 : i32
    scf.for %scan3A_141 = %scan3A_5 to %scan3A_7 step %scan3A_8  : i32 {
      %mul3A_142 = arith.constant 128 : i32
      %mul3A_143 = arith.muli %scan3A_141, %mul3A_142 : i32
      %add3A_144 = arith.addi %mul3A_2, %mul3A_143 : i32
      %mul3A_145 = arith.constant 128 : i32
      %mul3A_146 = arith.muli %scan3A_141, %mul3A_145 : i32
      %scan3A_147 = arith.constant 0 : i32
      %scan3A_148 = arith.constant 0 : i32
      %mul3A_149 = arith.constant 16 : i32
      %mul3A_150 = arith.muli %scan3A_148, %mul3A_149 : i32
      %mul3A_151 = arith.constant 16 : i32
      %mul3A_152 = arith.muli %scan3A_148, %mul3A_151 : i32
      %add3A_153 = arith.addi %mul3A_146, %mul3A_152 : i32
      %get3A = arith.index_cast %add3A_153 : i32 to index
      %get3A_154 = tpu.vector_load %arg6[%get3A] {strides = array<i32>} : memref<6400xi32, #tpu.memory_space<vmem>>, vector<16xi32>,
      %get3A_155 = vector.shape_cast %get3A_154 : vector<16xi32> to vector<16xi32>
      %mul3A_156 = arith.constant 10 : i32
      %mul3A_157 = vector.broadcast %mul3A_156 : i32 to vector<16xi32>
      %mul3A_158 = arith.muli %get3A_155, %mul3A_157 : vector<16xi32>
      %add3A_159 = arith.constant 0 : i32
      %add3A_160 = vector.broadcast %add3A_159 : i32 to vector<16xi32>
      %add3A_161 = arith.addi %mul3A_158, %add3A_160 : vector<16xi32>
      %swap3A = arith.constant 0 : i32
      %swap3A_162 = arith.index_cast %swap3A : i32 to index
      %swap3A_163 = arith.index_cast %mul3A_150 : i32 to index
      %swap3A_164 = tpu.vector_load %arg7[%swap3A_162, %swap3A_163] {strides = array<i32>} : memref<10x128xi32, #tpu.memory_space<vmem>>, vector<1x16xi32>,
      %swap3A_165 = vector.shape_cast %swap3A_164 : vector<1x16xi32> to vector<16xi32>
      %swap3A_166 = vector.shape_cast %add3A_161 : vector<16xi32> to vector<1x16xi32>
      tpu.vector_store %arg7[%swap3A_162, %swap3A_163], %swap3A_166 {strides = array<i32>} : memref<10x128xi32, #tpu.memory_space<vmem>>, vector<1x16xi32>,
      %scan3A_167 = arith.constant 1 : i32
      %mul3A_168 = arith.constant 16 : i32
      %mul3A_169 = arith.muli %scan3A_167, %mul3A_168 : i32
      %mul3A_170 = arith.constant 16 : i32
      %mul3A_171 = arith.muli %scan3A_167, %mul3A_170 : i32
      %add3A_172 = arith.addi %mul3A_146, %mul3A_171 : i32
      %get3A_173 = arith.index_cast %add3A_172 : i32 to index
      %get3A_174 = tpu.vector_load %arg6[%get3A_173] {strides = array<i32>} : memref<6400xi32, #tpu.memory_space<vmem>>, vector<16xi32>,
      %get3A_175 = vector.shape_cast %get3A_174 : vector<16xi32> to vector<16xi32>
      %mul3A_176 = arith.constant 10 : i32
      %mul3A_177 = vector.broadcast %mul3A_176 : i32 to vector<16xi32>
      %mul3A_178 = arith.muli %get3A_175, %mul3A_177 : vector<16xi32>
      %add3A_179 = arith.constant 0 : i32
      %add3A_180 = vector.broadcast %add3A_179 : i32 to vector<16xi32>
      %add3A_181 = arith.addi %mul3A_178, %add3A_180 : vector<16xi32>
      %swap3A_182 = arith.constant 0 : i32
      %swap3A_183 = arith.index_cast %swap3A_182 : i32 to index
      %swap3A_184 = arith.index_cast %mul3A_169 : i32 to index
      %swap3A_185 = tpu.vector_load %arg7[%swap3A_183, %swap3A_184] {strides = array<i32>} : memref<10x128xi32, #tpu.memory_space<vmem>>, vector<1x16xi32>,
      %swap3A_186 = vector.shape_cast %swap3A_185 : vector<1x16xi32> to vector<16xi32>
      %swap3A_187 = vector.shape_cast %add3A_181 : vector<16xi32> to vector<1x16xi32>
      tpu.vector_store %arg7[%swap3A_183, %swap3A_184], %swap3A_187 {strides = array<i32>} : memref<10x128xi32, #tpu.memory_space<vmem>>, vector<1x16xi32>,
      %scan3A_188 = arith.constant 2 : i32
      %mul3A_189 = arith.constant 16 : i32
      %mul3A_190 = arith.muli %scan3A_188, %mul3A_189 : i32
      %mul3A_191 = arith.constant 16 : i32
      %mul3A_192 = arith.muli %scan3A_188, %mul3A_191 : i32
      %add3A_193 = arith.addi %mul3A_146, %mul3A_192 : i32
      %get3A_194 = arith.index_cast %add3A_193 : i32 to index
      %get3A_195 = tpu.vector_load %arg6[%get3A_194] {strides = array<i32>} : memref<6400xi32, #tpu.memory_space<vmem>>, vector<16xi32>,
      %get3A_196 = vector.shape_cast %get3A_195 : vector<16xi32> to vector<16xi32>
      %mul3A_197 = arith.constant 10 : i32
      %mul3A_198 = vector.broadcast %mul3A_197 : i32 to vector<16xi32>
      %mul3A_199 = arith.muli %get3A_196, %mul3A_198 : vector<16xi32>
      %add3A_200 = arith.constant 0 : i32
      %add3A_201 = vector.broadcast %add3A_200 : i32 to vector<16xi32>
      %add3A_202 = arith.addi %mul3A_199, %add3A_201 : vector<16xi32>
      %swap3A_203 = arith.constant 0 : i32
      %swap3A_204 = arith.index_cast %swap3A_203 : i32 to index
      %swap3A_205 = arith.index_cast %mul3A_190 : i32 to index
      %swap3A_206 = tpu.vector_load %arg7[%swap3A_204, %swap3A_205] {strides = array<i32>} : memref<10x128xi32, #tpu.memory_space<vmem>>, vector<1x16xi32>,
      %swap3A_207 = vector.shape_cast %swap3A_206 : vector<1x16xi32> to vector<16xi32>
      %swap3A_208 = vector.shape_cast %add3A_202 : vector<16xi32> to vector<1x16xi32>
      tpu.vector_store %arg7[%swap3A_204, %swap3A_205], %swap3A_208 {strides = array<i32>} : memref<10x128xi32, #tpu.memory_space<vmem>>, vector<1x16xi32>,
      %scan3A_209 = arith.constant 3 : i32
      %mul3A_210 = arith.constant 16 : i32
      %mul3A_211 = arith.muli %scan3A_209, %mul3A_210 : i32
      %mul3A_212 = arith.constant 16 : i32
      %mul3A_213 = arith.muli %scan3A_209, %mul3A_212 : i32
      %add3A_214 = arith.addi %mul3A_146, %mul3A_213 : i32
      %get3A_215 = arith.index_cast %add3A_214 : i32 to index
      %get3A_216 = tpu.vector_load %arg6[%get3A_215] {strides = array<i32>} : memref<6400xi32, #tpu.memory_space<vmem>>, vector<16xi32>,
      %get3A_217 = vector.shape_cast %get3A_216 : vector<16xi32> to vector<16xi32>
      %mul3A_218 = arith.constant 10 : i32
      %mul3A_219 = vector.broadcast %mul3A_218 : i32 to vector<16xi32>
      %mul3A_220 = arith.muli %get3A_217, %mul3A_219 : vector<16xi32>
      %add3A_221 = arith.constant 0 : i32
      %add3A_222 = vector.broadcast %add3A_221 : i32 to vector<16xi32>
      %add3A_223 = arith.addi %mul3A_220, %add3A_222 : vector<16xi32>
      %swap3A_224 = arith.constant 0 : i32
      %swap3A_225 = arith.index_cast %swap3A_224 : i32 to index
      %swap3A_226 = arith.index_cast %mul3A_211 : i32 to index
      %swap3A_227 = tpu.vector_load %arg7[%swap3A_225, %swap3A_226] {strides = array<i32>} : memref<10x128xi32, #tpu.memory_space<vmem>>, vector<1x16xi32>,
      %swap3A_228 = vector.shape_cast %swap3A_227 : vector<1x16xi32> to vector<16xi32>
      %swap3A_229 = vector.shape_cast %add3A_223 : vector<16xi32> to vector<1x16xi32>
      tpu.vector_store %arg7[%swap3A_225, %swap3A_226], %swap3A_229 {strides = array<i32>} : memref<10x128xi32, #tpu.memory_space<vmem>>, vector<1x16xi32>,
      %scan3A_230 = arith.constant 4 : i32
      %mul3A_231 = arith.constant 16 : i32
      %mul3A_232 = arith.muli %scan3A_230, %mul3A_231 : i32
      %mul3A_233 = arith.constant 16 : i32
      %mul3A_234 = arith.muli %scan3A_230, %mul3A_233 : i32
      %add3A_235 = arith.addi %mul3A_146, %mul3A_234 : i32
      %get3A_236 = arith.index_cast %add3A_235 : i32 to index
      %get3A_237 = tpu.vector_load %arg6[%get3A_236] {strides = array<i32>} : memref<6400xi32, #tpu.memory_space<vmem>>, vector<16xi32>,
      %get3A_238 = vector.shape_cast %get3A_237 : vector<16xi32> to vector<16xi32>
      %mul3A_239 = arith.constant 10 : i32
      %mul3A_240 = vector.broadcast %mul3A_239 : i32 to vector<16xi32>
      %mul3A_241 = arith.muli %get3A_238, %mul3A_240 : vector<16xi32>
      %add3A_242 = arith.constant 0 : i32
      %add3A_243 = vector.broadcast %add3A_242 : i32 to vector<16xi32>
      %add3A_244 = arith.addi %mul3A_241, %add3A_243 : vector<16xi32>
      %swap3A_245 = arith.constant 0 : i32
      %swap3A_246 = arith.index_cast %swap3A_245 : i32 to index
      %swap3A_247 = arith.index_cast %mul3A_232 : i32 to index
      %swap3A_248 = tpu.vector_load %arg7[%swap3A_246, %swap3A_247] {strides = array<i32>} : memref<10x128xi32, #tpu.memory_space<vmem>>, vector<1x16xi32>,
      %swap3A_249 = vector.shape_cast %swap3A_248 : vector<1x16xi32> to vector<16xi32>
      %swap3A_250 = vector.shape_cast %add3A_244 : vector<16xi32> to vector<1x16xi32>
      tpu.vector_store %arg7[%swap3A_246, %swap3A_247], %swap3A_250 {strides = array<i32>} : memref<10x128xi32, #tpu.memory_space<vmem>>, vector<1x16xi32>,
      %scan3A_251 = arith.constant 5 : i32
      %mul3A_252 = arith.constant 16 : i32
      %mul3A_253 = arith.muli %scan3A_251, %mul3A_252 : i32
      %mul3A_254 = arith.constant 16 : i32
      %mul3A_255 = arith.muli %scan3A_251, %mul3A_254 : i32
      %add3A_256 = arith.addi %mul3A_146, %mul3A_255 : i32
      %get3A_257 = arith.index_cast %add3A_256 : i32 to index
      %get3A_258 = tpu.vector_load %arg6[%get3A_257] {strides = array<i32>} : memref<6400xi32, #tpu.memory_space<vmem>>, vector<16xi32>,
      %get3A_259 = vector.shape_cast %get3A_258 : vector<16xi32> to vector<16xi32>
      %mul3A_260 = arith.constant 10 : i32
      %mul3A_261 = vector.broadcast %mul3A_260 : i32 to vector<16xi32>
      %mul3A_262 = arith.muli %get3A_259, %mul3A_261 : vector<16xi32>
      %add3A_263 = arith.constant 0 : i32
      %add3A_264 = vector.broadcast %add3A_263 : i32 to vector<16xi32>
      %add3A_265 = arith.addi %mul3A_262, %add3A_264 : vector<16xi32>
      %swap3A_266 = arith.constant 0 : i32
      %swap3A_267 = arith.index_cast %swap3A_266 : i32 to index
      %swap3A_268 = arith.index_cast %mul3A_253 : i32 to index
      %swap3A_269 = tpu.vector_load %arg7[%swap3A_267, %swap3A_268] {strides = array<i32>} : memref<10x128xi32, #tpu.memory_space<vmem>>, vector<1x16xi32>,
      %swap3A_270 = vector.shape_cast %swap3A_269 : vector<1x16xi32> to vector<16xi32>
      %swap3A_271 = vector.shape_cast %add3A_265 : vector<16xi32> to vector<1x16xi32>
      tpu.vector_store %arg7[%swap3A_267, %swap3A_268], %swap3A_271 {strides = array<i32>} : memref<10x128xi32, #tpu.memory_space<vmem>>, vector<1x16xi32>,
      %scan3A_272 = arith.constant 6 : i32
      %mul3A_273 = arith.constant 16 : i32
      %mul3A_274 = arith.muli %scan3A_272, %mul3A_273 : i32
      %mul3A_275 = arith.constant 16 : i32
      %mul3A_276 = arith.muli %scan3A_272, %mul3A_275 : i32
      %add3A_277 = arith.addi %mul3A_146, %mul3A_276 : i32
      %get3A_278 = arith.index_cast %add3A_277 : i32 to index
      %get3A_279 = tpu.vector_load %arg6[%get3A_278] {strides = array<i32>} : memref<6400xi32, #tpu.memory_space<vmem>>, vector<16xi32>,
      %get3A_280 = vector.shape_cast %get3A_279 : vector<16xi32> to vector<16xi32>
      %mul3A_281 = arith.constant 10 : i32
      %mul3A_282 = vector.broadcast %mul3A_281 : i32 to vector<16xi32>
      %mul3A_283 = arith.muli %get3A_280, %mul3A_282 : vector<16xi32>
      %add3A_284 = arith.constant 0 : i32
      %add3A_285 = vector.broadcast %add3A_284 : i32 to vector<16xi32>
      %add3A_286 = arith.addi %mul3A_283, %add3A_285 : vector<16xi32>
      %swap3A_287 = arith.constant 0 : i32
      %swap3A_288 = arith.index_cast %swap3A_287 : i32 to index
      %swap3A_289 = arith.index_cast %mul3A_274 : i32 to index
      %swap3A_290 = tpu.vector_load %arg7[%swap3A_288, %swap3A_289] {strides = array<i32>} : memref<10x128xi32, #tpu.memory_space<vmem>>, vector<1x16xi32>,
      %swap3A_291 = vector.shape_cast %swap3A_290 : vector<1x16xi32> to vector<16xi32>
      %swap3A_292 = vector.shape_cast %add3A_286 : vector<16xi32> to vector<1x16xi32>
      tpu.vector_store %arg7[%swap3A_288, %swap3A_289], %swap3A_292 {strides = array<i32>} : memref<10x128xi32, #tpu.memory_space<vmem>>, vector<1x16xi32>,
      %scan3A_293 = arith.constant 7 : i32
      %mul3A_294 = arith.constant 16 : i32
      %mul3A_295 = arith.muli %scan3A_293, %mul3A_294 : i32
      %mul3A_296 = arith.constant 16 : i32
      %mul3A_297 = arith.muli %scan3A_293, %mul3A_296 : i32
      %add3A_298 = arith.addi %mul3A_146, %mul3A_297 : i32
      %get3A_299 = arith.index_cast %add3A_298 : i32 to index
      %get3A_300 = tpu.vector_load %arg6[%get3A_299] {strides = array<i32>} : memref<6400xi32, #tpu.memory_space<vmem>>, vector<16xi32>,
      %get3A_301 = vector.shape_cast %get3A_300 : vector<16xi32> to vector<16xi32>
      %mul3A_302 = arith.constant 10 : i32
      %mul3A_303 = vector.broadcast %mul3A_302 : i32 to vector<16xi32>
      %mul3A_304 = arith.muli %get3A_301, %mul3A_303 : vector<16xi32>
      %add3A_305 = arith.constant 0 : i32
      %add3A_306 = vector.broadcast %add3A_305 : i32 to vector<16xi32>
      %add3A_307 = arith.addi %mul3A_304, %add3A_306 : vector<16xi32>
      %swap3A_308 = arith.constant 0 : i32
      %swap3A_309 = arith.index_cast %swap3A_308 : i32 to index
      %swap3A_310 = arith.index_cast %mul3A_295 : i32 to index
      %swap3A_311 = tpu.vector_load %arg7[%swap3A_309, %swap3A_310] {strides = array<i32>} : memref<10x128xi32, #tpu.memory_space<vmem>>, vector<1x16xi32>,
      %swap3A_312 = vector.shape_cast %swap3A_311 : vector<1x16xi32> to vector<16xi32>
      %swap3A_313 = vector.shape_cast %add3A_307 : vector<16xi32> to vector<1x16xi32>
      tpu.vector_store %arg7[%swap3A_309, %swap3A_310], %swap3A_313 {strides = array<i32>} : memref<10x128xi32, #tpu.memory_space<vmem>>, vector<1x16xi32>,
      %scan3A_314 = arith.constant 8 : i32
      %scan3A_315 = arith.constant 0 : i32
      %scan3A_316 = arith.constant 0 : i32
      %mul3A_317 = arith.constant 16 : i32
      %mul3A_318 = arith.muli %scan3A_316, %mul3A_317 : i32
      %mul3A_319 = arith.constant 16 : i32
      %mul3A_320 = arith.muli %scan3A_316, %mul3A_319 : i32
      %add3A_321 = arith.addi %mul3A_146, %mul3A_320 : i32
      %get3A_322 = arith.index_cast %add3A_321 : i32 to index
      %get3A_323 = tpu.vector_load %arg6[%get3A_322] {strides = array<i32>} : memref<6400xi32, #tpu.memory_space<vmem>>, vector<16xi32>,
      %get3A_324 = vector.shape_cast %get3A_323 : vector<16xi32> to vector<16xi32>
      %mul3A_325 = arith.constant 10 : i32
      %mul3A_326 = vector.broadcast %mul3A_325 : i32 to vector<16xi32>
      %mul3A_327 = arith.muli %get3A_324, %mul3A_326 : vector<16xi32>
      %add3A_328 = arith.constant 1 : i32
      %add3A_329 = vector.broadcast %add3A_328 : i32 to vector<16xi32>
      %add3A_330 = arith.addi %mul3A_327, %add3A_329 : vector<16xi32>
      %swap3A_331 = arith.constant 1 : i32
      %swap3A_332 = arith.index_cast %swap3A_331 : i32 to index
      %swap3A_333 = arith.index_cast %mul3A_318 : i32 to index
      %swap3A_334 = tpu.vector_load %arg7[%swap3A_332, %swap3A_333] {strides = array<i32>} : memref<10x128xi32, #tpu.memory_space<vmem>>, vector<1x16xi32>,
      %swap3A_335 = vector.shape_cast %swap3A_334 : vector<1x16xi32> to vector<16xi32>
      %swap3A_336 = vector.shape_cast %add3A_330 : vector<16xi32> to vector<1x16xi32>
      tpu.vector_store %arg7[%swap3A_332, %swap3A_333], %swap3A_336 {strides = array<i32>} : memref<10x128xi32, #tpu.memory_space<vmem>>, vector<1x16xi32>,
      %scan3A_337 = arith.constant 1 : i32
      %mul3A_338 = arith.constant 16 : i32
      %mul3A_339 = arith.muli %scan3A_337, %mul3A_338 : i32
      %mul3A_340 = arith.constant 16 : i32
      %mul3A_341 = arith.muli %scan3A_337, %mul3A_340 : i32
      %add3A_342 = arith.addi %mul3A_146, %mul3A_341 : i32
      %get3A_343 = arith.index_cast %add3A_342 : i32 to index
      %get3A_344 = tpu.vector_load %arg6[%get3A_343] {strides = array<i32>} : memref<6400xi32, #tpu.memory_space<vmem>>, vector<16xi32>,
      %get3A_345 = vector.shape_cast %get3A_344 : vector<16xi32> to vector<16xi32>
      %mul3A_346 = arith.constant 10 : i32
      %mul3A_347 = vector.broadcast %mul3A_346 : i32 to vector<16xi32>
      %mul3A_348 = arith.muli %get3A_345, %mul3A_347 : vector<16xi32>
      %add3A_349 = arith.constant 1 : i32
      %add3A_350 = vector.broadcast %add3A_349 : i32 to vector<16xi32>
      %add3A_351 = arith.addi %mul3A_348, %add3A_350 : vector<16xi32>
      %swap3A_352 = arith.constant 1 : i32
      %swap3A_353 = arith.index_cast %swap3A_352 : i32 to index
      %swap3A_354 = arith.index_cast %mul3A_339 : i32 to index
      %swap3A_355 = tpu.vector_load %arg7[%swap3A_353, %swap3A_354] {strides = array<i32>} : memref<10x128xi32, #tpu.memory_space<vmem>>, vector<1x16xi32>,
      %swap3A_356 = vector.shape_cast %swap3A_355 : vector<1x16xi32> to vector<16xi32>
      %swap3A_357 = vector.shape_cast %add3A_351 : vector<16xi32> to vector<1x16xi32>
      tpu.vector_store %arg7[%swap3A_353, %swap3A_354], %swap3A_357 {strides = array<i32>} : memref<10x128xi32, #tpu.memory_space<vmem>>, vector<1x16xi32>,
      %scan3A_358 = arith.constant 2 : i32
      %mul3A_359 = arith.constant 16 : i32
      %mul3A_360 = arith.muli %scan3A_358, %mul3A_359 : i32
      %mul3A_361 = arith.constant 16 : i32
      %mul3A_362 = arith.muli %scan3A_358, %mul3A_361 : i32
      %add3A_363 = arith.addi %mul3A_146, %mul3A_362 : i32
      %get3A_364 = arith.index_cast %add3A_363 : i32 to index
      %get3A_365 = tpu.vector_load %arg6[%get3A_364] {strides = array<i32>} : memref<6400xi32, #tpu.memory_space<vmem>>, vector<16xi32>,
      %get3A_366 = vector.shape_cast %get3A_365 : vector<16xi32> to vector<16xi32>
      %mul3A_367 = arith.constant 10 : i32
      %mul3A_368 = vector.broadcast %mul3A_367 : i32 to vector<16xi32>
      %mul3A_369 = arith.muli %get3A_366, %mul3A_368 : vector<16xi32>
      %add3A_370 = arith.constant 1 : i32
      %add3A_371 = vector.broadcast %add3A_370 : i32 to vector<16xi32>
      %add3A_372 = arith.addi %mul3A_369, %add3A_371 : vector<16xi32>
      %swap3A_373 = arith.constant 1 : i32
      %swap3A_374 = arith.index_cast %swap3A_373 : i32 to index
      %swap3A_375 = arith.index_cast %mul3A_360 : i32 to index
      %swap3A_376 = tpu.vector_load %arg7[%swap3A_374, %swap3A_375] {strides = array<i32>} : memref<10x128xi32, #tpu.memory_space<vmem>>, vector<1x16xi32>,
      %swap3A_377 = vector.shape_cast %swap3A_376 : vector<1x16xi32> to vector<16xi32>
      %swap3A_378 = vector.shape_cast %add3A_372 : vector<16xi32> to vector<1x16xi32>
      tpu.vector_store %arg7[%swap3A_374, %swap3A_375], %swap3A_378 {strides = array<i32>} : memref<10x128xi32, #tpu.memory_space<vmem>>, vector<1x16xi32>,
      %scan3A_379 = arith.constant 3 : i32
      %mul3A_380 = arith.constant 16 : i32
      %mul3A_381 = arith.muli %scan3A_379, %mul3A_380 : i32
      %mul3A_382 = arith.constant 16 : i32
      %mul3A_383 = arith.muli %scan3A_379, %mul3A_382 : i32
      %add3A_384 = arith.addi %mul3A_146, %mul3A_383 : i32
      %get3A_385 = arith.index_cast %add3A_384 : i32 to index
      %get3A_386 = tpu.vector_load %arg6[%get3A_385] {strides = array<i32>} : memref<6400xi32, #tpu.memory_space<vmem>>, vector<16xi32>,
      %get3A_387 = vector.shape_cast %get3A_386 : vector<16xi32> to vector<16xi32>
      %mul3A_388 = arith.constant 10 : i32
      %mul3A_389 = vector.broadcast %mul3A_388 : i32 to vector<16xi32>
      %mul3A_390 = arith.muli %get3A_387, %mul3A_389 : vector<16xi32>
      %add3A_391 = arith.constant 1 : i32
      %add3A_392 = vector.broadcast %add3A_391 : i32 to vector<16xi32>
      %add3A_393 = arith.addi %mul3A_390, %add3A_392 : vector<16xi32>
      %swap3A_394 = arith.constant 1 : i32
      %swap3A_395 = arith.index_cast %swap3A_394 : i32 to index
      %swap3A_396 = arith.index_cast %mul3A_381 : i32 to index
      %swap3A_397 = tpu.vector_load %arg7[%swap3A_395, %swap3A_396] {strides = array<i32>} : memref<10x128xi32, #tpu.memory_space<vmem>>, vector<1x16xi32>,
      %swap3A_398 = vector.shape_cast %swap3A_397 : vector<1x16xi32> to vector<16xi32>
      %swap3A_399 = vector.shape_cast %add3A_393 : vector<16xi32> to vector<1x16xi32>
      tpu.vector_store %arg7[%swap3A_395, %swap3A_396], %swap3A_399 {strides = array<i32>} : memref<10x128xi32, #tpu.memory_space<vmem>>, vector<1x16xi32>,
      %scan3A_400 = arith.constant 4 : i32
      %mul3A_401 = arith.constant 16 : i32
      %mul3A_402 = arith.muli %scan3A_400, %mul3A_401 : i32
      %mul3A_403 = arith.constant 16 : i32
      %mul3A_404 = arith.muli %scan3A_400, %mul3A_403 : i32
      %add3A_405 = arith.addi %mul3A_146, %mul3A_404 : i32
      %get3A_406 = arith.index_cast %add3A_405 : i32 to index
      %get3A_407 = tpu.vector_load %arg6[%get3A_406] {strides = array<i32>} : memref<6400xi32, #tpu.memory_space<vmem>>, vector<16xi32>,
      %get3A_408 = vector.shape_cast %get3A_407 : vector<16xi32> to vector<16xi32>
      %mul3A_409 = arith.constant 10 : i32
      %mul3A_410 = vector.broadcast %mul3A_409 : i32 to vector<16xi32>
      %mul3A_411 = arith.muli %get3A_408, %mul3A_410 : vector<16xi32>
      %add3A_412 = arith.constant 1 : i32
      %add3A_413 = vector.broadcast %add3A_412 : i32 to vector<16xi32>
      %add3A_414 = arith.addi %mul3A_411, %add3A_413 : vector<16xi32>
      %swap3A_415 = arith.constant 1 : i32
      %swap3A_416 = arith.index_cast %swap3A_415 : i32 to index
      %swap3A_417 = arith.index_cast %mul3A_402 : i32 to index
      %swap3A_418 = tpu.vector_load %arg7[%swap3A_416, %swap3A_417] {strides = array<i32>} : memref<10x128xi32, #tpu.memory_space<vmem>>, vector<1x16xi32>,
      %swap3A_419 = vector.shape_cast %swap3A_418 : vector<1x16xi32> to vector<16xi32>
      %swap3A_420 = vector.shape_cast %add3A_414 : vector<16xi32> to vector<1x16xi32>
      tpu.vector_store %arg7[%swap3A_416, %swap3A_417], %swap3A_420 {strides = array<i32>} : memref<10x128xi32, #tpu.memory_space<vmem>>, vector<1x16xi32>,
      %scan3A_421 = arith.constant 5 : i32
      %mul3A_422 = arith.constant 16 : i32
      %mul3A_423 = arith.muli %scan3A_421, %mul3A_422 : i32
      %mul3A_424 = arith.constant 16 : i32
      %mul3A_425 = arith.muli %scan3A_421, %mul3A_424 : i32
      %add3A_426 = arith.addi %mul3A_146, %mul3A_425 : i32
      %get3A_427 = arith.index_cast %add3A_426 : i32 to index
      %get3A_428 = tpu.vector_load %arg6[%get3A_427] {strides = array<i32>} : memref<6400xi32, #tpu.memory_space<vmem>>, vector<16xi32>,
      %get3A_429 = vector.shape_cast %get3A_428 : vector<16xi32> to vector<16xi32>
      %mul3A_430 = arith.constant 10 : i32
      %mul3A_431 = vector.broadcast %mul3A_430 : i32 to vector<16xi32>
      %mul3A_432 = arith.muli %get3A_429, %mul3A_431 : vector<16xi32>
      %add3A_433 = arith.constant 1 : i32
      %add3A_434 = vector.broadcast %add3A_433 : i32 to vector<16xi32>
      %add3A_435 = arith.addi %mul3A_432, %add3A_434 : vector<16xi32>
      %swap3A_436 = arith.constant 1 : i32
      %swap3A_437 = arith.index_cast %swap3A_436 : i32 to index
      %swap3A_438 = arith.index_cast %mul3A_423 : i32 to index
      %swap3A_439 = tpu.vector_load %arg7[%swap3A_437, %swap3A_438] {strides = array<i32>} : memref<10x128xi32, #tpu.memory_space<vmem>>, vector<1x16xi32>,
      %swap3A_440 = vector.shape_cast %swap3A_439 : vector<1x16xi32> to vector<16xi32>
      %swap3A_441 = vector.shape_cast %add3A_435 : vector<16xi32> to vector<1x16xi32>
      tpu.vector_store %arg7[%swap3A_437, %swap3A_438], %swap3A_441 {strides = array<i32>} : memref<10x128xi32, #tpu.memory_space<vmem>>, vector<1x16xi32>,
      %scan3A_442 = arith.constant 6 : i32
      %mul3A_443 = arith.constant 16 : i32
      %mul3A_444 = arith.muli %scan3A_442, %mul3A_443 : i32
      %mul3A_445 = arith.constant 16 : i32
      %mul3A_446 = arith.muli %scan3A_442, %mul3A_445 : i32
      %add3A_447 = arith.addi %mul3A_146, %mul3A_446 : i32
      %get3A_448 = arith.index_cast %add3A_447 : i32 to index
      %get3A_449 = tpu.vector_load %arg6[%get3A_448] {strides = array<i32>} : memref<6400xi32, #tpu.memory_space<vmem>>, vector<16xi32>,
      %get3A_450 = vector.shape_cast %get3A_449 : vector<16xi32> to vector<16xi32>
      %mul3A_451 = arith.constant 10 : i32
      %mul3A_452 = vector.broadcast %mul3A_451 : i32 to vector<16xi32>
      %mul3A_453 = arith.muli %get3A_450, %mul3A_452 : vector<16xi32>
      %add3A_454 = arith.constant 1 : i32
      %add3A_455 = vector.broadcast %add3A_454 : i32 to vector<16xi32>
      %add3A_456 = arith.addi %mul3A_453, %add3A_455 : vector<16xi32>
      %swap3A_457 = arith.constant 1 : i32
      %swap3A_458 = arith.index_cast %swap3A_457 : i32 to index
      %swap3A_459 = arith.index_cast %mul3A_444 : i32 to index
      %swap3A_460 = tpu.vector_load %arg7[%swap3A_458, %swap3A_459] {strides = array<i32>} : memref<10x128xi32, #tpu.memory_space<vmem>>, vector<1x16xi32>,
      %swap3A_461 = vector.shape_cast %swap3A_460 : vector<1x16xi32> to vector<16xi32>
      %swap3A_462 = vector.shape_cast %add3A_456 : vector<16xi32> to vector<1x16xi32>
      tpu.vector_store %arg7[%swap3A_458, %swap3A_459], %swap3A_462 {strides = array<i32>} : memref<10x128xi32, #tpu.memory_space<vmem>>, vector<1x16xi32>,
      %scan3A_463 = arith.constant 7 : i32
      %mul3A_464 = arith.constant 16 : i32
      %mul3A_465 = arith.muli %scan3A_463, %mul3A_464 : i32
      %mul3A_466 = arith.constant 16 : i32
      %mul3A_467 = arith.muli %scan3A_463, %mul3A_466 : i32
      %add3A_468 = arith.addi %mul3A_146, %mul3A_467 : i32
      %get3A_469 = arith.index_cast %add3A_468 : i32 to index
      %get3A_470 = tpu.vector_load %arg6[%get3A_469] {strides = array<i32>} : memref<6400xi32, #tpu.memory_space<vmem>>, vector<16xi32>,
      %get3A_471 = vector.shape_cast %get3A_470 : vector<16xi32> to vector<16xi32>
      %mul3A_472 = arith.constant 10 : i32
      %mul3A_473 = vector.broadcast %mul3A_472 : i32 to vector<16xi32>
      %mul3A_474 = arith.muli %get3A_471, %mul3A_473 : vector<16xi32>
      %add3A_475 = arith.constant 1 : i32
      %add3A_476 = vector.broadcast %add3A_475 : i32 to vector<16xi32>
      %add3A_477 = arith.addi %mul3A_474, %add3A_476 : vector<16xi32>
      %swap3A_478 = arith.constant 1 : i32
      %swap3A_479 = arith.index_cast %swap3A_478 : i32 to index
      %swap3A_480 = arith.index_cast %mul3A_465 : i32 to index
      %swap3A_481 = tpu.vector_load %arg7[%swap3A_479, %swap3A_480] {strides = array<i32>} : memref<10x128xi32, #tpu.memory_space<vmem>>, vector<1x16xi32>,
      %swap3A_482 = vector.shape_cast %swap3A_481 : vector<1x16xi32> to vector<16xi32>
      %swap3A_483 = vector.shape_cast %add3A_477 : vector<16xi32> to vector<1x16xi32>
      tpu.vector_store %arg7[%swap3A_479, %swap3A_480], %swap3A_483 {strides = array<i32>} : memref<10x128xi32, #tpu.memory_space<vmem>>, vector<1x16xi32>,
      %scan3A_484 = arith.constant 8 : i32
      %scan3A_485 = arith.constant 0 : i32
      %scan3A_486 = arith.constant 0 : i32
      %mul3A_487 = arith.constant 16 : i32
      %mul3A_488 = arith.muli %scan3A_486, %mul3A_487 : i32
      %mul3A_489 = arith.constant 16 : i32
      %mul3A_490 = arith.muli %scan3A_486, %mul3A_489 : i32
      %add3A_491 = arith.addi %mul3A_146, %mul3A_490 : i32
      %get3A_492 = arith.index_cast %add3A_491 : i32 to index
      %get3A_493 = tpu.vector_load %arg6[%get3A_492] {strides = array<i32>} : memref<6400xi32, #tpu.memory_space<vmem>>, vector<16xi32>,
      %get3A_494 = vector.shape_cast %get3A_493 : vector<16xi32> to vector<16xi32>
      %mul3A_495 = arith.constant 10 : i32
      %mul3A_496 = vector.broadcast %mul3A_495 : i32 to vector<16xi32>
      %mul3A_497 = arith.muli %get3A_494, %mul3A_496 : vector<16xi32>
      %add3A_498 = arith.constant 2 : i32
      %add3A_499 = vector.broadcast %add3A_498 : i32 to vector<16xi32>
      %add3A_500 = arith.addi %mul3A_497, %add3A_499 : vector<16xi32>
      %swap3A_501 = arith.constant 2 : i32
      %swap3A_502 = arith.index_cast %swap3A_501 : i32 to index
      %swap3A_503 = arith.index_cast %mul3A_488 : i32 to index
      %swap3A_504 = tpu.vector_load %arg7[%swap3A_502, %swap3A_503] {strides = array<i32>} : memref<10x128xi32, #tpu.memory_space<vmem>>, vector<1x16xi32>,
      %swap3A_505 = vector.shape_cast %swap3A_504 : vector<1x16xi32> to vector<16xi32>
      %swap3A_506 = vector.shape_cast %add3A_500 : vector<16xi32> to vector<1x16xi32>
      tpu.vector_store %arg7[%swap3A_502, %swap3A_503], %swap3A_506 {strides = array<i32>} : memref<10x128xi32, #tpu.memory_space<vmem>>, vector<1x16xi32>,
      %scan3A_507 = arith.constant 1 : i32
      %mul3A_508 = arith.constant 16 : i32
      %mul3A_509 = arith.muli %scan3A_507, %mul3A_508 : i32
      %mul3A_510 = arith.constant 16 : i32
      %mul3A_511 = arith.muli %scan3A_507, %mul3A_510 : i32
      %add3A_512 = arith.addi %mul3A_146, %mul3A_511 : i32
      %get3A_513 = arith.index_cast %add3A_512 : i32 to index
      %get3A_514 = tpu.vector_load %arg6[%get3A_513] {strides = array<i32>} : memref<6400xi32, #tpu.memory_space<vmem>>, vector<16xi32>,
      %get3A_515 = vector.shape_cast %get3A_514 : vector<16xi32> to vector<16xi32>
      %mul3A_516 = arith.constant 10 : i32
      %mul3A_517 = vector.broadcast %mul3A_516 : i32 to vector<16xi32>
      %mul3A_518 = arith.muli %get3A_515, %mul3A_517 : vector<16xi32>
      %add3A_519 = arith.constant 2 : i32
      %add3A_520 = vector.broadcast %add3A_519 : i32 to vector<16xi32>
      %add3A_521 = arith.addi %mul3A_518, %add3A_520 : vector<16xi32>
      %swap3A_522 = arith.constant 2 : i32
      %swap3A_523 = arith.index_cast %swap3A_522 : i32 to index
      %swap3A_524 = arith.index_cast %mul3A_509 : i32 to index
      %swap3A_525 = tpu.vector_load %arg7[%swap3A_523, %swap3A_524] {strides = array<i32>} : memref<10x128xi32, #tpu.memory_space<vmem>>, vector<1x16xi32>,
      %swap3A_526 = vector.shape_cast %swap3A_525 : vector<1x16xi32> to vector<16xi32>
      %swap3A_527 = vector.shape_cast %add3A_521 : vector<16xi32> to vector<1x16xi32>
      tpu.vector_store %arg7[%swap3A_523, %swap3A_524], %swap3A_527 {strides = array<i32>} : memref<10x128xi32, #tpu.memory_space<vmem>>, vector<1x16xi32>,
      %scan3A_528 = arith.constant 2 : i32
      %mul3A_529 = arith.constant 16 : i32
      %mul3A_530 = arith.muli %scan3A_528, %mul3A_529 : i32
      %mul3A_531 = arith.constant 16 : i32
      %mul3A_532 = arith.muli %scan3A_528, %mul3A_531 : i32
      %add3A_533 = arith.addi %mul3A_146, %mul3A_532 : i32
      %get3A_534 = arith.index_cast %add3A_533 : i32 to index
      %get3A_535 = tpu.vector_load %arg6[%get3A_534] {strides = array<i32>} : memref<6400xi32, #tpu.memory_space<vmem>>, vector<16xi32>,
      %get3A_536 = vector.shape_cast %get3A_535 : vector<16xi32> to vector<16xi32>
      %mul3A_537 = arith.constant 10 : i32
      %mul3A_538 = vector.broadcast %mul3A_537 : i32 to vector<16xi32>
      %mul3A_539 = arith.muli %get3A_536, %mul3A_538 : vector<16xi32>
      %add3A_540 = arith.constant 2 : i32
      %add3A_541 = vector.broadcast %add3A_540 : i32 to vector<16xi32>
      %add3A_542 = arith.addi %mul3A_539, %add3A_541 : vector<16xi32>
      %swap3A_543 = arith.constant 2 : i32
      %swap3A_544 = arith.index_cast %swap3A_543 : i32 to index
      %swap3A_545 = arith.index_cast %mul3A_530 : i32 to index
      %swap3A_546 = tpu.vector_load %arg7[%swap3A_544, %swap3A_545] {strides = array<i32>} : memref<10x128xi32, #tpu.memory_space<vmem>>, vector<1x16xi32>,
      %swap3A_547 = vector.shape_cast %swap3A_546 : vector<1x16xi32> to vector<16xi32>
      %swap3A_548 = vector.shape_cast %add3A_542 : vector<16xi32> to vector<1x16xi32>
      tpu.vector_store %arg7[%swap3A_544, %swap3A_545], %swap3A_548 {strides = array<i32>} : memref<10x128xi32, #tpu.memory_space<vmem>>, vector<1x16xi32>,
      %scan3A_549 = arith.constant 3 : i32
      %mul3A_550 = arith.constant 16 : i32
      %mul3A_551 = arith.muli %scan3A_549, %mul3A_550 : i32
      %mul3A_552 = arith.constant 16 : i32
      %mul3A_553 = arith.muli %scan3A_549, %mul3A_552 : i32
      %add3A_554 = arith.addi %mul3A_146, %mul3A_553 : i32
      %get3A_555 = arith.index_cast %add3A_554 : i32 to index
      %get3A_556 = tpu.vector_load %arg6[%get3A_555] {strides = array<i32>} : memref<6400xi32, #tpu.memory_space<vmem>>, vector<16xi32>,
      %get3A_557 = vector.shape_cast %get3A_556 : vector<16xi32> to vector<16xi32>
      %mul3A_558 = arith.constant 10 : i32
      %mul3A_559 = vector.broadcast %mul3A_558 : i32 to vector<16xi32>
      %mul3A_560 = arith.muli %get3A_557, %mul3A_559 : vector<16xi32>
      %add3A_561 = arith.constant 2 : i32
      %add3A_562 = vector.broadcast %add3A_561 : i32 to vector<16xi32>
      %add3A_563 = arith.addi %mul3A_560, %add3A_562 : vector<16xi32>
      %swap3A_564 = arith.constant 2 : i32
      %swap3A_565 = arith.index_cast %swap3A_564 : i32 to index
      %swap3A_566 = arith.index_cast %mul3A_551 : i32 to index
      %swap3A_567 = tpu.vector_load %arg7[%swap3A_565, %swap3A_566] {strides = array<i32>} : memref<10x128xi32, #tpu.memory_space<vmem>>, vector<1x16xi32>,
      %swap3A_568 = vector.shape_cast %swap3A_567 : vector<1x16xi32> to vector<16xi32>
      %swap3A_569 = vector.shape_cast %add3A_563 : vector<16xi32> to vector<1x16xi32>
      tpu.vector_store %arg7[%swap3A_565, %swap3A_566], %swap3A_569 {strides = array<i32>} : memref<10x128xi32, #tpu.memory_space<vmem>>, vector<1x16xi32>,
      %scan3A_570 = arith.constant 4 : i32
      %mul3A_571 = arith.constant 16 : i32
      %mul3A_572 = arith.muli %scan3A_570, %mul3A_571 : i32
      %mul3A_573 = arith.constant 16 : i32
      %mul3A_574 = arith.muli %scan3A_570, %mul3A_573 : i32
      %add3A_575 = arith.addi %mul3A_146, %mul3A_574 : i32
      %get3A_576 = arith.index_cast %add3A_575 : i32 to index
      %get3A_577 = tpu.vector_load %arg6[%get3A_576] {strides = array<i32>} : memref<6400xi32, #tpu.memory_space<vmem>>, vector<16xi32>,
      %get3A_578 = vector.shape_cast %get3A_577 : vector<16xi32> to vector<16xi32>
      %mul3A_579 = arith.constant 10 : i32
      %mul3A_580 = vector.broadcast %mul3A_579 : i32 to vector<16xi32>
      %mul3A_581 = arith.muli %get3A_578, %mul3A_580 : vector<16xi32>
      %add3A_582 = arith.constant 2 : i32
      %add3A_583 = vector.broadcast %add3A_582 : i32 to vector<16xi32>
      %add3A_584 = arith.addi %mul3A_581, %add3A_583 : vector<16xi32>
      %swap3A_585 = arith.constant 2 : i32
      %swap3A_586 = arith.index_cast %swap3A_585 : i32 to index
      %swap3A_587 = arith.index_cast %mul3A_572 : i32 to index
      %swap3A_588 = tpu.vector_load %arg7[%swap3A_586, %swap3A_587] {strides = array<i32>} : memref<10x128xi32, #tpu.memory_space<vmem>>, vector<1x16xi32>,
      %swap3A_589 = vector.shape_cast %swap3A_588 : vector<1x16xi32> to vector<16xi32>
      %swap3A_590 = vector.shape_cast %add3A_584 : vector<16xi32> to vector<1x16xi32>
      tpu.vector_store %arg7[%swap3A_586, %swap3A_587], %swap3A_590 {strides = array<i32>} : memref<10x128xi32, #tpu.memory_space<vmem>>, vector<1x16xi32>,
      %scan3A_591 = arith.constant 5 : i32
      %mul3A_592 = arith.constant 16 : i32
      %mul3A_593 = arith.muli %scan3A_591, %mul3A_592 : i32
      %mul3A_594 = arith.constant 16 : i32
      %mul3A_595 = arith.muli %scan3A_591, %mul3A_594 : i32
      %add3A_596 = arith.addi %mul3A_146, %mul3A_595 : i32
      %get3A_597 = arith.index_cast %add3A_596 : i32 to index
      %get3A_598 = tpu.vector_load %arg6[%get3A_597] {strides = array<i32>} : memref<6400xi32, #tpu.memory_space<vmem>>, vector<16xi32>,
      %get3A_599 = vector.shape_cast %get3A_598 : vector<16xi32> to vector<16xi32>
      %mul3A_600 = arith.constant 10 : i32
      %mul3A_601 = vector.broadcast %mul3A_600 : i32 to vector<16xi32>
      %mul3A_602 = arith.muli %get3A_599, %mul3A_601 : vector<16xi32>
      %add3A_603 = arith.constant 2 : i32
      %add3A_604 = vector.broadcast %add3A_603 : i32 to vector<16xi32>
      %add3A_605 = arith.addi %mul3A_602, %add3A_604 : vector<16xi32>
      %swap3A_606 = arith.constant 2 : i32
      %swap3A_607 = arith.index_cast %swap3A_606 : i32 to index
      %swap3A_608 = arith.index_cast %mul3A_593 : i32 to index
      %swap3A_609 = tpu.vector_load %arg7[%swap3A_607, %swap3A_608] {strides = array<i32>} : memref<10x128xi32, #tpu.memory_space<vmem>>, vector<1x16xi32>,
      %swap3A_610 = vector.shape_cast %swap3A_609 : vector<1x16xi32> to vector<16xi32>
      %swap3A_611 = vector.shape_cast %add3A_605 : vector<16xi32> to vector<1x16xi32>
      tpu.vector_store %arg7[%swap3A_607, %swap3A_608], %swap3A_611 {strides = array<i32>} : memref<10x128xi32, #tpu.memory_space<vmem>>, vector<1x16xi32>,
      %scan3A_612 = arith.constant 6 : i32
      %mul3A_613 = arith.constant 16 : i32
      %mul3A_614 = arith.muli %scan3A_612, %mul3A_613 : i32
      %mul3A_615 = arith.constant 16 : i32
      %mul3A_616 = arith.muli %scan3A_612, %mul3A_615 : i32
      %add3A_617 = arith.addi %mul3A_146, %mul3A_616 : i32
      %get3A_618 = arith.index_cast %add3A_617 : i32 to index
      %get3A_619 = tpu.vector_load %arg6[%get3A_618] {strides = array<i32>} : memref<6400xi32, #tpu.memory_space<vmem>>, vector<16xi32>,
      %get3A_620 = vector.shape_cast %get3A_619 : vector<16xi32> to vector<16xi32>
      %mul3A_621 = arith.constant 10 : i32
      %mul3A_622 = vector.broadcast %mul3A_621 : i32 to vector<16xi32>
      %mul3A_623 = arith.muli %get3A_620, %mul3A_622 : vector<16xi32>
      %add3A_624 = arith.constant 2 : i32
      %add3A_625 = vector.broadcast %add3A_624 : i32 to vector<16xi32>
      %add3A_626 = arith.addi %mul3A_623, %add3A_625 : vector<16xi32>
      %swap3A_627 = arith.constant 2 : i32
      %swap3A_628 = arith.index_cast %swap3A_627 : i32 to index
      %swap3A_629 = arith.index_cast %mul3A_614 : i32 to index
      %swap3A_630 = tpu.vector_load %arg7[%swap3A_628, %swap3A_629] {strides = array<i32>} : memref<10x128xi32, #tpu.memory_space<vmem>>, vector<1x16xi32>,
      %swap3A_631 = vector.shape_cast %swap3A_630 : vector<1x16xi32> to vector<16xi32>
      %swap3A_632 = vector.shape_cast %add3A_626 : vector<16xi32> to vector<1x16xi32>
      tpu.vector_store %arg7[%swap3A_628, %swap3A_629], %swap3A_632 {strides = array<i32>} : memref<10x128xi32, #tpu.memory_space<vmem>>, vector<1x16xi32>,
      %scan3A_633 = arith.constant 7 : i32
      %mul3A_634 = arith.constant 16 : i32
      %mul3A_635 = arith.muli %scan3A_633, %mul3A_634 : i32
      %mul3A_636 = arith.constant 16 : i32
      %mul3A_637 = arith.muli %scan3A_633, %mul3A_636 : i32
      %add3A_638 = arith.addi %mul3A_146, %mul3A_637 : i32
      %get3A_639 = arith.index_cast %add3A_638 : i32 to index
      %get3A_640 = tpu.vector_load %arg6[%get3A_639] {strides = array<i32>} : memref<6400xi32, #tpu.memory_space<vmem>>, vector<16xi32>,
      %get3A_641 = vector.shape_cast %get3A_640 : vector<16xi32> to vector<16xi32>
      %mul3A_642 = arith.constant 10 : i32
      %mul3A_643 = vector.broadcast %mul3A_642 : i32 to vector<16xi32>
      %mul3A_644 = arith.muli %get3A_641, %mul3A_643 : vector<16xi32>
      %add3A_645 = arith.constant 2 : i32
      %add3A_646 = vector.broadcast %add3A_645 : i32 to vector<16xi32>
      %add3A_647 = arith.addi %mul3A_644, %add3A_646 : vector<16xi32>
      %swap3A_648 = arith.constant 2 : i32
      %swap3A_649 = arith.index_cast %swap3A_648 : i32 to index
      %swap3A_650 = arith.index_cast %mul3A_635 : i32 to index
      %swap3A_651 = tpu.vector_load %arg7[%swap3A_649, %swap3A_650] {strides = array<i32>} : memref<10x128xi32, #tpu.memory_space<vmem>>, vector<1x16xi32>,
      %swap3A_652 = vector.shape_cast %swap3A_651 : vector<1x16xi32> to vector<16xi32>
      %swap3A_653 = vector.shape_cast %add3A_647 : vector<16xi32> to vector<1x16xi32>
      tpu.vector_store %arg7[%swap3A_649, %swap3A_650], %swap3A_653 {strides = array<i32>} : memref<10x128xi32, #tpu.memory_space<vmem>>, vector<1x16xi32>,
      %scan3A_654 = arith.constant 8 : i32
      %scan3A_655 = arith.constant 0 : i32
      %scan3A_656 = arith.constant 0 : i32
      %mul3A_657 = arith.constant 16 : i32
      %mul3A_658 = arith.muli %scan3A_656, %mul3A_657 : i32
      %mul3A_659 = arith.constant 16 : i32
      %mul3A_660 = arith.muli %scan3A_656, %mul3A_659 : i32
      %add3A_661 = arith.addi %mul3A_146, %mul3A_660 : i32
      %get3A_662 = arith.index_cast %add3A_661 : i32 to index
      %get3A_663 = tpu.vector_load %arg6[%get3A_662] {strides = array<i32>} : memref<6400xi32, #tpu.memory_space<vmem>>, vector<16xi32>,
      %get3A_664 = vector.shape_cast %get3A_663 : vector<16xi32> to vector<16xi32>
      %mul3A_665 = arith.constant 10 : i32
      %mul3A_666 = vector.broadcast %mul3A_665 : i32 to vector<16xi32>
      %mul3A_667 = arith.muli %get3A_664, %mul3A_666 : vector<16xi32>
      %add3A_668 = arith.constant 3 : i32
      %add3A_669 = vector.broadcast %add3A_668 : i32 to vector<16xi32>
      %add3A_670 = arith.addi %mul3A_667, %add3A_669 : vector<16xi32>
      %swap3A_671 = arith.constant 3 : i32
      %swap3A_672 = arith.index_cast %swap3A_671 : i32 to index
      %swap3A_673 = arith.index_cast %mul3A_658 : i32 to index
      %swap3A_674 = tpu.vector_load %arg7[%swap3A_672, %swap3A_673] {strides = array<i32>} : memref<10x128xi32, #tpu.memory_space<vmem>>, vector<1x16xi32>,
      %swap3A_675 = vector.shape_cast %swap3A_674 : vector<1x16xi32> to vector<16xi32>
      %swap3A_676 = vector.shape_cast %add3A_670 : vector<16xi32> to vector<1x16xi32>
      tpu.vector_store %arg7[%swap3A_672, %swap3A_673], %swap3A_676 {strides = array<i32>} : memref<10x128xi32, #tpu.memory_space<vmem>>, vector<1x16xi32>,
      %scan3A_677 = arith.constant 1 : i32
      %mul3A_678 = arith.constant 16 : i32
      %mul3A_679 = arith.muli %scan3A_677, %mul3A_678 : i32
      %mul3A_680 = arith.constant 16 : i32
      %mul3A_681 = arith.muli %scan3A_677, %mul3A_680 : i32
      %add3A_682 = arith.addi %mul3A_146, %mul3A_681 : i32
      %get3A_683 = arith.index_cast %add3A_682 : i32 to index
      %get3A_684 = tpu.vector_load %arg6[%get3A_683] {strides = array<i32>} : memref<6400xi32, #tpu.memory_space<vmem>>, vector<16xi32>,
      %get3A_685 = vector.shape_cast %get3A_684 : vector<16xi32> to vector<16xi32>
      %mul3A_686 = arith.constant 10 : i32
      %mul3A_687 = vector.broadcast %mul3A_686 : i32 to vector<16xi32>
      %mul3A_688 = arith.muli %get3A_685, %mul3A_687 : vector<16xi32>
      %add3A_689 = arith.constant 3 : i32
      %add3A_690 = vector.broadcast %add3A_689 : i32 to vector<16xi32>
      %add3A_691 = arith.addi %mul3A_688, %add3A_690 : vector<16xi32>
      %swap3A_692 = arith.constant 3 : i32
      %swap3A_693 = arith.index_cast %swap3A_692 : i32 to index
      %swap3A_694 = arith.index_cast %mul3A_679 : i32 to index
      %swap3A_695 = tpu.vector_load %arg7[%swap3A_693, %swap3A_694] {strides = array<i32>} : memref<10x128xi32, #tpu.memory_space<vmem>>, vector<1x16xi32>,
      %swap3A_696 = vector.shape_cast %swap3A_695 : vector<1x16xi32> to vector<16xi32>
      %swap3A_697 = vector.shape_cast %add3A_691 : vector<16xi32> to vector<1x16xi32>
      tpu.vector_store %arg7[%swap3A_693, %swap3A_694], %swap3A_697 {strides = array<i32>} : memref<10x128xi32, #tpu.memory_space<vmem>>, vector<1x16xi32>,
      %scan3A_698 = arith.constant 2 : i32
      %mul3A_699 = arith.constant 16 : i32
      %mul3A_700 = arith.muli %scan3A_698, %mul3A_699 : i32
      %mul3A_701 = arith.constant 16 : i32
      %mul3A_702 = arith.muli %scan3A_698, %mul3A_701 : i32
      %add3A_703 = arith.addi %mul3A_146, %mul3A_702 : i32
      %get3A_704 = arith.index_cast %add3A_703 : i32 to index
      %get3A_705 = tpu.vector_load %arg6[%get3A_704] {strides = array<i32>} : memref<6400xi32, #tpu.memory_space<vmem>>, vector<16xi32>,
      %get3A_706 = vector.shape_cast %get3A_705 : vector<16xi32> to vector<16xi32>
      %mul3A_707 = arith.constant 10 : i32
      %mul3A_708 = vector.broadcast %mul3A_707 : i32 to vector<16xi32>
      %mul3A_709 = arith.muli %get3A_706, %mul3A_708 : vector<16xi32>
      %add3A_710 = arith.constant 3 : i32
      %add3A_711 = vector.broadcast %add3A_710 : i32 to vector<16xi32>
      %add3A_712 = arith.addi %mul3A_709, %add3A_711 : vector<16xi32>
      %swap3A_713 = arith.constant 3 : i32
      %swap3A_714 = arith.index_cast %swap3A_713 : i32 to index
      %swap3A_715 = arith.index_cast %mul3A_700 : i32 to index
      %swap3A_716 = tpu.vector_load %arg7[%swap3A_714, %swap3A_715] {strides = array<i32>} : memref<10x128xi32, #tpu.memory_space<vmem>>, vector<1x16xi32>,
      %swap3A_717 = vector.shape_cast %swap3A_716 : vector<1x16xi32> to vector<16xi32>
      %swap3A_718 = vector.shape_cast %add3A_712 : vector<16xi32> to vector<1x16xi32>
      tpu.vector_store %arg7[%swap3A_714, %swap3A_715], %swap3A_718 {strides = array<i32>} : memref<10x128xi32, #tpu.memory_space<vmem>>, vector<1x16xi32>,
      %scan3A_719 = arith.constant 3 : i32
      %mul3A_720 = arith.constant 16 : i32
      %mul3A_721 = arith.muli %scan3A_719, %mul3A_720 : i32
      %mul3A_722 = arith.constant 16 : i32
      %mul3A_723 = arith.muli %scan3A_719, %mul3A_722 : i32
      %add3A_724 = arith.addi %mul3A_146, %mul3A_723 : i32
      %get3A_725 = arith.index_cast %add3A_724 : i32 to index
      %get3A_726 = tpu.vector_load %arg6[%get3A_725] {strides = array<i32>} : memref<6400xi32, #tpu.memory_space<vmem>>, vector<16xi32>,
      %get3A_727 = vector.shape_cast %get3A_726 : vector<16xi32> to vector<16xi32>
      %mul3A_728 = arith.constant 10 : i32
      %mul3A_729 = vector.broadcast %mul3A_728 : i32 to vector<16xi32>
      %mul3A_730 = arith.muli %get3A_727, %mul3A_729 : vector<16xi32>
      %add3A_731 = arith.constant 3 : i32
      %add3A_732 = vector.broadcast %add3A_731 : i32 to vector<16xi32>
      %add3A_733 = arith.addi %mul3A_730, %add3A_732 : vector<16xi32>
      %swap3A_734 = arith.constant 3 : i32
      %swap3A_735 = arith.index_cast %swap3A_734 : i32 to index
      %swap3A_736 = arith.index_cast %mul3A_721 : i32 to index
      %swap3A_737 = tpu.vector_load %arg7[%swap3A_735, %swap3A_736] {strides = array<i32>} : memref<10x128xi32, #tpu.memory_space<vmem>>, vector<1x16xi32>,
      %swap3A_738 = vector.shape_cast %swap3A_737 : vector<1x16xi32> to vector<16xi32>
      %swap3A_739 = vector.shape_cast %add3A_733 : vector<16xi32> to vector<1x16xi32>
      tpu.vector_store %arg7[%swap3A_735, %swap3A_736], %swap3A_739 {strides = array<i32>} : memref<10x128xi32, #tpu.memory_space<vmem>>, vector<1x16xi32>,
      %scan3A_740 = arith.constant 4 : i32
      %mul3A_741 = arith.constant 16 : i32
      %mul3A_742 = arith.muli %scan3A_740, %mul3A_741 : i32
      %mul3A_743 = arith.constant 16 : i32
      %mul3A_744 = arith.muli %scan3A_740, %mul3A_743 : i32
      %add3A_745 = arith.addi %mul3A_146, %mul3A_744 : i32
      %get3A_746 = arith.index_cast %add3A_745 : i32 to index
      %get3A_747 = tpu.vector_load %arg6[%get3A_746] {strides = array<i32>} : memref<6400xi32, #tpu.memory_space<vmem>>, vector<16xi32>,
      %get3A_748 = vector.shape_cast %get3A_747 : vector<16xi32> to vector<16xi32>
      %mul3A_749 = arith.constant 10 : i32
      %mul3A_750 = vector.broadcast %mul3A_749 : i32 to vector<16xi32>
      %mul3A_751 = arith.muli %get3A_748, %mul3A_750 : vector<16xi32>
      %add3A_752 = arith.constant 3 : i32
      %add3A_753 = vector.broadcast %add3A_752 : i32 to vector<16xi32>
      %add3A_754 = arith.addi %mul3A_751, %add3A_753 : vector<16xi32>
      %swap3A_755 = arith.constant 3 : i32
      %swap3A_756 = arith.index_cast %swap3A_755 : i32 to index
      %swap3A_757 = arith.index_cast %mul3A_742 : i32 to index
      %swap3A_758 = tpu.vector_load %arg7[%swap3A_756, %swap3A_757] {strides = array<i32>} : memref<10x128xi32, #tpu.memory_space<vmem>>, vector<1x16xi32>,
      %swap3A_759 = vector.shape_cast %swap3A_758 : vector<1x16xi32> to vector<16xi32>
      %swap3A_760 = vector.shape_cast %add3A_754 : vector<16xi32> to vector<1x16xi32>
      tpu.vector_store %arg7[%swap3A_756, %swap3A_757], %swap3A_760 {strides = array<i32>} : memref<10x128xi32, #tpu.memory_space<vmem>>, vector<1x16xi32>,
      %scan3A_761 = arith.constant 5 : i32
      %mul3A_762 = arith.constant 16 : i32
      %mul3A_763 = arith.muli %scan3A_761, %mul3A_762 : i32
      %mul3A_764 = arith.constant 16 : i32
      %mul3A_765 = arith.muli %scan3A_761, %mul3A_764 : i32
      %add3A_766 = arith.addi %mul3A_146, %mul3A_765 : i32
      %get3A_767 = arith.index_cast %add3A_766 : i32 to index
      %get3A_768 = tpu.vector_load %arg6[%get3A_767] {strides = array<i32>} : memref<6400xi32, #tpu.memory_space<vmem>>, vector<16xi32>,
      %get3A_769 = vector.shape_cast %get3A_768 : vector<16xi32> to vector<16xi32>
      %mul3A_770 = arith.constant 10 : i32
      %mul3A_771 = vector.broadcast %mul3A_770 : i32 to vector<16xi32>
      %mul3A_772 = arith.muli %get3A_769, %mul3A_771 : vector<16xi32>
      %add3A_773 = arith.constant 3 : i32
      %add3A_774 = vector.broadcast %add3A_773 : i32 to vector<16xi32>
      %add3A_775 = arith.addi %mul3A_772, %add3A_774 : vector<16xi32>
      %swap3A_776 = arith.constant 3 : i32
      %swap3A_777 = arith.index_cast %swap3A_776 : i32 to index
      %swap3A_778 = arith.index_cast %mul3A_763 : i32 to index
      %swap3A_779 = tpu.vector_load %arg7[%swap3A_777, %swap3A_778] {strides = array<i32>} : memref<10x128xi32, #tpu.memory_space<vmem>>, vector<1x16xi32>,
      %swap3A_780 = vector.shape_cast %swap3A_779 : vector<1x16xi32> to vector<16xi32>
      %swap3A_781 = vector.shape_cast %add3A_775 : vector<16xi32> to vector<1x16xi32>
      tpu.vector_store %arg7[%swap3A_777, %swap3A_778], %swap3A_781 {strides = array<i32>} : memref<10x128xi32, #tpu.memory_space<vmem>>, vector<1x16xi32>,
      %scan3A_782 = arith.constant 6 : i32
      %mul3A_783 = arith.constant 16 : i32
      %mul3A_784 = arith.muli %scan3A_782, %mul3A_783 : i32
      %mul3A_785 = arith.constant 16 : i32
      %mul3A_786 = arith.muli %scan3A_782, %mul3A_785 : i32
      %add3A_787 = arith.addi %mul3A_146, %mul3A_786 : i32
      %get3A_788 = arith.index_cast %add3A_787 : i32 to index
      %get3A_789 = tpu.vector_load %arg6[%get3A_788] {strides = array<i32>} : memref<6400xi32, #tpu.memory_space<vmem>>, vector<16xi32>,
      %get3A_790 = vector.shape_cast %get3A_789 : vector<16xi32> to vector<16xi32>
      %mul3A_791 = arith.constant 10 : i32
      %mul3A_792 = vector.broadcast %mul3A_791 : i32 to vector<16xi32>
      %mul3A_793 = arith.muli %get3A_790, %mul3A_792 : vector<16xi32>
      %add3A_794 = arith.constant 3 : i32
      %add3A_795 = vector.broadcast %add3A_794 : i32 to vector<16xi32>
      %add3A_796 = arith.addi %mul3A_793, %add3A_795 : vector<16xi32>
      %swap3A_797 = arith.constant 3 : i32
      %swap3A_798 = arith.index_cast %swap3A_797 : i32 to index
      %swap3A_799 = arith.index_cast %mul3A_784 : i32 to index
      %swap3A_800 = tpu.vector_load %arg7[%swap3A_798, %swap3A_799] {strides = array<i32>} : memref<10x128xi32, #tpu.memory_space<vmem>>, vector<1x16xi32>,
      %swap3A_801 = vector.shape_cast %swap3A_800 : vector<1x16xi32> to vector<16xi32>
      %swap3A_802 = vector.shape_cast %add3A_796 : vector<16xi32> to vector<1x16xi32>
      tpu.vector_store %arg7[%swap3A_798, %swap3A_799], %swap3A_802 {strides = array<i32>} : memref<10x128xi32, #tpu.memory_space<vmem>>, vector<1x16xi32>,
      %scan3A_803 = arith.constant 7 : i32
      %mul3A_804 = arith.constant 16 : i32
      %mul3A_805 = arith.muli %scan3A_803, %mul3A_804 : i32
      %mul3A_806 = arith.constant 16 : i32
      %mul3A_807 = arith.muli %scan3A_803, %mul3A_806 : i32
      %add3A_808 = arith.addi %mul3A_146, %mul3A_807 : i32
      %get3A_809 = arith.index_cast %add3A_808 : i32 to index
      %get3A_810 = tpu.vector_load %arg6[%get3A_809] {strides = array<i32>} : memref<6400xi32, #tpu.memory_space<vmem>>, vector<16xi32>,
      %get3A_811 = vector.shape_cast %get3A_810 : vector<16xi32> to vector<16xi32>
      %mul3A_812 = arith.constant 10 : i32
      %mul3A_813 = vector.broadcast %mul3A_812 : i32 to vector<16xi32>
      %mul3A_814 = arith.muli %get3A_811, %mul3A_813 : vector<16xi32>
      %add3A_815 = arith.constant 3 : i32
      %add3A_816 = vector.broadcast %add3A_815 : i32 to vector<16xi32>
      %add3A_817 = arith.addi %mul3A_814, %add3A_816 : vector<16xi32>
      %swap3A_818 = arith.constant 3 : i32
      %swap3A_819 = arith.index_cast %swap3A_818 : i32 to index
      %swap3A_820 = arith.index_cast %mul3A_805 : i32 to index
      %swap3A_821 = tpu.vector_load %arg7[%swap3A_819, %swap3A_820] {strides = array<i32>} : memref<10x128xi32, #tpu.memory_space<vmem>>, vector<1x16xi32>,
      %swap3A_822 = vector.shape_cast %swap3A_821 : vector<1x16xi32> to vector<16xi32>
      %swap3A_823 = vector.shape_cast %add3A_817 : vector<16xi32> to vector<1x16xi32>
      tpu.vector_store %arg7[%swap3A_819, %swap3A_820], %swap3A_823 {strides = array<i32>} : memref<10x128xi32, #tpu.memory_space<vmem>>, vector<1x16xi32>,
      %scan3A_824 = arith.constant 8 : i32
      %scan3A_825 = arith.constant 0 : i32
      %scan3A_826 = arith.constant 0 : i32
      %mul3A_827 = arith.constant 16 : i32
      %mul3A_828 = arith.muli %scan3A_826, %mul3A_827 : i32
      %mul3A_829 = arith.constant 16 : i32
      %mul3A_830 = arith.muli %scan3A_826, %mul3A_829 : i32
      %add3A_831 = arith.addi %mul3A_146, %mul3A_830 : i32
      %get3A_832 = arith.index_cast %add3A_831 : i32 to index
      %get3A_833 = tpu.vector_load %arg6[%get3A_832] {strides = array<i32>} : memref<6400xi32, #tpu.memory_space<vmem>>, vector<16xi32>,
      %get3A_834 = vector.shape_cast %get3A_833 : vector<16xi32> to vector<16xi32>
      %mul3A_835 = arith.constant 10 : i32
      %mul3A_836 = vector.broadcast %mul3A_835 : i32 to vector<16xi32>
      %mul3A_837 = arith.muli %get3A_834, %mul3A_836 : vector<16xi32>
      %add3A_838 = arith.constant 4 : i32
      %add3A_839 = vector.broadcast %add3A_838 : i32 to vector<16xi32>
      %add3A_840 = arith.addi %mul3A_837, %add3A_839 : vector<16xi32>
      %swap3A_841 = arith.constant 4 : i32
      %swap3A_842 = arith.index_cast %swap3A_841 : i32 to index
      %swap3A_843 = arith.index_cast %mul3A_828 : i32 to index
      %swap3A_844 = tpu.vector_load %arg7[%swap3A_842, %swap3A_843] {strides = array<i32>} : memref<10x128xi32, #tpu.memory_space<vmem>>, vector<1x16xi32>,
      %swap3A_845 = vector.shape_cast %swap3A_844 : vector<1x16xi32> to vector<16xi32>
      %swap3A_846 = vector.shape_cast %add3A_840 : vector<16xi32> to vector<1x16xi32>
      tpu.vector_store %arg7[%swap3A_842, %swap3A_843], %swap3A_846 {strides = array<i32>} : memref<10x128xi32, #tpu.memory_space<vmem>>, vector<1x16xi32>,
      %scan3A_847 = arith.constant 1 : i32
      %mul3A_848 = arith.constant 16 : i32
      %mul3A_849 = arith.muli %scan3A_847, %mul3A_848 : i32
      %mul3A_850 = arith.constant 16 : i32
      %mul3A_851 = arith.muli %scan3A_847, %mul3A_850 : i32
      %add3A_852 = arith.addi %mul3A_146, %mul3A_851 : i32
      %get3A_853 = arith.index_cast %add3A_852 : i32 to index
      %get3A_854 = tpu.vector_load %arg6[%get3A_853] {strides = array<i32>} : memref<6400xi32, #tpu.memory_space<vmem>>, vector<16xi32>,
      %get3A_855 = vector.shape_cast %get3A_854 : vector<16xi32> to vector<16xi32>
      %mul3A_856 = arith.constant 10 : i32
      %mul3A_857 = vector.broadcast %mul3A_856 : i32 to vector<16xi32>
      %mul3A_858 = arith.muli %get3A_855, %mul3A_857 : vector<16xi32>
      %add3A_859 = arith.constant 4 : i32
      %add3A_860 = vector.broadcast %add3A_859 : i32 to vector<16xi32>
      %add3A_861 = arith.addi %mul3A_858, %add3A_860 : vector<16xi32>
      %swap3A_862 = arith.constant 4 : i32
      %swap3A_863 = arith.index_cast %swap3A_862 : i32 to index
      %swap3A_864 = arith.index_cast %mul3A_849 : i32 to index
      %swap3A_865 = tpu.vector_load %arg7[%swap3A_863, %swap3A_864] {strides = array<i32>} : memref<10x128xi32, #tpu.memory_space<vmem>>, vector<1x16xi32>,
      %swap3A_866 = vector.shape_cast %swap3A_865 : vector<1x16xi32> to vector<16xi32>
      %swap3A_867 = vector.shape_cast %add3A_861 : vector<16xi32> to vector<1x16xi32>
      tpu.vector_store %arg7[%swap3A_863, %swap3A_864], %swap3A_867 {strides = array<i32>} : memref<10x128xi32, #tpu.memory_space<vmem>>, vector<1x16xi32>,
      %scan3A_868 = arith.constant 2 : i32
      %mul3A_869 = arith.constant 16 : i32
      %mul3A_870 = arith.muli %scan3A_868, %mul3A_869 : i32
      %mul3A_871 = arith.constant 16 : i32
      %mul3A_872 = arith.muli %scan3A_868, %mul3A_871 : i32
      %add3A_873 = arith.addi %mul3A_146, %mul3A_872 : i32
      %get3A_874 = arith.index_cast %add3A_873 : i32 to index
      %get3A_875 = tpu.vector_load %arg6[%get3A_874] {strides = array<i32>} : memref<6400xi32, #tpu.memory_space<vmem>>, vector<16xi32>,
      %get3A_876 = vector.shape_cast %get3A_875 : vector<16xi32> to vector<16xi32>
      %mul3A_877 = arith.constant 10 : i32
      %mul3A_878 = vector.broadcast %mul3A_877 : i32 to vector<16xi32>
      %mul3A_879 = arith.muli %get3A_876, %mul3A_878 : vector<16xi32>
      %add3A_880 = arith.constant 4 : i32
      %add3A_881 = vector.broadcast %add3A_880 : i32 to vector<16xi32>
      %add3A_882 = arith.addi %mul3A_879, %add3A_881 : vector<16xi32>
      %swap3A_883 = arith.constant 4 : i32
      %swap3A_884 = arith.index_cast %swap3A_883 : i32 to index
      %swap3A_885 = arith.index_cast %mul3A_870 : i32 to index
      %swap3A_886 = tpu.vector_load %arg7[%swap3A_884, %swap3A_885] {strides = array<i32>} : memref<10x128xi32, #tpu.memory_space<vmem>>, vector<1x16xi32>,
      %swap3A_887 = vector.shape_cast %swap3A_886 : vector<1x16xi32> to vector<16xi32>
      %swap3A_888 = vector.shape_cast %add3A_882 : vector<16xi32> to vector<1x16xi32>
      tpu.vector_store %arg7[%swap3A_884, %swap3A_885], %swap3A_888 {strides = array<i32>} : memref<10x128xi32, #tpu.memory_space<vmem>>, vector<1x16xi32>,
      %scan3A_889 = arith.constant 3 : i32
      %mul3A_890 = arith.constant 16 : i32
      %mul3A_891 = arith.muli %scan3A_889, %mul3A_890 : i32
      %mul3A_892 = arith.constant 16 : i32
      %mul3A_893 = arith.muli %scan3A_889, %mul3A_892 : i32
      %add3A_894 = arith.addi %mul3A_146, %mul3A_893 : i32
      %get3A_895 = arith.index_cast %add3A_894 : i32 to index
      %get3A_896 = tpu.vector_load %arg6[%get3A_895] {strides = array<i32>} : memref<6400xi32, #tpu.memory_space<vmem>>, vector<16xi32>,
      %get3A_897 = vector.shape_cast %get3A_896 : vector<16xi32> to vector<16xi32>
      %mul3A_898 = arith.constant 10 : i32
      %mul3A_899 = vector.broadcast %mul3A_898 : i32 to vector<16xi32>
      %mul3A_900 = arith.muli %get3A_897, %mul3A_899 : vector<16xi32>
      %add3A_901 = arith.constant 4 : i32
      %add3A_902 = vector.broadcast %add3A_901 : i32 to vector<16xi32>
      %add3A_903 = arith.addi %mul3A_900, %add3A_902 : vector<16xi32>
      %swap3A_904 = arith.constant 4 : i32
      %swap3A_905 = arith.index_cast %swap3A_904 : i32 to index
      %swap3A_906 = arith.index_cast %mul3A_891 : i32 to index
      %swap3A_907 = tpu.vector_load %arg7[%swap3A_905, %swap3A_906] {strides = array<i32>} : memref<10x128xi32, #tpu.memory_space<vmem>>, vector<1x16xi32>,
      %swap3A_908 = vector.shape_cast %swap3A_907 : vector<1x16xi32> to vector<16xi32>
      %swap3A_909 = vector.shape_cast %add3A_903 : vector<16xi32> to vector<1x16xi32>
      tpu.vector_store %arg7[%swap3A_905, %swap3A_906], %swap3A_909 {strides = array<i32>} : memref<10x128xi32, #tpu.memory_space<vmem>>, vector<1x16xi32>,
      %scan3A_910 = arith.constant 4 : i32
      %mul3A_911 = arith.constant 16 : i32
      %mul3A_912 = arith.muli %scan3A_910, %mul3A_911 : i32
      %mul3A_913 = arith.constant 16 : i32
      %mul3A_914 = arith.muli %scan3A_910, %mul3A_913 : i32
      %add3A_915 = arith.addi %mul3A_146, %mul3A_914 : i32
      %get3A_916 = arith.index_cast %add3A_915 : i32 to index
      %get3A_917 = tpu.vector_load %arg6[%get3A_916] {strides = array<i32>} : memref<6400xi32, #tpu.memory_space<vmem>>, vector<16xi32>,
      %get3A_918 = vector.shape_cast %get3A_917 : vector<16xi32> to vector<16xi32>
      %mul3A_919 = arith.constant 10 : i32
      %mul3A_920 = vector.broadcast %mul3A_919 : i32 to vector<16xi32>
      %mul3A_921 = arith.muli %get3A_918, %mul3A_920 : vector<16xi32>
      %add3A_922 = arith.constant 4 : i32
      %add3A_923 = vector.broadcast %add3A_922 : i32 to vector<16xi32>
      %add3A_924 = arith.addi %mul3A_921, %add3A_923 : vector<16xi32>
      %swap3A_925 = arith.constant 4 : i32
      %swap3A_926 = arith.index_cast %swap3A_925 : i32 to index
      %swap3A_927 = arith.index_cast %mul3A_912 : i32 to index
      %swap3A_928 = tpu.vector_load %arg7[%swap3A_926, %swap3A_927] {strides = array<i32>} : memref<10x128xi32, #tpu.memory_space<vmem>>, vector<1x16xi32>,
      %swap3A_929 = vector.shape_cast %swap3A_928 : vector<1x16xi32> to vector<16xi32>
      %swap3A_930 = vector.shape_cast %add3A_924 : vector<16xi32> to vector<1x16xi32>
      tpu.vector_store %arg7[%swap3A_926, %swap3A_927], %swap3A_930 {strides = array<i32>} : memref<10x128xi32, #tpu.memory_space<vmem>>, vector<1x16xi32>,
      %scan3A_931 = arith.constant 5 : i32
      %mul3A_932 = arith.constant 16 : i32
      %mul3A_933 = arith.muli %scan3A_931, %mul3A_932 : i32
      %mul3A_934 = arith.constant 16 : i32
      %mul3A_935 = arith.muli %scan3A_931, %mul3A_934 : i32
      %add3A_936 = arith.addi %mul3A_146, %mul3A_935 : i32
      %get3A_937 = arith.index_cast %add3A_936 : i32 to index
      %get3A_938 = tpu.vector_load %arg6[%get3A_937] {strides = array<i32>} : memref<6400xi32, #tpu.memory_space<vmem>>, vector<16xi32>,
      %get3A_939 = vector.shape_cast %get3A_938 : vector<16xi32> to vector<16xi32>
      %mul3A_940 = arith.constant 10 : i32
      %mul3A_941 = vector.broadcast %mul3A_940 : i32 to vector<16xi32>
      %mul3A_942 = arith.muli %get3A_939, %mul3A_941 : vector<16xi32>
      %add3A_943 = arith.constant 4 : i32
      %add3A_944 = vector.broadcast %add3A_943 : i32 to vector<16xi32>
      %add3A_945 = arith.addi %mul3A_942, %add3A_944 : vector<16xi32>
      %swap3A_946 = arith.constant 4 : i32
      %swap3A_947 = arith.index_cast %swap3A_946 : i32 to index
      %swap3A_948 = arith.index_cast %mul3A_933 : i32 to index
      %swap3A_949 = tpu.vector_load %arg7[%swap3A_947, %swap3A_948] {strides = array<i32>} : memref<10x128xi32, #tpu.memory_space<vmem>>, vector<1x16xi32>,
      %swap3A_950 = vector.shape_cast %swap3A_949 : vector<1x16xi32> to vector<16xi32>
      %swap3A_951 = vector.shape_cast %add3A_945 : vector<16xi32> to vector<1x16xi32>
      tpu.vector_store %arg7[%swap3A_947, %swap3A_948], %swap3A_951 {strides = array<i32>} : memref<10x128xi32, #tpu.memory_space<vmem>>, vector<1x16xi32>,
      %scan3A_952 = arith.constant 6 : i32
      %mul3A_953 = arith.constant 16 : i32
      %mul3A_954 = arith.muli %scan3A_952, %mul3A_953 : i32
      %mul3A_955 = arith.constant 16 : i32
      %mul3A_956 = arith.muli %scan3A_952, %mul3A_955 : i32
      %add3A_957 = arith.addi %mul3A_146, %mul3A_956 : i32
      %get3A_958 = arith.index_cast %add3A_957 : i32 to index
      %get3A_959 = tpu.vector_load %arg6[%get3A_958] {strides = array<i32>} : memref<6400xi32, #tpu.memory_space<vmem>>, vector<16xi32>,
      %get3A_960 = vector.shape_cast %get3A_959 : vector<16xi32> to vector<16xi32>
      %mul3A_961 = arith.constant 10 : i32
      %mul3A_962 = vector.broadcast %mul3A_961 : i32 to vector<16xi32>
      %mul3A_963 = arith.muli %get3A_960, %mul3A_962 : vector<16xi32>
      %add3A_964 = arith.constant 4 : i32
      %add3A_965 = vector.broadcast %add3A_964 : i32 to vector<16xi32>
      %add3A_966 = arith.addi %mul3A_963, %add3A_965 : vector<16xi32>
      %swap3A_967 = arith.constant 4 : i32
      %swap3A_968 = arith.index_cast %swap3A_967 : i32 to index
      %swap3A_969 = arith.index_cast %mul3A_954 : i32 to index
      %swap3A_970 = tpu.vector_load %arg7[%swap3A_968, %swap3A_969] {strides = array<i32>} : memref<10x128xi32, #tpu.memory_space<vmem>>, vector<1x16xi32>,
      %swap3A_971 = vector.shape_cast %swap3A_970 : vector<1x16xi32> to vector<16xi32>
      %swap3A_972 = vector.shape_cast %add3A_966 : vector<16xi32> to vector<1x16xi32>
      tpu.vector_store %arg7[%swap3A_968, %swap3A_969], %swap3A_972 {strides = array<i32>} : memref<10x128xi32, #tpu.memory_space<vmem>>, vector<1x16xi32>,
      %scan3A_973 = arith.constant 7 : i32
      %mul3A_974 = arith.constant 16 : i32
      %mul3A_975 = arith.muli %scan3A_973, %mul3A_974 : i32
      %mul3A_976 = arith.constant 16 : i32
      %mul3A_977 = arith.muli %scan3A_973, %mul3A_976 : i32
      %add3A_978 = arith.addi %mul3A_146, %mul3A_977 : i32
      %get3A_979 = arith.index_cast %add3A_978 : i32 to index
      %get3A_980 = tpu.vector_load %arg6[%get3A_979] {strides = array<i32>} : memref<6400xi32, #tpu.memory_space<vmem>>, vector<16xi32>,
      %get3A_981 = vector.shape_cast %get3A_980 : vector<16xi32> to vector<16xi32>
      %mul3A_982 = arith.constant 10 : i32
      %mul3A_983 = vector.broadcast %mul3A_982 : i32 to vector<16xi32>
      %mul3A_984 = arith.muli %get3A_981, %mul3A_983 : vector<16xi32>
      %add3A_985 = arith.constant 4 : i32
      %add3A_986 = vector.broadcast %add3A_985 : i32 to vector<16xi32>
      %add3A_987 = arith.addi %mul3A_984, %add3A_986 : vector<16xi32>
      %swap3A_988 = arith.constant 4 : i32
      %swap3A_989 = arith.index_cast %swap3A_988 : i32 to index
      %swap3A_990 = arith.index_cast %mul3A_975 : i32 to index
      %swap3A_991 = tpu.vector_load %arg7[%swap3A_989, %swap3A_990] {strides = array<i32>} : memref<10x128xi32, #tpu.memory_space<vmem>>, vector<1x16xi32>,
      %swap3A_992 = vector.shape_cast %swap3A_991 : vector<1x16xi32> to vector<16xi32>
      %swap3A_993 = vector.shape_cast %add3A_987 : vector<16xi32> to vector<1x16xi32>
      tpu.vector_store %arg7[%swap3A_989, %swap3A_990], %swap3A_993 {strides = array<i32>} : memref<10x128xi32, #tpu.memory_space<vmem>>, vector<1x16xi32>,
      %scan3A_994 = arith.constant 8 : i32
      %scan3A_995 = arith.constant 0 : i32
      %scan3A_996 = arith.constant 0 : i32
      %mul3A_997 = arith.constant 16 : i32
      %mul3A_998 = arith.muli %scan3A_996, %mul3A_997 : i32
      %mul3A_999 = arith.constant 16 : i32
      %mul3A_1000 = arith.muli %scan3A_996, %mul3A_999 : i32
      %add3A_1001 = arith.addi %mul3A_146, %mul3A_1000 : i32
      %get3A_1002 = arith.index_cast %add3A_1001 : i32 to index
      %get3A_1003 = tpu.vector_load %arg6[%get3A_1002] {strides = array<i32>} : memref<6400xi32, #tpu.memory_space<vmem>>, vector<16xi32>,
      %get3A_1004 = vector.shape_cast %get3A_1003 : vector<16xi32> to vector<16xi32>
      %mul3A_1005 = arith.constant 10 : i32
      %mul3A_1006 = vector.broadcast %mul3A_1005 : i32 to vector<16xi32>
      %mul3A_1007 = arith.muli %get3A_1004, %mul3A_1006 : vector<16xi32>
      %add3A_1008 = arith.constant 5 : i32
      %add3A_1009 = vector.broadcast %add3A_1008 : i32 to vector<16xi32>
      %add3A_1010 = arith.addi %mul3A_1007, %add3A_1009 : vector<16xi32>
      %swap3A_1011 = arith.constant 5 : i32
      %swap3A_1012 = arith.index_cast %swap3A_1011 : i32 to index
      %swap3A_1013 = arith.index_cast %mul3A_998 : i32 to index
      %swap3A_1014 = tpu.vector_load %arg7[%swap3A_1012, %swap3A_1013] {strides = array<i32>} : memref<10x128xi32, #tpu.memory_space<vmem>>, vector<1x16xi32>,
      %swap3A_1015 = vector.shape_cast %swap3A_1014 : vector<1x16xi32> to vector<16xi32>
      %swap3A_1016 = vector.shape_cast %add3A_1010 : vector<16xi32> to vector<1x16xi32>
      tpu.vector_store %arg7[%swap3A_1012, %swap3A_1013], %swap3A_1016 {strides = array<i32>} : memref<10x128xi32, #tpu.memory_space<vmem>>, vector<1x16xi32>,
      %scan3A_1017 = arith.constant 1 : i32
      %mul3A_1018 = arith.constant 16 : i32
      %mul3A_1019 = arith.muli %scan3A_1017, %mul3A_1018 : i32
      %mul3A_1020 = arith.constant 16 : i32
      %mul3A_1021 = arith.muli %scan3A_1017, %mul3A_1020 : i32
      %add3A_1022 = arith.addi %mul3A_146, %mul3A_1021 : i32
      %get3A_1023 = arith.index_cast %add3A_1022 : i32 to index
      %get3A_1024 = tpu.vector_load %arg6[%get3A_1023] {strides = array<i32>} : memref<6400xi32, #tpu.memory_space<vmem>>, vector<16xi32>,
      %get3A_1025 = vector.shape_cast %get3A_1024 : vector<16xi32> to vector<16xi32>
      %mul3A_1026 = arith.constant 10 : i32
      %mul3A_1027 = vector.broadcast %mul3A_1026 : i32 to vector<16xi32>
      %mul3A_1028 = arith.muli %get3A_1025, %mul3A_1027 : vector<16xi32>
      %add3A_1029 = arith.constant 5 : i32
      %add3A_1030 = vector.broadcast %add3A_1029 : i32 to vector<16xi32>
      %add3A_1031 = arith.addi %mul3A_1028, %add3A_1030 : vector<16xi32>
      %swap3A_1032 = arith.constant 5 : i32
      %swap3A_1033 = arith.index_cast %swap3A_1032 : i32 to index
      %swap3A_1034 = arith.index_cast %mul3A_1019 : i32 to index
      %swap3A_1035 = tpu.vector_load %arg7[%swap3A_1033, %swap3A_1034] {strides = array<i32>} : memref<10x128xi32, #tpu.memory_space<vmem>>, vector<1x16xi32>,
      %swap3A_1036 = vector.shape_cast %swap3A_1035 : vector<1x16xi32> to vector<16xi32>
      %swap3A_1037 = vector.shape_cast %add3A_1031 : vector<16xi32> to vector<1x16xi32>
      tpu.vector_store %arg7[%swap3A_1033, %swap3A_1034], %swap3A_1037 {strides = array<i32>} : memref<10x128xi32, #tpu.memory_space<vmem>>, vector<1x16xi32>,
      %scan3A_1038 = arith.constant 2 : i32
      %mul3A_1039 = arith.constant 16 : i32
      %mul3A_1040 = arith.muli %scan3A_1038, %mul3A_1039 : i32
      %mul3A_1041 = arith.constant 16 : i32
      %mul3A_1042 = arith.muli %scan3A_1038, %mul3A_1041 : i32
      %add3A_1043 = arith.addi %mul3A_146, %mul3A_1042 : i32
      %get3A_1044 = arith.index_cast %add3A_1043 : i32 to index
      %get3A_1045 = tpu.vector_load %arg6[%get3A_1044] {strides = array<i32>} : memref<6400xi32, #tpu.memory_space<vmem>>, vector<16xi32>,
      %get3A_1046 = vector.shape_cast %get3A_1045 : vector<16xi32> to vector<16xi32>
      %mul3A_1047 = arith.constant 10 : i32
      %mul3A_1048 = vector.broadcast %mul3A_1047 : i32 to vector<16xi32>
      %mul3A_1049 = arith.muli %get3A_1046, %mul3A_1048 : vector<16xi32>
      %add3A_1050 = arith.constant 5 : i32
      %add3A_1051 = vector.broadcast %add3A_1050 : i32 to vector<16xi32>
      %add3A_1052 = arith.addi %mul3A_1049, %add3A_1051 : vector<16xi32>
      %swap3A_1053 = arith.constant 5 : i32
      %swap3A_1054 = arith.index_cast %swap3A_1053 : i32 to index
      %swap3A_1055 = arith.index_cast %mul3A_1040 : i32 to index
      %swap3A_1056 = tpu.vector_load %arg7[%swap3A_1054, %swap3A_1055] {strides = array<i32>} : memref<10x128xi32, #tpu.memory_space<vmem>>, vector<1x16xi32>,
      %swap3A_1057 = vector.shape_cast %swap3A_1056 : vector<1x16xi32> to vector<16xi32>
      %swap3A_1058 = vector.shape_cast %add3A_1052 : vector<16xi32> to vector<1x16xi32>
      tpu.vector_store %arg7[%swap3A_1054, %swap3A_1055], %swap3A_1058 {strides = array<i32>} : memref<10x128xi32, #tpu.memory_space<vmem>>, vector<1x16xi32>,
      %scan3A_1059 = arith.constant 3 : i32
      %mul3A_1060 = arith.constant 16 : i32
      %mul3A_1061 = arith.muli %scan3A_1059, %mul3A_1060 : i32
      %mul3A_1062 = arith.constant 16 : i32
      %mul3A_1063 = arith.muli %scan3A_1059, %mul3A_1062 : i32
      %add3A_1064 = arith.addi %mul3A_146, %mul3A_1063 : i32
      %get3A_1065 = arith.index_cast %add3A_1064 : i32 to index
      %get3A_1066 = tpu.vector_load %arg6[%get3A_1065] {strides = array<i32>} : memref<6400xi32, #tpu.memory_space<vmem>>, vector<16xi32>,
      %get3A_1067 = vector.shape_cast %get3A_1066 : vector<16xi32> to vector<16xi32>
      %mul3A_1068 = arith.constant 10 : i32
      %mul3A_1069 = vector.broadcast %mul3A_1068 : i32 to vector<16xi32>
      %mul3A_1070 = arith.muli %get3A_1067, %mul3A_1069 : vector<16xi32>
      %add3A_1071 = arith.constant 5 : i32
      %add3A_1072 = vector.broadcast %add3A_1071 : i32 to vector<16xi32>
      %add3A_1073 = arith.addi %mul3A_1070, %add3A_1072 : vector<16xi32>
      %swap3A_1074 = arith.constant 5 : i32
      %swap3A_1075 = arith.index_cast %swap3A_1074 : i32 to index
      %swap3A_1076 = arith.index_cast %mul3A_1061 : i32 to index
      %swap3A_1077 = tpu.vector_load %arg7[%swap3A_1075, %swap3A_1076] {strides = array<i32>} : memref<10x128xi32, #tpu.memory_space<vmem>>, vector<1x16xi32>,
      %swap3A_1078 = vector.shape_cast %swap3A_1077 : vector<1x16xi32> to vector<16xi32>
      %swap3A_1079 = vector.shape_cast %add3A_1073 : vector<16xi32> to vector<1x16xi32>
      tpu.vector_store %arg7[%swap3A_1075, %swap3A_1076], %swap3A_1079 {strides = array<i32>} : memref<10x128xi32, #tpu.memory_space<vmem>>, vector<1x16xi32>,
      %scan3A_1080 = arith.constant 4 : i32
      %mul3A_1081 = arith.constant 16 : i32
      %mul3A_1082 = arith.muli %scan3A_1080, %mul3A_1081 : i32
      %mul3A_1083 = arith.constant 16 : i32
      %mul3A_1084 = arith.muli %scan3A_1080, %mul3A_1083 : i32
      %add3A_1085 = arith.addi %mul3A_146, %mul3A_1084 : i32
      %get3A_1086 = arith.index_cast %add3A_1085 : i32 to index
      %get3A_1087 = tpu.vector_load %arg6[%get3A_1086] {strides = array<i32>} : memref<6400xi32, #tpu.memory_space<vmem>>, vector<16xi32>,
      %get3A_1088 = vector.shape_cast %get3A_1087 : vector<16xi32> to vector<16xi32>
      %mul3A_1089 = arith.constant 10 : i32
      %mul3A_1090 = vector.broadcast %mul3A_1089 : i32 to vector<16xi32>
      %mul3A_1091 = arith.muli %get3A_1088, %mul3A_1090 : vector<16xi32>
      %add3A_1092 = arith.constant 5 : i32
      %add3A_1093 = vector.broadcast %add3A_1092 : i32 to vector<16xi32>
      %add3A_1094 = arith.addi %mul3A_1091, %add3A_1093 : vector<16xi32>
      %swap3A_1095 = arith.constant 5 : i32
      %swap3A_1096 = arith.index_cast %swap3A_1095 : i32 to index
      %swap3A_1097 = arith.index_cast %mul3A_1082 : i32 to index
      %swap3A_1098 = tpu.vector_load %arg7[%swap3A_1096, %swap3A_1097] {strides = array<i32>} : memref<10x128xi32, #tpu.memory_space<vmem>>, vector<1x16xi32>,
      %swap3A_1099 = vector.shape_cast %swap3A_1098 : vector<1x16xi32> to vector<16xi32>
      %swap3A_1100 = vector.shape_cast %add3A_1094 : vector<16xi32> to vector<1x16xi32>
      tpu.vector_store %arg7[%swap3A_1096, %swap3A_1097], %swap3A_1100 {strides = array<i32>} : memref<10x128xi32, #tpu.memory_space<vmem>>, vector<1x16xi32>,
      %scan3A_1101 = arith.constant 5 : i32
      %mul3A_1102 = arith.constant 16 : i32
      %mul3A_1103 = arith.muli %scan3A_1101, %mul3A_1102 : i32
      %mul3A_1104 = arith.constant 16 : i32
      %mul3A_1105 = arith.muli %scan3A_1101, %mul3A_1104 : i32
      %add3A_1106 = arith.addi %mul3A_146, %mul3A_1105 : i32
      %get3A_1107 = arith.index_cast %add3A_1106 : i32 to index
      %get3A_1108 = tpu.vector_load %arg6[%get3A_1107] {strides = array<i32>} : memref<6400xi32, #tpu.memory_space<vmem>>, vector<16xi32>,
      %get3A_1109 = vector.shape_cast %get3A_1108 : vector<16xi32> to vector<16xi32>
      %mul3A_1110 = arith.constant 10 : i32
      %mul3A_1111 = vector.broadcast %mul3A_1110 : i32 to vector<16xi32>
      %mul3A_1112 = arith.muli %get3A_1109, %mul3A_1111 : vector<16xi32>
      %add3A_1113 = arith.constant 5 : i32
      %add3A_1114 = vector.broadcast %add3A_1113 : i32 to vector<16xi32>
      %add3A_1115 = arith.addi %mul3A_1112, %add3A_1114 : vector<16xi32>
      %swap3A_1116 = arith.constant 5 : i32
      %swap3A_1117 = arith.index_cast %swap3A_1116 : i32 to index
      %swap3A_1118 = arith.index_cast %mul3A_1103 : i32 to index
      %swap3A_1119 = tpu.vector_load %arg7[%swap3A_1117, %swap3A_1118] {strides = array<i32>} : memref<10x128xi32, #tpu.memory_space<vmem>>, vector<1x16xi32>,
      %swap3A_1120 = vector.shape_cast %swap3A_1119 : vector<1x16xi32> to vector<16xi32>
      %swap3A_1121 = vector.shape_cast %add3A_1115 : vector<16xi32> to vector<1x16xi32>
      tpu.vector_store %arg7[%swap3A_1117, %swap3A_1118], %swap3A_1121 {strides = array<i32>} : memref<10x128xi32, #tpu.memory_space<vmem>>, vector<1x16xi32>,
      %scan3A_1122 = arith.constant 6 : i32
      %mul3A_1123 = arith.constant 16 : i32
      %mul3A_1124 = arith.muli %scan3A_1122, %mul3A_1123 : i32
      %mul3A_1125 = arith.constant 16 : i32
      %mul3A_1126 = arith.muli %scan3A_1122, %mul3A_1125 : i32
      %add3A_1127 = arith.addi %mul3A_146, %mul3A_1126 : i32
      %get3A_1128 = arith.index_cast %add3A_1127 : i32 to index
      %get3A_1129 = tpu.vector_load %arg6[%get3A_1128] {strides = array<i32>} : memref<6400xi32, #tpu.memory_space<vmem>>, vector<16xi32>,
      %get3A_1130 = vector.shape_cast %get3A_1129 : vector<16xi32> to vector<16xi32>
      %mul3A_1131 = arith.constant 10 : i32
      %mul3A_1132 = vector.broadcast %mul3A_1131 : i32 to vector<16xi32>
      %mul3A_1133 = arith.muli %get3A_1130, %mul3A_1132 : vector<16xi32>
      %add3A_1134 = arith.constant 5 : i32
      %add3A_1135 = vector.broadcast %add3A_1134 : i32 to vector<16xi32>
      %add3A_1136 = arith.addi %mul3A_1133, %add3A_1135 : vector<16xi32>
      %swap3A_1137 = arith.constant 5 : i32
      %swap3A_1138 = arith.index_cast %swap3A_1137 : i32 to index
      %swap3A_1139 = arith.index_cast %mul3A_1124 : i32 to index
      %swap3A_1140 = tpu.vector_load %arg7[%swap3A_1138, %swap3A_1139] {strides = array<i32>} : memref<10x128xi32, #tpu.memory_space<vmem>>, vector<1x16xi32>,
      %swap3A_1141 = vector.shape_cast %swap3A_1140 : vector<1x16xi32> to vector<16xi32>
      %swap3A_1142 = vector.shape_cast %add3A_1136 : vector<16xi32> to vector<1x16xi32>
      tpu.vector_store %arg7[%swap3A_1138, %swap3A_1139], %swap3A_1142 {strides = array<i32>} : memref<10x128xi32, #tpu.memory_space<vmem>>, vector<1x16xi32>,
      %scan3A_1143 = arith.constant 7 : i32
      %mul3A_1144 = arith.constant 16 : i32
      %mul3A_1145 = arith.muli %scan3A_1143, %mul3A_1144 : i32
      %mul3A_1146 = arith.constant 16 : i32
      %mul3A_1147 = arith.muli %scan3A_1143, %mul3A_1146 : i32
      %add3A_1148 = arith.addi %mul3A_146, %mul3A_1147 : i32
      %get3A_1149 = arith.index_cast %add3A_1148 : i32 to index
      %get3A_1150 = tpu.vector_load %arg6[%get3A_1149] {strides = array<i32>} : memref<6400xi32, #tpu.memory_space<vmem>>, vector<16xi32>,
      %get3A_1151 = vector.shape_cast %get3A_1150 : vector<16xi32> to vector<16xi32>
      %mul3A_1152 = arith.constant 10 : i32
      %mul3A_1153 = vector.broadcast %mul3A_1152 : i32 to vector<16xi32>
      %mul3A_1154 = arith.muli %get3A_1151, %mul3A_1153 : vector<16xi32>
      %add3A_1155 = arith.constant 5 : i32
      %add3A_1156 = vector.broadcast %add3A_1155 : i32 to vector<16xi32>
      %add3A_1157 = arith.addi %mul3A_1154, %add3A_1156 : vector<16xi32>
      %swap3A_1158 = arith.constant 5 : i32
      %swap3A_1159 = arith.index_cast %swap3A_1158 : i32 to index
      %swap3A_1160 = arith.index_cast %mul3A_1145 : i32 to index
      %swap3A_1161 = tpu.vector_load %arg7[%swap3A_1159, %swap3A_1160] {strides = array<i32>} : memref<10x128xi32, #tpu.memory_space<vmem>>, vector<1x16xi32>,
      %swap3A_1162 = vector.shape_cast %swap3A_1161 : vector<1x16xi32> to vector<16xi32>
      %swap3A_1163 = vector.shape_cast %add3A_1157 : vector<16xi32> to vector<1x16xi32>
      tpu.vector_store %arg7[%swap3A_1159, %swap3A_1160], %swap3A_1163 {strides = array<i32>} : memref<10x128xi32, #tpu.memory_space<vmem>>, vector<1x16xi32>,
      %scan3A_1164 = arith.constant 8 : i32
      %scan3A_1165 = arith.constant 0 : i32
      %scan3A_1166 = arith.constant 0 : i32
      %mul3A_1167 = arith.constant 16 : i32
      %mul3A_1168 = arith.muli %scan3A_1166, %mul3A_1167 : i32
      %mul3A_1169 = arith.constant 16 : i32
      %mul3A_1170 = arith.muli %scan3A_1166, %mul3A_1169 : i32
      %add3A_1171 = arith.addi %mul3A_146, %mul3A_1170 : i32
      %get3A_1172 = arith.index_cast %add3A_1171 : i32 to index
      %get3A_1173 = tpu.vector_load %arg6[%get3A_1172] {strides = array<i32>} : memref<6400xi32, #tpu.memory_space<vmem>>, vector<16xi32>,
      %get3A_1174 = vector.shape_cast %get3A_1173 : vector<16xi32> to vector<16xi32>
      %mul3A_1175 = arith.constant 10 : i32
      %mul3A_1176 = vector.broadcast %mul3A_1175 : i32 to vector<16xi32>
      %mul3A_1177 = arith.muli %get3A_1174, %mul3A_1176 : vector<16xi32>
      %add3A_1178 = arith.constant 6 : i32
      %add3A_1179 = vector.broadcast %add3A_1178 : i32 to vector<16xi32>
      %add3A_1180 = arith.addi %mul3A_1177, %add3A_1179 : vector<16xi32>
      %swap3A_1181 = arith.constant 6 : i32
      %swap3A_1182 = arith.index_cast %swap3A_1181 : i32 to index
      %swap3A_1183 = arith.index_cast %mul3A_1168 : i32 to index
      %swap3A_1184 = tpu.vector_load %arg7[%swap3A_1182, %swap3A_1183] {strides = array<i32>} : memref<10x128xi32, #tpu.memory_space<vmem>>, vector<1x16xi32>,
      %swap3A_1185 = vector.shape_cast %swap3A_1184 : vector<1x16xi32> to vector<16xi32>
      %swap3A_1186 = vector.shape_cast %add3A_1180 : vector<16xi32> to vector<1x16xi32>
      tpu.vector_store %arg7[%swap3A_1182, %swap3A_1183], %swap3A_1186 {strides = array<i32>} : memref<10x128xi32, #tpu.memory_space<vmem>>, vector<1x16xi32>,
      %scan3A_1187 = arith.constant 1 : i32
      %mul3A_1188 = arith.constant 16 : i32
      %mul3A_1189 = arith.muli %scan3A_1187, %mul3A_1188 : i32
      %mul3A_1190 = arith.constant 16 : i32
      %mul3A_1191 = arith.muli %scan3A_1187, %mul3A_1190 : i32
      %add3A_1192 = arith.addi %mul3A_146, %mul3A_1191 : i32
      %get3A_1193 = arith.index_cast %add3A_1192 : i32 to index
      %get3A_1194 = tpu.vector_load %arg6[%get3A_1193] {strides = array<i32>} : memref<6400xi32, #tpu.memory_space<vmem>>, vector<16xi32>,
      %get3A_1195 = vector.shape_cast %get3A_1194 : vector<16xi32> to vector<16xi32>
      %mul3A_1196 = arith.constant 10 : i32
      %mul3A_1197 = vector.broadcast %mul3A_1196 : i32 to vector<16xi32>
      %mul3A_1198 = arith.muli %get3A_1195, %mul3A_1197 : vector<16xi32>
      %add3A_1199 = arith.constant 6 : i32
      %add3A_1200 = vector.broadcast %add3A_1199 : i32 to vector<16xi32>
      %add3A_1201 = arith.addi %mul3A_1198, %add3A_1200 : vector<16xi32>
      %swap3A_1202 = arith.constant 6 : i32
      %swap3A_1203 = arith.index_cast %swap3A_1202 : i32 to index
      %swap3A_1204 = arith.index_cast %mul3A_1189 : i32 to index
      %swap3A_1205 = tpu.vector_load %arg7[%swap3A_1203, %swap3A_1204] {strides = array<i32>} : memref<10x128xi32, #tpu.memory_space<vmem>>, vector<1x16xi32>,
      %swap3A_1206 = vector.shape_cast %swap3A_1205 : vector<1x16xi32> to vector<16xi32>
      %swap3A_1207 = vector.shape_cast %add3A_1201 : vector<16xi32> to vector<1x16xi32>
      tpu.vector_store %arg7[%swap3A_1203, %swap3A_1204], %swap3A_1207 {strides = array<i32>} : memref<10x128xi32, #tpu.memory_space<vmem>>, vector<1x16xi32>,
      %scan3A_1208 = arith.constant 2 : i32
      %mul3A_1209 = arith.constant 16 : i32
      %mul3A_1210 = arith.muli %scan3A_1208, %mul3A_1209 : i32
      %mul3A_1211 = arith.constant 16 : i32
      %mul3A_1212 = arith.muli %scan3A_1208, %mul3A_1211 : i32
      %add3A_1213 = arith.addi %mul3A_146, %mul3A_1212 : i32
      %get3A_1214 = arith.index_cast %add3A_1213 : i32 to index
      %get3A_1215 = tpu.vector_load %arg6[%get3A_1214] {strides = array<i32>} : memref<6400xi32, #tpu.memory_space<vmem>>, vector<16xi32>,
      %get3A_1216 = vector.shape_cast %get3A_1215 : vector<16xi32> to vector<16xi32>
      %mul3A_1217 = arith.constant 10 : i32
      %mul3A_1218 = vector.broadcast %mul3A_1217 : i32 to vector<16xi32>
      %mul3A_1219 = arith.muli %get3A_1216, %mul3A_1218 : vector<16xi32>
      %add3A_1220 = arith.constant 6 : i32
      %add3A_1221 = vector.broadcast %add3A_1220 : i32 to vector<16xi32>
      %add3A_1222 = arith.addi %mul3A_1219, %add3A_1221 : vector<16xi32>
      %swap3A_1223 = arith.constant 6 : i32
      %swap3A_1224 = arith.index_cast %swap3A_1223 : i32 to index
      %swap3A_1225 = arith.index_cast %mul3A_1210 : i32 to index
      %swap3A_1226 = tpu.vector_load %arg7[%swap3A_1224, %swap3A_1225] {strides = array<i32>} : memref<10x128xi32, #tpu.memory_space<vmem>>, vector<1x16xi32>,
      %swap3A_1227 = vector.shape_cast %swap3A_1226 : vector<1x16xi32> to vector<16xi32>
      %swap3A_1228 = vector.shape_cast %add3A_1222 : vector<16xi32> to vector<1x16xi32>
      tpu.vector_store %arg7[%swap3A_1224, %swap3A_1225], %swap3A_1228 {strides = array<i32>} : memref<10x128xi32, #tpu.memory_space<vmem>>, vector<1x16xi32>,
      %scan3A_1229 = arith.constant 3 : i32
      %mul3A_1230 = arith.constant 16 : i32
      %mul3A_1231 = arith.muli %scan3A_1229, %mul3A_1230 : i32
      %mul3A_1232 = arith.constant 16 : i32
      %mul3A_1233 = arith.muli %scan3A_1229, %mul3A_1232 : i32
      %add3A_1234 = arith.addi %mul3A_146, %mul3A_1233 : i32
      %get3A_1235 = arith.index_cast %add3A_1234 : i32 to index
      %get3A_1236 = tpu.vector_load %arg6[%get3A_1235] {strides = array<i32>} : memref<6400xi32, #tpu.memory_space<vmem>>, vector<16xi32>,
      %get3A_1237 = vector.shape_cast %get3A_1236 : vector<16xi32> to vector<16xi32>
      %mul3A_1238 = arith.constant 10 : i32
      %mul3A_1239 = vector.broadcast %mul3A_1238 : i32 to vector<16xi32>
      %mul3A_1240 = arith.muli %get3A_1237, %mul3A_1239 : vector<16xi32>
      %add3A_1241 = arith.constant 6 : i32
      %add3A_1242 = vector.broadcast %add3A_1241 : i32 to vector<16xi32>
      %add3A_1243 = arith.addi %mul3A_1240, %add3A_1242 : vector<16xi32>
      %swap3A_1244 = arith.constant 6 : i32
      %swap3A_1245 = arith.index_cast %swap3A_1244 : i32 to index
      %swap3A_1246 = arith.index_cast %mul3A_1231 : i32 to index
      %swap3A_1247 = tpu.vector_load %arg7[%swap3A_1245, %swap3A_1246] {strides = array<i32>} : memref<10x128xi32, #tpu.memory_space<vmem>>, vector<1x16xi32>,
      %swap3A_1248 = vector.shape_cast %swap3A_1247 : vector<1x16xi32> to vector<16xi32>
      %swap3A_1249 = vector.shape_cast %add3A_1243 : vector<16xi32> to vector<1x16xi32>
      tpu.vector_store %arg7[%swap3A_1245, %swap3A_1246], %swap3A_1249 {strides = array<i32>} : memref<10x128xi32, #tpu.memory_space<vmem>>, vector<1x16xi32>,
      %scan3A_1250 = arith.constant 4 : i32
      %mul3A_1251 = arith.constant 16 : i32
      %mul3A_1252 = arith.muli %scan3A_1250, %mul3A_1251 : i32
      %mul3A_1253 = arith.constant 16 : i32
      %mul3A_1254 = arith.muli %scan3A_1250, %mul3A_1253 : i32
      %add3A_1255 = arith.addi %mul3A_146, %mul3A_1254 : i32
      %get3A_1256 = arith.index_cast %add3A_1255 : i32 to index
      %get3A_1257 = tpu.vector_load %arg6[%get3A_1256] {strides = array<i32>} : memref<6400xi32, #tpu.memory_space<vmem>>, vector<16xi32>,
      %get3A_1258 = vector.shape_cast %get3A_1257 : vector<16xi32> to vector<16xi32>
      %mul3A_1259 = arith.constant 10 : i32
      %mul3A_1260 = vector.broadcast %mul3A_1259 : i32 to vector<16xi32>
      %mul3A_1261 = arith.muli %get3A_1258, %mul3A_1260 : vector<16xi32>
      %add3A_1262 = arith.constant 6 : i32
      %add3A_1263 = vector.broadcast %add3A_1262 : i32 to vector<16xi32>
      %add3A_1264 = arith.addi %mul3A_1261, %add3A_1263 : vector<16xi32>
      %swap3A_1265 = arith.constant 6 : i32
      %swap3A_1266 = arith.index_cast %swap3A_1265 : i32 to index
      %swap3A_1267 = arith.index_cast %mul3A_1252 : i32 to index
      %swap3A_1268 = tpu.vector_load %arg7[%swap3A_1266, %swap3A_1267] {strides = array<i32>} : memref<10x128xi32, #tpu.memory_space<vmem>>, vector<1x16xi32>,
      %swap3A_1269 = vector.shape_cast %swap3A_1268 : vector<1x16xi32> to vector<16xi32>
      %swap3A_1270 = vector.shape_cast %add3A_1264 : vector<16xi32> to vector<1x16xi32>
      tpu.vector_store %arg7[%swap3A_1266, %swap3A_1267], %swap3A_1270 {strides = array<i32>} : memref<10x128xi32, #tpu.memory_space<vmem>>, vector<1x16xi32>,
      %scan3A_1271 = arith.constant 5 : i32
      %mul3A_1272 = arith.constant 16 : i32
      %mul3A_1273 = arith.muli %scan3A_1271, %mul3A_1272 : i32
      %mul3A_1274 = arith.constant 16 : i32
      %mul3A_1275 = arith.muli %scan3A_1271, %mul3A_1274 : i32
      %add3A_1276 = arith.addi %mul3A_146, %mul3A_1275 : i32
      %get3A_1277 = arith.index_cast %add3A_1276 : i32 to index
      %get3A_1278 = tpu.vector_load %arg6[%get3A_1277] {strides = array<i32>} : memref<6400xi32, #tpu.memory_space<vmem>>, vector<16xi32>,
      %get3A_1279 = vector.shape_cast %get3A_1278 : vector<16xi32> to vector<16xi32>
      %mul3A_1280 = arith.constant 10 : i32
      %mul3A_1281 = vector.broadcast %mul3A_1280 : i32 to vector<16xi32>
      %mul3A_1282 = arith.muli %get3A_1279, %mul3A_1281 : vector<16xi32>
      %add3A_1283 = arith.constant 6 : i32
      %add3A_1284 = vector.broadcast %add3A_1283 : i32 to vector<16xi32>
      %add3A_1285 = arith.addi %mul3A_1282, %add3A_1284 : vector<16xi32>
      %swap3A_1286 = arith.constant 6 : i32
      %swap3A_1287 = arith.index_cast %swap3A_1286 : i32 to index
      %swap3A_1288 = arith.index_cast %mul3A_1273 : i32 to index
      %swap3A_1289 = tpu.vector_load %arg7[%swap3A_1287, %swap3A_1288] {strides = array<i32>} : memref<10x128xi32, #tpu.memory_space<vmem>>, vector<1x16xi32>,
      %swap3A_1290 = vector.shape_cast %swap3A_1289 : vector<1x16xi32> to vector<16xi32>
      %swap3A_1291 = vector.shape_cast %add3A_1285 : vector<16xi32> to vector<1x16xi32>
      tpu.vector_store %arg7[%swap3A_1287, %swap3A_1288], %swap3A_1291 {strides = array<i32>} : memref<10x128xi32, #tpu.memory_space<vmem>>, vector<1x16xi32>,
      %scan3A_1292 = arith.constant 6 : i32
      %mul3A_1293 = arith.constant 16 : i32
      %mul3A_1294 = arith.muli %scan3A_1292, %mul3A_1293 : i32
      %mul3A_1295 = arith.constant 16 : i32
      %mul3A_1296 = arith.muli %scan3A_1292, %mul3A_1295 : i32
      %add3A_1297 = arith.addi %mul3A_146, %mul3A_1296 : i32
      %get3A_1298 = arith.index_cast %add3A_1297 : i32 to index
      %get3A_1299 = tpu.vector_load %arg6[%get3A_1298] {strides = array<i32>} : memref<6400xi32, #tpu.memory_space<vmem>>, vector<16xi32>,
      %get3A_1300 = vector.shape_cast %get3A_1299 : vector<16xi32> to vector<16xi32>
      %mul3A_1301 = arith.constant 10 : i32
      %mul3A_1302 = vector.broadcast %mul3A_1301 : i32 to vector<16xi32>
      %mul3A_1303 = arith.muli %get3A_1300, %mul3A_1302 : vector<16xi32>
      %add3A_1304 = arith.constant 6 : i32
      %add3A_1305 = vector.broadcast %add3A_1304 : i32 to vector<16xi32>
      %add3A_1306 = arith.addi %mul3A_1303, %add3A_1305 : vector<16xi32>
      %swap3A_1307 = arith.constant 6 : i32
      %swap3A_1308 = arith.index_cast %swap3A_1307 : i32 to index
      %swap3A_1309 = arith.index_cast %mul3A_1294 : i32 to index
      %swap3A_1310 = tpu.vector_load %arg7[%swap3A_1308, %swap3A_1309] {strides = array<i32>} : memref<10x128xi32, #tpu.memory_space<vmem>>, vector<1x16xi32>,
      %swap3A_1311 = vector.shape_cast %swap3A_1310 : vector<1x16xi32> to vector<16xi32>
      %swap3A_1312 = vector.shape_cast %add3A_1306 : vector<16xi32> to vector<1x16xi32>
      tpu.vector_store %arg7[%swap3A_1308, %swap3A_1309], %swap3A_1312 {strides = array<i32>} : memref<10x128xi32, #tpu.memory_space<vmem>>, vector<1x16xi32>,
      %scan3A_1313 = arith.constant 7 : i32
      %mul3A_1314 = arith.constant 16 : i32
      %mul3A_1315 = arith.muli %scan3A_1313, %mul3A_1314 : i32
      %mul3A_1316 = arith.constant 16 : i32
      %mul3A_1317 = arith.muli %scan3A_1313, %mul3A_1316 : i32
      %add3A_1318 = arith.addi %mul3A_146, %mul3A_1317 : i32
      %get3A_1319 = arith.index_cast %add3A_1318 : i32 to index
      %get3A_1320 = tpu.vector_load %arg6[%get3A_1319] {strides = array<i32>} : memref<6400xi32, #tpu.memory_space<vmem>>, vector<16xi32>,
      %get3A_1321 = vector.shape_cast %get3A_1320 : vector<16xi32> to vector<16xi32>
      %mul3A_1322 = arith.constant 10 : i32
      %mul3A_1323 = vector.broadcast %mul3A_1322 : i32 to vector<16xi32>
      %mul3A_1324 = arith.muli %get3A_1321, %mul3A_1323 : vector<16xi32>
      %add3A_1325 = arith.constant 6 : i32
      %add3A_1326 = vector.broadcast %add3A_1325 : i32 to vector<16xi32>
      %add3A_1327 = arith.addi %mul3A_1324, %add3A_1326 : vector<16xi32>
      %swap3A_1328 = arith.constant 6 : i32
      %swap3A_1329 = arith.index_cast %swap3A_1328 : i32 to index
      %swap3A_1330 = arith.index_cast %mul3A_1315 : i32 to index
      %swap3A_1331 = tpu.vector_load %arg7[%swap3A_1329, %swap3A_1330] {strides = array<i32>} : memref<10x128xi32, #tpu.memory_space<vmem>>, vector<1x16xi32>,
      %swap3A_1332 = vector.shape_cast %swap3A_1331 : vector<1x16xi32> to vector<16xi32>
      %swap3A_1333 = vector.shape_cast %add3A_1327 : vector<16xi32> to vector<1x16xi32>
      tpu.vector_store %arg7[%swap3A_1329, %swap3A_1330], %swap3A_1333 {strides = array<i32>} : memref<10x128xi32, #tpu.memory_space<vmem>>, vector<1x16xi32>,
      %scan3A_1334 = arith.constant 8 : i32
      %scan3A_1335 = arith.constant 0 : i32
      %scan3A_1336 = arith.constant 0 : i32
      %mul3A_1337 = arith.constant 16 : i32
      %mul3A_1338 = arith.muli %scan3A_1336, %mul3A_1337 : i32
      %mul3A_1339 = arith.constant 16 : i32
      %mul3A_1340 = arith.muli %scan3A_1336, %mul3A_1339 : i32
      %add3A_1341 = arith.addi %mul3A_146, %mul3A_1340 : i32
      %get3A_1342 = arith.index_cast %add3A_1341 : i32 to index
      %get3A_1343 = tpu.vector_load %arg6[%get3A_1342] {strides = array<i32>} : memref<6400xi32, #tpu.memory_space<vmem>>, vector<16xi32>,
      %get3A_1344 = vector.shape_cast %get3A_1343 : vector<16xi32> to vector<16xi32>
      %mul3A_1345 = arith.constant 10 : i32
      %mul3A_1346 = vector.broadcast %mul3A_1345 : i32 to vector<16xi32>
      %mul3A_1347 = arith.muli %get3A_1344, %mul3A_1346 : vector<16xi32>
      %add3A_1348 = arith.constant 7 : i32
      %add3A_1349 = vector.broadcast %add3A_1348 : i32 to vector<16xi32>
      %add3A_1350 = arith.addi %mul3A_1347, %add3A_1349 : vector<16xi32>
      %swap3A_1351 = arith.constant 7 : i32
      %swap3A_1352 = arith.index_cast %swap3A_1351 : i32 to index
      %swap3A_1353 = arith.index_cast %mul3A_1338 : i32 to index
      %swap3A_1354 = tpu.vector_load %arg7[%swap3A_1352, %swap3A_1353] {strides = array<i32>} : memref<10x128xi32, #tpu.memory_space<vmem>>, vector<1x16xi32>,
      %swap3A_1355 = vector.shape_cast %swap3A_1354 : vector<1x16xi32> to vector<16xi32>
      %swap3A_1356 = vector.shape_cast %add3A_1350 : vector<16xi32> to vector<1x16xi32>
      tpu.vector_store %arg7[%swap3A_1352, %swap3A_1353], %swap3A_1356 {strides = array<i32>} : memref<10x128xi32, #tpu.memory_space<vmem>>, vector<1x16xi32>,
      %scan3A_1357 = arith.constant 1 : i32
      %mul3A_1358 = arith.constant 16 : i32
      %mul3A_1359 = arith.muli %scan3A_1357, %mul3A_1358 : i32
      %mul3A_1360 = arith.constant 16 : i32
      %mul3A_1361 = arith.muli %scan3A_1357, %mul3A_1360 : i32
      %add3A_1362 = arith.addi %mul3A_146, %mul3A_1361 : i32
      %get3A_1363 = arith.index_cast %add3A_1362 : i32 to index
      %get3A_1364 = tpu.vector_load %arg6[%get3A_1363] {strides = array<i32>} : memref<6400xi32, #tpu.memory_space<vmem>>, vector<16xi32>,
      %get3A_1365 = vector.shape_cast %get3A_1364 : vector<16xi32> to vector<16xi32>
      %mul3A_1366 = arith.constant 10 : i32
      %mul3A_1367 = vector.broadcast %mul3A_1366 : i32 to vector<16xi32>
      %mul3A_1368 = arith.muli %get3A_1365, %mul3A_1367 : vector<16xi32>
      %add3A_1369 = arith.constant 7 : i32
      %add3A_1370 = vector.broadcast %add3A_1369 : i32 to vector<16xi32>
      %add3A_1371 = arith.addi %mul3A_1368, %add3A_1370 : vector<16xi32>
      %swap3A_1372 = arith.constant 7 : i32
      %swap3A_1373 = arith.index_cast %swap3A_1372 : i32 to index
      %swap3A_1374 = arith.index_cast %mul3A_1359 : i32 to index
      %swap3A_1375 = tpu.vector_load %arg7[%swap3A_1373, %swap3A_1374] {strides = array<i32>} : memref<10x128xi32, #tpu.memory_space<vmem>>, vector<1x16xi32>,
      %swap3A_1376 = vector.shape_cast %swap3A_1375 : vector<1x16xi32> to vector<16xi32>
      %swap3A_1377 = vector.shape_cast %add3A_1371 : vector<16xi32> to vector<1x16xi32>
      tpu.vector_store %arg7[%swap3A_1373, %swap3A_1374], %swap3A_1377 {strides = array<i32>} : memref<10x128xi32, #tpu.memory_space<vmem>>, vector<1x16xi32>,
      %scan3A_1378 = arith.constant 2 : i32
      %mul3A_1379 = arith.constant 16 : i32
      %mul3A_1380 = arith.muli %scan3A_1378, %mul3A_1379 : i32
      %mul3A_1381 = arith.constant 16 : i32
      %mul3A_1382 = arith.muli %scan3A_1378, %mul3A_1381 : i32
      %add3A_1383 = arith.addi %mul3A_146, %mul3A_1382 : i32
      %get3A_1384 = arith.index_cast %add3A_1383 : i32 to index
      %get3A_1385 = tpu.vector_load %arg6[%get3A_1384] {strides = array<i32>} : memref<6400xi32, #tpu.memory_space<vmem>>, vector<16xi32>,
      %get3A_1386 = vector.shape_cast %get3A_1385 : vector<16xi32> to vector<16xi32>
      %mul3A_1387 = arith.constant 10 : i32
      %mul3A_1388 = vector.broadcast %mul3A_1387 : i32 to vector<16xi32>
      %mul3A_1389 = arith.muli %get3A_1386, %mul3A_1388 : vector<16xi32>
      %add3A_1390 = arith.constant 7 : i32
      %add3A_1391 = vector.broadcast %add3A_1390 : i32 to vector<16xi32>
      %add3A_1392 = arith.addi %mul3A_1389, %add3A_1391 : vector<16xi32>
      %swap3A_1393 = arith.constant 7 : i32
      %swap3A_1394 = arith.index_cast %swap3A_1393 : i32 to index
      %swap3A_1395 = arith.index_cast %mul3A_1380 : i32 to index
      %swap3A_1396 = tpu.vector_load %arg7[%swap3A_1394, %swap3A_1395] {strides = array<i32>} : memref<10x128xi32, #tpu.memory_space<vmem>>, vector<1x16xi32>,
      %swap3A_1397 = vector.shape_cast %swap3A_1396 : vector<1x16xi32> to vector<16xi32>
      %swap3A_1398 = vector.shape_cast %add3A_1392 : vector<16xi32> to vector<1x16xi32>
      tpu.vector_store %arg7[%swap3A_1394, %swap3A_1395], %swap3A_1398 {strides = array<i32>} : memref<10x128xi32, #tpu.memory_space<vmem>>, vector<1x16xi32>,
      %scan3A_1399 = arith.constant 3 : i32
      %mul3A_1400 = arith.constant 16 : i32
      %mul3A_1401 = arith.muli %scan3A_1399, %mul3A_1400 : i32
      %mul3A_1402 = arith.constant 16 : i32
      %mul3A_1403 = arith.muli %scan3A_1399, %mul3A_1402 : i32
      %add3A_1404 = arith.addi %mul3A_146, %mul3A_1403 : i32
      %get3A_1405 = arith.index_cast %add3A_1404 : i32 to index
      %get3A_1406 = tpu.vector_load %arg6[%get3A_1405] {strides = array<i32>} : memref<6400xi32, #tpu.memory_space<vmem>>, vector<16xi32>,
      %get3A_1407 = vector.shape_cast %get3A_1406 : vector<16xi32> to vector<16xi32>
      %mul3A_1408 = arith.constant 10 : i32
      %mul3A_1409 = vector.broadcast %mul3A_1408 : i32 to vector<16xi32>
      %mul3A_1410 = arith.muli %get3A_1407, %mul3A_1409 : vector<16xi32>
      %add3A_1411 = arith.constant 7 : i32
      %add3A_1412 = vector.broadcast %add3A_1411 : i32 to vector<16xi32>
      %add3A_1413 = arith.addi %mul3A_1410, %add3A_1412 : vector<16xi32>
      %swap3A_1414 = arith.constant 7 : i32
      %swap3A_1415 = arith.index_cast %swap3A_1414 : i32 to index
      %swap3A_1416 = arith.index_cast %mul3A_1401 : i32 to index
      %swap3A_1417 = tpu.vector_load %arg7[%swap3A_1415, %swap3A_1416] {strides = array<i32>} : memref<10x128xi32, #tpu.memory_space<vmem>>, vector<1x16xi32>,
      %swap3A_1418 = vector.shape_cast %swap3A_1417 : vector<1x16xi32> to vector<16xi32>
      %swap3A_1419 = vector.shape_cast %add3A_1413 : vector<16xi32> to vector<1x16xi32>
      tpu.vector_store %arg7[%swap3A_1415, %swap3A_1416], %swap3A_1419 {strides = array<i32>} : memref<10x128xi32, #tpu.memory_space<vmem>>, vector<1x16xi32>,
      %scan3A_1420 = arith.constant 4 : i32
      %mul3A_1421 = arith.constant 16 : i32
      %mul3A_1422 = arith.muli %scan3A_1420, %mul3A_1421 : i32
      %mul3A_1423 = arith.constant 16 : i32
      %mul3A_1424 = arith.muli %scan3A_1420, %mul3A_1423 : i32
      %add3A_1425 = arith.addi %mul3A_146, %mul3A_1424 : i32
      %get3A_1426 = arith.index_cast %add3A_1425 : i32 to index
      %get3A_1427 = tpu.vector_load %arg6[%get3A_1426] {strides = array<i32>} : memref<6400xi32, #tpu.memory_space<vmem>>, vector<16xi32>,
      %get3A_1428 = vector.shape_cast %get3A_1427 : vector<16xi32> to vector<16xi32>
      %mul3A_1429 = arith.constant 10 : i32
      %mul3A_1430 = vector.broadcast %mul3A_1429 : i32 to vector<16xi32>
      %mul3A_1431 = arith.muli %get3A_1428, %mul3A_1430 : vector<16xi32>
      %add3A_1432 = arith.constant 7 : i32
      %add3A_1433 = vector.broadcast %add3A_1432 : i32 to vector<16xi32>
      %add3A_1434 = arith.addi %mul3A_1431, %add3A_1433 : vector<16xi32>
      %swap3A_1435 = arith.constant 7 : i32
      %swap3A_1436 = arith.index_cast %swap3A_1435 : i32 to index
      %swap3A_1437 = arith.index_cast %mul3A_1422 : i32 to index
      %swap3A_1438 = tpu.vector_load %arg7[%swap3A_1436, %swap3A_1437] {strides = array<i32>} : memref<10x128xi32, #tpu.memory_space<vmem>>, vector<1x16xi32>,
      %swap3A_1439 = vector.shape_cast %swap3A_1438 : vector<1x16xi32> to vector<16xi32>
      %swap3A_1440 = vector.shape_cast %add3A_1434 : vector<16xi32> to vector<1x16xi32>
      tpu.vector_store %arg7[%swap3A_1436, %swap3A_1437], %swap3A_1440 {strides = array<i32>} : memref<10x128xi32, #tpu.memory_space<vmem>>, vector<1x16xi32>,
      %scan3A_1441 = arith.constant 5 : i32
      %mul3A_1442 = arith.constant 16 : i32
      %mul3A_1443 = arith.muli %scan3A_1441, %mul3A_1442 : i32
      %mul3A_1444 = arith.constant 16 : i32
      %mul3A_1445 = arith.muli %scan3A_1441, %mul3A_1444 : i32
      %add3A_1446 = arith.addi %mul3A_146, %mul3A_1445 : i32
      %get3A_1447 = arith.index_cast %add3A_1446 : i32 to index
      %get3A_1448 = tpu.vector_load %arg6[%get3A_1447] {strides = array<i32>} : memref<6400xi32, #tpu.memory_space<vmem>>, vector<16xi32>,
      %get3A_1449 = vector.shape_cast %get3A_1448 : vector<16xi32> to vector<16xi32>
      %mul3A_1450 = arith.constant 10 : i32
      %mul3A_1451 = vector.broadcast %mul3A_1450 : i32 to vector<16xi32>
      %mul3A_1452 = arith.muli %get3A_1449, %mul3A_1451 : vector<16xi32>
      %add3A_1453 = arith.constant 7 : i32
      %add3A_1454 = vector.broadcast %add3A_1453 : i32 to vector<16xi32>
      %add3A_1455 = arith.addi %mul3A_1452, %add3A_1454 : vector<16xi32>
      %swap3A_1456 = arith.constant 7 : i32
      %swap3A_1457 = arith.index_cast %swap3A_1456 : i32 to index
      %swap3A_1458 = arith.index_cast %mul3A_1443 : i32 to index
      %swap3A_1459 = tpu.vector_load %arg7[%swap3A_1457, %swap3A_1458] {strides = array<i32>} : memref<10x128xi32, #tpu.memory_space<vmem>>, vector<1x16xi32>,
      %swap3A_1460 = vector.shape_cast %swap3A_1459 : vector<1x16xi32> to vector<16xi32>
      %swap3A_1461 = vector.shape_cast %add3A_1455 : vector<16xi32> to vector<1x16xi32>
      tpu.vector_store %arg7[%swap3A_1457, %swap3A_1458], %swap3A_1461 {strides = array<i32>} : memref<10x128xi32, #tpu.memory_space<vmem>>, vector<1x16xi32>,
      %scan3A_1462 = arith.constant 6 : i32
      %mul3A_1463 = arith.constant 16 : i32
      %mul3A_1464 = arith.muli %scan3A_1462, %mul3A_1463 : i32
      %mul3A_1465 = arith.constant 16 : i32
      %mul3A_1466 = arith.muli %scan3A_1462, %mul3A_1465 : i32
      %add3A_1467 = arith.addi %mul3A_146, %mul3A_1466 : i32
      %get3A_1468 = arith.index_cast %add3A_1467 : i32 to index
      %get3A_1469 = tpu.vector_load %arg6[%get3A_1468] {strides = array<i32>} : memref<6400xi32, #tpu.memory_space<vmem>>, vector<16xi32>,
      %get3A_1470 = vector.shape_cast %get3A_1469 : vector<16xi32> to vector<16xi32>
      %mul3A_1471 = arith.constant 10 : i32
      %mul3A_1472 = vector.broadcast %mul3A_1471 : i32 to vector<16xi32>
      %mul3A_1473 = arith.muli %get3A_1470, %mul3A_1472 : vector<16xi32>
      %add3A_1474 = arith.constant 7 : i32
      %add3A_1475 = vector.broadcast %add3A_1474 : i32 to vector<16xi32>
      %add3A_1476 = arith.addi %mul3A_1473, %add3A_1475 : vector<16xi32>
      %swap3A_1477 = arith.constant 7 : i32
      %swap3A_1478 = arith.index_cast %swap3A_1477 : i32 to index
      %swap3A_1479 = arith.index_cast %mul3A_1464 : i32 to index
      %swap3A_1480 = tpu.vector_load %arg7[%swap3A_1478, %swap3A_1479] {strides = array<i32>} : memref<10x128xi32, #tpu.memory_space<vmem>>, vector<1x16xi32>,
      %swap3A_1481 = vector.shape_cast %swap3A_1480 : vector<1x16xi32> to vector<16xi32>
      %swap3A_1482 = vector.shape_cast %add3A_1476 : vector<16xi32> to vector<1x16xi32>
      tpu.vector_store %arg7[%swap3A_1478, %swap3A_1479], %swap3A_1482 {strides = array<i32>} : memref<10x128xi32, #tpu.memory_space<vmem>>, vector<1x16xi32>,
      %scan3A_1483 = arith.constant 7 : i32
      %mul3A_1484 = arith.constant 16 : i32
      %mul3A_1485 = arith.muli %scan3A_1483, %mul3A_1484 : i32
      %mul3A_1486 = arith.constant 16 : i32
      %mul3A_1487 = arith.muli %scan3A_1483, %mul3A_1486 : i32
      %add3A_1488 = arith.addi %mul3A_146, %mul3A_1487 : i32
      %get3A_1489 = arith.index_cast %add3A_1488 : i32 to index
      %get3A_1490 = tpu.vector_load %arg6[%get3A_1489] {strides = array<i32>} : memref<6400xi32, #tpu.memory_space<vmem>>, vector<16xi32>,
      %get3A_1491 = vector.shape_cast %get3A_1490 : vector<16xi32> to vector<16xi32>
      %mul3A_1492 = arith.constant 10 : i32
      %mul3A_1493 = vector.broadcast %mul3A_1492 : i32 to vector<16xi32>
      %mul3A_1494 = arith.muli %get3A_1491, %mul3A_1493 : vector<16xi32>
      %add3A_1495 = arith.constant 7 : i32
      %add3A_1496 = vector.broadcast %add3A_1495 : i32 to vector<16xi32>
      %add3A_1497 = arith.addi %mul3A_1494, %add3A_1496 : vector<16xi32>
      %swap3A_1498 = arith.constant 7 : i32
      %swap3A_1499 = arith.index_cast %swap3A_1498 : i32 to index
      %swap3A_1500 = arith.index_cast %mul3A_1485 : i32 to index
      %swap3A_1501 = tpu.vector_load %arg7[%swap3A_1499, %swap3A_1500] {strides = array<i32>} : memref<10x128xi32, #tpu.memory_space<vmem>>, vector<1x16xi32>,
      %swap3A_1502 = vector.shape_cast %swap3A_1501 : vector<1x16xi32> to vector<16xi32>
      %swap3A_1503 = vector.shape_cast %add3A_1497 : vector<16xi32> to vector<1x16xi32>
      tpu.vector_store %arg7[%swap3A_1499, %swap3A_1500], %swap3A_1503 {strides = array<i32>} : memref<10x128xi32, #tpu.memory_space<vmem>>, vector<1x16xi32>,
      %scan3A_1504 = arith.constant 8 : i32
      %scan3A_1505 = arith.constant 0 : i32
      %scan3A_1506 = arith.constant 0 : i32
      %mul3A_1507 = arith.constant 16 : i32
      %mul3A_1508 = arith.muli %scan3A_1506, %mul3A_1507 : i32
      %mul3A_1509 = arith.constant 16 : i32
      %mul3A_1510 = arith.muli %scan3A_1506, %mul3A_1509 : i32
      %add3A_1511 = arith.addi %mul3A_146, %mul3A_1510 : i32
      %get3A_1512 = arith.index_cast %add3A_1511 : i32 to index
      %get3A_1513 = tpu.vector_load %arg6[%get3A_1512] {strides = array<i32>} : memref<6400xi32, #tpu.memory_space<vmem>>, vector<16xi32>,
      %get3A_1514 = vector.shape_cast %get3A_1513 : vector<16xi32> to vector<16xi32>
      %mul3A_1515 = arith.constant 10 : i32
      %mul3A_1516 = vector.broadcast %mul3A_1515 : i32 to vector<16xi32>
      %mul3A_1517 = arith.muli %get3A_1514, %mul3A_1516 : vector<16xi32>
      %add3A_1518 = arith.constant 8 : i32
      %add3A_1519 = vector.broadcast %add3A_1518 : i32 to vector<16xi32>
      %add3A_1520 = arith.addi %mul3A_1517, %add3A_1519 : vector<16xi32>
      %swap3A_1521 = arith.constant 8 : i32
      %swap3A_1522 = arith.index_cast %swap3A_1521 : i32 to index
      %swap3A_1523 = arith.index_cast %mul3A_1508 : i32 to index
      %swap3A_1524 = tpu.vector_load %arg7[%swap3A_1522, %swap3A_1523] {strides = array<i32>} : memref<10x128xi32, #tpu.memory_space<vmem>>, vector<1x16xi32>,
      %swap3A_1525 = vector.shape_cast %swap3A_1524 : vector<1x16xi32> to vector<16xi32>
      %swap3A_1526 = vector.shape_cast %add3A_1520 : vector<16xi32> to vector<1x16xi32>
      tpu.vector_store %arg7[%swap3A_1522, %swap3A_1523], %swap3A_1526 {strides = array<i32>} : memref<10x128xi32, #tpu.memory_space<vmem>>, vector<1x16xi32>,
      %scan3A_1527 = arith.constant 1 : i32
      %mul3A_1528 = arith.constant 16 : i32
      %mul3A_1529 = arith.muli %scan3A_1527, %mul3A_1528 : i32
      %mul3A_1530 = arith.constant 16 : i32
      %mul3A_1531 = arith.muli %scan3A_1527, %mul3A_1530 : i32
      %add3A_1532 = arith.addi %mul3A_146, %mul3A_1531 : i32
      %get3A_1533 = arith.index_cast %add3A_1532 : i32 to index
      %get3A_1534 = tpu.vector_load %arg6[%get3A_1533] {strides = array<i32>} : memref<6400xi32, #tpu.memory_space<vmem>>, vector<16xi32>,
      %get3A_1535 = vector.shape_cast %get3A_1534 : vector<16xi32> to vector<16xi32>
      %mul3A_1536 = arith.constant 10 : i32
      %mul3A_1537 = vector.broadcast %mul3A_1536 : i32 to vector<16xi32>
      %mul3A_1538 = arith.muli %get3A_1535, %mul3A_1537 : vector<16xi32>
      %add3A_1539 = arith.constant 8 : i32
      %add3A_1540 = vector.broadcast %add3A_1539 : i32 to vector<16xi32>
      %add3A_1541 = arith.addi %mul3A_1538, %add3A_1540 : vector<16xi32>
      %swap3A_1542 = arith.constant 8 : i32
      %swap3A_1543 = arith.index_cast %swap3A_1542 : i32 to index
      %swap3A_1544 = arith.index_cast %mul3A_1529 : i32 to index
      %swap3A_1545 = tpu.vector_load %arg7[%swap3A_1543, %swap3A_1544] {strides = array<i32>} : memref<10x128xi32, #tpu.memory_space<vmem>>, vector<1x16xi32>,
      %swap3A_1546 = vector.shape_cast %swap3A_1545 : vector<1x16xi32> to vector<16xi32>
      %swap3A_1547 = vector.shape_cast %add3A_1541 : vector<16xi32> to vector<1x16xi32>
      tpu.vector_store %arg7[%swap3A_1543, %swap3A_1544], %swap3A_1547 {strides = array<i32>} : memref<10x128xi32, #tpu.memory_space<vmem>>, vector<1x16xi32>,
      %scan3A_1548 = arith.constant 2 : i32
      %mul3A_1549 = arith.constant 16 : i32
      %mul3A_1550 = arith.muli %scan3A_1548, %mul3A_1549 : i32
      %mul3A_1551 = arith.constant 16 : i32
      %mul3A_1552 = arith.muli %scan3A_1548, %mul3A_1551 : i32
      %add3A_1553 = arith.addi %mul3A_146, %mul3A_1552 : i32
      %get3A_1554 = arith.index_cast %add3A_1553 : i32 to index
      %get3A_1555 = tpu.vector_load %arg6[%get3A_1554] {strides = array<i32>} : memref<6400xi32, #tpu.memory_space<vmem>>, vector<16xi32>,
      %get3A_1556 = vector.shape_cast %get3A_1555 : vector<16xi32> to vector<16xi32>
      %mul3A_1557 = arith.constant 10 : i32
      %mul3A_1558 = vector.broadcast %mul3A_1557 : i32 to vector<16xi32>
      %mul3A_1559 = arith.muli %get3A_1556, %mul3A_1558 : vector<16xi32>
      %add3A_1560 = arith.constant 8 : i32
      %add3A_1561 = vector.broadcast %add3A_1560 : i32 to vector<16xi32>
      %add3A_1562 = arith.addi %mul3A_1559, %add3A_1561 : vector<16xi32>
      %swap3A_1563 = arith.constant 8 : i32
      %swap3A_1564 = arith.index_cast %swap3A_1563 : i32 to index
      %swap3A_1565 = arith.index_cast %mul3A_1550 : i32 to index
      %swap3A_1566 = tpu.vector_load %arg7[%swap3A_1564, %swap3A_1565] {strides = array<i32>} : memref<10x128xi32, #tpu.memory_space<vmem>>, vector<1x16xi32>,
      %swap3A_1567 = vector.shape_cast %swap3A_1566 : vector<1x16xi32> to vector<16xi32>
      %swap3A_1568 = vector.shape_cast %add3A_1562 : vector<16xi32> to vector<1x16xi32>
      tpu.vector_store %arg7[%swap3A_1564, %swap3A_1565], %swap3A_1568 {strides = array<i32>} : memref<10x128xi32, #tpu.memory_space<vmem>>, vector<1x16xi32>,
      %scan3A_1569 = arith.constant 3 : i32
      %mul3A_1570 = arith.constant 16 : i32
      %mul3A_1571 = arith.muli %scan3A_1569, %mul3A_1570 : i32
      %mul3A_1572 = arith.constant 16 : i32
      %mul3A_1573 = arith.muli %scan3A_1569, %mul3A_1572 : i32
      %add3A_1574 = arith.addi %mul3A_146, %mul3A_1573 : i32
      %get3A_1575 = arith.index_cast %add3A_1574 : i32 to index
      %get3A_1576 = tpu.vector_load %arg6[%get3A_1575] {strides = array<i32>} : memref<6400xi32, #tpu.memory_space<vmem>>, vector<16xi32>,
      %get3A_1577 = vector.shape_cast %get3A_1576 : vector<16xi32> to vector<16xi32>
      %mul3A_1578 = arith.constant 10 : i32
      %mul3A_1579 = vector.broadcast %mul3A_1578 : i32 to vector<16xi32>
      %mul3A_1580 = arith.muli %get3A_1577, %mul3A_1579 : vector<16xi32>
      %add3A_1581 = arith.constant 8 : i32
      %add3A_1582 = vector.broadcast %add3A_1581 : i32 to vector<16xi32>
      %add3A_1583 = arith.addi %mul3A_1580, %add3A_1582 : vector<16xi32>
      %swap3A_1584 = arith.constant 8 : i32
      %swap3A_1585 = arith.index_cast %swap3A_1584 : i32 to index
      %swap3A_1586 = arith.index_cast %mul3A_1571 : i32 to index
      %swap3A_1587 = tpu.vector_load %arg7[%swap3A_1585, %swap3A_1586] {strides = array<i32>} : memref<10x128xi32, #tpu.memory_space<vmem>>, vector<1x16xi32>,
      %swap3A_1588 = vector.shape_cast %swap3A_1587 : vector<1x16xi32> to vector<16xi32>
      %swap3A_1589 = vector.shape_cast %add3A_1583 : vector<16xi32> to vector<1x16xi32>
      tpu.vector_store %arg7[%swap3A_1585, %swap3A_1586], %swap3A_1589 {strides = array<i32>} : memref<10x128xi32, #tpu.memory_space<vmem>>, vector<1x16xi32>,
      %scan3A_1590 = arith.constant 4 : i32
      %mul3A_1591 = arith.constant 16 : i32
      %mul3A_1592 = arith.muli %scan3A_1590, %mul3A_1591 : i32
      %mul3A_1593 = arith.constant 16 : i32
      %mul3A_1594 = arith.muli %scan3A_1590, %mul3A_1593 : i32
      %add3A_1595 = arith.addi %mul3A_146, %mul3A_1594 : i32
      %get3A_1596 = arith.index_cast %add3A_1595 : i32 to index
      %get3A_1597 = tpu.vector_load %arg6[%get3A_1596] {strides = array<i32>} : memref<6400xi32, #tpu.memory_space<vmem>>, vector<16xi32>,
      %get3A_1598 = vector.shape_cast %get3A_1597 : vector<16xi32> to vector<16xi32>
      %mul3A_1599 = arith.constant 10 : i32
      %mul3A_1600 = vector.broadcast %mul3A_1599 : i32 to vector<16xi32>
      %mul3A_1601 = arith.muli %get3A_1598, %mul3A_1600 : vector<16xi32>
      %add3A_1602 = arith.constant 8 : i32
      %add3A_1603 = vector.broadcast %add3A_1602 : i32 to vector<16xi32>
      %add3A_1604 = arith.addi %mul3A_1601, %add3A_1603 : vector<16xi32>
      %swap3A_1605 = arith.constant 8 : i32
      %swap3A_1606 = arith.index_cast %swap3A_1605 : i32 to index
      %swap3A_1607 = arith.index_cast %mul3A_1592 : i32 to index
      %swap3A_1608 = tpu.vector_load %arg7[%swap3A_1606, %swap3A_1607] {strides = array<i32>} : memref<10x128xi32, #tpu.memory_space<vmem>>, vector<1x16xi32>,
      %swap3A_1609 = vector.shape_cast %swap3A_1608 : vector<1x16xi32> to vector<16xi32>
      %swap3A_1610 = vector.shape_cast %add3A_1604 : vector<16xi32> to vector<1x16xi32>
      tpu.vector_store %arg7[%swap3A_1606, %swap3A_1607], %swap3A_1610 {strides = array<i32>} : memref<10x128xi32, #tpu.memory_space<vmem>>, vector<1x16xi32>,
      %scan3A_1611 = arith.constant 5 : i32
      %mul3A_1612 = arith.constant 16 : i32
      %mul3A_1613 = arith.muli %scan3A_1611, %mul3A_1612 : i32
      %mul3A_1614 = arith.constant 16 : i32
      %mul3A_1615 = arith.muli %scan3A_1611, %mul3A_1614 : i32
      %add3A_1616 = arith.addi %mul3A_146, %mul3A_1615 : i32
      %get3A_1617 = arith.index_cast %add3A_1616 : i32 to index
      %get3A_1618 = tpu.vector_load %arg6[%get3A_1617] {strides = array<i32>} : memref<6400xi32, #tpu.memory_space<vmem>>, vector<16xi32>,
      %get3A_1619 = vector.shape_cast %get3A_1618 : vector<16xi32> to vector<16xi32>
      %mul3A_1620 = arith.constant 10 : i32
      %mul3A_1621 = vector.broadcast %mul3A_1620 : i32 to vector<16xi32>
      %mul3A_1622 = arith.muli %get3A_1619, %mul3A_1621 : vector<16xi32>
      %add3A_1623 = arith.constant 8 : i32
      %add3A_1624 = vector.broadcast %add3A_1623 : i32 to vector<16xi32>
      %add3A_1625 = arith.addi %mul3A_1622, %add3A_1624 : vector<16xi32>
      %swap3A_1626 = arith.constant 8 : i32
      %swap3A_1627 = arith.index_cast %swap3A_1626 : i32 to index
      %swap3A_1628 = arith.index_cast %mul3A_1613 : i32 to index
      %swap3A_1629 = tpu.vector_load %arg7[%swap3A_1627, %swap3A_1628] {strides = array<i32>} : memref<10x128xi32, #tpu.memory_space<vmem>>, vector<1x16xi32>,
      %swap3A_1630 = vector.shape_cast %swap3A_1629 : vector<1x16xi32> to vector<16xi32>
      %swap3A_1631 = vector.shape_cast %add3A_1625 : vector<16xi32> to vector<1x16xi32>
      tpu.vector_store %arg7[%swap3A_1627, %swap3A_1628], %swap3A_1631 {strides = array<i32>} : memref<10x128xi32, #tpu.memory_space<vmem>>, vector<1x16xi32>,
      %scan3A_1632 = arith.constant 6 : i32
      %mul3A_1633 = arith.constant 16 : i32
      %mul3A_1634 = arith.muli %scan3A_1632, %mul3A_1633 : i32
      %mul3A_1635 = arith.constant 16 : i32
      %mul3A_1636 = arith.muli %scan3A_1632, %mul3A_1635 : i32
      %add3A_1637 = arith.addi %mul3A_146, %mul3A_1636 : i32
      %get3A_1638 = arith.index_cast %add3A_1637 : i32 to index
      %get3A_1639 = tpu.vector_load %arg6[%get3A_1638] {strides = array<i32>} : memref<6400xi32, #tpu.memory_space<vmem>>, vector<16xi32>,
      %get3A_1640 = vector.shape_cast %get3A_1639 : vector<16xi32> to vector<16xi32>
      %mul3A_1641 = arith.constant 10 : i32
      %mul3A_1642 = vector.broadcast %mul3A_1641 : i32 to vector<16xi32>
      %mul3A_1643 = arith.muli %get3A_1640, %mul3A_1642 : vector<16xi32>
      %add3A_1644 = arith.constant 8 : i32
      %add3A_1645 = vector.broadcast %add3A_1644 : i32 to vector<16xi32>
      %add3A_1646 = arith.addi %mul3A_1643, %add3A_1645 : vector<16xi32>
      %swap3A_1647 = arith.constant 8 : i32
      %swap3A_1648 = arith.index_cast %swap3A_1647 : i32 to index
      %swap3A_1649 = arith.index_cast %mul3A_1634 : i32 to index
      %swap3A_1650 = tpu.vector_load %arg7[%swap3A_1648, %swap3A_1649] {strides = array<i32>} : memref<10x128xi32, #tpu.memory_space<vmem>>, vector<1x16xi32>,
      %swap3A_1651 = vector.shape_cast %swap3A_1650 : vector<1x16xi32> to vector<16xi32>
      %swap3A_1652 = vector.shape_cast %add3A_1646 : vector<16xi32> to vector<1x16xi32>
      tpu.vector_store %arg7[%swap3A_1648, %swap3A_1649], %swap3A_1652 {strides = array<i32>} : memref<10x128xi32, #tpu.memory_space<vmem>>, vector<1x16xi32>,
      %scan3A_1653 = arith.constant 7 : i32
      %mul3A_1654 = arith.constant 16 : i32
      %mul3A_1655 = arith.muli %scan3A_1653, %mul3A_1654 : i32
      %mul3A_1656 = arith.constant 16 : i32
      %mul3A_1657 = arith.muli %scan3A_1653, %mul3A_1656 : i32
      %add3A_1658 = arith.addi %mul3A_146, %mul3A_1657 : i32
      %get3A_1659 = arith.index_cast %add3A_1658 : i32 to index
      %get3A_1660 = tpu.vector_load %arg6[%get3A_1659] {strides = array<i32>} : memref<6400xi32, #tpu.memory_space<vmem>>, vector<16xi32>,
      %get3A_1661 = vector.shape_cast %get3A_1660 : vector<16xi32> to vector<16xi32>
      %mul3A_1662 = arith.constant 10 : i32
      %mul3A_1663 = vector.broadcast %mul3A_1662 : i32 to vector<16xi32>
      %mul3A_1664 = arith.muli %get3A_1661, %mul3A_1663 : vector<16xi32>
      %add3A_1665 = arith.constant 8 : i32
      %add3A_1666 = vector.broadcast %add3A_1665 : i32 to vector<16xi32>
      %add3A_1667 = arith.addi %mul3A_1664, %add3A_1666 : vector<16xi32>
      %swap3A_1668 = arith.constant 8 : i32
      %swap3A_1669 = arith.index_cast %swap3A_1668 : i32 to index
      %swap3A_1670 = arith.index_cast %mul3A_1655 : i32 to index
      %swap3A_1671 = tpu.vector_load %arg7[%swap3A_1669, %swap3A_1670] {strides = array<i32>} : memref<10x128xi32, #tpu.memory_space<vmem>>, vector<1x16xi32>,
      %swap3A_1672 = vector.shape_cast %swap3A_1671 : vector<1x16xi32> to vector<16xi32>
      %swap3A_1673 = vector.shape_cast %add3A_1667 : vector<16xi32> to vector<1x16xi32>
      tpu.vector_store %arg7[%swap3A_1669, %swap3A_1670], %swap3A_1673 {strides = array<i32>} : memref<10x128xi32, #tpu.memory_space<vmem>>, vector<1x16xi32>,
      %scan3A_1674 = arith.constant 8 : i32
      %scan3A_1675 = arith.constant 0 : i32
      %scan3A_1676 = arith.constant 0 : i32
      %mul3A_1677 = arith.constant 16 : i32
      %mul3A_1678 = arith.muli %scan3A_1676, %mul3A_1677 : i32
      %mul3A_1679 = arith.constant 16 : i32
      %mul3A_1680 = arith.muli %scan3A_1676, %mul3A_1679 : i32
      %add3A_1681 = arith.addi %mul3A_146, %mul3A_1680 : i32
      %get3A_1682 = arith.index_cast %add3A_1681 : i32 to index
      %get3A_1683 = tpu.vector_load %arg6[%get3A_1682] {strides = array<i32>} : memref<6400xi32, #tpu.memory_space<vmem>>, vector<16xi32>,
      %get3A_1684 = vector.shape_cast %get3A_1683 : vector<16xi32> to vector<16xi32>
      %mul3A_1685 = arith.constant 10 : i32
      %mul3A_1686 = vector.broadcast %mul3A_1685 : i32 to vector<16xi32>
      %mul3A_1687 = arith.muli %get3A_1684, %mul3A_1686 : vector<16xi32>
      %add3A_1688 = arith.constant 9 : i32
      %add3A_1689 = vector.broadcast %add3A_1688 : i32 to vector<16xi32>
      %add3A_1690 = arith.addi %mul3A_1687, %add3A_1689 : vector<16xi32>
      %swap3A_1691 = arith.constant 9 : i32
      %swap3A_1692 = arith.index_cast %swap3A_1691 : i32 to index
      %swap3A_1693 = arith.index_cast %mul3A_1678 : i32 to index
      %swap3A_1694 = tpu.vector_load %arg7[%swap3A_1692, %swap3A_1693] {strides = array<i32>} : memref<10x128xi32, #tpu.memory_space<vmem>>, vector<1x16xi32>,
      %swap3A_1695 = vector.shape_cast %swap3A_1694 : vector<1x16xi32> to vector<16xi32>
      %swap3A_1696 = vector.shape_cast %add3A_1690 : vector<16xi32> to vector<1x16xi32>
      tpu.vector_store %arg7[%swap3A_1692, %swap3A_1693], %swap3A_1696 {strides = array<i32>} : memref<10x128xi32, #tpu.memory_space<vmem>>, vector<1x16xi32>,
      %scan3A_1697 = arith.constant 1 : i32
      %mul3A_1698 = arith.constant 16 : i32
      %mul3A_1699 = arith.muli %scan3A_1697, %mul3A_1698 : i32
      %mul3A_1700 = arith.constant 16 : i32
      %mul3A_1701 = arith.muli %scan3A_1697, %mul3A_1700 : i32
      %add3A_1702 = arith.addi %mul3A_146, %mul3A_1701 : i32
      %get3A_1703 = arith.index_cast %add3A_1702 : i32 to index
      %get3A_1704 = tpu.vector_load %arg6[%get3A_1703] {strides = array<i32>} : memref<6400xi32, #tpu.memory_space<vmem>>, vector<16xi32>,
      %get3A_1705 = vector.shape_cast %get3A_1704 : vector<16xi32> to vector<16xi32>
      %mul3A_1706 = arith.constant 10 : i32
      %mul3A_1707 = vector.broadcast %mul3A_1706 : i32 to vector<16xi32>
      %mul3A_1708 = arith.muli %get3A_1705, %mul3A_1707 : vector<16xi32>
      %add3A_1709 = arith.constant 9 : i32
      %add3A_1710 = vector.broadcast %add3A_1709 : i32 to vector<16xi32>
      %add3A_1711 = arith.addi %mul3A_1708, %add3A_1710 : vector<16xi32>
      %swap3A_1712 = arith.constant 9 : i32
      %swap3A_1713 = arith.index_cast %swap3A_1712 : i32 to index
      %swap3A_1714 = arith.index_cast %mul3A_1699 : i32 to index
      %swap3A_1715 = tpu.vector_load %arg7[%swap3A_1713, %swap3A_1714] {strides = array<i32>} : memref<10x128xi32, #tpu.memory_space<vmem>>, vector<1x16xi32>,
      %swap3A_1716 = vector.shape_cast %swap3A_1715 : vector<1x16xi32> to vector<16xi32>
      %swap3A_1717 = vector.shape_cast %add3A_1711 : vector<16xi32> to vector<1x16xi32>
      tpu.vector_store %arg7[%swap3A_1713, %swap3A_1714], %swap3A_1717 {strides = array<i32>} : memref<10x128xi32, #tpu.memory_space<vmem>>, vector<1x16xi32>,
      %scan3A_1718 = arith.constant 2 : i32
      %mul3A_1719 = arith.constant 16 : i32
      %mul3A_1720 = arith.muli %scan3A_1718, %mul3A_1719 : i32
      %mul3A_1721 = arith.constant 16 : i32
      %mul3A_1722 = arith.muli %scan3A_1718, %mul3A_1721 : i32
      %add3A_1723 = arith.addi %mul3A_146, %mul3A_1722 : i32
      %get3A_1724 = arith.index_cast %add3A_1723 : i32 to index
      %get3A_1725 = tpu.vector_load %arg6[%get3A_1724] {strides = array<i32>} : memref<6400xi32, #tpu.memory_space<vmem>>, vector<16xi32>,
      %get3A_1726 = vector.shape_cast %get3A_1725 : vector<16xi32> to vector<16xi32>
      %mul3A_1727 = arith.constant 10 : i32
      %mul3A_1728 = vector.broadcast %mul3A_1727 : i32 to vector<16xi32>
      %mul3A_1729 = arith.muli %get3A_1726, %mul3A_1728 : vector<16xi32>
      %add3A_1730 = arith.constant 9 : i32
      %add3A_1731 = vector.broadcast %add3A_1730 : i32 to vector<16xi32>
      %add3A_1732 = arith.addi %mul3A_1729, %add3A_1731 : vector<16xi32>
      %swap3A_1733 = arith.constant 9 : i32
      %swap3A_1734 = arith.index_cast %swap3A_1733 : i32 to index
      %swap3A_1735 = arith.index_cast %mul3A_1720 : i32 to index
      %swap3A_1736 = tpu.vector_load %arg7[%swap3A_1734, %swap3A_1735] {strides = array<i32>} : memref<10x128xi32, #tpu.memory_space<vmem>>, vector<1x16xi32>,
      %swap3A_1737 = vector.shape_cast %swap3A_1736 : vector<1x16xi32> to vector<16xi32>
      %swap3A_1738 = vector.shape_cast %add3A_1732 : vector<16xi32> to vector<1x16xi32>
      tpu.vector_store %arg7[%swap3A_1734, %swap3A_1735], %swap3A_1738 {strides = array<i32>} : memref<10x128xi32, #tpu.memory_space<vmem>>, vector<1x16xi32>,
      %scan3A_1739 = arith.constant 3 : i32
      %mul3A_1740 = arith.constant 16 : i32
      %mul3A_1741 = arith.muli %scan3A_1739, %mul3A_1740 : i32
      %mul3A_1742 = arith.constant 16 : i32
      %mul3A_1743 = arith.muli %scan3A_1739, %mul3A_1742 : i32
      %add3A_1744 = arith.addi %mul3A_146, %mul3A_1743 : i32
      %get3A_1745 = arith.index_cast %add3A_1744 : i32 to index
      %get3A_1746 = tpu.vector_load %arg6[%get3A_1745] {strides = array<i32>} : memref<6400xi32, #tpu.memory_space<vmem>>, vector<16xi32>,
      %get3A_1747 = vector.shape_cast %get3A_1746 : vector<16xi32> to vector<16xi32>
      %mul3A_1748 = arith.constant 10 : i32
      %mul3A_1749 = vector.broadcast %mul3A_1748 : i32 to vector<16xi32>
      %mul3A_1750 = arith.muli %get3A_1747, %mul3A_1749 : vector<16xi32>
      %add3A_1751 = arith.constant 9 : i32
      %add3A_1752 = vector.broadcast %add3A_1751 : i32 to vector<16xi32>
      %add3A_1753 = arith.addi %mul3A_1750, %add3A_1752 : vector<16xi32>
      %swap3A_1754 = arith.constant 9 : i32
      %swap3A_1755 = arith.index_cast %swap3A_1754 : i32 to index
      %swap3A_1756 = arith.index_cast %mul3A_1741 : i32 to index
      %swap3A_1757 = tpu.vector_load %arg7[%swap3A_1755, %swap3A_1756] {strides = array<i32>} : memref<10x128xi32, #tpu.memory_space<vmem>>, vector<1x16xi32>,
      %swap3A_1758 = vector.shape_cast %swap3A_1757 : vector<1x16xi32> to vector<16xi32>
      %swap3A_1759 = vector.shape_cast %add3A_1753 : vector<16xi32> to vector<1x16xi32>
      tpu.vector_store %arg7[%swap3A_1755, %swap3A_1756], %swap3A_1759 {strides = array<i32>} : memref<10x128xi32, #tpu.memory_space<vmem>>, vector<1x16xi32>,
      %scan3A_1760 = arith.constant 4 : i32
      %mul3A_1761 = arith.constant 16 : i32
      %mul3A_1762 = arith.muli %scan3A_1760, %mul3A_1761 : i32
      %mul3A_1763 = arith.constant 16 : i32
      %mul3A_1764 = arith.muli %scan3A_1760, %mul3A_1763 : i32
      %add3A_1765 = arith.addi %mul3A_146, %mul3A_1764 : i32
      %get3A_1766 = arith.index_cast %add3A_1765 : i32 to index
      %get3A_1767 = tpu.vector_load %arg6[%get3A_1766] {strides = array<i32>} : memref<6400xi32, #tpu.memory_space<vmem>>, vector<16xi32>,
      %get3A_1768 = vector.shape_cast %get3A_1767 : vector<16xi32> to vector<16xi32>
      %mul3A_1769 = arith.constant 10 : i32
      %mul3A_1770 = vector.broadcast %mul3A_1769 : i32 to vector<16xi32>
      %mul3A_1771 = arith.muli %get3A_1768, %mul3A_1770 : vector<16xi32>
      %add3A_1772 = arith.constant 9 : i32
      %add3A_1773 = vector.broadcast %add3A_1772 : i32 to vector<16xi32>
      %add3A_1774 = arith.addi %mul3A_1771, %add3A_1773 : vector<16xi32>
      %swap3A_1775 = arith.constant 9 : i32
      %swap3A_1776 = arith.index_cast %swap3A_1775 : i32 to index
      %swap3A_1777 = arith.index_cast %mul3A_1762 : i32 to index
      %swap3A_1778 = tpu.vector_load %arg7[%swap3A_1776, %swap3A_1777] {strides = array<i32>} : memref<10x128xi32, #tpu.memory_space<vmem>>, vector<1x16xi32>,
      %swap3A_1779 = vector.shape_cast %swap3A_1778 : vector<1x16xi32> to vector<16xi32>
      %swap3A_1780 = vector.shape_cast %add3A_1774 : vector<16xi32> to vector<1x16xi32>
      tpu.vector_store %arg7[%swap3A_1776, %swap3A_1777], %swap3A_1780 {strides = array<i32>} : memref<10x128xi32, #tpu.memory_space<vmem>>, vector<1x16xi32>,
      %scan3A_1781 = arith.constant 5 : i32
      %mul3A_1782 = arith.constant 16 : i32
      %mul3A_1783 = arith.muli %scan3A_1781, %mul3A_1782 : i32
      %mul3A_1784 = arith.constant 16 : i32
      %mul3A_1785 = arith.muli %scan3A_1781, %mul3A_1784 : i32
      %add3A_1786 = arith.addi %mul3A_146, %mul3A_1785 : i32
      %get3A_1787 = arith.index_cast %add3A_1786 : i32 to index
      %get3A_1788 = tpu.vector_load %arg6[%get3A_1787] {strides = array<i32>} : memref<6400xi32, #tpu.memory_space<vmem>>, vector<16xi32>,
      %get3A_1789 = vector.shape_cast %get3A_1788 : vector<16xi32> to vector<16xi32>
      %mul3A_1790 = arith.constant 10 : i32
      %mul3A_1791 = vector.broadcast %mul3A_1790 : i32 to vector<16xi32>
      %mul3A_1792 = arith.muli %get3A_1789, %mul3A_1791 : vector<16xi32>
      %add3A_1793 = arith.constant 9 : i32
      %add3A_1794 = vector.broadcast %add3A_1793 : i32 to vector<16xi32>
      %add3A_1795 = arith.addi %mul3A_1792, %add3A_1794 : vector<16xi32>
      %swap3A_1796 = arith.constant 9 : i32
      %swap3A_1797 = arith.index_cast %swap3A_1796 : i32 to index
      %swap3A_1798 = arith.index_cast %mul3A_1783 : i32 to index
      %swap3A_1799 = tpu.vector_load %arg7[%swap3A_1797, %swap3A_1798] {strides = array<i32>} : memref<10x128xi32, #tpu.memory_space<vmem>>, vector<1x16xi32>,
      %swap3A_1800 = vector.shape_cast %swap3A_1799 : vector<1x16xi32> to vector<16xi32>
      %swap3A_1801 = vector.shape_cast %add3A_1795 : vector<16xi32> to vector<1x16xi32>
      tpu.vector_store %arg7[%swap3A_1797, %swap3A_1798], %swap3A_1801 {strides = array<i32>} : memref<10x128xi32, #tpu.memory_space<vmem>>, vector<1x16xi32>,
      %scan3A_1802 = arith.constant 6 : i32
      %mul3A_1803 = arith.constant 16 : i32
      %mul3A_1804 = arith.muli %scan3A_1802, %mul3A_1803 : i32
      %mul3A_1805 = arith.constant 16 : i32
      %mul3A_1806 = arith.muli %scan3A_1802, %mul3A_1805 : i32
      %add3A_1807 = arith.addi %mul3A_146, %mul3A_1806 : i32
      %get3A_1808 = arith.index_cast %add3A_1807 : i32 to index
      %get3A_1809 = tpu.vector_load %arg6[%get3A_1808] {strides = array<i32>} : memref<6400xi32, #tpu.memory_space<vmem>>, vector<16xi32>,
      %get3A_1810 = vector.shape_cast %get3A_1809 : vector<16xi32> to vector<16xi32>
      %mul3A_1811 = arith.constant 10 : i32
      %mul3A_1812 = vector.broadcast %mul3A_1811 : i32 to vector<16xi32>
      %mul3A_1813 = arith.muli %get3A_1810, %mul3A_1812 : vector<16xi32>
      %add3A_1814 = arith.constant 9 : i32
      %add3A_1815 = vector.broadcast %add3A_1814 : i32 to vector<16xi32>
      %add3A_1816 = arith.addi %mul3A_1813, %add3A_1815 : vector<16xi32>
      %swap3A_1817 = arith.constant 9 : i32
      %swap3A_1818 = arith.index_cast %swap3A_1817 : i32 to index
      %swap3A_1819 = arith.index_cast %mul3A_1804 : i32 to index
      %swap3A_1820 = tpu.vector_load %arg7[%swap3A_1818, %swap3A_1819] {strides = array<i32>} : memref<10x128xi32, #tpu.memory_space<vmem>>, vector<1x16xi32>,
      %swap3A_1821 = vector.shape_cast %swap3A_1820 : vector<1x16xi32> to vector<16xi32>
      %swap3A_1822 = vector.shape_cast %add3A_1816 : vector<16xi32> to vector<1x16xi32>
      tpu.vector_store %arg7[%swap3A_1818, %swap3A_1819], %swap3A_1822 {strides = array<i32>} : memref<10x128xi32, #tpu.memory_space<vmem>>, vector<1x16xi32>,
      %scan3A_1823 = arith.constant 7 : i32
      %mul3A_1824 = arith.constant 16 : i32
      %mul3A_1825 = arith.muli %scan3A_1823, %mul3A_1824 : i32
      %mul3A_1826 = arith.constant 16 : i32
      %mul3A_1827 = arith.muli %scan3A_1823, %mul3A_1826 : i32
      %add3A_1828 = arith.addi %mul3A_146, %mul3A_1827 : i32
      %get3A_1829 = arith.index_cast %add3A_1828 : i32 to index
      %get3A_1830 = tpu.vector_load %arg6[%get3A_1829] {strides = array<i32>} : memref<6400xi32, #tpu.memory_space<vmem>>, vector<16xi32>,
      %get3A_1831 = vector.shape_cast %get3A_1830 : vector<16xi32> to vector<16xi32>
      %mul3A_1832 = arith.constant 10 : i32
      %mul3A_1833 = vector.broadcast %mul3A_1832 : i32 to vector<16xi32>
      %mul3A_1834 = arith.muli %get3A_1831, %mul3A_1833 : vector<16xi32>
      %add3A_1835 = arith.constant 9 : i32
      %add3A_1836 = vector.broadcast %add3A_1835 : i32 to vector<16xi32>
      %add3A_1837 = arith.addi %mul3A_1834, %add3A_1836 : vector<16xi32>
      %swap3A_1838 = arith.constant 9 : i32
      %swap3A_1839 = arith.index_cast %swap3A_1838 : i32 to index
      %swap3A_1840 = arith.index_cast %mul3A_1825 : i32 to index
      %swap3A_1841 = tpu.vector_load %arg7[%swap3A_1839, %swap3A_1840] {strides = array<i32>} : memref<10x128xi32, #tpu.memory_space<vmem>>, vector<1x16xi32>,
      %swap3A_1842 = vector.shape_cast %swap3A_1841 : vector<1x16xi32> to vector<16xi32>
      %swap3A_1843 = vector.shape_cast %add3A_1837 : vector<16xi32> to vector<1x16xi32>
      tpu.vector_store %arg7[%swap3A_1839, %swap3A_1840], %swap3A_1843 {strides = array<i32>} : memref<10x128xi32, #tpu.memory_space<vmem>>, vector<1x16xi32>,
      %scan3A_1844 = arith.constant 8 : i32
      %dma_start3A = arith.constant 0 : i32
      %dma_start3A_1845 = arith.constant 0 : i32
      %dma_start3A_1846 = arith.constant 0 : i32
      %dma_start3A_1847 = tpu.memref_slice %arg8[%dma_start3A_1845, %dma_start3A_1846] : memref<10x128xi32, #tpu.memory_space<vmem>> -> memref<1x128xi32, #tpu.memory_space<vmem>>
      %dma_start3A_1848 = tpu.memref_squeeze %dma_start3A_1847 : memref<1x128xi32, #tpu.memory_space<vmem>> -> memref<128xi32, #tpu.memory_space<vmem>>
      %dma_start3A_1849 = arith.constant 0 : i32
      %dma_start3A_1850 = tpu.memref_slice %arg7[%dma_start3A, %dma_start3A_1849] : memref<10x128xi32, #tpu.memory_space<vmem>> -> memref<1x128xi32, #tpu.memory_space<vmem>>
      %dma_start3A_1851 = tpu.memref_squeeze %dma_start3A_1850 : memref<1x128xi32, #tpu.memory_space<vmem>> -> memref<128xi32, #tpu.memory_space<vmem>>
      %dma_start3A_1852 = arith.constant 0 : i32
      %dma_start3A_1853 = tpu.memref_slice %arg11[%dma_start3A_1852] : memref<1000000xi32, #tpu.memory_space<vmem_shared>> -> memref<1000000xi32, #tpu.memory_space<vmem_shared>>
      tpu.enqueue_indirect_dma source(%dma_start3A_1853 : memref<1000000xi32, #tpu.memory_space<vmem_shared>>) target(%dma_start3A_1848 : memref<128xi32, #tpu.memory_space<vmem>>) offsets(%dma_start3A_1851 : memref<128xi32, #tpu.memory_space<vmem>>) semaphore(%arg13 : memref<!tpu.dma_semaphore, #tpu.memory_space<semaphore_mem>>)
      %dma_start3A_1854 = arith.constant 1 : i32
      %dma_start3A_1855 = arith.constant 1 : i32
      %dma_start3A_1856 = arith.constant 0 : i32
      %dma_start3A_1857 = tpu.memref_slice %arg8[%dma_start3A_1855, %dma_start3A_1856] : memref<10x128xi32, #tpu.memory_space<vmem>> -> memref<1x128xi32, #tpu.memory_space<vmem>>
      %dma_start3A_1858 = tpu.memref_squeeze %dma_start3A_1857 : memref<1x128xi32, #tpu.memory_space<vmem>> -> memref<128xi32, #tpu.memory_space<vmem>>
      %dma_start3A_1859 = arith.constant 0 : i32
      %dma_start3A_1860 = tpu.memref_slice %arg7[%dma_start3A_1854, %dma_start3A_1859] : memref<10x128xi32, #tpu.memory_space<vmem>> -> memref<1x128xi32, #tpu.memory_space<vmem>>
      %dma_start3A_1861 = tpu.memref_squeeze %dma_start3A_1860 : memref<1x128xi32, #tpu.memory_space<vmem>> -> memref<128xi32, #tpu.memory_space<vmem>>
      %dma_start3A_1862 = arith.constant 0 : i32
      %dma_start3A_1863 = tpu.memref_slice %arg11[%dma_start3A_1862] : memref<1000000xi32, #tpu.memory_space<vmem_shared>> -> memref<1000000xi32, #tpu.memory_space<vmem_shared>>
      tpu.enqueue_indirect_dma source(%dma_start3A_1863 : memref<1000000xi32, #tpu.memory_space<vmem_shared>>) target(%dma_start3A_1858 : memref<128xi32, #tpu.memory_space<vmem>>) offsets(%dma_start3A_1861 : memref<128xi32, #tpu.memory_space<vmem>>) semaphore(%arg13 : memref<!tpu.dma_semaphore, #tpu.memory_space<semaphore_mem>>)
      %dma_start3A_1864 = arith.constant 2 : i32
      %dma_start3A_1865 = arith.constant 2 : i32
      %dma_start3A_1866 = arith.constant 0 : i32
      %dma_start3A_1867 = tpu.memref_slice %arg8[%dma_start3A_1865, %dma_start3A_1866] : memref<10x128xi32, #tpu.memory_space<vmem>> -> memref<1x128xi32, #tpu.memory_space<vmem>>
      %dma_start3A_1868 = tpu.memref_squeeze %dma_start3A_1867 : memref<1x128xi32, #tpu.memory_space<vmem>> -> memref<128xi32, #tpu.memory_space<vmem>>
      %dma_start3A_1869 = arith.constant 0 : i32
      %dma_start3A_1870 = tpu.memref_slice %arg7[%dma_start3A_1864, %dma_start3A_1869] : memref<10x128xi32, #tpu.memory_space<vmem>> -> memref<1x128xi32, #tpu.memory_space<vmem>>
      %dma_start3A_1871 = tpu.memref_squeeze %dma_start3A_1870 : memref<1x128xi32, #tpu.memory_space<vmem>> -> memref<128xi32, #tpu.memory_space<vmem>>
      %dma_start3A_1872 = arith.constant 0 : i32
      %dma_start3A_1873 = tpu.memref_slice %arg11[%dma_start3A_1872] : memref<1000000xi32, #tpu.memory_space<vmem_shared>> -> memref<1000000xi32, #tpu.memory_space<vmem_shared>>
      tpu.enqueue_indirect_dma source(%dma_start3A_1873 : memref<1000000xi32, #tpu.memory_space<vmem_shared>>) target(%dma_start3A_1868 : memref<128xi32, #tpu.memory_space<vmem>>) offsets(%dma_start3A_1871 : memref<128xi32, #tpu.memory_space<vmem>>) semaphore(%arg13 : memref<!tpu.dma_semaphore, #tpu.memory_space<semaphore_mem>>)
      %dma_start3A_1874 = arith.constant 3 : i32
      %dma_start3A_1875 = arith.constant 3 : i32
      %dma_start3A_1876 = arith.constant 0 : i32
      %dma_start3A_1877 = tpu.memref_slice %arg8[%dma_start3A_1875, %dma_start3A_1876] : memref<10x128xi32, #tpu.memory_space<vmem>> -> memref<1x128xi32, #tpu.memory_space<vmem>>
      %dma_start3A_1878 = tpu.memref_squeeze %dma_start3A_1877 : memref<1x128xi32, #tpu.memory_space<vmem>> -> memref<128xi32, #tpu.memory_space<vmem>>
      %dma_start3A_1879 = arith.constant 0 : i32
      %dma_start3A_1880 = tpu.memref_slice %arg7[%dma_start3A_1874, %dma_start3A_1879] : memref<10x128xi32, #tpu.memory_space<vmem>> -> memref<1x128xi32, #tpu.memory_space<vmem>>
      %dma_start3A_1881 = tpu.memref_squeeze %dma_start3A_1880 : memref<1x128xi32, #tpu.memory_space<vmem>> -> memref<128xi32, #tpu.memory_space<vmem>>
      %dma_start3A_1882 = arith.constant 0 : i32
      %dma_start3A_1883 = tpu.memref_slice %arg11[%dma_start3A_1882] : memref<1000000xi32, #tpu.memory_space<vmem_shared>> -> memref<1000000xi32, #tpu.memory_space<vmem_shared>>
      tpu.enqueue_indirect_dma source(%dma_start3A_1883 : memref<1000000xi32, #tpu.memory_space<vmem_shared>>) target(%dma_start3A_1878 : memref<128xi32, #tpu.memory_space<vmem>>) offsets(%dma_start3A_1881 : memref<128xi32, #tpu.memory_space<vmem>>) semaphore(%arg13 : memref<!tpu.dma_semaphore, #tpu.memory_space<semaphore_mem>>)
      %dma_start3A_1884 = arith.constant 4 : i32
      %dma_start3A_1885 = arith.constant 4 : i32
      %dma_start3A_1886 = arith.constant 0 : i32
      %dma_start3A_1887 = tpu.memref_slice %arg8[%dma_start3A_1885, %dma_start3A_1886] : memref<10x128xi32, #tpu.memory_space<vmem>> -> memref<1x128xi32, #tpu.memory_space<vmem>>
      %dma_start3A_1888 = tpu.memref_squeeze %dma_start3A_1887 : memref<1x128xi32, #tpu.memory_space<vmem>> -> memref<128xi32, #tpu.memory_space<vmem>>
      %dma_start3A_1889 = arith.constant 0 : i32
      %dma_start3A_1890 = tpu.memref_slice %arg7[%dma_start3A_1884, %dma_start3A_1889] : memref<10x128xi32, #tpu.memory_space<vmem>> -> memref<1x128xi32, #tpu.memory_space<vmem>>
      %dma_start3A_1891 = tpu.memref_squeeze %dma_start3A_1890 : memref<1x128xi32, #tpu.memory_space<vmem>> -> memref<128xi32, #tpu.memory_space<vmem>>
      %dma_start3A_1892 = arith.constant 0 : i32
      %dma_start3A_1893 = tpu.memref_slice %arg11[%dma_start3A_1892] : memref<1000000xi32, #tpu.memory_space<vmem_shared>> -> memref<1000000xi32, #tpu.memory_space<vmem_shared>>
      tpu.enqueue_indirect_dma source(%dma_start3A_1893 : memref<1000000xi32, #tpu.memory_space<vmem_shared>>) target(%dma_start3A_1888 : memref<128xi32, #tpu.memory_space<vmem>>) offsets(%dma_start3A_1891 : memref<128xi32, #tpu.memory_space<vmem>>) semaphore(%arg13 : memref<!tpu.dma_semaphore, #tpu.memory_space<semaphore_mem>>)
      %dma_start3A_1894 = arith.constant 5 : i32
      %dma_start3A_1895 = arith.constant 5 : i32
      %dma_start3A_1896 = arith.constant 0 : i32
      %dma_start3A_1897 = tpu.memref_slice %arg8[%dma_start3A_1895, %dma_start3A_1896] : memref<10x128xi32, #tpu.memory_space<vmem>> -> memref<1x128xi32, #tpu.memory_space<vmem>>
      %dma_start3A_1898 = tpu.memref_squeeze %dma_start3A_1897 : memref<1x128xi32, #tpu.memory_space<vmem>> -> memref<128xi32, #tpu.memory_space<vmem>>
      %dma_start3A_1899 = arith.constant 0 : i32
      %dma_start3A_1900 = tpu.memref_slice %arg7[%dma_start3A_1894, %dma_start3A_1899] : memref<10x128xi32, #tpu.memory_space<vmem>> -> memref<1x128xi32, #tpu.memory_space<vmem>>
      %dma_start3A_1901 = tpu.memref_squeeze %dma_start3A_1900 : memref<1x128xi32, #tpu.memory_space<vmem>> -> memref<128xi32, #tpu.memory_space<vmem>>
      %dma_start3A_1902 = arith.constant 0 : i32
      %dma_start3A_1903 = tpu.memref_slice %arg11[%dma_start3A_1902] : memref<1000000xi32, #tpu.memory_space<vmem_shared>> -> memref<1000000xi32, #tpu.memory_space<vmem_shared>>
      tpu.enqueue_indirect_dma source(%dma_start3A_1903 : memref<1000000xi32, #tpu.memory_space<vmem_shared>>) target(%dma_start3A_1898 : memref<128xi32, #tpu.memory_space<vmem>>) offsets(%dma_start3A_1901 : memref<128xi32, #tpu.memory_space<vmem>>) semaphore(%arg13 : memref<!tpu.dma_semaphore, #tpu.memory_space<semaphore_mem>>)
      %dma_start3A_1904 = arith.constant 6 : i32
      %dma_start3A_1905 = arith.constant 6 : i32
      %dma_start3A_1906 = arith.constant 0 : i32
      %dma_start3A_1907 = tpu.memref_slice %arg8[%dma_start3A_1905, %dma_start3A_1906] : memref<10x128xi32, #tpu.memory_space<vmem>> -> memref<1x128xi32, #tpu.memory_space<vmem>>
      %dma_start3A_1908 = tpu.memref_squeeze %dma_start3A_1907 : memref<1x128xi32, #tpu.memory_space<vmem>> -> memref<128xi32, #tpu.memory_space<vmem>>
      %dma_start3A_1909 = arith.constant 0 : i32
      %dma_start3A_1910 = tpu.memref_slice %arg7[%dma_start3A_1904, %dma_start3A_1909] : memref<10x128xi32, #tpu.memory_space<vmem>> -> memref<1x128xi32, #tpu.memory_space<vmem>>
      %dma_start3A_1911 = tpu.memref_squeeze %dma_start3A_1910 : memref<1x128xi32, #tpu.memory_space<vmem>> -> memref<128xi32, #tpu.memory_space<vmem>>
      %dma_start3A_1912 = arith.constant 0 : i32
      %dma_start3A_1913 = tpu.memref_slice %arg11[%dma_start3A_1912] : memref<1000000xi32, #tpu.memory_space<vmem_shared>> -> memref<1000000xi32, #tpu.memory_space<vmem_shared>>
      tpu.enqueue_indirect_dma source(%dma_start3A_1913 : memref<1000000xi32, #tpu.memory_space<vmem_shared>>) target(%dma_start3A_1908 : memref<128xi32, #tpu.memory_space<vmem>>) offsets(%dma_start3A_1911 : memref<128xi32, #tpu.memory_space<vmem>>) semaphore(%arg13 : memref<!tpu.dma_semaphore, #tpu.memory_space<semaphore_mem>>)
      %dma_start3A_1914 = arith.constant 7 : i32
      %dma_start3A_1915 = arith.constant 7 : i32
      %dma_start3A_1916 = arith.constant 0 : i32
      %dma_start3A_1917 = tpu.memref_slice %arg8[%dma_start3A_1915, %dma_start3A_1916] : memref<10x128xi32, #tpu.memory_space<vmem>> -> memref<1x128xi32, #tpu.memory_space<vmem>>
      %dma_start3A_1918 = tpu.memref_squeeze %dma_start3A_1917 : memref<1x128xi32, #tpu.memory_space<vmem>> -> memref<128xi32, #tpu.memory_space<vmem>>
      %dma_start3A_1919 = arith.constant 0 : i32
      %dma_start3A_1920 = tpu.memref_slice %arg7[%dma_start3A_1914, %dma_start3A_1919] : memref<10x128xi32, #tpu.memory_space<vmem>> -> memref<1x128xi32, #tpu.memory_space<vmem>>
      %dma_start3A_1921 = tpu.memref_squeeze %dma_start3A_1920 : memref<1x128xi32, #tpu.memory_space<vmem>> -> memref<128xi32, #tpu.memory_space<vmem>>
      %dma_start3A_1922 = arith.constant 0 : i32
      %dma_start3A_1923 = tpu.memref_slice %arg11[%dma_start3A_1922] : memref<1000000xi32, #tpu.memory_space<vmem_shared>> -> memref<1000000xi32, #tpu.memory_space<vmem_shared>>
      tpu.enqueue_indirect_dma source(%dma_start3A_1923 : memref<1000000xi32, #tpu.memory_space<vmem_shared>>) target(%dma_start3A_1918 : memref<128xi32, #tpu.memory_space<vmem>>) offsets(%dma_start3A_1921 : memref<128xi32, #tpu.memory_space<vmem>>) semaphore(%arg13 : memref<!tpu.dma_semaphore, #tpu.memory_space<semaphore_mem>>)
      %dma_start3A_1924 = arith.constant 8 : i32
      %dma_start3A_1925 = arith.constant 8 : i32
      %dma_start3A_1926 = arith.constant 0 : i32
      %dma_start3A_1927 = tpu.memref_slice %arg8[%dma_start3A_1925, %dma_start3A_1926] : memref<10x128xi32, #tpu.memory_space<vmem>> -> memref<1x128xi32, #tpu.memory_space<vmem>>
      %dma_start3A_1928 = tpu.memref_squeeze %dma_start3A_1927 : memref<1x128xi32, #tpu.memory_space<vmem>> -> memref<128xi32, #tpu.memory_space<vmem>>
      %dma_start3A_1929 = arith.constant 0 : i32
      %dma_start3A_1930 = tpu.memref_slice %arg7[%dma_start3A_1924, %dma_start3A_1929] : memref<10x128xi32, #tpu.memory_space<vmem>> -> memref<1x128xi32, #tpu.memory_space<vmem>>
      %dma_start3A_1931 = tpu.memref_squeeze %dma_start3A_1930 : memref<1x128xi32, #tpu.memory_space<vmem>> -> memref<128xi32, #tpu.memory_space<vmem>>
      %dma_start3A_1932 = arith.constant 0 : i32
      %dma_start3A_1933 = tpu.memref_slice %arg11[%dma_start3A_1932] : memref<1000000xi32, #tpu.memory_space<vmem_shared>> -> memref<1000000xi32, #tpu.memory_space<vmem_shared>>
      tpu.enqueue_indirect_dma source(%dma_start3A_1933 : memref<1000000xi32, #tpu.memory_space<vmem_shared>>) target(%dma_start3A_1928 : memref<128xi32, #tpu.memory_space<vmem>>) offsets(%dma_start3A_1931 : memref<128xi32, #tpu.memory_space<vmem>>) semaphore(%arg13 : memref<!tpu.dma_semaphore, #tpu.memory_space<semaphore_mem>>)
      %dma_start3A_1934 = arith.constant 9 : i32
      %dma_start3A_1935 = arith.constant 9 : i32
      %dma_start3A_1936 = arith.constant 0 : i32
      %dma_start3A_1937 = tpu.memref_slice %arg8[%dma_start3A_1935, %dma_start3A_1936] : memref<10x128xi32, #tpu.memory_space<vmem>> -> memref<1x128xi32, #tpu.memory_space<vmem>>
      %dma_start3A_1938 = tpu.memref_squeeze %dma_start3A_1937 : memref<1x128xi32, #tpu.memory_space<vmem>> -> memref<128xi32, #tpu.memory_space<vmem>>
      %dma_start3A_1939 = arith.constant 0 : i32
      %dma_start3A_1940 = tpu.memref_slice %arg7[%dma_start3A_1934, %dma_start3A_1939] : memref<10x128xi32, #tpu.memory_space<vmem>> -> memref<1x128xi32, #tpu.memory_space<vmem>>
      %dma_start3A_1941 = tpu.memref_squeeze %dma_start3A_1940 : memref<1x128xi32, #tpu.memory_space<vmem>> -> memref<128xi32, #tpu.memory_space<vmem>>
      %dma_start3A_1942 = arith.constant 0 : i32
      %dma_start3A_1943 = tpu.memref_slice %arg11[%dma_start3A_1942] : memref<1000000xi32, #tpu.memory_space<vmem_shared>> -> memref<1000000xi32, #tpu.memory_space<vmem_shared>>
      tpu.enqueue_indirect_dma source(%dma_start3A_1943 : memref<1000000xi32, #tpu.memory_space<vmem_shared>>) target(%dma_start3A_1938 : memref<128xi32, #tpu.memory_space<vmem>>) offsets(%dma_start3A_1941 : memref<128xi32, #tpu.memory_space<vmem>>) semaphore(%arg13 : memref<!tpu.dma_semaphore, #tpu.memory_space<semaphore_mem>>)
      %dma_wait3A_1944 = arith.constant 0 : i32
      %dma_wait3A_1945 = arith.constant 0 : i32
      %dma_wait3A_1946 = arith.constant 0 : i32
      %dma_wait3A_1947 = tpu.memref_slice %arg8[%dma_wait3A_1945, %dma_wait3A_1946] : memref<10x128xi32, #tpu.memory_space<vmem>> -> memref<1x128xi32, #tpu.memory_space<vmem>>
      %dma_wait3A_1948 = tpu.memref_squeeze %dma_wait3A_1947 : memref<1x128xi32, #tpu.memory_space<vmem>> -> memref<128xi32, #tpu.memory_space<vmem>>
      %dma_wait3A_1949 = arith.constant 0 : i32
      %dma_wait3A_1950 = tpu.memref_slice %arg7[%dma_wait3A_1944, %dma_wait3A_1949] : memref<10x128xi32, #tpu.memory_space<vmem>> -> memref<1x128xi32, #tpu.memory_space<vmem>>
      %dma_wait3A_1951 = tpu.memref_squeeze %dma_wait3A_1950 : memref<1x128xi32, #tpu.memory_space<vmem>> -> memref<128xi32, #tpu.memory_space<vmem>>
      %dma_wait3A_1952 = arith.constant 0 : i32
      %dma_wait3A_1953 = tpu.memref_slice %arg11[%dma_wait3A_1952] : memref<1000000xi32, #tpu.memory_space<vmem_shared>> -> memref<1000000xi32, #tpu.memory_space<vmem_shared>>
      tpu.wait_indirect_dma semaphore(%arg13 : memref<!tpu.dma_semaphore, #tpu.memory_space<semaphore_mem>>) src(%dma_wait3A_1953 : memref<1000000xi32, #tpu.memory_space<vmem_shared>>) dst(%dma_wait3A_1948 : memref<128xi32, #tpu.memory_space<vmem>>)
      %dma_wait3A_1954 = arith.constant 1 : i32
      %dma_wait3A_1955 = arith.constant 1 : i32
      %dma_wait3A_1956 = arith.constant 0 : i32
      %dma_wait3A_1957 = tpu.memref_slice %arg8[%dma_wait3A_1955, %dma_wait3A_1956] : memref<10x128xi32, #tpu.memory_space<vmem>> -> memref<1x128xi32, #tpu.memory_space<vmem>>
      %dma_wait3A_1958 = tpu.memref_squeeze %dma_wait3A_1957 : memref<1x128xi32, #tpu.memory_space<vmem>> -> memref<128xi32, #tpu.memory_space<vmem>>
      %dma_wait3A_1959 = arith.constant 0 : i32
      %dma_wait3A_1960 = tpu.memref_slice %arg7[%dma_wait3A_1954, %dma_wait3A_1959] : memref<10x128xi32, #tpu.memory_space<vmem>> -> memref<1x128xi32, #tpu.memory_space<vmem>>
      %dma_wait3A_1961 = tpu.memref_squeeze %dma_wait3A_1960 : memref<1x128xi32, #tpu.memory_space<vmem>> -> memref<128xi32, #tpu.memory_space<vmem>>
      %dma_wait3A_1962 = arith.constant 0 : i32
      %dma_wait3A_1963 = tpu.memref_slice %arg11[%dma_wait3A_1962] : memref<1000000xi32, #tpu.memory_space<vmem_shared>> -> memref<1000000xi32, #tpu.memory_space<vmem_shared>>
      tpu.wait_indirect_dma semaphore(%arg13 : memref<!tpu.dma_semaphore, #tpu.memory_space<semaphore_mem>>) src(%dma_wait3A_1963 : memref<1000000xi32, #tpu.memory_space<vmem_shared>>) dst(%dma_wait3A_1958 : memref<128xi32, #tpu.memory_space<vmem>>)
      %dma_wait3A_1964 = arith.constant 2 : i32
      %dma_wait3A_1965 = arith.constant 2 : i32
      %dma_wait3A_1966 = arith.constant 0 : i32
      %dma_wait3A_1967 = tpu.memref_slice %arg8[%dma_wait3A_1965, %dma_wait3A_1966] : memref<10x128xi32, #tpu.memory_space<vmem>> -> memref<1x128xi32, #tpu.memory_space<vmem>>
      %dma_wait3A_1968 = tpu.memref_squeeze %dma_wait3A_1967 : memref<1x128xi32, #tpu.memory_space<vmem>> -> memref<128xi32, #tpu.memory_space<vmem>>
      %dma_wait3A_1969 = arith.constant 0 : i32
      %dma_wait3A_1970 = tpu.memref_slice %arg7[%dma_wait3A_1964, %dma_wait3A_1969] : memref<10x128xi32, #tpu.memory_space<vmem>> -> memref<1x128xi32, #tpu.memory_space<vmem>>
      %dma_wait3A_1971 = tpu.memref_squeeze %dma_wait3A_1970 : memref<1x128xi32, #tpu.memory_space<vmem>> -> memref<128xi32, #tpu.memory_space<vmem>>
      %dma_wait3A_1972 = arith.constant 0 : i32
      %dma_wait3A_1973 = tpu.memref_slice %arg11[%dma_wait3A_1972] : memref<1000000xi32, #tpu.memory_space<vmem_shared>> -> memref<1000000xi32, #tpu.memory_space<vmem_shared>>
      tpu.wait_indirect_dma semaphore(%arg13 : memref<!tpu.dma_semaphore, #tpu.memory_space<semaphore_mem>>) src(%dma_wait3A_1973 : memref<1000000xi32, #tpu.memory_space<vmem_shared>>) dst(%dma_wait3A_1968 : memref<128xi32, #tpu.memory_space<vmem>>)
      %dma_wait3A_1974 = arith.constant 3 : i32
      %dma_wait3A_1975 = arith.constant 3 : i32
      %dma_wait3A_1976 = arith.constant 0 : i32
      %dma_wait3A_1977 = tpu.memref_slice %arg8[%dma_wait3A_1975, %dma_wait3A_1976] : memref<10x128xi32, #tpu.memory_space<vmem>> -> memref<1x128xi32, #tpu.memory_space<vmem>>
      %dma_wait3A_1978 = tpu.memref_squeeze %dma_wait3A_1977 : memref<1x128xi32, #tpu.memory_space<vmem>> -> memref<128xi32, #tpu.memory_space<vmem>>
      %dma_wait3A_1979 = arith.constant 0 : i32
      %dma_wait3A_1980 = tpu.memref_slice %arg7[%dma_wait3A_1974, %dma_wait3A_1979] : memref<10x128xi32, #tpu.memory_space<vmem>> -> memref<1x128xi32, #tpu.memory_space<vmem>>
      %dma_wait3A_1981 = tpu.memref_squeeze %dma_wait3A_1980 : memref<1x128xi32, #tpu.memory_space<vmem>> -> memref<128xi32, #tpu.memory_space<vmem>>
      %dma_wait3A_1982 = arith.constant 0 : i32
      %dma_wait3A_1983 = tpu.memref_slice %arg11[%dma_wait3A_1982] : memref<1000000xi32, #tpu.memory_space<vmem_shared>> -> memref<1000000xi32, #tpu.memory_space<vmem_shared>>
      tpu.wait_indirect_dma semaphore(%arg13 : memref<!tpu.dma_semaphore, #tpu.memory_space<semaphore_mem>>) src(%dma_wait3A_1983 : memref<1000000xi32, #tpu.memory_space<vmem_shared>>) dst(%dma_wait3A_1978 : memref<128xi32, #tpu.memory_space<vmem>>)
      %dma_wait3A_1984 = arith.constant 4 : i32
      %dma_wait3A_1985 = arith.constant 4 : i32
      %dma_wait3A_1986 = arith.constant 0 : i32
      %dma_wait3A_1987 = tpu.memref_slice %arg8[%dma_wait3A_1985, %dma_wait3A_1986] : memref<10x128xi32, #tpu.memory_space<vmem>> -> memref<1x128xi32, #tpu.memory_space<vmem>>
      %dma_wait3A_1988 = tpu.memref_squeeze %dma_wait3A_1987 : memref<1x128xi32, #tpu.memory_space<vmem>> -> memref<128xi32, #tpu.memory_space<vmem>>
      %dma_wait3A_1989 = arith.constant 0 : i32
      %dma_wait3A_1990 = tpu.memref_slice %arg7[%dma_wait3A_1984, %dma_wait3A_1989] : memref<10x128xi32, #tpu.memory_space<vmem>> -> memref<1x128xi32, #tpu.memory_space<vmem>>
      %dma_wait3A_1991 = tpu.memref_squeeze %dma_wait3A_1990 : memref<1x128xi32, #tpu.memory_space<vmem>> -> memref<128xi32, #tpu.memory_space<vmem>>
      %dma_wait3A_1992 = arith.constant 0 : i32
      %dma_wait3A_1993 = tpu.memref_slice %arg11[%dma_wait3A_1992] : memref<1000000xi32, #tpu.memory_space<vmem_shared>> -> memref<1000000xi32, #tpu.memory_space<vmem_shared>>
      tpu.wait_indirect_dma semaphore(%arg13 : memref<!tpu.dma_semaphore, #tpu.memory_space<semaphore_mem>>) src(%dma_wait3A_1993 : memref<1000000xi32, #tpu.memory_space<vmem_shared>>) dst(%dma_wait3A_1988 : memref<128xi32, #tpu.memory_space<vmem>>)
      %dma_wait3A_1994 = arith.constant 5 : i32
      %dma_wait3A_1995 = arith.constant 5 : i32
      %dma_wait3A_1996 = arith.constant 0 : i32
      %dma_wait3A_1997 = tpu.memref_slice %arg8[%dma_wait3A_1995, %dma_wait3A_1996] : memref<10x128xi32, #tpu.memory_space<vmem>> -> memref<1x128xi32, #tpu.memory_space<vmem>>
      %dma_wait3A_1998 = tpu.memref_squeeze %dma_wait3A_1997 : memref<1x128xi32, #tpu.memory_space<vmem>> -> memref<128xi32, #tpu.memory_space<vmem>>
      %dma_wait3A_1999 = arith.constant 0 : i32
      %dma_wait3A_2000 = tpu.memref_slice %arg7[%dma_wait3A_1994, %dma_wait3A_1999] : memref<10x128xi32, #tpu.memory_space<vmem>> -> memref<1x128xi32, #tpu.memory_space<vmem>>
      %dma_wait3A_2001 = tpu.memref_squeeze %dma_wait3A_2000 : memref<1x128xi32, #tpu.memory_space<vmem>> -> memref<128xi32, #tpu.memory_space<vmem>>
      %dma_wait3A_2002 = arith.constant 0 : i32
      %dma_wait3A_2003 = tpu.memref_slice %arg11[%dma_wait3A_2002] : memref<1000000xi32, #tpu.memory_space<vmem_shared>> -> memref<1000000xi32, #tpu.memory_space<vmem_shared>>
      tpu.wait_indirect_dma semaphore(%arg13 : memref<!tpu.dma_semaphore, #tpu.memory_space<semaphore_mem>>) src(%dma_wait3A_2003 : memref<1000000xi32, #tpu.memory_space<vmem_shared>>) dst(%dma_wait3A_1998 : memref<128xi32, #tpu.memory_space<vmem>>)
      %dma_wait3A_2004 = arith.constant 6 : i32
      %dma_wait3A_2005 = arith.constant 6 : i32
      %dma_wait3A_2006 = arith.constant 0 : i32
      %dma_wait3A_2007 = tpu.memref_slice %arg8[%dma_wait3A_2005, %dma_wait3A_2006] : memref<10x128xi32, #tpu.memory_space<vmem>> -> memref<1x128xi32, #tpu.memory_space<vmem>>
      %dma_wait3A_2008 = tpu.memref_squeeze %dma_wait3A_2007 : memref<1x128xi32, #tpu.memory_space<vmem>> -> memref<128xi32, #tpu.memory_space<vmem>>
      %dma_wait3A_2009 = arith.constant 0 : i32
      %dma_wait3A_2010 = tpu.memref_slice %arg7[%dma_wait3A_2004, %dma_wait3A_2009] : memref<10x128xi32, #tpu.memory_space<vmem>> -> memref<1x128xi32, #tpu.memory_space<vmem>>
      %dma_wait3A_2011 = tpu.memref_squeeze %dma_wait3A_2010 : memref<1x128xi32, #tpu.memory_space<vmem>> -> memref<128xi32, #tpu.memory_space<vmem>>
      %dma_wait3A_2012 = arith.constant 0 : i32
      %dma_wait3A_2013 = tpu.memref_slice %arg11[%dma_wait3A_2012] : memref<1000000xi32, #tpu.memory_space<vmem_shared>> -> memref<1000000xi32, #tpu.memory_space<vmem_shared>>
      tpu.wait_indirect_dma semaphore(%arg13 : memref<!tpu.dma_semaphore, #tpu.memory_space<semaphore_mem>>) src(%dma_wait3A_2013 : memref<1000000xi32, #tpu.memory_space<vmem_shared>>) dst(%dma_wait3A_2008 : memref<128xi32, #tpu.memory_space<vmem>>)
      %dma_wait3A_2014 = arith.constant 7 : i32
      %dma_wait3A_2015 = arith.constant 7 : i32
      %dma_wait3A_2016 = arith.constant 0 : i32
      %dma_wait3A_2017 = tpu.memref_slice %arg8[%dma_wait3A_2015, %dma_wait3A_2016] : memref<10x128xi32, #tpu.memory_space<vmem>> -> memref<1x128xi32, #tpu.memory_space<vmem>>
      %dma_wait3A_2018 = tpu.memref_squeeze %dma_wait3A_2017 : memref<1x128xi32, #tpu.memory_space<vmem>> -> memref<128xi32, #tpu.memory_space<vmem>>
      %dma_wait3A_2019 = arith.constant 0 : i32
      %dma_wait3A_2020 = tpu.memref_slice %arg7[%dma_wait3A_2014, %dma_wait3A_2019] : memref<10x128xi32, #tpu.memory_space<vmem>> -> memref<1x128xi32, #tpu.memory_space<vmem>>
      %dma_wait3A_2021 = tpu.memref_squeeze %dma_wait3A_2020 : memref<1x128xi32, #tpu.memory_space<vmem>> -> memref<128xi32, #tpu.memory_space<vmem>>
      %dma_wait3A_2022 = arith.constant 0 : i32
      %dma_wait3A_2023 = tpu.memref_slice %arg11[%dma_wait3A_2022] : memref<1000000xi32, #tpu.memory_space<vmem_shared>> -> memref<1000000xi32, #tpu.memory_space<vmem_shared>>
      tpu.wait_indirect_dma semaphore(%arg13 : memref<!tpu.dma_semaphore, #tpu.memory_space<semaphore_mem>>) src(%dma_wait3A_2023 : memref<1000000xi32, #tpu.memory_space<vmem_shared>>) dst(%dma_wait3A_2018 : memref<128xi32, #tpu.memory_space<vmem>>)
      %dma_wait3A_2024 = arith.constant 8 : i32
      %dma_wait3A_2025 = arith.constant 8 : i32
      %dma_wait3A_2026 = arith.constant 0 : i32
      %dma_wait3A_2027 = tpu.memref_slice %arg8[%dma_wait3A_2025, %dma_wait3A_2026] : memref<10x128xi32, #tpu.memory_space<vmem>> -> memref<1x128xi32, #tpu.memory_space<vmem>>
      %dma_wait3A_2028 = tpu.memref_squeeze %dma_wait3A_2027 : memref<1x128xi32, #tpu.memory_space<vmem>> -> memref<128xi32, #tpu.memory_space<vmem>>
      %dma_wait3A_2029 = arith.constant 0 : i32
      %dma_wait3A_2030 = tpu.memref_slice %arg7[%dma_wait3A_2024, %dma_wait3A_2029] : memref<10x128xi32, #tpu.memory_space<vmem>> -> memref<1x128xi32, #tpu.memory_space<vmem>>
      %dma_wait3A_2031 = tpu.memref_squeeze %dma_wait3A_2030 : memref<1x128xi32, #tpu.memory_space<vmem>> -> memref<128xi32, #tpu.memory_space<vmem>>
      %dma_wait3A_2032 = arith.constant 0 : i32
      %dma_wait3A_2033 = tpu.memref_slice %arg11[%dma_wait3A_2032] : memref<1000000xi32, #tpu.memory_space<vmem_shared>> -> memref<1000000xi32, #tpu.memory_space<vmem_shared>>
      tpu.wait_indirect_dma semaphore(%arg13 : memref<!tpu.dma_semaphore, #tpu.memory_space<semaphore_mem>>) src(%dma_wait3A_2033 : memref<1000000xi32, #tpu.memory_space<vmem_shared>>) dst(%dma_wait3A_2028 : memref<128xi32, #tpu.memory_space<vmem>>)
      %dma_wait3A_2034 = arith.constant 9 : i32
      %dma_wait3A_2035 = arith.constant 9 : i32
      %dma_wait3A_2036 = arith.constant 0 : i32
      %dma_wait3A_2037 = tpu.memref_slice %arg8[%dma_wait3A_2035, %dma_wait3A_2036] : memref<10x128xi32, #tpu.memory_space<vmem>> -> memref<1x128xi32, #tpu.memory_space<vmem>>
      %dma_wait3A_2038 = tpu.memref_squeeze %dma_wait3A_2037 : memref<1x128xi32, #tpu.memory_space<vmem>> -> memref<128xi32, #tpu.memory_space<vmem>>
      %dma_wait3A_2039 = arith.constant 0 : i32
      %dma_wait3A_2040 = tpu.memref_slice %arg7[%dma_wait3A_2034, %dma_wait3A_2039] : memref<10x128xi32, #tpu.memory_space<vmem>> -> memref<1x128xi32, #tpu.memory_space<vmem>>
      %dma_wait3A_2041 = tpu.memref_squeeze %dma_wait3A_2040 : memref<1x128xi32, #tpu.memory_space<vmem>> -> memref<128xi32, #tpu.memory_space<vmem>>
      %dma_wait3A_2042 = arith.constant 0 : i32
      %dma_wait3A_2043 = tpu.memref_slice %arg11[%dma_wait3A_2042] : memref<1000000xi32, #tpu.memory_space<vmem_shared>> -> memref<1000000xi32, #tpu.memory_space<vmem_shared>>
      tpu.wait_indirect_dma semaphore(%arg13 : memref<!tpu.dma_semaphore, #tpu.memory_space<semaphore_mem>>) src(%dma_wait3A_2043 : memref<1000000xi32, #tpu.memory_space<vmem_shared>>) dst(%dma_wait3A_2038 : memref<128xi32, #tpu.memory_space<vmem>>)
      %scan3A_2044 = arith.constant 0 : i32
      %scan3A_2045 = arith.constant 0 : i32
      %mul3A_2046 = arith.constant 16 : i32
      %mul3A_2047 = arith.muli %scan3A_2045, %mul3A_2046 : i32
      %get3A_2048 = arith.constant 0 : i32
      %get3A_2049 = arith.index_cast %get3A_2048 : i32 to index
      %get3A_2050 = arith.index_cast %mul3A_2047 : i32 to index
      %get3A_2051 = tpu.vector_load %arg8[%get3A_2049, %get3A_2050] {strides = array<i32>} : memref<10x128xi32, #tpu.memory_space<vmem>>, vector<1x16xi32>,
      %get3A_2052 = vector.shape_cast %get3A_2051 : vector<1x16xi32> to vector<16xi32>
      %add3A_2053 = arith.constant 0 : i32
      %add3A_2054 = vector.broadcast %add3A_2053 : i32 to vector<16xi32>
      %add3A_2055 = arith.addi %get3A_2052, %add3A_2054 : vector<16xi32>
      %swap3A_2056 = arith.constant 0 : i32
      %swap3A_2057 = arith.index_cast %swap3A_2056 : i32 to index
      %swap3A_2058 = arith.index_cast %mul3A_2047 : i32 to index
      %swap3A_2059 = tpu.vector_load %arg9[%swap3A_2057, %swap3A_2058] {strides = array<i32>} : memref<10x128xi32, #tpu.memory_space<vmem>>, vector<1x16xi32>,
      %swap3A_2060 = vector.shape_cast %swap3A_2059 : vector<1x16xi32> to vector<16xi32>
      %swap3A_2061 = vector.shape_cast %add3A_2055 : vector<16xi32> to vector<1x16xi32>
      tpu.vector_store %arg9[%swap3A_2057, %swap3A_2058], %swap3A_2061 {strides = array<i32>} : memref<10x128xi32, #tpu.memory_space<vmem>>, vector<1x16xi32>,
      %scan3A_2062 = arith.constant 1 : i32
      %mul3A_2063 = arith.constant 16 : i32
      %mul3A_2064 = arith.muli %scan3A_2062, %mul3A_2063 : i32
      %get3A_2065 = arith.constant 0 : i32
      %get3A_2066 = arith.index_cast %get3A_2065 : i32 to index
      %get3A_2067 = arith.index_cast %mul3A_2064 : i32 to index
      %get3A_2068 = tpu.vector_load %arg8[%get3A_2066, %get3A_2067] {strides = array<i32>} : memref<10x128xi32, #tpu.memory_space<vmem>>, vector<1x16xi32>,
      %get3A_2069 = vector.shape_cast %get3A_2068 : vector<1x16xi32> to vector<16xi32>
      %add3A_2070 = arith.constant 0 : i32
      %add3A_2071 = vector.broadcast %add3A_2070 : i32 to vector<16xi32>
      %add3A_2072 = arith.addi %get3A_2069, %add3A_2071 : vector<16xi32>
      %swap3A_2073 = arith.constant 0 : i32
      %swap3A_2074 = arith.index_cast %swap3A_2073 : i32 to index
      %swap3A_2075 = arith.index_cast %mul3A_2064 : i32 to index
      %swap3A_2076 = tpu.vector_load %arg9[%swap3A_2074, %swap3A_2075] {strides = array<i32>} : memref<10x128xi32, #tpu.memory_space<vmem>>, vector<1x16xi32>,
      %swap3A_2077 = vector.shape_cast %swap3A_2076 : vector<1x16xi32> to vector<16xi32>
      %swap3A_2078 = vector.shape_cast %add3A_2072 : vector<16xi32> to vector<1x16xi32>
      tpu.vector_store %arg9[%swap3A_2074, %swap3A_2075], %swap3A_2078 {strides = array<i32>} : memref<10x128xi32, #tpu.memory_space<vmem>>, vector<1x16xi32>,
      %scan3A_2079 = arith.constant 2 : i32
      %mul3A_2080 = arith.constant 16 : i32
      %mul3A_2081 = arith.muli %scan3A_2079, %mul3A_2080 : i32
      %get3A_2082 = arith.constant 0 : i32
      %get3A_2083 = arith.index_cast %get3A_2082 : i32 to index
      %get3A_2084 = arith.index_cast %mul3A_2081 : i32 to index
      %get3A_2085 = tpu.vector_load %arg8[%get3A_2083, %get3A_2084] {strides = array<i32>} : memref<10x128xi32, #tpu.memory_space<vmem>>, vector<1x16xi32>,
      %get3A_2086 = vector.shape_cast %get3A_2085 : vector<1x16xi32> to vector<16xi32>
      %add3A_2087 = arith.constant 0 : i32
      %add3A_2088 = vector.broadcast %add3A_2087 : i32 to vector<16xi32>
      %add3A_2089 = arith.addi %get3A_2086, %add3A_2088 : vector<16xi32>
      %swap3A_2090 = arith.constant 0 : i32
      %swap3A_2091 = arith.index_cast %swap3A_2090 : i32 to index
      %swap3A_2092 = arith.index_cast %mul3A_2081 : i32 to index
      %swap3A_2093 = tpu.vector_load %arg9[%swap3A_2091, %swap3A_2092] {strides = array<i32>} : memref<10x128xi32, #tpu.memory_space<vmem>>, vector<1x16xi32>,
      %swap3A_2094 = vector.shape_cast %swap3A_2093 : vector<1x16xi32> to vector<16xi32>
      %swap3A_2095 = vector.shape_cast %add3A_2089 : vector<16xi32> to vector<1x16xi32>
      tpu.vector_store %arg9[%swap3A_2091, %swap3A_2092], %swap3A_2095 {strides = array<i32>} : memref<10x128xi32, #tpu.memory_space<vmem>>, vector<1x16xi32>,
      %scan3A_2096 = arith.constant 3 : i32
      %mul3A_2097 = arith.constant 16 : i32
      %mul3A_2098 = arith.muli %scan3A_2096, %mul3A_2097 : i32
      %get3A_2099 = arith.constant 0 : i32
      %get3A_2100 = arith.index_cast %get3A_2099 : i32 to index
      %get3A_2101 = arith.index_cast %mul3A_2098 : i32 to index
      %get3A_2102 = tpu.vector_load %arg8[%get3A_2100, %get3A_2101] {strides = array<i32>} : memref<10x128xi32, #tpu.memory_space<vmem>>, vector<1x16xi32>,
      %get3A_2103 = vector.shape_cast %get3A_2102 : vector<1x16xi32> to vector<16xi32>
      %add3A_2104 = arith.constant 0 : i32
      %add3A_2105 = vector.broadcast %add3A_2104 : i32 to vector<16xi32>
      %add3A_2106 = arith.addi %get3A_2103, %add3A_2105 : vector<16xi32>
      %swap3A_2107 = arith.constant 0 : i32
      %swap3A_2108 = arith.index_cast %swap3A_2107 : i32 to index
      %swap3A_2109 = arith.index_cast %mul3A_2098 : i32 to index
      %swap3A_2110 = tpu.vector_load %arg9[%swap3A_2108, %swap3A_2109] {strides = array<i32>} : memref<10x128xi32, #tpu.memory_space<vmem>>, vector<1x16xi32>,
      %swap3A_2111 = vector.shape_cast %swap3A_2110 : vector<1x16xi32> to vector<16xi32>
      %swap3A_2112 = vector.shape_cast %add3A_2106 : vector<16xi32> to vector<1x16xi32>
      tpu.vector_store %arg9[%swap3A_2108, %swap3A_2109], %swap3A_2112 {strides = array<i32>} : memref<10x128xi32, #tpu.memory_space<vmem>>, vector<1x16xi32>,
      %scan3A_2113 = arith.constant 4 : i32
      %mul3A_2114 = arith.constant 16 : i32
      %mul3A_2115 = arith.muli %scan3A_2113, %mul3A_2114 : i32
      %get3A_2116 = arith.constant 0 : i32
      %get3A_2117 = arith.index_cast %get3A_2116 : i32 to index
      %get3A_2118 = arith.index_cast %mul3A_2115 : i32 to index
      %get3A_2119 = tpu.vector_load %arg8[%get3A_2117, %get3A_2118] {strides = array<i32>} : memref<10x128xi32, #tpu.memory_space<vmem>>, vector<1x16xi32>,
      %get3A_2120 = vector.shape_cast %get3A_2119 : vector<1x16xi32> to vector<16xi32>
      %add3A_2121 = arith.constant 0 : i32
      %add3A_2122 = vector.broadcast %add3A_2121 : i32 to vector<16xi32>
      %add3A_2123 = arith.addi %get3A_2120, %add3A_2122 : vector<16xi32>
      %swap3A_2124 = arith.constant 0 : i32
      %swap3A_2125 = arith.index_cast %swap3A_2124 : i32 to index
      %swap3A_2126 = arith.index_cast %mul3A_2115 : i32 to index
      %swap3A_2127 = tpu.vector_load %arg9[%swap3A_2125, %swap3A_2126] {strides = array<i32>} : memref<10x128xi32, #tpu.memory_space<vmem>>, vector<1x16xi32>,
      %swap3A_2128 = vector.shape_cast %swap3A_2127 : vector<1x16xi32> to vector<16xi32>
      %swap3A_2129 = vector.shape_cast %add3A_2123 : vector<16xi32> to vector<1x16xi32>
      tpu.vector_store %arg9[%swap3A_2125, %swap3A_2126], %swap3A_2129 {strides = array<i32>} : memref<10x128xi32, #tpu.memory_space<vmem>>, vector<1x16xi32>,
      %scan3A_2130 = arith.constant 5 : i32
      %mul3A_2131 = arith.constant 16 : i32
      %mul3A_2132 = arith.muli %scan3A_2130, %mul3A_2131 : i32
      %get3A_2133 = arith.constant 0 : i32
      %get3A_2134 = arith.index_cast %get3A_2133 : i32 to index
      %get3A_2135 = arith.index_cast %mul3A_2132 : i32 to index
      %get3A_2136 = tpu.vector_load %arg8[%get3A_2134, %get3A_2135] {strides = array<i32>} : memref<10x128xi32, #tpu.memory_space<vmem>>, vector<1x16xi32>,
      %get3A_2137 = vector.shape_cast %get3A_2136 : vector<1x16xi32> to vector<16xi32>
      %add3A_2138 = arith.constant 0 : i32
      %add3A_2139 = vector.broadcast %add3A_2138 : i32 to vector<16xi32>
      %add3A_2140 = arith.addi %get3A_2137, %add3A_2139 : vector<16xi32>
      %swap3A_2141 = arith.constant 0 : i32
      %swap3A_2142 = arith.index_cast %swap3A_2141 : i32 to index
      %swap3A_2143 = arith.index_cast %mul3A_2132 : i32 to index
      %swap3A_2144 = tpu.vector_load %arg9[%swap3A_2142, %swap3A_2143] {strides = array<i32>} : memref<10x128xi32, #tpu.memory_space<vmem>>, vector<1x16xi32>,
      %swap3A_2145 = vector.shape_cast %swap3A_2144 : vector<1x16xi32> to vector<16xi32>
      %swap3A_2146 = vector.shape_cast %add3A_2140 : vector<16xi32> to vector<1x16xi32>
      tpu.vector_store %arg9[%swap3A_2142, %swap3A_2143], %swap3A_2146 {strides = array<i32>} : memref<10x128xi32, #tpu.memory_space<vmem>>, vector<1x16xi32>,
      %scan3A_2147 = arith.constant 6 : i32
      %mul3A_2148 = arith.constant 16 : i32
      %mul3A_2149 = arith.muli %scan3A_2147, %mul3A_2148 : i32
      %get3A_2150 = arith.constant 0 : i32
      %get3A_2151 = arith.index_cast %get3A_2150 : i32 to index
      %get3A_2152 = arith.index_cast %mul3A_2149 : i32 to index
      %get3A_2153 = tpu.vector_load %arg8[%get3A_2151, %get3A_2152] {strides = array<i32>} : memref<10x128xi32, #tpu.memory_space<vmem>>, vector<1x16xi32>,
      %get3A_2154 = vector.shape_cast %get3A_2153 : vector<1x16xi32> to vector<16xi32>
      %add3A_2155 = arith.constant 0 : i32
      %add3A_2156 = vector.broadcast %add3A_2155 : i32 to vector<16xi32>
      %add3A_2157 = arith.addi %get3A_2154, %add3A_2156 : vector<16xi32>
      %swap3A_2158 = arith.constant 0 : i32
      %swap3A_2159 = arith.index_cast %swap3A_2158 : i32 to index
      %swap3A_2160 = arith.index_cast %mul3A_2149 : i32 to index
      %swap3A_2161 = tpu.vector_load %arg9[%swap3A_2159, %swap3A_2160] {strides = array<i32>} : memref<10x128xi32, #tpu.memory_space<vmem>>, vector<1x16xi32>,
      %swap3A_2162 = vector.shape_cast %swap3A_2161 : vector<1x16xi32> to vector<16xi32>
      %swap3A_2163 = vector.shape_cast %add3A_2157 : vector<16xi32> to vector<1x16xi32>
      tpu.vector_store %arg9[%swap3A_2159, %swap3A_2160], %swap3A_2163 {strides = array<i32>} : memref<10x128xi32, #tpu.memory_space<vmem>>, vector<1x16xi32>,
      %scan3A_2164 = arith.constant 7 : i32
      %mul3A_2165 = arith.constant 16 : i32
      %mul3A_2166 = arith.muli %scan3A_2164, %mul3A_2165 : i32
      %get3A_2167 = arith.constant 0 : i32
      %get3A_2168 = arith.index_cast %get3A_2167 : i32 to index
      %get3A_2169 = arith.index_cast %mul3A_2166 : i32 to index
      %get3A_2170 = tpu.vector_load %arg8[%get3A_2168, %get3A_2169] {strides = array<i32>} : memref<10x128xi32, #tpu.memory_space<vmem>>, vector<1x16xi32>,
      %get3A_2171 = vector.shape_cast %get3A_2170 : vector<1x16xi32> to vector<16xi32>
      %add3A_2172 = arith.constant 0 : i32
      %add3A_2173 = vector.broadcast %add3A_2172 : i32 to vector<16xi32>
      %add3A_2174 = arith.addi %get3A_2171, %add3A_2173 : vector<16xi32>
      %swap3A_2175 = arith.constant 0 : i32
      %swap3A_2176 = arith.index_cast %swap3A_2175 : i32 to index
      %swap3A_2177 = arith.index_cast %mul3A_2166 : i32 to index
      %swap3A_2178 = tpu.vector_load %arg9[%swap3A_2176, %swap3A_2177] {strides = array<i32>} : memref<10x128xi32, #tpu.memory_space<vmem>>, vector<1x16xi32>,
      %swap3A_2179 = vector.shape_cast %swap3A_2178 : vector<1x16xi32> to vector<16xi32>
      %swap3A_2180 = vector.shape_cast %add3A_2174 : vector<16xi32> to vector<1x16xi32>
      tpu.vector_store %arg9[%swap3A_2176, %swap3A_2177], %swap3A_2180 {strides = array<i32>} : memref<10x128xi32, #tpu.memory_space<vmem>>, vector<1x16xi32>,
      %scan3A_2181 = arith.constant 8 : i32
      %scan3A_2182 = arith.constant 0 : i32
      %scan3A_2183 = arith.constant 0 : i32
      %mul3A_2184 = arith.constant 16 : i32
      %mul3A_2185 = arith.muli %scan3A_2183, %mul3A_2184 : i32
      %get3A_2186 = arith.constant 1 : i32
      %get3A_2187 = arith.index_cast %get3A_2186 : i32 to index
      %get3A_2188 = arith.index_cast %mul3A_2185 : i32 to index
      %get3A_2189 = tpu.vector_load %arg8[%get3A_2187, %get3A_2188] {strides = array<i32>} : memref<10x128xi32, #tpu.memory_space<vmem>>, vector<1x16xi32>,
      %get3A_2190 = vector.shape_cast %get3A_2189 : vector<1x16xi32> to vector<16xi32>
      %add3A_2191 = arith.constant 256 : i32
      %add3A_2192 = vector.broadcast %add3A_2191 : i32 to vector<16xi32>
      %add3A_2193 = arith.addi %get3A_2190, %add3A_2192 : vector<16xi32>
      %swap3A_2194 = arith.constant 1 : i32
      %swap3A_2195 = arith.index_cast %swap3A_2194 : i32 to index
      %swap3A_2196 = arith.index_cast %mul3A_2185 : i32 to index
      %swap3A_2197 = tpu.vector_load %arg9[%swap3A_2195, %swap3A_2196] {strides = array<i32>} : memref<10x128xi32, #tpu.memory_space<vmem>>, vector<1x16xi32>,
      %swap3A_2198 = vector.shape_cast %swap3A_2197 : vector<1x16xi32> to vector<16xi32>
      %swap3A_2199 = vector.shape_cast %add3A_2193 : vector<16xi32> to vector<1x16xi32>
      tpu.vector_store %arg9[%swap3A_2195, %swap3A_2196], %swap3A_2199 {strides = array<i32>} : memref<10x128xi32, #tpu.memory_space<vmem>>, vector<1x16xi32>,
      %scan3A_2200 = arith.constant 1 : i32
      %mul3A_2201 = arith.constant 16 : i32
      %mul3A_2202 = arith.muli %scan3A_2200, %mul3A_2201 : i32
      %get3A_2203 = arith.constant 1 : i32
      %get3A_2204 = arith.index_cast %get3A_2203 : i32 to index
      %get3A_2205 = arith.index_cast %mul3A_2202 : i32 to index
      %get3A_2206 = tpu.vector_load %arg8[%get3A_2204, %get3A_2205] {strides = array<i32>} : memref<10x128xi32, #tpu.memory_space<vmem>>, vector<1x16xi32>,
      %get3A_2207 = vector.shape_cast %get3A_2206 : vector<1x16xi32> to vector<16xi32>
      %add3A_2208 = arith.constant 256 : i32
      %add3A_2209 = vector.broadcast %add3A_2208 : i32 to vector<16xi32>
      %add3A_2210 = arith.addi %get3A_2207, %add3A_2209 : vector<16xi32>
      %swap3A_2211 = arith.constant 1 : i32
      %swap3A_2212 = arith.index_cast %swap3A_2211 : i32 to index
      %swap3A_2213 = arith.index_cast %mul3A_2202 : i32 to index
      %swap3A_2214 = tpu.vector_load %arg9[%swap3A_2212, %swap3A_2213] {strides = array<i32>} : memref<10x128xi32, #tpu.memory_space<vmem>>, vector<1x16xi32>,
      %swap3A_2215 = vector.shape_cast %swap3A_2214 : vector<1x16xi32> to vector<16xi32>
      %swap3A_2216 = vector.shape_cast %add3A_2210 : vector<16xi32> to vector<1x16xi32>
      tpu.vector_store %arg9[%swap3A_2212, %swap3A_2213], %swap3A_2216 {strides = array<i32>} : memref<10x128xi32, #tpu.memory_space<vmem>>, vector<1x16xi32>,
      %scan3A_2217 = arith.constant 2 : i32
      %mul3A_2218 = arith.constant 16 : i32
      %mul3A_2219 = arith.muli %scan3A_2217, %mul3A_2218 : i32
      %get3A_2220 = arith.constant 1 : i32
      %get3A_2221 = arith.index_cast %get3A_2220 : i32 to index
      %get3A_2222 = arith.index_cast %mul3A_2219 : i32 to index
      %get3A_2223 = tpu.vector_load %arg8[%get3A_2221, %get3A_2222] {strides = array<i32>} : memref<10x128xi32, #tpu.memory_space<vmem>>, vector<1x16xi32>,
      %get3A_2224 = vector.shape_cast %get3A_2223 : vector<1x16xi32> to vector<16xi32>
      %add3A_2225 = arith.constant 256 : i32
      %add3A_2226 = vector.broadcast %add3A_2225 : i32 to vector<16xi32>
      %add3A_2227 = arith.addi %get3A_2224, %add3A_2226 : vector<16xi32>
      %swap3A_2228 = arith.constant 1 : i32
      %swap3A_2229 = arith.index_cast %swap3A_2228 : i32 to index
      %swap3A_2230 = arith.index_cast %mul3A_2219 : i32 to index
      %swap3A_2231 = tpu.vector_load %arg9[%swap3A_2229, %swap3A_2230] {strides = array<i32>} : memref<10x128xi32, #tpu.memory_space<vmem>>, vector<1x16xi32>,
      %swap3A_2232 = vector.shape_cast %swap3A_2231 : vector<1x16xi32> to vector<16xi32>
      %swap3A_2233 = vector.shape_cast %add3A_2227 : vector<16xi32> to vector<1x16xi32>
      tpu.vector_store %arg9[%swap3A_2229, %swap3A_2230], %swap3A_2233 {strides = array<i32>} : memref<10x128xi32, #tpu.memory_space<vmem>>, vector<1x16xi32>,
      %scan3A_2234 = arith.constant 3 : i32
      %mul3A_2235 = arith.constant 16 : i32
      %mul3A_2236 = arith.muli %scan3A_2234, %mul3A_2235 : i32
      %get3A_2237 = arith.constant 1 : i32
      %get3A_2238 = arith.index_cast %get3A_2237 : i32 to index
      %get3A_2239 = arith.index_cast %mul3A_2236 : i32 to index
      %get3A_2240 = tpu.vector_load %arg8[%get3A_2238, %get3A_2239] {strides = array<i32>} : memref<10x128xi32, #tpu.memory_space<vmem>>, vector<1x16xi32>,
      %get3A_2241 = vector.shape_cast %get3A_2240 : vector<1x16xi32> to vector<16xi32>
      %add3A_2242 = arith.constant 256 : i32
      %add3A_2243 = vector.broadcast %add3A_2242 : i32 to vector<16xi32>
      %add3A_2244 = arith.addi %get3A_2241, %add3A_2243 : vector<16xi32>
      %swap3A_2245 = arith.constant 1 : i32
      %swap3A_2246 = arith.index_cast %swap3A_2245 : i32 to index
      %swap3A_2247 = arith.index_cast %mul3A_2236 : i32 to index
      %swap3A_2248 = tpu.vector_load %arg9[%swap3A_2246, %swap3A_2247] {strides = array<i32>} : memref<10x128xi32, #tpu.memory_space<vmem>>, vector<1x16xi32>,
      %swap3A_2249 = vector.shape_cast %swap3A_2248 : vector<1x16xi32> to vector<16xi32>
      %swap3A_2250 = vector.shape_cast %add3A_2244 : vector<16xi32> to vector<1x16xi32>
      tpu.vector_store %arg9[%swap3A_2246, %swap3A_2247], %swap3A_2250 {strides = array<i32>} : memref<10x128xi32, #tpu.memory_space<vmem>>, vector<1x16xi32>,
      %scan3A_2251 = arith.constant 4 : i32
      %mul3A_2252 = arith.constant 16 : i32
      %mul3A_2253 = arith.muli %scan3A_2251, %mul3A_2252 : i32
      %get3A_2254 = arith.constant 1 : i32
      %get3A_2255 = arith.index_cast %get3A_2254 : i32 to index
      %get3A_2256 = arith.index_cast %mul3A_2253 : i32 to index
      %get3A_2257 = tpu.vector_load %arg8[%get3A_2255, %get3A_2256] {strides = array<i32>} : memref<10x128xi32, #tpu.memory_space<vmem>>, vector<1x16xi32>,
      %get3A_2258 = vector.shape_cast %get3A_2257 : vector<1x16xi32> to vector<16xi32>
      %add3A_2259 = arith.constant 256 : i32
      %add3A_2260 = vector.broadcast %add3A_2259 : i32 to vector<16xi32>
      %add3A_2261 = arith.addi %get3A_2258, %add3A_2260 : vector<16xi32>
      %swap3A_2262 = arith.constant 1 : i32
      %swap3A_2263 = arith.index_cast %swap3A_2262 : i32 to index
      %swap3A_2264 = arith.index_cast %mul3A_2253 : i32 to index
      %swap3A_2265 = tpu.vector_load %arg9[%swap3A_2263, %swap3A_2264] {strides = array<i32>} : memref<10x128xi32, #tpu.memory_space<vmem>>, vector<1x16xi32>,
      %swap3A_2266 = vector.shape_cast %swap3A_2265 : vector<1x16xi32> to vector<16xi32>
      %swap3A_2267 = vector.shape_cast %add3A_2261 : vector<16xi32> to vector<1x16xi32>
      tpu.vector_store %arg9[%swap3A_2263, %swap3A_2264], %swap3A_2267 {strides = array<i32>} : memref<10x128xi32, #tpu.memory_space<vmem>>, vector<1x16xi32>,
      %scan3A_2268 = arith.constant 5 : i32
      %mul3A_2269 = arith.constant 16 : i32
      %mul3A_2270 = arith.muli %scan3A_2268, %mul3A_2269 : i32
      %get3A_2271 = arith.constant 1 : i32
      %get3A_2272 = arith.index_cast %get3A_2271 : i32 to index
      %get3A_2273 = arith.index_cast %mul3A_2270 : i32 to index
      %get3A_2274 = tpu.vector_load %arg8[%get3A_2272, %get3A_2273] {strides = array<i32>} : memref<10x128xi32, #tpu.memory_space<vmem>>, vector<1x16xi32>,
      %get3A_2275 = vector.shape_cast %get3A_2274 : vector<1x16xi32> to vector<16xi32>
      %add3A_2276 = arith.constant 256 : i32
      %add3A_2277 = vector.broadcast %add3A_2276 : i32 to vector<16xi32>
      %add3A_2278 = arith.addi %get3A_2275, %add3A_2277 : vector<16xi32>
      %swap3A_2279 = arith.constant 1 : i32
      %swap3A_2280 = arith.index_cast %swap3A_2279 : i32 to index
      %swap3A_2281 = arith.index_cast %mul3A_2270 : i32 to index
      %swap3A_2282 = tpu.vector_load %arg9[%swap3A_2280, %swap3A_2281] {strides = array<i32>} : memref<10x128xi32, #tpu.memory_space<vmem>>, vector<1x16xi32>,
      %swap3A_2283 = vector.shape_cast %swap3A_2282 : vector<1x16xi32> to vector<16xi32>
      %swap3A_2284 = vector.shape_cast %add3A_2278 : vector<16xi32> to vector<1x16xi32>
      tpu.vector_store %arg9[%swap3A_2280, %swap3A_2281], %swap3A_2284 {strides = array<i32>} : memref<10x128xi32, #tpu.memory_space<vmem>>, vector<1x16xi32>,
      %scan3A_2285 = arith.constant 6 : i32
      %mul3A_2286 = arith.constant 16 : i32
      %mul3A_2287 = arith.muli %scan3A_2285, %mul3A_2286 : i32
      %get3A_2288 = arith.constant 1 : i32
      %get3A_2289 = arith.index_cast %get3A_2288 : i32 to index
      %get3A_2290 = arith.index_cast %mul3A_2287 : i32 to index
      %get3A_2291 = tpu.vector_load %arg8[%get3A_2289, %get3A_2290] {strides = array<i32>} : memref<10x128xi32, #tpu.memory_space<vmem>>, vector<1x16xi32>,
      %get3A_2292 = vector.shape_cast %get3A_2291 : vector<1x16xi32> to vector<16xi32>
      %add3A_2293 = arith.constant 256 : i32
      %add3A_2294 = vector.broadcast %add3A_2293 : i32 to vector<16xi32>
      %add3A_2295 = arith.addi %get3A_2292, %add3A_2294 : vector<16xi32>
      %swap3A_2296 = arith.constant 1 : i32
      %swap3A_2297 = arith.index_cast %swap3A_2296 : i32 to index
      %swap3A_2298 = arith.index_cast %mul3A_2287 : i32 to index
      %swap3A_2299 = tpu.vector_load %arg9[%swap3A_2297, %swap3A_2298] {strides = array<i32>} : memref<10x128xi32, #tpu.memory_space<vmem>>, vector<1x16xi32>,
      %swap3A_2300 = vector.shape_cast %swap3A_2299 : vector<1x16xi32> to vector<16xi32>
      %swap3A_2301 = vector.shape_cast %add3A_2295 : vector<16xi32> to vector<1x16xi32>
      tpu.vector_store %arg9[%swap3A_2297, %swap3A_2298], %swap3A_2301 {strides = array<i32>} : memref<10x128xi32, #tpu.memory_space<vmem>>, vector<1x16xi32>,
      %scan3A_2302 = arith.constant 7 : i32
      %mul3A_2303 = arith.constant 16 : i32
      %mul3A_2304 = arith.muli %scan3A_2302, %mul3A_2303 : i32
      %get3A_2305 = arith.constant 1 : i32
      %get3A_2306 = arith.index_cast %get3A_2305 : i32 to index
      %get3A_2307 = arith.index_cast %mul3A_2304 : i32 to index
      %get3A_2308 = tpu.vector_load %arg8[%get3A_2306, %get3A_2307] {strides = array<i32>} : memref<10x128xi32, #tpu.memory_space<vmem>>, vector<1x16xi32>,
      %get3A_2309 = vector.shape_cast %get3A_2308 : vector<1x16xi32> to vector<16xi32>
      %add3A_2310 = arith.constant 256 : i32
      %add3A_2311 = vector.broadcast %add3A_2310 : i32 to vector<16xi32>
      %add3A_2312 = arith.addi %get3A_2309, %add3A_2311 : vector<16xi32>
      %swap3A_2313 = arith.constant 1 : i32
      %swap3A_2314 = arith.index_cast %swap3A_2313 : i32 to index
      %swap3A_2315 = arith.index_cast %mul3A_2304 : i32 to index
      %swap3A_2316 = tpu.vector_load %arg9[%swap3A_2314, %swap3A_2315] {strides = array<i32>} : memref<10x128xi32, #tpu.memory_space<vmem>>, vector<1x16xi32>,
      %swap3A_2317 = vector.shape_cast %swap3A_2316 : vector<1x16xi32> to vector<16xi32>
      %swap3A_2318 = vector.shape_cast %add3A_2312 : vector<16xi32> to vector<1x16xi32>
      tpu.vector_store %arg9[%swap3A_2314, %swap3A_2315], %swap3A_2318 {strides = array<i32>} : memref<10x128xi32, #tpu.memory_space<vmem>>, vector<1x16xi32>,
      %scan3A_2319 = arith.constant 8 : i32
      %scan3A_2320 = arith.constant 0 : i32
      %scan3A_2321 = arith.constant 0 : i32
      %mul3A_2322 = arith.constant 16 : i32
      %mul3A_2323 = arith.muli %scan3A_2321, %mul3A_2322 : i32
      %get3A_2324 = arith.constant 2 : i32
      %get3A_2325 = arith.index_cast %get3A_2324 : i32 to index
      %get3A_2326 = arith.index_cast %mul3A_2323 : i32 to index
      %get3A_2327 = tpu.vector_load %arg8[%get3A_2325, %get3A_2326] {strides = array<i32>} : memref<10x128xi32, #tpu.memory_space<vmem>>, vector<1x16xi32>,
      %get3A_2328 = vector.shape_cast %get3A_2327 : vector<1x16xi32> to vector<16xi32>
      %add3A_2329 = arith.constant 512 : i32
      %add3A_2330 = vector.broadcast %add3A_2329 : i32 to vector<16xi32>
      %add3A_2331 = arith.addi %get3A_2328, %add3A_2330 : vector<16xi32>
      %swap3A_2332 = arith.constant 2 : i32
      %swap3A_2333 = arith.index_cast %swap3A_2332 : i32 to index
      %swap3A_2334 = arith.index_cast %mul3A_2323 : i32 to index
      %swap3A_2335 = tpu.vector_load %arg9[%swap3A_2333, %swap3A_2334] {strides = array<i32>} : memref<10x128xi32, #tpu.memory_space<vmem>>, vector<1x16xi32>,
      %swap3A_2336 = vector.shape_cast %swap3A_2335 : vector<1x16xi32> to vector<16xi32>
      %swap3A_2337 = vector.shape_cast %add3A_2331 : vector<16xi32> to vector<1x16xi32>
      tpu.vector_store %arg9[%swap3A_2333, %swap3A_2334], %swap3A_2337 {strides = array<i32>} : memref<10x128xi32, #tpu.memory_space<vmem>>, vector<1x16xi32>,
      %scan3A_2338 = arith.constant 1 : i32
      %mul3A_2339 = arith.constant 16 : i32
      %mul3A_2340 = arith.muli %scan3A_2338, %mul3A_2339 : i32
      %get3A_2341 = arith.constant 2 : i32
      %get3A_2342 = arith.index_cast %get3A_2341 : i32 to index
      %get3A_2343 = arith.index_cast %mul3A_2340 : i32 to index
      %get3A_2344 = tpu.vector_load %arg8[%get3A_2342, %get3A_2343] {strides = array<i32>} : memref<10x128xi32, #tpu.memory_space<vmem>>, vector<1x16xi32>,
      %get3A_2345 = vector.shape_cast %get3A_2344 : vector<1x16xi32> to vector<16xi32>
      %add3A_2346 = arith.constant 512 : i32
      %add3A_2347 = vector.broadcast %add3A_2346 : i32 to vector<16xi32>
      %add3A_2348 = arith.addi %get3A_2345, %add3A_2347 : vector<16xi32>
      %swap3A_2349 = arith.constant 2 : i32
      %swap3A_2350 = arith.index_cast %swap3A_2349 : i32 to index
      %swap3A_2351 = arith.index_cast %mul3A_2340 : i32 to index
      %swap3A_2352 = tpu.vector_load %arg9[%swap3A_2350, %swap3A_2351] {strides = array<i32>} : memref<10x128xi32, #tpu.memory_space<vmem>>, vector<1x16xi32>,
      %swap3A_2353 = vector.shape_cast %swap3A_2352 : vector<1x16xi32> to vector<16xi32>
      %swap3A_2354 = vector.shape_cast %add3A_2348 : vector<16xi32> to vector<1x16xi32>
      tpu.vector_store %arg9[%swap3A_2350, %swap3A_2351], %swap3A_2354 {strides = array<i32>} : memref<10x128xi32, #tpu.memory_space<vmem>>, vector<1x16xi32>,
      %scan3A_2355 = arith.constant 2 : i32
      %mul3A_2356 = arith.constant 16 : i32
      %mul3A_2357 = arith.muli %scan3A_2355, %mul3A_2356 : i32
      %get3A_2358 = arith.constant 2 : i32
      %get3A_2359 = arith.index_cast %get3A_2358 : i32 to index
      %get3A_2360 = arith.index_cast %mul3A_2357 : i32 to index
      %get3A_2361 = tpu.vector_load %arg8[%get3A_2359, %get3A_2360] {strides = array<i32>} : memref<10x128xi32, #tpu.memory_space<vmem>>, vector<1x16xi32>,
      %get3A_2362 = vector.shape_cast %get3A_2361 : vector<1x16xi32> to vector<16xi32>
      %add3A_2363 = arith.constant 512 : i32
      %add3A_2364 = vector.broadcast %add3A_2363 : i32 to vector<16xi32>
      %add3A_2365 = arith.addi %get3A_2362, %add3A_2364 : vector<16xi32>
      %swap3A_2366 = arith.constant 2 : i32
      %swap3A_2367 = arith.index_cast %swap3A_2366 : i32 to index
      %swap3A_2368 = arith.index_cast %mul3A_2357 : i32 to index
      %swap3A_2369 = tpu.vector_load %arg9[%swap3A_2367, %swap3A_2368] {strides = array<i32>} : memref<10x128xi32, #tpu.memory_space<vmem>>, vector<1x16xi32>,
      %swap3A_2370 = vector.shape_cast %swap3A_2369 : vector<1x16xi32> to vector<16xi32>
      %swap3A_2371 = vector.shape_cast %add3A_2365 : vector<16xi32> to vector<1x16xi32>
      tpu.vector_store %arg9[%swap3A_2367, %swap3A_2368], %swap3A_2371 {strides = array<i32>} : memref<10x128xi32, #tpu.memory_space<vmem>>, vector<1x16xi32>,
      %scan3A_2372 = arith.constant 3 : i32
      %mul3A_2373 = arith.constant 16 : i32
      %mul3A_2374 = arith.muli %scan3A_2372, %mul3A_2373 : i32
      %get3A_2375 = arith.constant 2 : i32
      %get3A_2376 = arith.index_cast %get3A_2375 : i32 to index
      %get3A_2377 = arith.index_cast %mul3A_2374 : i32 to index
      %get3A_2378 = tpu.vector_load %arg8[%get3A_2376, %get3A_2377] {strides = array<i32>} : memref<10x128xi32, #tpu.memory_space<vmem>>, vector<1x16xi32>,
      %get3A_2379 = vector.shape_cast %get3A_2378 : vector<1x16xi32> to vector<16xi32>
      %add3A_2380 = arith.constant 512 : i32
      %add3A_2381 = vector.broadcast %add3A_2380 : i32 to vector<16xi32>
      %add3A_2382 = arith.addi %get3A_2379, %add3A_2381 : vector<16xi32>
      %swap3A_2383 = arith.constant 2 : i32
      %swap3A_2384 = arith.index_cast %swap3A_2383 : i32 to index
      %swap3A_2385 = arith.index_cast %mul3A_2374 : i32 to index
      %swap3A_2386 = tpu.vector_load %arg9[%swap3A_2384, %swap3A_2385] {strides = array<i32>} : memref<10x128xi32, #tpu.memory_space<vmem>>, vector<1x16xi32>,
      %swap3A_2387 = vector.shape_cast %swap3A_2386 : vector<1x16xi32> to vector<16xi32>
      %swap3A_2388 = vector.shape_cast %add3A_2382 : vector<16xi32> to vector<1x16xi32>
      tpu.vector_store %arg9[%swap3A_2384, %swap3A_2385], %swap3A_2388 {strides = array<i32>} : memref<10x128xi32, #tpu.memory_space<vmem>>, vector<1x16xi32>,
      %scan3A_2389 = arith.constant 4 : i32
      %mul3A_2390 = arith.constant 16 : i32
      %mul3A_2391 = arith.muli %scan3A_2389, %mul3A_2390 : i32
      %get3A_2392 = arith.constant 2 : i32
      %get3A_2393 = arith.index_cast %get3A_2392 : i32 to index
      %get3A_2394 = arith.index_cast %mul3A_2391 : i32 to index
      %get3A_2395 = tpu.vector_load %arg8[%get3A_2393, %get3A_2394] {strides = array<i32>} : memref<10x128xi32, #tpu.memory_space<vmem>>, vector<1x16xi32>,
      %get3A_2396 = vector.shape_cast %get3A_2395 : vector<1x16xi32> to vector<16xi32>
      %add3A_2397 = arith.constant 512 : i32
      %add3A_2398 = vector.broadcast %add3A_2397 : i32 to vector<16xi32>
      %add3A_2399 = arith.addi %get3A_2396, %add3A_2398 : vector<16xi32>
      %swap3A_2400 = arith.constant 2 : i32
      %swap3A_2401 = arith.index_cast %swap3A_2400 : i32 to index
      %swap3A_2402 = arith.index_cast %mul3A_2391 : i32 to index
      %swap3A_2403 = tpu.vector_load %arg9[%swap3A_2401, %swap3A_2402] {strides = array<i32>} : memref<10x128xi32, #tpu.memory_space<vmem>>, vector<1x16xi32>,
      %swap3A_2404 = vector.shape_cast %swap3A_2403 : vector<1x16xi32> to vector<16xi32>
      %swap3A_2405 = vector.shape_cast %add3A_2399 : vector<16xi32> to vector<1x16xi32>
      tpu.vector_store %arg9[%swap3A_2401, %swap3A_2402], %swap3A_2405 {strides = array<i32>} : memref<10x128xi32, #tpu.memory_space<vmem>>, vector<1x16xi32>,
      %scan3A_2406 = arith.constant 5 : i32
      %mul3A_2407 = arith.constant 16 : i32
      %mul3A_2408 = arith.muli %scan3A_2406, %mul3A_2407 : i32
      %get3A_2409 = arith.constant 2 : i32
      %get3A_2410 = arith.index_cast %get3A_2409 : i32 to index
      %get3A_2411 = arith.index_cast %mul3A_2408 : i32 to index
      %get3A_2412 = tpu.vector_load %arg8[%get3A_2410, %get3A_2411] {strides = array<i32>} : memref<10x128xi32, #tpu.memory_space<vmem>>, vector<1x16xi32>,
      %get3A_2413 = vector.shape_cast %get3A_2412 : vector<1x16xi32> to vector<16xi32>
      %add3A_2414 = arith.constant 512 : i32
      %add3A_2415 = vector.broadcast %add3A_2414 : i32 to vector<16xi32>
      %add3A_2416 = arith.addi %get3A_2413, %add3A_2415 : vector<16xi32>
      %swap3A_2417 = arith.constant 2 : i32
      %swap3A_2418 = arith.index_cast %swap3A_2417 : i32 to index
      %swap3A_2419 = arith.index_cast %mul3A_2408 : i32 to index
      %swap3A_2420 = tpu.vector_load %arg9[%swap3A_2418, %swap3A_2419] {strides = array<i32>} : memref<10x128xi32, #tpu.memory_space<vmem>>, vector<1x16xi32>,
      %swap3A_2421 = vector.shape_cast %swap3A_2420 : vector<1x16xi32> to vector<16xi32>
      %swap3A_2422 = vector.shape_cast %add3A_2416 : vector<16xi32> to vector<1x16xi32>
      tpu.vector_store %arg9[%swap3A_2418, %swap3A_2419], %swap3A_2422 {strides = array<i32>} : memref<10x128xi32, #tpu.memory_space<vmem>>, vector<1x16xi32>,
      %scan3A_2423 = arith.constant 6 : i32
      %mul3A_2424 = arith.constant 16 : i32
      %mul3A_2425 = arith.muli %scan3A_2423, %mul3A_2424 : i32
      %get3A_2426 = arith.constant 2 : i32
      %get3A_2427 = arith.index_cast %get3A_2426 : i32 to index
      %get3A_2428 = arith.index_cast %mul3A_2425 : i32 to index
      %get3A_2429 = tpu.vector_load %arg8[%get3A_2427, %get3A_2428] {strides = array<i32>} : memref<10x128xi32, #tpu.memory_space<vmem>>, vector<1x16xi32>,
      %get3A_2430 = vector.shape_cast %get3A_2429 : vector<1x16xi32> to vector<16xi32>
      %add3A_2431 = arith.constant 512 : i32
      %add3A_2432 = vector.broadcast %add3A_2431 : i32 to vector<16xi32>
      %add3A_2433 = arith.addi %get3A_2430, %add3A_2432 : vector<16xi32>
      %swap3A_2434 = arith.constant 2 : i32
      %swap3A_2435 = arith.index_cast %swap3A_2434 : i32 to index
      %swap3A_2436 = arith.index_cast %mul3A_2425 : i32 to index
      %swap3A_2437 = tpu.vector_load %arg9[%swap3A_2435, %swap3A_2436] {strides = array<i32>} : memref<10x128xi32, #tpu.memory_space<vmem>>, vector<1x16xi32>,
      %swap3A_2438 = vector.shape_cast %swap3A_2437 : vector<1x16xi32> to vector<16xi32>
      %swap3A_2439 = vector.shape_cast %add3A_2433 : vector<16xi32> to vector<1x16xi32>
      tpu.vector_store %arg9[%swap3A_2435, %swap3A_2436], %swap3A_2439 {strides = array<i32>} : memref<10x128xi32, #tpu.memory_space<vmem>>, vector<1x16xi32>,
      %scan3A_2440 = arith.constant 7 : i32
      %mul3A_2441 = arith.constant 16 : i32
      %mul3A_2442 = arith.muli %scan3A_2440, %mul3A_2441 : i32
      %get3A_2443 = arith.constant 2 : i32
      %get3A_2444 = arith.index_cast %get3A_2443 : i32 to index
      %get3A_2445 = arith.index_cast %mul3A_2442 : i32 to index
      %get3A_2446 = tpu.vector_load %arg8[%get3A_2444, %get3A_2445] {strides = array<i32>} : memref<10x128xi32, #tpu.memory_space<vmem>>, vector<1x16xi32>,
      %get3A_2447 = vector.shape_cast %get3A_2446 : vector<1x16xi32> to vector<16xi32>
      %add3A_2448 = arith.constant 512 : i32
      %add3A_2449 = vector.broadcast %add3A_2448 : i32 to vector<16xi32>
      %add3A_2450 = arith.addi %get3A_2447, %add3A_2449 : vector<16xi32>
      %swap3A_2451 = arith.constant 2 : i32
      %swap3A_2452 = arith.index_cast %swap3A_2451 : i32 to index
      %swap3A_2453 = arith.index_cast %mul3A_2442 : i32 to index
      %swap3A_2454 = tpu.vector_load %arg9[%swap3A_2452, %swap3A_2453] {strides = array<i32>} : memref<10x128xi32, #tpu.memory_space<vmem>>, vector<1x16xi32>,
      %swap3A_2455 = vector.shape_cast %swap3A_2454 : vector<1x16xi32> to vector<16xi32>
      %swap3A_2456 = vector.shape_cast %add3A_2450 : vector<16xi32> to vector<1x16xi32>
      tpu.vector_store %arg9[%swap3A_2452, %swap3A_2453], %swap3A_2456 {strides = array<i32>} : memref<10x128xi32, #tpu.memory_space<vmem>>, vector<1x16xi32>,
      %scan3A_2457 = arith.constant 8 : i32
      %scan3A_2458 = arith.constant 0 : i32
      %scan3A_2459 = arith.constant 0 : i32
      %mul3A_2460 = arith.constant 16 : i32
      %mul3A_2461 = arith.muli %scan3A_2459, %mul3A_2460 : i32
      %get3A_2462 = arith.constant 3 : i32
      %get3A_2463 = arith.index_cast %get3A_2462 : i32 to index
      %get3A_2464 = arith.index_cast %mul3A_2461 : i32 to index
      %get3A_2465 = tpu.vector_load %arg8[%get3A_2463, %get3A_2464] {strides = array<i32>} : memref<10x128xi32, #tpu.memory_space<vmem>>, vector<1x16xi32>,
      %get3A_2466 = vector.shape_cast %get3A_2465 : vector<1x16xi32> to vector<16xi32>
      %add3A_2467 = arith.constant 768 : i32
      %add3A_2468 = vector.broadcast %add3A_2467 : i32 to vector<16xi32>
      %add3A_2469 = arith.addi %get3A_2466, %add3A_2468 : vector<16xi32>
      %swap3A_2470 = arith.constant 3 : i32
      %swap3A_2471 = arith.index_cast %swap3A_2470 : i32 to index
      %swap3A_2472 = arith.index_cast %mul3A_2461 : i32 to index
      %swap3A_2473 = tpu.vector_load %arg9[%swap3A_2471, %swap3A_2472] {strides = array<i32>} : memref<10x128xi32, #tpu.memory_space<vmem>>, vector<1x16xi32>,
      %swap3A_2474 = vector.shape_cast %swap3A_2473 : vector<1x16xi32> to vector<16xi32>
      %swap3A_2475 = vector.shape_cast %add3A_2469 : vector<16xi32> to vector<1x16xi32>
      tpu.vector_store %arg9[%swap3A_2471, %swap3A_2472], %swap3A_2475 {strides = array<i32>} : memref<10x128xi32, #tpu.memory_space<vmem>>, vector<1x16xi32>,
      %scan3A_2476 = arith.constant 1 : i32
      %mul3A_2477 = arith.constant 16 : i32
      %mul3A_2478 = arith.muli %scan3A_2476, %mul3A_2477 : i32
      %get3A_2479 = arith.constant 3 : i32
      %get3A_2480 = arith.index_cast %get3A_2479 : i32 to index
      %get3A_2481 = arith.index_cast %mul3A_2478 : i32 to index
      %get3A_2482 = tpu.vector_load %arg8[%get3A_2480, %get3A_2481] {strides = array<i32>} : memref<10x128xi32, #tpu.memory_space<vmem>>, vector<1x16xi32>,
      %get3A_2483 = vector.shape_cast %get3A_2482 : vector<1x16xi32> to vector<16xi32>
      %add3A_2484 = arith.constant 768 : i32
      %add3A_2485 = vector.broadcast %add3A_2484 : i32 to vector<16xi32>
      %add3A_2486 = arith.addi %get3A_2483, %add3A_2485 : vector<16xi32>
      %swap3A_2487 = arith.constant 3 : i32
      %swap3A_2488 = arith.index_cast %swap3A_2487 : i32 to index
      %swap3A_2489 = arith.index_cast %mul3A_2478 : i32 to index
      %swap3A_2490 = tpu.vector_load %arg9[%swap3A_2488, %swap3A_2489] {strides = array<i32>} : memref<10x128xi32, #tpu.memory_space<vmem>>, vector<1x16xi32>,
      %swap3A_2491 = vector.shape_cast %swap3A_2490 : vector<1x16xi32> to vector<16xi32>
      %swap3A_2492 = vector.shape_cast %add3A_2486 : vector<16xi32> to vector<1x16xi32>
      tpu.vector_store %arg9[%swap3A_2488, %swap3A_2489], %swap3A_2492 {strides = array<i32>} : memref<10x128xi32, #tpu.memory_space<vmem>>, vector<1x16xi32>,
      %scan3A_2493 = arith.constant 2 : i32
      %mul3A_2494 = arith.constant 16 : i32
      %mul3A_2495 = arith.muli %scan3A_2493, %mul3A_2494 : i32
      %get3A_2496 = arith.constant 3 : i32
      %get3A_2497 = arith.index_cast %get3A_2496 : i32 to index
      %get3A_2498 = arith.index_cast %mul3A_2495 : i32 to index
      %get3A_2499 = tpu.vector_load %arg8[%get3A_2497, %get3A_2498] {strides = array<i32>} : memref<10x128xi32, #tpu.memory_space<vmem>>, vector<1x16xi32>,
      %get3A_2500 = vector.shape_cast %get3A_2499 : vector<1x16xi32> to vector<16xi32>
      %add3A_2501 = arith.constant 768 : i32
      %add3A_2502 = vector.broadcast %add3A_2501 : i32 to vector<16xi32>
      %add3A_2503 = arith.addi %get3A_2500, %add3A_2502 : vector<16xi32>
      %swap3A_2504 = arith.constant 3 : i32
      %swap3A_2505 = arith.index_cast %swap3A_2504 : i32 to index
      %swap3A_2506 = arith.index_cast %mul3A_2495 : i32 to index
      %swap3A_2507 = tpu.vector_load %arg9[%swap3A_2505, %swap3A_2506] {strides = array<i32>} : memref<10x128xi32, #tpu.memory_space<vmem>>, vector<1x16xi32>,
      %swap3A_2508 = vector.shape_cast %swap3A_2507 : vector<1x16xi32> to vector<16xi32>
      %swap3A_2509 = vector.shape_cast %add3A_2503 : vector<16xi32> to vector<1x16xi32>
      tpu.vector_store %arg9[%swap3A_2505, %swap3A_2506], %swap3A_2509 {strides = array<i32>} : memref<10x128xi32, #tpu.memory_space<vmem>>, vector<1x16xi32>,
      %scan3A_2510 = arith.constant 3 : i32
      %mul3A_2511 = arith.constant 16 : i32
      %mul3A_2512 = arith.muli %scan3A_2510, %mul3A_2511 : i32
      %get3A_2513 = arith.constant 3 : i32
      %get3A_2514 = arith.index_cast %get3A_2513 : i32 to index
      %get3A_2515 = arith.index_cast %mul3A_2512 : i32 to index
      %get3A_2516 = tpu.vector_load %arg8[%get3A_2514, %get3A_2515] {strides = array<i32>} : memref<10x128xi32, #tpu.memory_space<vmem>>, vector<1x16xi32>,
      %get3A_2517 = vector.shape_cast %get3A_2516 : vector<1x16xi32> to vector<16xi32>
      %add3A_2518 = arith.constant 768 : i32
      %add3A_2519 = vector.broadcast %add3A_2518 : i32 to vector<16xi32>
      %add3A_2520 = arith.addi %get3A_2517, %add3A_2519 : vector<16xi32>
      %swap3A_2521 = arith.constant 3 : i32
      %swap3A_2522 = arith.index_cast %swap3A_2521 : i32 to index
      %swap3A_2523 = arith.index_cast %mul3A_2512 : i32 to index
      %swap3A_2524 = tpu.vector_load %arg9[%swap3A_2522, %swap3A_2523] {strides = array<i32>} : memref<10x128xi32, #tpu.memory_space<vmem>>, vector<1x16xi32>,
      %swap3A_2525 = vector.shape_cast %swap3A_2524 : vector<1x16xi32> to vector<16xi32>
      %swap3A_2526 = vector.shape_cast %add3A_2520 : vector<16xi32> to vector<1x16xi32>
      tpu.vector_store %arg9[%swap3A_2522, %swap3A_2523], %swap3A_2526 {strides = array<i32>} : memref<10x128xi32, #tpu.memory_space<vmem>>, vector<1x16xi32>,
      %scan3A_2527 = arith.constant 4 : i32
      %mul3A_2528 = arith.constant 16 : i32
      %mul3A_2529 = arith.muli %scan3A_2527, %mul3A_2528 : i32
      %get3A_2530 = arith.constant 3 : i32
      %get3A_2531 = arith.index_cast %get3A_2530 : i32 to index
      %get3A_2532 = arith.index_cast %mul3A_2529 : i32 to index
      %get3A_2533 = tpu.vector_load %arg8[%get3A_2531, %get3A_2532] {strides = array<i32>} : memref<10x128xi32, #tpu.memory_space<vmem>>, vector<1x16xi32>,
      %get3A_2534 = vector.shape_cast %get3A_2533 : vector<1x16xi32> to vector<16xi32>
      %add3A_2535 = arith.constant 768 : i32
      %add3A_2536 = vector.broadcast %add3A_2535 : i32 to vector<16xi32>
      %add3A_2537 = arith.addi %get3A_2534, %add3A_2536 : vector<16xi32>
      %swap3A_2538 = arith.constant 3 : i32
      %swap3A_2539 = arith.index_cast %swap3A_2538 : i32 to index
      %swap3A_2540 = arith.index_cast %mul3A_2529 : i32 to index
      %swap3A_2541 = tpu.vector_load %arg9[%swap3A_2539, %swap3A_2540] {strides = array<i32>} : memref<10x128xi32, #tpu.memory_space<vmem>>, vector<1x16xi32>,
      %swap3A_2542 = vector.shape_cast %swap3A_2541 : vector<1x16xi32> to vector<16xi32>
      %swap3A_2543 = vector.shape_cast %add3A_2537 : vector<16xi32> to vector<1x16xi32>
      tpu.vector_store %arg9[%swap3A_2539, %swap3A_2540], %swap3A_2543 {strides = array<i32>} : memref<10x128xi32, #tpu.memory_space<vmem>>, vector<1x16xi32>,
      %scan3A_2544 = arith.constant 5 : i32
      %mul3A_2545 = arith.constant 16 : i32
      %mul3A_2546 = arith.muli %scan3A_2544, %mul3A_2545 : i32
      %get3A_2547 = arith.constant 3 : i32
      %get3A_2548 = arith.index_cast %get3A_2547 : i32 to index
      %get3A_2549 = arith.index_cast %mul3A_2546 : i32 to index
      %get3A_2550 = tpu.vector_load %arg8[%get3A_2548, %get3A_2549] {strides = array<i32>} : memref<10x128xi32, #tpu.memory_space<vmem>>, vector<1x16xi32>,
      %get3A_2551 = vector.shape_cast %get3A_2550 : vector<1x16xi32> to vector<16xi32>
      %add3A_2552 = arith.constant 768 : i32
      %add3A_2553 = vector.broadcast %add3A_2552 : i32 to vector<16xi32>
      %add3A_2554 = arith.addi %get3A_2551, %add3A_2553 : vector<16xi32>
      %swap3A_2555 = arith.constant 3 : i32
      %swap3A_2556 = arith.index_cast %swap3A_2555 : i32 to index
      %swap3A_2557 = arith.index_cast %mul3A_2546 : i32 to index
      %swap3A_2558 = tpu.vector_load %arg9[%swap3A_2556, %swap3A_2557] {strides = array<i32>} : memref<10x128xi32, #tpu.memory_space<vmem>>, vector<1x16xi32>,
      %swap3A_2559 = vector.shape_cast %swap3A_2558 : vector<1x16xi32> to vector<16xi32>
      %swap3A_2560 = vector.shape_cast %add3A_2554 : vector<16xi32> to vector<1x16xi32>
      tpu.vector_store %arg9[%swap3A_2556, %swap3A_2557], %swap3A_2560 {strides = array<i32>} : memref<10x128xi32, #tpu.memory_space<vmem>>, vector<1x16xi32>,
      %scan3A_2561 = arith.constant 6 : i32
      %mul3A_2562 = arith.constant 16 : i32
      %mul3A_2563 = arith.muli %scan3A_2561, %mul3A_2562 : i32
      %get3A_2564 = arith.constant 3 : i32
      %get3A_2565 = arith.index_cast %get3A_2564 : i32 to index
      %get3A_2566 = arith.index_cast %mul3A_2563 : i32 to index
      %get3A_2567 = tpu.vector_load %arg8[%get3A_2565, %get3A_2566] {strides = array<i32>} : memref<10x128xi32, #tpu.memory_space<vmem>>, vector<1x16xi32>,
      %get3A_2568 = vector.shape_cast %get3A_2567 : vector<1x16xi32> to vector<16xi32>
      %add3A_2569 = arith.constant 768 : i32
      %add3A_2570 = vector.broadcast %add3A_2569 : i32 to vector<16xi32>
      %add3A_2571 = arith.addi %get3A_2568, %add3A_2570 : vector<16xi32>
      %swap3A_2572 = arith.constant 3 : i32
      %swap3A_2573 = arith.index_cast %swap3A_2572 : i32 to index
      %swap3A_2574 = arith.index_cast %mul3A_2563 : i32 to index
      %swap3A_2575 = tpu.vector_load %arg9[%swap3A_2573, %swap3A_2574] {strides = array<i32>} : memref<10x128xi32, #tpu.memory_space<vmem>>, vector<1x16xi32>,
      %swap3A_2576 = vector.shape_cast %swap3A_2575 : vector<1x16xi32> to vector<16xi32>
      %swap3A_2577 = vector.shape_cast %add3A_2571 : vector<16xi32> to vector<1x16xi32>
      tpu.vector_store %arg9[%swap3A_2573, %swap3A_2574], %swap3A_2577 {strides = array<i32>} : memref<10x128xi32, #tpu.memory_space<vmem>>, vector<1x16xi32>,
      %scan3A_2578 = arith.constant 7 : i32
      %mul3A_2579 = arith.constant 16 : i32
      %mul3A_2580 = arith.muli %scan3A_2578, %mul3A_2579 : i32
      %get3A_2581 = arith.constant 3 : i32
      %get3A_2582 = arith.index_cast %get3A_2581 : i32 to index
      %get3A_2583 = arith.index_cast %mul3A_2580 : i32 to index
      %get3A_2584 = tpu.vector_load %arg8[%get3A_2582, %get3A_2583] {strides = array<i32>} : memref<10x128xi32, #tpu.memory_space<vmem>>, vector<1x16xi32>,
      %get3A_2585 = vector.shape_cast %get3A_2584 : vector<1x16xi32> to vector<16xi32>
      %add3A_2586 = arith.constant 768 : i32
      %add3A_2587 = vector.broadcast %add3A_2586 : i32 to vector<16xi32>
      %add3A_2588 = arith.addi %get3A_2585, %add3A_2587 : vector<16xi32>
      %swap3A_2589 = arith.constant 3 : i32
      %swap3A_2590 = arith.index_cast %swap3A_2589 : i32 to index
      %swap3A_2591 = arith.index_cast %mul3A_2580 : i32 to index
      %swap3A_2592 = tpu.vector_load %arg9[%swap3A_2590, %swap3A_2591] {strides = array<i32>} : memref<10x128xi32, #tpu.memory_space<vmem>>, vector<1x16xi32>,
      %swap3A_2593 = vector.shape_cast %swap3A_2592 : vector<1x16xi32> to vector<16xi32>
      %swap3A_2594 = vector.shape_cast %add3A_2588 : vector<16xi32> to vector<1x16xi32>
      tpu.vector_store %arg9[%swap3A_2590, %swap3A_2591], %swap3A_2594 {strides = array<i32>} : memref<10x128xi32, #tpu.memory_space<vmem>>, vector<1x16xi32>,
      %scan3A_2595 = arith.constant 8 : i32
      %scan3A_2596 = arith.constant 0 : i32
      %scan3A_2597 = arith.constant 0 : i32
      %mul3A_2598 = arith.constant 16 : i32
      %mul3A_2599 = arith.muli %scan3A_2597, %mul3A_2598 : i32
      %get3A_2600 = arith.constant 4 : i32
      %get3A_2601 = arith.index_cast %get3A_2600 : i32 to index
      %get3A_2602 = arith.index_cast %mul3A_2599 : i32 to index
      %get3A_2603 = tpu.vector_load %arg8[%get3A_2601, %get3A_2602] {strides = array<i32>} : memref<10x128xi32, #tpu.memory_space<vmem>>, vector<1x16xi32>,
      %get3A_2604 = vector.shape_cast %get3A_2603 : vector<1x16xi32> to vector<16xi32>
      %add3A_2605 = arith.constant 1024 : i32
      %add3A_2606 = vector.broadcast %add3A_2605 : i32 to vector<16xi32>
      %add3A_2607 = arith.addi %get3A_2604, %add3A_2606 : vector<16xi32>
      %swap3A_2608 = arith.constant 4 : i32
      %swap3A_2609 = arith.index_cast %swap3A_2608 : i32 to index
      %swap3A_2610 = arith.index_cast %mul3A_2599 : i32 to index
      %swap3A_2611 = tpu.vector_load %arg9[%swap3A_2609, %swap3A_2610] {strides = array<i32>} : memref<10x128xi32, #tpu.memory_space<vmem>>, vector<1x16xi32>,
      %swap3A_2612 = vector.shape_cast %swap3A_2611 : vector<1x16xi32> to vector<16xi32>
      %swap3A_2613 = vector.shape_cast %add3A_2607 : vector<16xi32> to vector<1x16xi32>
      tpu.vector_store %arg9[%swap3A_2609, %swap3A_2610], %swap3A_2613 {strides = array<i32>} : memref<10x128xi32, #tpu.memory_space<vmem>>, vector<1x16xi32>,
      %scan3A_2614 = arith.constant 1 : i32
      %mul3A_2615 = arith.constant 16 : i32
      %mul3A_2616 = arith.muli %scan3A_2614, %mul3A_2615 : i32
      %get3A_2617 = arith.constant 4 : i32
      %get3A_2618 = arith.index_cast %get3A_2617 : i32 to index
      %get3A_2619 = arith.index_cast %mul3A_2616 : i32 to index
      %get3A_2620 = tpu.vector_load %arg8[%get3A_2618, %get3A_2619] {strides = array<i32>} : memref<10x128xi32, #tpu.memory_space<vmem>>, vector<1x16xi32>,
      %get3A_2621 = vector.shape_cast %get3A_2620 : vector<1x16xi32> to vector<16xi32>
      %add3A_2622 = arith.constant 1024 : i32
      %add3A_2623 = vector.broadcast %add3A_2622 : i32 to vector<16xi32>
      %add3A_2624 = arith.addi %get3A_2621, %add3A_2623 : vector<16xi32>
      %swap3A_2625 = arith.constant 4 : i32
      %swap3A_2626 = arith.index_cast %swap3A_2625 : i32 to index
      %swap3A_2627 = arith.index_cast %mul3A_2616 : i32 to index
      %swap3A_2628 = tpu.vector_load %arg9[%swap3A_2626, %swap3A_2627] {strides = array<i32>} : memref<10x128xi32, #tpu.memory_space<vmem>>, vector<1x16xi32>,
      %swap3A_2629 = vector.shape_cast %swap3A_2628 : vector<1x16xi32> to vector<16xi32>
      %swap3A_2630 = vector.shape_cast %add3A_2624 : vector<16xi32> to vector<1x16xi32>
      tpu.vector_store %arg9[%swap3A_2626, %swap3A_2627], %swap3A_2630 {strides = array<i32>} : memref<10x128xi32, #tpu.memory_space<vmem>>, vector<1x16xi32>,
      %scan3A_2631 = arith.constant 2 : i32
      %mul3A_2632 = arith.constant 16 : i32
      %mul3A_2633 = arith.muli %scan3A_2631, %mul3A_2632 : i32
      %get3A_2634 = arith.constant 4 : i32
      %get3A_2635 = arith.index_cast %get3A_2634 : i32 to index
      %get3A_2636 = arith.index_cast %mul3A_2633 : i32 to index
      %get3A_2637 = tpu.vector_load %arg8[%get3A_2635, %get3A_2636] {strides = array<i32>} : memref<10x128xi32, #tpu.memory_space<vmem>>, vector<1x16xi32>,
      %get3A_2638 = vector.shape_cast %get3A_2637 : vector<1x16xi32> to vector<16xi32>
      %add3A_2639 = arith.constant 1024 : i32
      %add3A_2640 = vector.broadcast %add3A_2639 : i32 to vector<16xi32>
      %add3A_2641 = arith.addi %get3A_2638, %add3A_2640 : vector<16xi32>
      %swap3A_2642 = arith.constant 4 : i32
      %swap3A_2643 = arith.index_cast %swap3A_2642 : i32 to index
      %swap3A_2644 = arith.index_cast %mul3A_2633 : i32 to index
      %swap3A_2645 = tpu.vector_load %arg9[%swap3A_2643, %swap3A_2644] {strides = array<i32>} : memref<10x128xi32, #tpu.memory_space<vmem>>, vector<1x16xi32>,
      %swap3A_2646 = vector.shape_cast %swap3A_2645 : vector<1x16xi32> to vector<16xi32>
      %swap3A_2647 = vector.shape_cast %add3A_2641 : vector<16xi32> to vector<1x16xi32>
      tpu.vector_store %arg9[%swap3A_2643, %swap3A_2644], %swap3A_2647 {strides = array<i32>} : memref<10x128xi32, #tpu.memory_space<vmem>>, vector<1x16xi32>,
      %scan3A_2648 = arith.constant 3 : i32
      %mul3A_2649 = arith.constant 16 : i32
      %mul3A_2650 = arith.muli %scan3A_2648, %mul3A_2649 : i32
      %get3A_2651 = arith.constant 4 : i32
      %get3A_2652 = arith.index_cast %get3A_2651 : i32 to index
      %get3A_2653 = arith.index_cast %mul3A_2650 : i32 to index
      %get3A_2654 = tpu.vector_load %arg8[%get3A_2652, %get3A_2653] {strides = array<i32>} : memref<10x128xi32, #tpu.memory_space<vmem>>, vector<1x16xi32>,
      %get3A_2655 = vector.shape_cast %get3A_2654 : vector<1x16xi32> to vector<16xi32>
      %add3A_2656 = arith.constant 1024 : i32
      %add3A_2657 = vector.broadcast %add3A_2656 : i32 to vector<16xi32>
      %add3A_2658 = arith.addi %get3A_2655, %add3A_2657 : vector<16xi32>
      %swap3A_2659 = arith.constant 4 : i32
      %swap3A_2660 = arith.index_cast %swap3A_2659 : i32 to index
      %swap3A_2661 = arith.index_cast %mul3A_2650 : i32 to index
      %swap3A_2662 = tpu.vector_load %arg9[%swap3A_2660, %swap3A_2661] {strides = array<i32>} : memref<10x128xi32, #tpu.memory_space<vmem>>, vector<1x16xi32>,
      %swap3A_2663 = vector.shape_cast %swap3A_2662 : vector<1x16xi32> to vector<16xi32>
      %swap3A_2664 = vector.shape_cast %add3A_2658 : vector<16xi32> to vector<1x16xi32>
      tpu.vector_store %arg9[%swap3A_2660, %swap3A_2661], %swap3A_2664 {strides = array<i32>} : memref<10x128xi32, #tpu.memory_space<vmem>>, vector<1x16xi32>,
      %scan3A_2665 = arith.constant 4 : i32
      %mul3A_2666 = arith.constant 16 : i32
      %mul3A_2667 = arith.muli %scan3A_2665, %mul3A_2666 : i32
      %get3A_2668 = arith.constant 4 : i32
      %get3A_2669 = arith.index_cast %get3A_2668 : i32 to index
      %get3A_2670 = arith.index_cast %mul3A_2667 : i32 to index
      %get3A_2671 = tpu.vector_load %arg8[%get3A_2669, %get3A_2670] {strides = array<i32>} : memref<10x128xi32, #tpu.memory_space<vmem>>, vector<1x16xi32>,
      %get3A_2672 = vector.shape_cast %get3A_2671 : vector<1x16xi32> to vector<16xi32>
      %add3A_2673 = arith.constant 1024 : i32
      %add3A_2674 = vector.broadcast %add3A_2673 : i32 to vector<16xi32>
      %add3A_2675 = arith.addi %get3A_2672, %add3A_2674 : vector<16xi32>
      %swap3A_2676 = arith.constant 4 : i32
      %swap3A_2677 = arith.index_cast %swap3A_2676 : i32 to index
      %swap3A_2678 = arith.index_cast %mul3A_2667 : i32 to index
      %swap3A_2679 = tpu.vector_load %arg9[%swap3A_2677, %swap3A_2678] {strides = array<i32>} : memref<10x128xi32, #tpu.memory_space<vmem>>, vector<1x16xi32>,
      %swap3A_2680 = vector.shape_cast %swap3A_2679 : vector<1x16xi32> to vector<16xi32>
      %swap3A_2681 = vector.shape_cast %add3A_2675 : vector<16xi32> to vector<1x16xi32>
      tpu.vector_store %arg9[%swap3A_2677, %swap3A_2678], %swap3A_2681 {strides = array<i32>} : memref<10x128xi32, #tpu.memory_space<vmem>>, vector<1x16xi32>,
      %scan3A_2682 = arith.constant 5 : i32
      %mul3A_2683 = arith.constant 16 : i32
      %mul3A_2684 = arith.muli %scan3A_2682, %mul3A_2683 : i32
      %get3A_2685 = arith.constant 4 : i32
      %get3A_2686 = arith.index_cast %get3A_2685 : i32 to index
      %get3A_2687 = arith.index_cast %mul3A_2684 : i32 to index
      %get3A_2688 = tpu.vector_load %arg8[%get3A_2686, %get3A_2687] {strides = array<i32>} : memref<10x128xi32, #tpu.memory_space<vmem>>, vector<1x16xi32>,
      %get3A_2689 = vector.shape_cast %get3A_2688 : vector<1x16xi32> to vector<16xi32>
      %add3A_2690 = arith.constant 1024 : i32
      %add3A_2691 = vector.broadcast %add3A_2690 : i32 to vector<16xi32>
      %add3A_2692 = arith.addi %get3A_2689, %add3A_2691 : vector<16xi32>
      %swap3A_2693 = arith.constant 4 : i32
      %swap3A_2694 = arith.index_cast %swap3A_2693 : i32 to index
      %swap3A_2695 = arith.index_cast %mul3A_2684 : i32 to index
      %swap3A_2696 = tpu.vector_load %arg9[%swap3A_2694, %swap3A_2695] {strides = array<i32>} : memref<10x128xi32, #tpu.memory_space<vmem>>, vector<1x16xi32>,
      %swap3A_2697 = vector.shape_cast %swap3A_2696 : vector<1x16xi32> to vector<16xi32>
      %swap3A_2698 = vector.shape_cast %add3A_2692 : vector<16xi32> to vector<1x16xi32>
      tpu.vector_store %arg9[%swap3A_2694, %swap3A_2695], %swap3A_2698 {strides = array<i32>} : memref<10x128xi32, #tpu.memory_space<vmem>>, vector<1x16xi32>,
      %scan3A_2699 = arith.constant 6 : i32
      %mul3A_2700 = arith.constant 16 : i32
      %mul3A_2701 = arith.muli %scan3A_2699, %mul3A_2700 : i32
      %get3A_2702 = arith.constant 4 : i32
      %get3A_2703 = arith.index_cast %get3A_2702 : i32 to index
      %get3A_2704 = arith.index_cast %mul3A_2701 : i32 to index
      %get3A_2705 = tpu.vector_load %arg8[%get3A_2703, %get3A_2704] {strides = array<i32>} : memref<10x128xi32, #tpu.memory_space<vmem>>, vector<1x16xi32>,
      %get3A_2706 = vector.shape_cast %get3A_2705 : vector<1x16xi32> to vector<16xi32>
      %add3A_2707 = arith.constant 1024 : i32
      %add3A_2708 = vector.broadcast %add3A_2707 : i32 to vector<16xi32>
      %add3A_2709 = arith.addi %get3A_2706, %add3A_2708 : vector<16xi32>
      %swap3A_2710 = arith.constant 4 : i32
      %swap3A_2711 = arith.index_cast %swap3A_2710 : i32 to index
      %swap3A_2712 = arith.index_cast %mul3A_2701 : i32 to index
      %swap3A_2713 = tpu.vector_load %arg9[%swap3A_2711, %swap3A_2712] {strides = array<i32>} : memref<10x128xi32, #tpu.memory_space<vmem>>, vector<1x16xi32>,
      %swap3A_2714 = vector.shape_cast %swap3A_2713 : vector<1x16xi32> to vector<16xi32>
      %swap3A_2715 = vector.shape_cast %add3A_2709 : vector<16xi32> to vector<1x16xi32>
      tpu.vector_store %arg9[%swap3A_2711, %swap3A_2712], %swap3A_2715 {strides = array<i32>} : memref<10x128xi32, #tpu.memory_space<vmem>>, vector<1x16xi32>,
      %scan3A_2716 = arith.constant 7 : i32
      %mul3A_2717 = arith.constant 16 : i32
      %mul3A_2718 = arith.muli %scan3A_2716, %mul3A_2717 : i32
      %get3A_2719 = arith.constant 4 : i32
      %get3A_2720 = arith.index_cast %get3A_2719 : i32 to index
      %get3A_2721 = arith.index_cast %mul3A_2718 : i32 to index
      %get3A_2722 = tpu.vector_load %arg8[%get3A_2720, %get3A_2721] {strides = array<i32>} : memref<10x128xi32, #tpu.memory_space<vmem>>, vector<1x16xi32>,
      %get3A_2723 = vector.shape_cast %get3A_2722 : vector<1x16xi32> to vector<16xi32>
      %add3A_2724 = arith.constant 1024 : i32
      %add3A_2725 = vector.broadcast %add3A_2724 : i32 to vector<16xi32>
      %add3A_2726 = arith.addi %get3A_2723, %add3A_2725 : vector<16xi32>
      %swap3A_2727 = arith.constant 4 : i32
      %swap3A_2728 = arith.index_cast %swap3A_2727 : i32 to index
      %swap3A_2729 = arith.index_cast %mul3A_2718 : i32 to index
      %swap3A_2730 = tpu.vector_load %arg9[%swap3A_2728, %swap3A_2729] {strides = array<i32>} : memref<10x128xi32, #tpu.memory_space<vmem>>, vector<1x16xi32>,
      %swap3A_2731 = vector.shape_cast %swap3A_2730 : vector<1x16xi32> to vector<16xi32>
      %swap3A_2732 = vector.shape_cast %add3A_2726 : vector<16xi32> to vector<1x16xi32>
      tpu.vector_store %arg9[%swap3A_2728, %swap3A_2729], %swap3A_2732 {strides = array<i32>} : memref<10x128xi32, #tpu.memory_space<vmem>>, vector<1x16xi32>,
      %scan3A_2733 = arith.constant 8 : i32
      %scan3A_2734 = arith.constant 0 : i32
      %scan3A_2735 = arith.constant 0 : i32
      %mul3A_2736 = arith.constant 16 : i32
      %mul3A_2737 = arith.muli %scan3A_2735, %mul3A_2736 : i32
      %get3A_2738 = arith.constant 5 : i32
      %get3A_2739 = arith.index_cast %get3A_2738 : i32 to index
      %get3A_2740 = arith.index_cast %mul3A_2737 : i32 to index
      %get3A_2741 = tpu.vector_load %arg8[%get3A_2739, %get3A_2740] {strides = array<i32>} : memref<10x128xi32, #tpu.memory_space<vmem>>, vector<1x16xi32>,
      %get3A_2742 = vector.shape_cast %get3A_2741 : vector<1x16xi32> to vector<16xi32>
      %add3A_2743 = arith.constant 1280 : i32
      %add3A_2744 = vector.broadcast %add3A_2743 : i32 to vector<16xi32>
      %add3A_2745 = arith.addi %get3A_2742, %add3A_2744 : vector<16xi32>
      %swap3A_2746 = arith.constant 5 : i32
      %swap3A_2747 = arith.index_cast %swap3A_2746 : i32 to index
      %swap3A_2748 = arith.index_cast %mul3A_2737 : i32 to index
      %swap3A_2749 = tpu.vector_load %arg9[%swap3A_2747, %swap3A_2748] {strides = array<i32>} : memref<10x128xi32, #tpu.memory_space<vmem>>, vector<1x16xi32>,
      %swap3A_2750 = vector.shape_cast %swap3A_2749 : vector<1x16xi32> to vector<16xi32>
      %swap3A_2751 = vector.shape_cast %add3A_2745 : vector<16xi32> to vector<1x16xi32>
      tpu.vector_store %arg9[%swap3A_2747, %swap3A_2748], %swap3A_2751 {strides = array<i32>} : memref<10x128xi32, #tpu.memory_space<vmem>>, vector<1x16xi32>,
      %scan3A_2752 = arith.constant 1 : i32
      %mul3A_2753 = arith.constant 16 : i32
      %mul3A_2754 = arith.muli %scan3A_2752, %mul3A_2753 : i32
      %get3A_2755 = arith.constant 5 : i32
      %get3A_2756 = arith.index_cast %get3A_2755 : i32 to index
      %get3A_2757 = arith.index_cast %mul3A_2754 : i32 to index
      %get3A_2758 = tpu.vector_load %arg8[%get3A_2756, %get3A_2757] {strides = array<i32>} : memref<10x128xi32, #tpu.memory_space<vmem>>, vector<1x16xi32>,
      %get3A_2759 = vector.shape_cast %get3A_2758 : vector<1x16xi32> to vector<16xi32>
      %add3A_2760 = arith.constant 1280 : i32
      %add3A_2761 = vector.broadcast %add3A_2760 : i32 to vector<16xi32>
      %add3A_2762 = arith.addi %get3A_2759, %add3A_2761 : vector<16xi32>
      %swap3A_2763 = arith.constant 5 : i32
      %swap3A_2764 = arith.index_cast %swap3A_2763 : i32 to index
      %swap3A_2765 = arith.index_cast %mul3A_2754 : i32 to index
      %swap3A_2766 = tpu.vector_load %arg9[%swap3A_2764, %swap3A_2765] {strides = array<i32>} : memref<10x128xi32, #tpu.memory_space<vmem>>, vector<1x16xi32>,
      %swap3A_2767 = vector.shape_cast %swap3A_2766 : vector<1x16xi32> to vector<16xi32>
      %swap3A_2768 = vector.shape_cast %add3A_2762 : vector<16xi32> to vector<1x16xi32>
      tpu.vector_store %arg9[%swap3A_2764, %swap3A_2765], %swap3A_2768 {strides = array<i32>} : memref<10x128xi32, #tpu.memory_space<vmem>>, vector<1x16xi32>,
      %scan3A_2769 = arith.constant 2 : i32
      %mul3A_2770 = arith.constant 16 : i32
      %mul3A_2771 = arith.muli %scan3A_2769, %mul3A_2770 : i32
      %get3A_2772 = arith.constant 5 : i32
      %get3A_2773 = arith.index_cast %get3A_2772 : i32 to index
      %get3A_2774 = arith.index_cast %mul3A_2771 : i32 to index
      %get3A_2775 = tpu.vector_load %arg8[%get3A_2773, %get3A_2774] {strides = array<i32>} : memref<10x128xi32, #tpu.memory_space<vmem>>, vector<1x16xi32>,
      %get3A_2776 = vector.shape_cast %get3A_2775 : vector<1x16xi32> to vector<16xi32>
      %add3A_2777 = arith.constant 1280 : i32
      %add3A_2778 = vector.broadcast %add3A_2777 : i32 to vector<16xi32>
      %add3A_2779 = arith.addi %get3A_2776, %add3A_2778 : vector<16xi32>
      %swap3A_2780 = arith.constant 5 : i32
      %swap3A_2781 = arith.index_cast %swap3A_2780 : i32 to index
      %swap3A_2782 = arith.index_cast %mul3A_2771 : i32 to index
      %swap3A_2783 = tpu.vector_load %arg9[%swap3A_2781, %swap3A_2782] {strides = array<i32>} : memref<10x128xi32, #tpu.memory_space<vmem>>, vector<1x16xi32>,
      %swap3A_2784 = vector.shape_cast %swap3A_2783 : vector<1x16xi32> to vector<16xi32>
      %swap3A_2785 = vector.shape_cast %add3A_2779 : vector<16xi32> to vector<1x16xi32>
      tpu.vector_store %arg9[%swap3A_2781, %swap3A_2782], %swap3A_2785 {strides = array<i32>} : memref<10x128xi32, #tpu.memory_space<vmem>>, vector<1x16xi32>,
      %scan3A_2786 = arith.constant 3 : i32
      %mul3A_2787 = arith.constant 16 : i32
      %mul3A_2788 = arith.muli %scan3A_2786, %mul3A_2787 : i32
      %get3A_2789 = arith.constant 5 : i32
      %get3A_2790 = arith.index_cast %get3A_2789 : i32 to index
      %get3A_2791 = arith.index_cast %mul3A_2788 : i32 to index
      %get3A_2792 = tpu.vector_load %arg8[%get3A_2790, %get3A_2791] {strides = array<i32>} : memref<10x128xi32, #tpu.memory_space<vmem>>, vector<1x16xi32>,
      %get3A_2793 = vector.shape_cast %get3A_2792 : vector<1x16xi32> to vector<16xi32>
      %add3A_2794 = arith.constant 1280 : i32
      %add3A_2795 = vector.broadcast %add3A_2794 : i32 to vector<16xi32>
      %add3A_2796 = arith.addi %get3A_2793, %add3A_2795 : vector<16xi32>
      %swap3A_2797 = arith.constant 5 : i32
      %swap3A_2798 = arith.index_cast %swap3A_2797 : i32 to index
      %swap3A_2799 = arith.index_cast %mul3A_2788 : i32 to index
      %swap3A_2800 = tpu.vector_load %arg9[%swap3A_2798, %swap3A_2799] {strides = array<i32>} : memref<10x128xi32, #tpu.memory_space<vmem>>, vector<1x16xi32>,
      %swap3A_2801 = vector.shape_cast %swap3A_2800 : vector<1x16xi32> to vector<16xi32>
      %swap3A_2802 = vector.shape_cast %add3A_2796 : vector<16xi32> to vector<1x16xi32>
      tpu.vector_store %arg9[%swap3A_2798, %swap3A_2799], %swap3A_2802 {strides = array<i32>} : memref<10x128xi32, #tpu.memory_space<vmem>>, vector<1x16xi32>,
      %scan3A_2803 = arith.constant 4 : i32
      %mul3A_2804 = arith.constant 16 : i32
      %mul3A_2805 = arith.muli %scan3A_2803, %mul3A_2804 : i32
      %get3A_2806 = arith.constant 5 : i32
      %get3A_2807 = arith.index_cast %get3A_2806 : i32 to index
      %get3A_2808 = arith.index_cast %mul3A_2805 : i32 to index
      %get3A_2809 = tpu.vector_load %arg8[%get3A_2807, %get3A_2808] {strides = array<i32>} : memref<10x128xi32, #tpu.memory_space<vmem>>, vector<1x16xi32>,
      %get3A_2810 = vector.shape_cast %get3A_2809 : vector<1x16xi32> to vector<16xi32>
      %add3A_2811 = arith.constant 1280 : i32
      %add3A_2812 = vector.broadcast %add3A_2811 : i32 to vector<16xi32>
      %add3A_2813 = arith.addi %get3A_2810, %add3A_2812 : vector<16xi32>
      %swap3A_2814 = arith.constant 5 : i32
      %swap3A_2815 = arith.index_cast %swap3A_2814 : i32 to index
      %swap3A_2816 = arith.index_cast %mul3A_2805 : i32 to index
      %swap3A_2817 = tpu.vector_load %arg9[%swap3A_2815, %swap3A_2816] {strides = array<i32>} : memref<10x128xi32, #tpu.memory_space<vmem>>, vector<1x16xi32>,
      %swap3A_2818 = vector.shape_cast %swap3A_2817 : vector<1x16xi32> to vector<16xi32>
      %swap3A_2819 = vector.shape_cast %add3A_2813 : vector<16xi32> to vector<1x16xi32>
      tpu.vector_store %arg9[%swap3A_2815, %swap3A_2816], %swap3A_2819 {strides = array<i32>} : memref<10x128xi32, #tpu.memory_space<vmem>>, vector<1x16xi32>,
      %scan3A_2820 = arith.constant 5 : i32
      %mul3A_2821 = arith.constant 16 : i32
      %mul3A_2822 = arith.muli %scan3A_2820, %mul3A_2821 : i32
      %get3A_2823 = arith.constant 5 : i32
      %get3A_2824 = arith.index_cast %get3A_2823 : i32 to index
      %get3A_2825 = arith.index_cast %mul3A_2822 : i32 to index
      %get3A_2826 = tpu.vector_load %arg8[%get3A_2824, %get3A_2825] {strides = array<i32>} : memref<10x128xi32, #tpu.memory_space<vmem>>, vector<1x16xi32>,
      %get3A_2827 = vector.shape_cast %get3A_2826 : vector<1x16xi32> to vector<16xi32>
      %add3A_2828 = arith.constant 1280 : i32
      %add3A_2829 = vector.broadcast %add3A_2828 : i32 to vector<16xi32>
      %add3A_2830 = arith.addi %get3A_2827, %add3A_2829 : vector<16xi32>
      %swap3A_2831 = arith.constant 5 : i32
      %swap3A_2832 = arith.index_cast %swap3A_2831 : i32 to index
      %swap3A_2833 = arith.index_cast %mul3A_2822 : i32 to index
      %swap3A_2834 = tpu.vector_load %arg9[%swap3A_2832, %swap3A_2833] {strides = array<i32>} : memref<10x128xi32, #tpu.memory_space<vmem>>, vector<1x16xi32>,
      %swap3A_2835 = vector.shape_cast %swap3A_2834 : vector<1x16xi32> to vector<16xi32>
      %swap3A_2836 = vector.shape_cast %add3A_2830 : vector<16xi32> to vector<1x16xi32>
      tpu.vector_store %arg9[%swap3A_2832, %swap3A_2833], %swap3A_2836 {strides = array<i32>} : memref<10x128xi32, #tpu.memory_space<vmem>>, vector<1x16xi32>,
      %scan3A_2837 = arith.constant 6 : i32
      %mul3A_2838 = arith.constant 16 : i32
      %mul3A_2839 = arith.muli %scan3A_2837, %mul3A_2838 : i32
      %get3A_2840 = arith.constant 5 : i32
      %get3A_2841 = arith.index_cast %get3A_2840 : i32 to index
      %get3A_2842 = arith.index_cast %mul3A_2839 : i32 to index
      %get3A_2843 = tpu.vector_load %arg8[%get3A_2841, %get3A_2842] {strides = array<i32>} : memref<10x128xi32, #tpu.memory_space<vmem>>, vector<1x16xi32>,
      %get3A_2844 = vector.shape_cast %get3A_2843 : vector<1x16xi32> to vector<16xi32>
      %add3A_2845 = arith.constant 1280 : i32
      %add3A_2846 = vector.broadcast %add3A_2845 : i32 to vector<16xi32>
      %add3A_2847 = arith.addi %get3A_2844, %add3A_2846 : vector<16xi32>
      %swap3A_2848 = arith.constant 5 : i32
      %swap3A_2849 = arith.index_cast %swap3A_2848 : i32 to index
      %swap3A_2850 = arith.index_cast %mul3A_2839 : i32 to index
      %swap3A_2851 = tpu.vector_load %arg9[%swap3A_2849, %swap3A_2850] {strides = array<i32>} : memref<10x128xi32, #tpu.memory_space<vmem>>, vector<1x16xi32>,
      %swap3A_2852 = vector.shape_cast %swap3A_2851 : vector<1x16xi32> to vector<16xi32>
      %swap3A_2853 = vector.shape_cast %add3A_2847 : vector<16xi32> to vector<1x16xi32>
      tpu.vector_store %arg9[%swap3A_2849, %swap3A_2850], %swap3A_2853 {strides = array<i32>} : memref<10x128xi32, #tpu.memory_space<vmem>>, vector<1x16xi32>,
      %scan3A_2854 = arith.constant 7 : i32
      %mul3A_2855 = arith.constant 16 : i32
      %mul3A_2856 = arith.muli %scan3A_2854, %mul3A_2855 : i32
      %get3A_2857 = arith.constant 5 : i32
      %get3A_2858 = arith.index_cast %get3A_2857 : i32 to index
      %get3A_2859 = arith.index_cast %mul3A_2856 : i32 to index
      %get3A_2860 = tpu.vector_load %arg8[%get3A_2858, %get3A_2859] {strides = array<i32>} : memref<10x128xi32, #tpu.memory_space<vmem>>, vector<1x16xi32>,
      %get3A_2861 = vector.shape_cast %get3A_2860 : vector<1x16xi32> to vector<16xi32>
      %add3A_2862 = arith.constant 1280 : i32
      %add3A_2863 = vector.broadcast %add3A_2862 : i32 to vector<16xi32>
      %add3A_2864 = arith.addi %get3A_2861, %add3A_2863 : vector<16xi32>
      %swap3A_2865 = arith.constant 5 : i32
      %swap3A_2866 = arith.index_cast %swap3A_2865 : i32 to index
      %swap3A_2867 = arith.index_cast %mul3A_2856 : i32 to index
      %swap3A_2868 = tpu.vector_load %arg9[%swap3A_2866, %swap3A_2867] {strides = array<i32>} : memref<10x128xi32, #tpu.memory_space<vmem>>, vector<1x16xi32>,
      %swap3A_2869 = vector.shape_cast %swap3A_2868 : vector<1x16xi32> to vector<16xi32>
      %swap3A_2870 = vector.shape_cast %add3A_2864 : vector<16xi32> to vector<1x16xi32>
      tpu.vector_store %arg9[%swap3A_2866, %swap3A_2867], %swap3A_2870 {strides = array<i32>} : memref<10x128xi32, #tpu.memory_space<vmem>>, vector<1x16xi32>,
      %scan3A_2871 = arith.constant 8 : i32
      %scan3A_2872 = arith.constant 0 : i32
      %scan3A_2873 = arith.constant 0 : i32
      %mul3A_2874 = arith.constant 16 : i32
      %mul3A_2875 = arith.muli %scan3A_2873, %mul3A_2874 : i32
      %get3A_2876 = arith.constant 6 : i32
      %get3A_2877 = arith.index_cast %get3A_2876 : i32 to index
      %get3A_2878 = arith.index_cast %mul3A_2875 : i32 to index
      %get3A_2879 = tpu.vector_load %arg8[%get3A_2877, %get3A_2878] {strides = array<i32>} : memref<10x128xi32, #tpu.memory_space<vmem>>, vector<1x16xi32>,
      %get3A_2880 = vector.shape_cast %get3A_2879 : vector<1x16xi32> to vector<16xi32>
      %add3A_2881 = arith.constant 1536 : i32
      %add3A_2882 = vector.broadcast %add3A_2881 : i32 to vector<16xi32>
      %add3A_2883 = arith.addi %get3A_2880, %add3A_2882 : vector<16xi32>
      %swap3A_2884 = arith.constant 6 : i32
      %swap3A_2885 = arith.index_cast %swap3A_2884 : i32 to index
      %swap3A_2886 = arith.index_cast %mul3A_2875 : i32 to index
      %swap3A_2887 = tpu.vector_load %arg9[%swap3A_2885, %swap3A_2886] {strides = array<i32>} : memref<10x128xi32, #tpu.memory_space<vmem>>, vector<1x16xi32>,
      %swap3A_2888 = vector.shape_cast %swap3A_2887 : vector<1x16xi32> to vector<16xi32>
      %swap3A_2889 = vector.shape_cast %add3A_2883 : vector<16xi32> to vector<1x16xi32>
      tpu.vector_store %arg9[%swap3A_2885, %swap3A_2886], %swap3A_2889 {strides = array<i32>} : memref<10x128xi32, #tpu.memory_space<vmem>>, vector<1x16xi32>,
      %scan3A_2890 = arith.constant 1 : i32
      %mul3A_2891 = arith.constant 16 : i32
      %mul3A_2892 = arith.muli %scan3A_2890, %mul3A_2891 : i32
      %get3A_2893 = arith.constant 6 : i32
      %get3A_2894 = arith.index_cast %get3A_2893 : i32 to index
      %get3A_2895 = arith.index_cast %mul3A_2892 : i32 to index
      %get3A_2896 = tpu.vector_load %arg8[%get3A_2894, %get3A_2895] {strides = array<i32>} : memref<10x128xi32, #tpu.memory_space<vmem>>, vector<1x16xi32>,
      %get3A_2897 = vector.shape_cast %get3A_2896 : vector<1x16xi32> to vector<16xi32>
      %add3A_2898 = arith.constant 1536 : i32
      %add3A_2899 = vector.broadcast %add3A_2898 : i32 to vector<16xi32>
      %add3A_2900 = arith.addi %get3A_2897, %add3A_2899 : vector<16xi32>
      %swap3A_2901 = arith.constant 6 : i32
      %swap3A_2902 = arith.index_cast %swap3A_2901 : i32 to index
      %swap3A_2903 = arith.index_cast %mul3A_2892 : i32 to index
      %swap3A_2904 = tpu.vector_load %arg9[%swap3A_2902, %swap3A_2903] {strides = array<i32>} : memref<10x128xi32, #tpu.memory_space<vmem>>, vector<1x16xi32>,
      %swap3A_2905 = vector.shape_cast %swap3A_2904 : vector<1x16xi32> to vector<16xi32>
      %swap3A_2906 = vector.shape_cast %add3A_2900 : vector<16xi32> to vector<1x16xi32>
      tpu.vector_store %arg9[%swap3A_2902, %swap3A_2903], %swap3A_2906 {strides = array<i32>} : memref<10x128xi32, #tpu.memory_space<vmem>>, vector<1x16xi32>,
      %scan3A_2907 = arith.constant 2 : i32
      %mul3A_2908 = arith.constant 16 : i32
      %mul3A_2909 = arith.muli %scan3A_2907, %mul3A_2908 : i32
      %get3A_2910 = arith.constant 6 : i32
      %get3A_2911 = arith.index_cast %get3A_2910 : i32 to index
      %get3A_2912 = arith.index_cast %mul3A_2909 : i32 to index
      %get3A_2913 = tpu.vector_load %arg8[%get3A_2911, %get3A_2912] {strides = array<i32>} : memref<10x128xi32, #tpu.memory_space<vmem>>, vector<1x16xi32>,
      %get3A_2914 = vector.shape_cast %get3A_2913 : vector<1x16xi32> to vector<16xi32>
      %add3A_2915 = arith.constant 1536 : i32
      %add3A_2916 = vector.broadcast %add3A_2915 : i32 to vector<16xi32>
      %add3A_2917 = arith.addi %get3A_2914, %add3A_2916 : vector<16xi32>
      %swap3A_2918 = arith.constant 6 : i32
      %swap3A_2919 = arith.index_cast %swap3A_2918 : i32 to index
      %swap3A_2920 = arith.index_cast %mul3A_2909 : i32 to index
      %swap3A_2921 = tpu.vector_load %arg9[%swap3A_2919, %swap3A_2920] {strides = array<i32>} : memref<10x128xi32, #tpu.memory_space<vmem>>, vector<1x16xi32>,
      %swap3A_2922 = vector.shape_cast %swap3A_2921 : vector<1x16xi32> to vector<16xi32>
      %swap3A_2923 = vector.shape_cast %add3A_2917 : vector<16xi32> to vector<1x16xi32>
      tpu.vector_store %arg9[%swap3A_2919, %swap3A_2920], %swap3A_2923 {strides = array<i32>} : memref<10x128xi32, #tpu.memory_space<vmem>>, vector<1x16xi32>,
      %scan3A_2924 = arith.constant 3 : i32
      %mul3A_2925 = arith.constant 16 : i32
      %mul3A_2926 = arith.muli %scan3A_2924, %mul3A_2925 : i32
      %get3A_2927 = arith.constant 6 : i32
      %get3A_2928 = arith.index_cast %get3A_2927 : i32 to index
      %get3A_2929 = arith.index_cast %mul3A_2926 : i32 to index
      %get3A_2930 = tpu.vector_load %arg8[%get3A_2928, %get3A_2929] {strides = array<i32>} : memref<10x128xi32, #tpu.memory_space<vmem>>, vector<1x16xi32>,
      %get3A_2931 = vector.shape_cast %get3A_2930 : vector<1x16xi32> to vector<16xi32>
      %add3A_2932 = arith.constant 1536 : i32
      %add3A_2933 = vector.broadcast %add3A_2932 : i32 to vector<16xi32>
      %add3A_2934 = arith.addi %get3A_2931, %add3A_2933 : vector<16xi32>
      %swap3A_2935 = arith.constant 6 : i32
      %swap3A_2936 = arith.index_cast %swap3A_2935 : i32 to index
      %swap3A_2937 = arith.index_cast %mul3A_2926 : i32 to index
      %swap3A_2938 = tpu.vector_load %arg9[%swap3A_2936, %swap3A_2937] {strides = array<i32>} : memref<10x128xi32, #tpu.memory_space<vmem>>, vector<1x16xi32>,
      %swap3A_2939 = vector.shape_cast %swap3A_2938 : vector<1x16xi32> to vector<16xi32>
      %swap3A_2940 = vector.shape_cast %add3A_2934 : vector<16xi32> to vector<1x16xi32>
      tpu.vector_store %arg9[%swap3A_2936, %swap3A_2937], %swap3A_2940 {strides = array<i32>} : memref<10x128xi32, #tpu.memory_space<vmem>>, vector<1x16xi32>,
      %scan3A_2941 = arith.constant 4 : i32
      %mul3A_2942 = arith.constant 16 : i32
      %mul3A_2943 = arith.muli %scan3A_2941, %mul3A_2942 : i32
      %get3A_2944 = arith.constant 6 : i32
      %get3A_2945 = arith.index_cast %get3A_2944 : i32 to index
      %get3A_2946 = arith.index_cast %mul3A_2943 : i32 to index
      %get3A_2947 = tpu.vector_load %arg8[%get3A_2945, %get3A_2946] {strides = array<i32>} : memref<10x128xi32, #tpu.memory_space<vmem>>, vector<1x16xi32>,
      %get3A_2948 = vector.shape_cast %get3A_2947 : vector<1x16xi32> to vector<16xi32>
      %add3A_2949 = arith.constant 1536 : i32
      %add3A_2950 = vector.broadcast %add3A_2949 : i32 to vector<16xi32>
      %add3A_2951 = arith.addi %get3A_2948, %add3A_2950 : vector<16xi32>
      %swap3A_2952 = arith.constant 6 : i32
      %swap3A_2953 = arith.index_cast %swap3A_2952 : i32 to index
      %swap3A_2954 = arith.index_cast %mul3A_2943 : i32 to index
      %swap3A_2955 = tpu.vector_load %arg9[%swap3A_2953, %swap3A_2954] {strides = array<i32>} : memref<10x128xi32, #tpu.memory_space<vmem>>, vector<1x16xi32>,
      %swap3A_2956 = vector.shape_cast %swap3A_2955 : vector<1x16xi32> to vector<16xi32>
      %swap3A_2957 = vector.shape_cast %add3A_2951 : vector<16xi32> to vector<1x16xi32>
      tpu.vector_store %arg9[%swap3A_2953, %swap3A_2954], %swap3A_2957 {strides = array<i32>} : memref<10x128xi32, #tpu.memory_space<vmem>>, vector<1x16xi32>,
      %scan3A_2958 = arith.constant 5 : i32
      %mul3A_2959 = arith.constant 16 : i32
      %mul3A_2960 = arith.muli %scan3A_2958, %mul3A_2959 : i32
      %get3A_2961 = arith.constant 6 : i32
      %get3A_2962 = arith.index_cast %get3A_2961 : i32 to index
      %get3A_2963 = arith.index_cast %mul3A_2960 : i32 to index
      %get3A_2964 = tpu.vector_load %arg8[%get3A_2962, %get3A_2963] {strides = array<i32>} : memref<10x128xi32, #tpu.memory_space<vmem>>, vector<1x16xi32>,
      %get3A_2965 = vector.shape_cast %get3A_2964 : vector<1x16xi32> to vector<16xi32>
      %add3A_2966 = arith.constant 1536 : i32
      %add3A_2967 = vector.broadcast %add3A_2966 : i32 to vector<16xi32>
      %add3A_2968 = arith.addi %get3A_2965, %add3A_2967 : vector<16xi32>
      %swap3A_2969 = arith.constant 6 : i32
      %swap3A_2970 = arith.index_cast %swap3A_2969 : i32 to index
      %swap3A_2971 = arith.index_cast %mul3A_2960 : i32 to index
      %swap3A_2972 = tpu.vector_load %arg9[%swap3A_2970, %swap3A_2971] {strides = array<i32>} : memref<10x128xi32, #tpu.memory_space<vmem>>, vector<1x16xi32>,
      %swap3A_2973 = vector.shape_cast %swap3A_2972 : vector<1x16xi32> to vector<16xi32>
      %swap3A_2974 = vector.shape_cast %add3A_2968 : vector<16xi32> to vector<1x16xi32>
      tpu.vector_store %arg9[%swap3A_2970, %swap3A_2971], %swap3A_2974 {strides = array<i32>} : memref<10x128xi32, #tpu.memory_space<vmem>>, vector<1x16xi32>,
      %scan3A_2975 = arith.constant 6 : i32
      %mul3A_2976 = arith.constant 16 : i32
      %mul3A_2977 = arith.muli %scan3A_2975, %mul3A_2976 : i32
      %get3A_2978 = arith.constant 6 : i32
      %get3A_2979 = arith.index_cast %get3A_2978 : i32 to index
      %get3A_2980 = arith.index_cast %mul3A_2977 : i32 to index
      %get3A_2981 = tpu.vector_load %arg8[%get3A_2979, %get3A_2980] {strides = array<i32>} : memref<10x128xi32, #tpu.memory_space<vmem>>, vector<1x16xi32>,
      %get3A_2982 = vector.shape_cast %get3A_2981 : vector<1x16xi32> to vector<16xi32>
      %add3A_2983 = arith.constant 1536 : i32
      %add3A_2984 = vector.broadcast %add3A_2983 : i32 to vector<16xi32>
      %add3A_2985 = arith.addi %get3A_2982, %add3A_2984 : vector<16xi32>
      %swap3A_2986 = arith.constant 6 : i32
      %swap3A_2987 = arith.index_cast %swap3A_2986 : i32 to index
      %swap3A_2988 = arith.index_cast %mul3A_2977 : i32 to index
      %swap3A_2989 = tpu.vector_load %arg9[%swap3A_2987, %swap3A_2988] {strides = array<i32>} : memref<10x128xi32, #tpu.memory_space<vmem>>, vector<1x16xi32>,
      %swap3A_2990 = vector.shape_cast %swap3A_2989 : vector<1x16xi32> to vector<16xi32>
      %swap3A_2991 = vector.shape_cast %add3A_2985 : vector<16xi32> to vector<1x16xi32>
      tpu.vector_store %arg9[%swap3A_2987, %swap3A_2988], %swap3A_2991 {strides = array<i32>} : memref<10x128xi32, #tpu.memory_space<vmem>>, vector<1x16xi32>,
      %scan3A_2992 = arith.constant 7 : i32
      %mul3A_2993 = arith.constant 16 : i32
      %mul3A_2994 = arith.muli %scan3A_2992, %mul3A_2993 : i32
      %get3A_2995 = arith.constant 6 : i32
      %get3A_2996 = arith.index_cast %get3A_2995 : i32 to index
      %get3A_2997 = arith.index_cast %mul3A_2994 : i32 to index
      %get3A_2998 = tpu.vector_load %arg8[%get3A_2996, %get3A_2997] {strides = array<i32>} : memref<10x128xi32, #tpu.memory_space<vmem>>, vector<1x16xi32>,
      %get3A_2999 = vector.shape_cast %get3A_2998 : vector<1x16xi32> to vector<16xi32>
      %add3A_3000 = arith.constant 1536 : i32
      %add3A_3001 = vector.broadcast %add3A_3000 : i32 to vector<16xi32>
      %add3A_3002 = arith.addi %get3A_2999, %add3A_3001 : vector<16xi32>
      %swap3A_3003 = arith.constant 6 : i32
      %swap3A_3004 = arith.index_cast %swap3A_3003 : i32 to index
      %swap3A_3005 = arith.index_cast %mul3A_2994 : i32 to index
      %swap3A_3006 = tpu.vector_load %arg9[%swap3A_3004, %swap3A_3005] {strides = array<i32>} : memref<10x128xi32, #tpu.memory_space<vmem>>, vector<1x16xi32>,
      %swap3A_3007 = vector.shape_cast %swap3A_3006 : vector<1x16xi32> to vector<16xi32>
      %swap3A_3008 = vector.shape_cast %add3A_3002 : vector<16xi32> to vector<1x16xi32>
      tpu.vector_store %arg9[%swap3A_3004, %swap3A_3005], %swap3A_3008 {strides = array<i32>} : memref<10x128xi32, #tpu.memory_space<vmem>>, vector<1x16xi32>,
      %scan3A_3009 = arith.constant 8 : i32
      %scan3A_3010 = arith.constant 0 : i32
      %scan3A_3011 = arith.constant 0 : i32
      %mul3A_3012 = arith.constant 16 : i32
      %mul3A_3013 = arith.muli %scan3A_3011, %mul3A_3012 : i32
      %get3A_3014 = arith.constant 7 : i32
      %get3A_3015 = arith.index_cast %get3A_3014 : i32 to index
      %get3A_3016 = arith.index_cast %mul3A_3013 : i32 to index
      %get3A_3017 = tpu.vector_load %arg8[%get3A_3015, %get3A_3016] {strides = array<i32>} : memref<10x128xi32, #tpu.memory_space<vmem>>, vector<1x16xi32>,
      %get3A_3018 = vector.shape_cast %get3A_3017 : vector<1x16xi32> to vector<16xi32>
      %add3A_3019 = arith.constant 1792 : i32
      %add3A_3020 = vector.broadcast %add3A_3019 : i32 to vector<16xi32>
      %add3A_3021 = arith.addi %get3A_3018, %add3A_3020 : vector<16xi32>
      %swap3A_3022 = arith.constant 7 : i32
      %swap3A_3023 = arith.index_cast %swap3A_3022 : i32 to index
      %swap3A_3024 = arith.index_cast %mul3A_3013 : i32 to index
      %swap3A_3025 = tpu.vector_load %arg9[%swap3A_3023, %swap3A_3024] {strides = array<i32>} : memref<10x128xi32, #tpu.memory_space<vmem>>, vector<1x16xi32>,
      %swap3A_3026 = vector.shape_cast %swap3A_3025 : vector<1x16xi32> to vector<16xi32>
      %swap3A_3027 = vector.shape_cast %add3A_3021 : vector<16xi32> to vector<1x16xi32>
      tpu.vector_store %arg9[%swap3A_3023, %swap3A_3024], %swap3A_3027 {strides = array<i32>} : memref<10x128xi32, #tpu.memory_space<vmem>>, vector<1x16xi32>,
      %scan3A_3028 = arith.constant 1 : i32
      %mul3A_3029 = arith.constant 16 : i32
      %mul3A_3030 = arith.muli %scan3A_3028, %mul3A_3029 : i32
      %get3A_3031 = arith.constant 7 : i32
      %get3A_3032 = arith.index_cast %get3A_3031 : i32 to index
      %get3A_3033 = arith.index_cast %mul3A_3030 : i32 to index
      %get3A_3034 = tpu.vector_load %arg8[%get3A_3032, %get3A_3033] {strides = array<i32>} : memref<10x128xi32, #tpu.memory_space<vmem>>, vector<1x16xi32>,
      %get3A_3035 = vector.shape_cast %get3A_3034 : vector<1x16xi32> to vector<16xi32>
      %add3A_3036 = arith.constant 1792 : i32
      %add3A_3037 = vector.broadcast %add3A_3036 : i32 to vector<16xi32>
      %add3A_3038 = arith.addi %get3A_3035, %add3A_3037 : vector<16xi32>
      %swap3A_3039 = arith.constant 7 : i32
      %swap3A_3040 = arith.index_cast %swap3A_3039 : i32 to index
      %swap3A_3041 = arith.index_cast %mul3A_3030 : i32 to index
      %swap3A_3042 = tpu.vector_load %arg9[%swap3A_3040, %swap3A_3041] {strides = array<i32>} : memref<10x128xi32, #tpu.memory_space<vmem>>, vector<1x16xi32>,
      %swap3A_3043 = vector.shape_cast %swap3A_3042 : vector<1x16xi32> to vector<16xi32>
      %swap3A_3044 = vector.shape_cast %add3A_3038 : vector<16xi32> to vector<1x16xi32>
      tpu.vector_store %arg9[%swap3A_3040, %swap3A_3041], %swap3A_3044 {strides = array<i32>} : memref<10x128xi32, #tpu.memory_space<vmem>>, vector<1x16xi32>,
      %scan3A_3045 = arith.constant 2 : i32
      %mul3A_3046 = arith.constant 16 : i32
      %mul3A_3047 = arith.muli %scan3A_3045, %mul3A_3046 : i32
      %get3A_3048 = arith.constant 7 : i32
      %get3A_3049 = arith.index_cast %get3A_3048 : i32 to index
      %get3A_3050 = arith.index_cast %mul3A_3047 : i32 to index
      %get3A_3051 = tpu.vector_load %arg8[%get3A_3049, %get3A_3050] {strides = array<i32>} : memref<10x128xi32, #tpu.memory_space<vmem>>, vector<1x16xi32>,
      %get3A_3052 = vector.shape_cast %get3A_3051 : vector<1x16xi32> to vector<16xi32>
      %add3A_3053 = arith.constant 1792 : i32
      %add3A_3054 = vector.broadcast %add3A_3053 : i32 to vector<16xi32>
      %add3A_3055 = arith.addi %get3A_3052, %add3A_3054 : vector<16xi32>
      %swap3A_3056 = arith.constant 7 : i32
      %swap3A_3057 = arith.index_cast %swap3A_3056 : i32 to index
      %swap3A_3058 = arith.index_cast %mul3A_3047 : i32 to index
      %swap3A_3059 = tpu.vector_load %arg9[%swap3A_3057, %swap3A_3058] {strides = array<i32>} : memref<10x128xi32, #tpu.memory_space<vmem>>, vector<1x16xi32>,
      %swap3A_3060 = vector.shape_cast %swap3A_3059 : vector<1x16xi32> to vector<16xi32>
      %swap3A_3061 = vector.shape_cast %add3A_3055 : vector<16xi32> to vector<1x16xi32>
      tpu.vector_store %arg9[%swap3A_3057, %swap3A_3058], %swap3A_3061 {strides = array<i32>} : memref<10x128xi32, #tpu.memory_space<vmem>>, vector<1x16xi32>,
      %scan3A_3062 = arith.constant 3 : i32
      %mul3A_3063 = arith.constant 16 : i32
      %mul3A_3064 = arith.muli %scan3A_3062, %mul3A_3063 : i32
      %get3A_3065 = arith.constant 7 : i32
      %get3A_3066 = arith.index_cast %get3A_3065 : i32 to index
      %get3A_3067 = arith.index_cast %mul3A_3064 : i32 to index
      %get3A_3068 = tpu.vector_load %arg8[%get3A_3066, %get3A_3067] {strides = array<i32>} : memref<10x128xi32, #tpu.memory_space<vmem>>, vector<1x16xi32>,
      %get3A_3069 = vector.shape_cast %get3A_3068 : vector<1x16xi32> to vector<16xi32>
      %add3A_3070 = arith.constant 1792 : i32
      %add3A_3071 = vector.broadcast %add3A_3070 : i32 to vector<16xi32>
      %add3A_3072 = arith.addi %get3A_3069, %add3A_3071 : vector<16xi32>
      %swap3A_3073 = arith.constant 7 : i32
      %swap3A_3074 = arith.index_cast %swap3A_3073 : i32 to index
      %swap3A_3075 = arith.index_cast %mul3A_3064 : i32 to index
      %swap3A_3076 = tpu.vector_load %arg9[%swap3A_3074, %swap3A_3075] {strides = array<i32>} : memref<10x128xi32, #tpu.memory_space<vmem>>, vector<1x16xi32>,
      %swap3A_3077 = vector.shape_cast %swap3A_3076 : vector<1x16xi32> to vector<16xi32>
      %swap3A_3078 = vector.shape_cast %add3A_3072 : vector<16xi32> to vector<1x16xi32>
      tpu.vector_store %arg9[%swap3A_3074, %swap3A_3075], %swap3A_3078 {strides = array<i32>} : memref<10x128xi32, #tpu.memory_space<vmem>>, vector<1x16xi32>,
      %scan3A_3079 = arith.constant 4 : i32
      %mul3A_3080 = arith.constant 16 : i32
      %mul3A_3081 = arith.muli %scan3A_3079, %mul3A_3080 : i32
      %get3A_3082 = arith.constant 7 : i32
      %get3A_3083 = arith.index_cast %get3A_3082 : i32 to index
      %get3A_3084 = arith.index_cast %mul3A_3081 : i32 to index
      %get3A_3085 = tpu.vector_load %arg8[%get3A_3083, %get3A_3084] {strides = array<i32>} : memref<10x128xi32, #tpu.memory_space<vmem>>, vector<1x16xi32>,
      %get3A_3086 = vector.shape_cast %get3A_3085 : vector<1x16xi32> to vector<16xi32>
      %add3A_3087 = arith.constant 1792 : i32
      %add3A_3088 = vector.broadcast %add3A_3087 : i32 to vector<16xi32>
      %add3A_3089 = arith.addi %get3A_3086, %add3A_3088 : vector<16xi32>
      %swap3A_3090 = arith.constant 7 : i32
      %swap3A_3091 = arith.index_cast %swap3A_3090 : i32 to index
      %swap3A_3092 = arith.index_cast %mul3A_3081 : i32 to index
      %swap3A_3093 = tpu.vector_load %arg9[%swap3A_3091, %swap3A_3092] {strides = array<i32>} : memref<10x128xi32, #tpu.memory_space<vmem>>, vector<1x16xi32>,
      %swap3A_3094 = vector.shape_cast %swap3A_3093 : vector<1x16xi32> to vector<16xi32>
      %swap3A_3095 = vector.shape_cast %add3A_3089 : vector<16xi32> to vector<1x16xi32>
      tpu.vector_store %arg9[%swap3A_3091, %swap3A_3092], %swap3A_3095 {strides = array<i32>} : memref<10x128xi32, #tpu.memory_space<vmem>>, vector<1x16xi32>,
      %scan3A_3096 = arith.constant 5 : i32
      %mul3A_3097 = arith.constant 16 : i32
      %mul3A_3098 = arith.muli %scan3A_3096, %mul3A_3097 : i32
      %get3A_3099 = arith.constant 7 : i32
      %get3A_3100 = arith.index_cast %get3A_3099 : i32 to index
      %get3A_3101 = arith.index_cast %mul3A_3098 : i32 to index
      %get3A_3102 = tpu.vector_load %arg8[%get3A_3100, %get3A_3101] {strides = array<i32>} : memref<10x128xi32, #tpu.memory_space<vmem>>, vector<1x16xi32>,
      %get3A_3103 = vector.shape_cast %get3A_3102 : vector<1x16xi32> to vector<16xi32>
      %add3A_3104 = arith.constant 1792 : i32
      %add3A_3105 = vector.broadcast %add3A_3104 : i32 to vector<16xi32>
      %add3A_3106 = arith.addi %get3A_3103, %add3A_3105 : vector<16xi32>
      %swap3A_3107 = arith.constant 7 : i32
      %swap3A_3108 = arith.index_cast %swap3A_3107 : i32 to index
      %swap3A_3109 = arith.index_cast %mul3A_3098 : i32 to index
      %swap3A_3110 = tpu.vector_load %arg9[%swap3A_3108, %swap3A_3109] {strides = array<i32>} : memref<10x128xi32, #tpu.memory_space<vmem>>, vector<1x16xi32>,
      %swap3A_3111 = vector.shape_cast %swap3A_3110 : vector<1x16xi32> to vector<16xi32>
      %swap3A_3112 = vector.shape_cast %add3A_3106 : vector<16xi32> to vector<1x16xi32>
      tpu.vector_store %arg9[%swap3A_3108, %swap3A_3109], %swap3A_3112 {strides = array<i32>} : memref<10x128xi32, #tpu.memory_space<vmem>>, vector<1x16xi32>,
      %scan3A_3113 = arith.constant 6 : i32
      %mul3A_3114 = arith.constant 16 : i32
      %mul3A_3115 = arith.muli %scan3A_3113, %mul3A_3114 : i32
      %get3A_3116 = arith.constant 7 : i32
      %get3A_3117 = arith.index_cast %get3A_3116 : i32 to index
      %get3A_3118 = arith.index_cast %mul3A_3115 : i32 to index
      %get3A_3119 = tpu.vector_load %arg8[%get3A_3117, %get3A_3118] {strides = array<i32>} : memref<10x128xi32, #tpu.memory_space<vmem>>, vector<1x16xi32>,
      %get3A_3120 = vector.shape_cast %get3A_3119 : vector<1x16xi32> to vector<16xi32>
      %add3A_3121 = arith.constant 1792 : i32
      %add3A_3122 = vector.broadcast %add3A_3121 : i32 to vector<16xi32>
      %add3A_3123 = arith.addi %get3A_3120, %add3A_3122 : vector<16xi32>
      %swap3A_3124 = arith.constant 7 : i32
      %swap3A_3125 = arith.index_cast %swap3A_3124 : i32 to index
      %swap3A_3126 = arith.index_cast %mul3A_3115 : i32 to index
      %swap3A_3127 = tpu.vector_load %arg9[%swap3A_3125, %swap3A_3126] {strides = array<i32>} : memref<10x128xi32, #tpu.memory_space<vmem>>, vector<1x16xi32>,
      %swap3A_3128 = vector.shape_cast %swap3A_3127 : vector<1x16xi32> to vector<16xi32>
      %swap3A_3129 = vector.shape_cast %add3A_3123 : vector<16xi32> to vector<1x16xi32>
      tpu.vector_store %arg9[%swap3A_3125, %swap3A_3126], %swap3A_3129 {strides = array<i32>} : memref<10x128xi32, #tpu.memory_space<vmem>>, vector<1x16xi32>,
      %scan3A_3130 = arith.constant 7 : i32
      %mul3A_3131 = arith.constant 16 : i32
      %mul3A_3132 = arith.muli %scan3A_3130, %mul3A_3131 : i32
      %get3A_3133 = arith.constant 7 : i32
      %get3A_3134 = arith.index_cast %get3A_3133 : i32 to index
      %get3A_3135 = arith.index_cast %mul3A_3132 : i32 to index
      %get3A_3136 = tpu.vector_load %arg8[%get3A_3134, %get3A_3135] {strides = array<i32>} : memref<10x128xi32, #tpu.memory_space<vmem>>, vector<1x16xi32>,
      %get3A_3137 = vector.shape_cast %get3A_3136 : vector<1x16xi32> to vector<16xi32>
      %add3A_3138 = arith.constant 1792 : i32
      %add3A_3139 = vector.broadcast %add3A_3138 : i32 to vector<16xi32>
      %add3A_3140 = arith.addi %get3A_3137, %add3A_3139 : vector<16xi32>
      %swap3A_3141 = arith.constant 7 : i32
      %swap3A_3142 = arith.index_cast %swap3A_3141 : i32 to index
      %swap3A_3143 = arith.index_cast %mul3A_3132 : i32 to index
      %swap3A_3144 = tpu.vector_load %arg9[%swap3A_3142, %swap3A_3143] {strides = array<i32>} : memref<10x128xi32, #tpu.memory_space<vmem>>, vector<1x16xi32>,
      %swap3A_3145 = vector.shape_cast %swap3A_3144 : vector<1x16xi32> to vector<16xi32>
      %swap3A_3146 = vector.shape_cast %add3A_3140 : vector<16xi32> to vector<1x16xi32>
      tpu.vector_store %arg9[%swap3A_3142, %swap3A_3143], %swap3A_3146 {strides = array<i32>} : memref<10x128xi32, #tpu.memory_space<vmem>>, vector<1x16xi32>,
      %scan3A_3147 = arith.constant 8 : i32
      %scan3A_3148 = arith.constant 0 : i32
      %scan3A_3149 = arith.constant 0 : i32
      %mul3A_3150 = arith.constant 16 : i32
      %mul3A_3151 = arith.muli %scan3A_3149, %mul3A_3150 : i32
      %get3A_3152 = arith.constant 8 : i32
      %get3A_3153 = arith.index_cast %get3A_3152 : i32 to index
      %get3A_3154 = arith.index_cast %mul3A_3151 : i32 to index
      %get3A_3155 = tpu.vector_load %arg8[%get3A_3153, %get3A_3154] {strides = array<i32>} : memref<10x128xi32, #tpu.memory_space<vmem>>, vector<1x16xi32>,
      %get3A_3156 = vector.shape_cast %get3A_3155 : vector<1x16xi32> to vector<16xi32>
      %add3A_3157 = arith.constant 2048 : i32
      %add3A_3158 = vector.broadcast %add3A_3157 : i32 to vector<16xi32>
      %add3A_3159 = arith.addi %get3A_3156, %add3A_3158 : vector<16xi32>
      %swap3A_3160 = arith.constant 8 : i32
      %swap3A_3161 = arith.index_cast %swap3A_3160 : i32 to index
      %swap3A_3162 = arith.index_cast %mul3A_3151 : i32 to index
      %swap3A_3163 = tpu.vector_load %arg9[%swap3A_3161, %swap3A_3162] {strides = array<i32>} : memref<10x128xi32, #tpu.memory_space<vmem>>, vector<1x16xi32>,
      %swap3A_3164 = vector.shape_cast %swap3A_3163 : vector<1x16xi32> to vector<16xi32>
      %swap3A_3165 = vector.shape_cast %add3A_3159 : vector<16xi32> to vector<1x16xi32>
      tpu.vector_store %arg9[%swap3A_3161, %swap3A_3162], %swap3A_3165 {strides = array<i32>} : memref<10x128xi32, #tpu.memory_space<vmem>>, vector<1x16xi32>,
      %scan3A_3166 = arith.constant 1 : i32
      %mul3A_3167 = arith.constant 16 : i32
      %mul3A_3168 = arith.muli %scan3A_3166, %mul3A_3167 : i32
      %get3A_3169 = arith.constant 8 : i32
      %get3A_3170 = arith.index_cast %get3A_3169 : i32 to index
      %get3A_3171 = arith.index_cast %mul3A_3168 : i32 to index
      %get3A_3172 = tpu.vector_load %arg8[%get3A_3170, %get3A_3171] {strides = array<i32>} : memref<10x128xi32, #tpu.memory_space<vmem>>, vector<1x16xi32>,
      %get3A_3173 = vector.shape_cast %get3A_3172 : vector<1x16xi32> to vector<16xi32>
      %add3A_3174 = arith.constant 2048 : i32
      %add3A_3175 = vector.broadcast %add3A_3174 : i32 to vector<16xi32>
      %add3A_3176 = arith.addi %get3A_3173, %add3A_3175 : vector<16xi32>
      %swap3A_3177 = arith.constant 8 : i32
      %swap3A_3178 = arith.index_cast %swap3A_3177 : i32 to index
      %swap3A_3179 = arith.index_cast %mul3A_3168 : i32 to index
      %swap3A_3180 = tpu.vector_load %arg9[%swap3A_3178, %swap3A_3179] {strides = array<i32>} : memref<10x128xi32, #tpu.memory_space<vmem>>, vector<1x16xi32>,
      %swap3A_3181 = vector.shape_cast %swap3A_3180 : vector<1x16xi32> to vector<16xi32>
      %swap3A_3182 = vector.shape_cast %add3A_3176 : vector<16xi32> to vector<1x16xi32>
      tpu.vector_store %arg9[%swap3A_3178, %swap3A_3179], %swap3A_3182 {strides = array<i32>} : memref<10x128xi32, #tpu.memory_space<vmem>>, vector<1x16xi32>,
      %scan3A_3183 = arith.constant 2 : i32
      %mul3A_3184 = arith.constant 16 : i32
      %mul3A_3185 = arith.muli %scan3A_3183, %mul3A_3184 : i32
      %get3A_3186 = arith.constant 8 : i32
      %get3A_3187 = arith.index_cast %get3A_3186 : i32 to index
      %get3A_3188 = arith.index_cast %mul3A_3185 : i32 to index
      %get3A_3189 = tpu.vector_load %arg8[%get3A_3187, %get3A_3188] {strides = array<i32>} : memref<10x128xi32, #tpu.memory_space<vmem>>, vector<1x16xi32>,
      %get3A_3190 = vector.shape_cast %get3A_3189 : vector<1x16xi32> to vector<16xi32>
      %add3A_3191 = arith.constant 2048 : i32
      %add3A_3192 = vector.broadcast %add3A_3191 : i32 to vector<16xi32>
      %add3A_3193 = arith.addi %get3A_3190, %add3A_3192 : vector<16xi32>
      %swap3A_3194 = arith.constant 8 : i32
      %swap3A_3195 = arith.index_cast %swap3A_3194 : i32 to index
      %swap3A_3196 = arith.index_cast %mul3A_3185 : i32 to index
      %swap3A_3197 = tpu.vector_load %arg9[%swap3A_3195, %swap3A_3196] {strides = array<i32>} : memref<10x128xi32, #tpu.memory_space<vmem>>, vector<1x16xi32>,
      %swap3A_3198 = vector.shape_cast %swap3A_3197 : vector<1x16xi32> to vector<16xi32>
      %swap3A_3199 = vector.shape_cast %add3A_3193 : vector<16xi32> to vector<1x16xi32>
      tpu.vector_store %arg9[%swap3A_3195, %swap3A_3196], %swap3A_3199 {strides = array<i32>} : memref<10x128xi32, #tpu.memory_space<vmem>>, vector<1x16xi32>,
      %scan3A_3200 = arith.constant 3 : i32
      %mul3A_3201 = arith.constant 16 : i32
      %mul3A_3202 = arith.muli %scan3A_3200, %mul3A_3201 : i32
      %get3A_3203 = arith.constant 8 : i32
      %get3A_3204 = arith.index_cast %get3A_3203 : i32 to index
      %get3A_3205 = arith.index_cast %mul3A_3202 : i32 to index
      %get3A_3206 = tpu.vector_load %arg8[%get3A_3204, %get3A_3205] {strides = array<i32>} : memref<10x128xi32, #tpu.memory_space<vmem>>, vector<1x16xi32>,
      %get3A_3207 = vector.shape_cast %get3A_3206 : vector<1x16xi32> to vector<16xi32>
      %add3A_3208 = arith.constant 2048 : i32
      %add3A_3209 = vector.broadcast %add3A_3208 : i32 to vector<16xi32>
      %add3A_3210 = arith.addi %get3A_3207, %add3A_3209 : vector<16xi32>
      %swap3A_3211 = arith.constant 8 : i32
      %swap3A_3212 = arith.index_cast %swap3A_3211 : i32 to index
      %swap3A_3213 = arith.index_cast %mul3A_3202 : i32 to index
      %swap3A_3214 = tpu.vector_load %arg9[%swap3A_3212, %swap3A_3213] {strides = array<i32>} : memref<10x128xi32, #tpu.memory_space<vmem>>, vector<1x16xi32>,
      %swap3A_3215 = vector.shape_cast %swap3A_3214 : vector<1x16xi32> to vector<16xi32>
      %swap3A_3216 = vector.shape_cast %add3A_3210 : vector<16xi32> to vector<1x16xi32>
      tpu.vector_store %arg9[%swap3A_3212, %swap3A_3213], %swap3A_3216 {strides = array<i32>} : memref<10x128xi32, #tpu.memory_space<vmem>>, vector<1x16xi32>,
      %scan3A_3217 = arith.constant 4 : i32
      %mul3A_3218 = arith.constant 16 : i32
      %mul3A_3219 = arith.muli %scan3A_3217, %mul3A_3218 : i32
      %get3A_3220 = arith.constant 8 : i32
      %get3A_3221 = arith.index_cast %get3A_3220 : i32 to index
      %get3A_3222 = arith.index_cast %mul3A_3219 : i32 to index
      %get3A_3223 = tpu.vector_load %arg8[%get3A_3221, %get3A_3222] {strides = array<i32>} : memref<10x128xi32, #tpu.memory_space<vmem>>, vector<1x16xi32>,
      %get3A_3224 = vector.shape_cast %get3A_3223 : vector<1x16xi32> to vector<16xi32>
      %add3A_3225 = arith.constant 2048 : i32
      %add3A_3226 = vector.broadcast %add3A_3225 : i32 to vector<16xi32>
      %add3A_3227 = arith.addi %get3A_3224, %add3A_3226 : vector<16xi32>
      %swap3A_3228 = arith.constant 8 : i32
      %swap3A_3229 = arith.index_cast %swap3A_3228 : i32 to index
      %swap3A_3230 = arith.index_cast %mul3A_3219 : i32 to index
      %swap3A_3231 = tpu.vector_load %arg9[%swap3A_3229, %swap3A_3230] {strides = array<i32>} : memref<10x128xi32, #tpu.memory_space<vmem>>, vector<1x16xi32>,
      %swap3A_3232 = vector.shape_cast %swap3A_3231 : vector<1x16xi32> to vector<16xi32>
      %swap3A_3233 = vector.shape_cast %add3A_3227 : vector<16xi32> to vector<1x16xi32>
      tpu.vector_store %arg9[%swap3A_3229, %swap3A_3230], %swap3A_3233 {strides = array<i32>} : memref<10x128xi32, #tpu.memory_space<vmem>>, vector<1x16xi32>,
      %scan3A_3234 = arith.constant 5 : i32
      %mul3A_3235 = arith.constant 16 : i32
      %mul3A_3236 = arith.muli %scan3A_3234, %mul3A_3235 : i32
      %get3A_3237 = arith.constant 8 : i32
      %get3A_3238 = arith.index_cast %get3A_3237 : i32 to index
      %get3A_3239 = arith.index_cast %mul3A_3236 : i32 to index
      %get3A_3240 = tpu.vector_load %arg8[%get3A_3238, %get3A_3239] {strides = array<i32>} : memref<10x128xi32, #tpu.memory_space<vmem>>, vector<1x16xi32>,
      %get3A_3241 = vector.shape_cast %get3A_3240 : vector<1x16xi32> to vector<16xi32>
      %add3A_3242 = arith.constant 2048 : i32
      %add3A_3243 = vector.broadcast %add3A_3242 : i32 to vector<16xi32>
      %add3A_3244 = arith.addi %get3A_3241, %add3A_3243 : vector<16xi32>
      %swap3A_3245 = arith.constant 8 : i32
      %swap3A_3246 = arith.index_cast %swap3A_3245 : i32 to index
      %swap3A_3247 = arith.index_cast %mul3A_3236 : i32 to index
      %swap3A_3248 = tpu.vector_load %arg9[%swap3A_3246, %swap3A_3247] {strides = array<i32>} : memref<10x128xi32, #tpu.memory_space<vmem>>, vector<1x16xi32>,
      %swap3A_3249 = vector.shape_cast %swap3A_3248 : vector<1x16xi32> to vector<16xi32>
      %swap3A_3250 = vector.shape_cast %add3A_3244 : vector<16xi32> to vector<1x16xi32>
      tpu.vector_store %arg9[%swap3A_3246, %swap3A_3247], %swap3A_3250 {strides = array<i32>} : memref<10x128xi32, #tpu.memory_space<vmem>>, vector<1x16xi32>,
      %scan3A_3251 = arith.constant 6 : i32
      %mul3A_3252 = arith.constant 16 : i32
      %mul3A_3253 = arith.muli %scan3A_3251, %mul3A_3252 : i32
      %get3A_3254 = arith.constant 8 : i32
      %get3A_3255 = arith.index_cast %get3A_3254 : i32 to index
      %get3A_3256 = arith.index_cast %mul3A_3253 : i32 to index
      %get3A_3257 = tpu.vector_load %arg8[%get3A_3255, %get3A_3256] {strides = array<i32>} : memref<10x128xi32, #tpu.memory_space<vmem>>, vector<1x16xi32>,
      %get3A_3258 = vector.shape_cast %get3A_3257 : vector<1x16xi32> to vector<16xi32>
      %add3A_3259 = arith.constant 2048 : i32
      %add3A_3260 = vector.broadcast %add3A_3259 : i32 to vector<16xi32>
      %add3A_3261 = arith.addi %get3A_3258, %add3A_3260 : vector<16xi32>
      %swap3A_3262 = arith.constant 8 : i32
      %swap3A_3263 = arith.index_cast %swap3A_3262 : i32 to index
      %swap3A_3264 = arith.index_cast %mul3A_3253 : i32 to index
      %swap3A_3265 = tpu.vector_load %arg9[%swap3A_3263, %swap3A_3264] {strides = array<i32>} : memref<10x128xi32, #tpu.memory_space<vmem>>, vector<1x16xi32>,
      %swap3A_3266 = vector.shape_cast %swap3A_3265 : vector<1x16xi32> to vector<16xi32>
      %swap3A_3267 = vector.shape_cast %add3A_3261 : vector<16xi32> to vector<1x16xi32>
      tpu.vector_store %arg9[%swap3A_3263, %swap3A_3264], %swap3A_3267 {strides = array<i32>} : memref<10x128xi32, #tpu.memory_space<vmem>>, vector<1x16xi32>,
      %scan3A_3268 = arith.constant 7 : i32
      %mul3A_3269 = arith.constant 16 : i32
      %mul3A_3270 = arith.muli %scan3A_3268, %mul3A_3269 : i32
      %get3A_3271 = arith.constant 8 : i32
      %get3A_3272 = arith.index_cast %get3A_3271 : i32 to index
      %get3A_3273 = arith.index_cast %mul3A_3270 : i32 to index
      %get3A_3274 = tpu.vector_load %arg8[%get3A_3272, %get3A_3273] {strides = array<i32>} : memref<10x128xi32, #tpu.memory_space<vmem>>, vector<1x16xi32>,
      %get3A_3275 = vector.shape_cast %get3A_3274 : vector<1x16xi32> to vector<16xi32>
      %add3A_3276 = arith.constant 2048 : i32
      %add3A_3277 = vector.broadcast %add3A_3276 : i32 to vector<16xi32>
      %add3A_3278 = arith.addi %get3A_3275, %add3A_3277 : vector<16xi32>
      %swap3A_3279 = arith.constant 8 : i32
      %swap3A_3280 = arith.index_cast %swap3A_3279 : i32 to index
      %swap3A_3281 = arith.index_cast %mul3A_3270 : i32 to index
      %swap3A_3282 = tpu.vector_load %arg9[%swap3A_3280, %swap3A_3281] {strides = array<i32>} : memref<10x128xi32, #tpu.memory_space<vmem>>, vector<1x16xi32>,
      %swap3A_3283 = vector.shape_cast %swap3A_3282 : vector<1x16xi32> to vector<16xi32>
      %swap3A_3284 = vector.shape_cast %add3A_3278 : vector<16xi32> to vector<1x16xi32>
      tpu.vector_store %arg9[%swap3A_3280, %swap3A_3281], %swap3A_3284 {strides = array<i32>} : memref<10x128xi32, #tpu.memory_space<vmem>>, vector<1x16xi32>,
      %scan3A_3285 = arith.constant 8 : i32
      %scan3A_3286 = arith.constant 0 : i32
      %scan3A_3287 = arith.constant 0 : i32
      %mul3A_3288 = arith.constant 16 : i32
      %mul3A_3289 = arith.muli %scan3A_3287, %mul3A_3288 : i32
      %get3A_3290 = arith.constant 9 : i32
      %get3A_3291 = arith.index_cast %get3A_3290 : i32 to index
      %get3A_3292 = arith.index_cast %mul3A_3289 : i32 to index
      %get3A_3293 = tpu.vector_load %arg8[%get3A_3291, %get3A_3292] {strides = array<i32>} : memref<10x128xi32, #tpu.memory_space<vmem>>, vector<1x16xi32>,
      %get3A_3294 = vector.shape_cast %get3A_3293 : vector<1x16xi32> to vector<16xi32>
      %add3A_3295 = arith.constant 2304 : i32
      %add3A_3296 = vector.broadcast %add3A_3295 : i32 to vector<16xi32>
      %add3A_3297 = arith.addi %get3A_3294, %add3A_3296 : vector<16xi32>
      %swap3A_3298 = arith.constant 9 : i32
      %swap3A_3299 = arith.index_cast %swap3A_3298 : i32 to index
      %swap3A_3300 = arith.index_cast %mul3A_3289 : i32 to index
      %swap3A_3301 = tpu.vector_load %arg9[%swap3A_3299, %swap3A_3300] {strides = array<i32>} : memref<10x128xi32, #tpu.memory_space<vmem>>, vector<1x16xi32>,
      %swap3A_3302 = vector.shape_cast %swap3A_3301 : vector<1x16xi32> to vector<16xi32>
      %swap3A_3303 = vector.shape_cast %add3A_3297 : vector<16xi32> to vector<1x16xi32>
      tpu.vector_store %arg9[%swap3A_3299, %swap3A_3300], %swap3A_3303 {strides = array<i32>} : memref<10x128xi32, #tpu.memory_space<vmem>>, vector<1x16xi32>,
      %scan3A_3304 = arith.constant 1 : i32
      %mul3A_3305 = arith.constant 16 : i32
      %mul3A_3306 = arith.muli %scan3A_3304, %mul3A_3305 : i32
      %get3A_3307 = arith.constant 9 : i32
      %get3A_3308 = arith.index_cast %get3A_3307 : i32 to index
      %get3A_3309 = arith.index_cast %mul3A_3306 : i32 to index
      %get3A_3310 = tpu.vector_load %arg8[%get3A_3308, %get3A_3309] {strides = array<i32>} : memref<10x128xi32, #tpu.memory_space<vmem>>, vector<1x16xi32>,
      %get3A_3311 = vector.shape_cast %get3A_3310 : vector<1x16xi32> to vector<16xi32>
      %add3A_3312 = arith.constant 2304 : i32
      %add3A_3313 = vector.broadcast %add3A_3312 : i32 to vector<16xi32>
      %add3A_3314 = arith.addi %get3A_3311, %add3A_3313 : vector<16xi32>
      %swap3A_3315 = arith.constant 9 : i32
      %swap3A_3316 = arith.index_cast %swap3A_3315 : i32 to index
      %swap3A_3317 = arith.index_cast %mul3A_3306 : i32 to index
      %swap3A_3318 = tpu.vector_load %arg9[%swap3A_3316, %swap3A_3317] {strides = array<i32>} : memref<10x128xi32, #tpu.memory_space<vmem>>, vector<1x16xi32>,
      %swap3A_3319 = vector.shape_cast %swap3A_3318 : vector<1x16xi32> to vector<16xi32>
      %swap3A_3320 = vector.shape_cast %add3A_3314 : vector<16xi32> to vector<1x16xi32>
      tpu.vector_store %arg9[%swap3A_3316, %swap3A_3317], %swap3A_3320 {strides = array<i32>} : memref<10x128xi32, #tpu.memory_space<vmem>>, vector<1x16xi32>,
      %scan3A_3321 = arith.constant 2 : i32
      %mul3A_3322 = arith.constant 16 : i32
      %mul3A_3323 = arith.muli %scan3A_3321, %mul3A_3322 : i32
      %get3A_3324 = arith.constant 9 : i32
      %get3A_3325 = arith.index_cast %get3A_3324 : i32 to index
      %get3A_3326 = arith.index_cast %mul3A_3323 : i32 to index
      %get3A_3327 = tpu.vector_load %arg8[%get3A_3325, %get3A_3326] {strides = array<i32>} : memref<10x128xi32, #tpu.memory_space<vmem>>, vector<1x16xi32>,
      %get3A_3328 = vector.shape_cast %get3A_3327 : vector<1x16xi32> to vector<16xi32>
      %add3A_3329 = arith.constant 2304 : i32
      %add3A_3330 = vector.broadcast %add3A_3329 : i32 to vector<16xi32>
      %add3A_3331 = arith.addi %get3A_3328, %add3A_3330 : vector<16xi32>
      %swap3A_3332 = arith.constant 9 : i32
      %swap3A_3333 = arith.index_cast %swap3A_3332 : i32 to index
      %swap3A_3334 = arith.index_cast %mul3A_3323 : i32 to index
      %swap3A_3335 = tpu.vector_load %arg9[%swap3A_3333, %swap3A_3334] {strides = array<i32>} : memref<10x128xi32, #tpu.memory_space<vmem>>, vector<1x16xi32>,
      %swap3A_3336 = vector.shape_cast %swap3A_3335 : vector<1x16xi32> to vector<16xi32>
      %swap3A_3337 = vector.shape_cast %add3A_3331 : vector<16xi32> to vector<1x16xi32>
      tpu.vector_store %arg9[%swap3A_3333, %swap3A_3334], %swap3A_3337 {strides = array<i32>} : memref<10x128xi32, #tpu.memory_space<vmem>>, vector<1x16xi32>,
      %scan3A_3338 = arith.constant 3 : i32
      %mul3A_3339 = arith.constant 16 : i32
      %mul3A_3340 = arith.muli %scan3A_3338, %mul3A_3339 : i32
      %get3A_3341 = arith.constant 9 : i32
      %get3A_3342 = arith.index_cast %get3A_3341 : i32 to index
      %get3A_3343 = arith.index_cast %mul3A_3340 : i32 to index
      %get3A_3344 = tpu.vector_load %arg8[%get3A_3342, %get3A_3343] {strides = array<i32>} : memref<10x128xi32, #tpu.memory_space<vmem>>, vector<1x16xi32>,
      %get3A_3345 = vector.shape_cast %get3A_3344 : vector<1x16xi32> to vector<16xi32>
      %add3A_3346 = arith.constant 2304 : i32
      %add3A_3347 = vector.broadcast %add3A_3346 : i32 to vector<16xi32>
      %add3A_3348 = arith.addi %get3A_3345, %add3A_3347 : vector<16xi32>
      %swap3A_3349 = arith.constant 9 : i32
      %swap3A_3350 = arith.index_cast %swap3A_3349 : i32 to index
      %swap3A_3351 = arith.index_cast %mul3A_3340 : i32 to index
      %swap3A_3352 = tpu.vector_load %arg9[%swap3A_3350, %swap3A_3351] {strides = array<i32>} : memref<10x128xi32, #tpu.memory_space<vmem>>, vector<1x16xi32>,
      %swap3A_3353 = vector.shape_cast %swap3A_3352 : vector<1x16xi32> to vector<16xi32>
      %swap3A_3354 = vector.shape_cast %add3A_3348 : vector<16xi32> to vector<1x16xi32>
      tpu.vector_store %arg9[%swap3A_3350, %swap3A_3351], %swap3A_3354 {strides = array<i32>} : memref<10x128xi32, #tpu.memory_space<vmem>>, vector<1x16xi32>,
      %scan3A_3355 = arith.constant 4 : i32
      %mul3A_3356 = arith.constant 16 : i32
      %mul3A_3357 = arith.muli %scan3A_3355, %mul3A_3356 : i32
      %get3A_3358 = arith.constant 9 : i32
      %get3A_3359 = arith.index_cast %get3A_3358 : i32 to index
      %get3A_3360 = arith.index_cast %mul3A_3357 : i32 to index
      %get3A_3361 = tpu.vector_load %arg8[%get3A_3359, %get3A_3360] {strides = array<i32>} : memref<10x128xi32, #tpu.memory_space<vmem>>, vector<1x16xi32>,
      %get3A_3362 = vector.shape_cast %get3A_3361 : vector<1x16xi32> to vector<16xi32>
      %add3A_3363 = arith.constant 2304 : i32
      %add3A_3364 = vector.broadcast %add3A_3363 : i32 to vector<16xi32>
      %add3A_3365 = arith.addi %get3A_3362, %add3A_3364 : vector<16xi32>
      %swap3A_3366 = arith.constant 9 : i32
      %swap3A_3367 = arith.index_cast %swap3A_3366 : i32 to index
      %swap3A_3368 = arith.index_cast %mul3A_3357 : i32 to index
      %swap3A_3369 = tpu.vector_load %arg9[%swap3A_3367, %swap3A_3368] {strides = array<i32>} : memref<10x128xi32, #tpu.memory_space<vmem>>, vector<1x16xi32>,
      %swap3A_3370 = vector.shape_cast %swap3A_3369 : vector<1x16xi32> to vector<16xi32>
      %swap3A_3371 = vector.shape_cast %add3A_3365 : vector<16xi32> to vector<1x16xi32>
      tpu.vector_store %arg9[%swap3A_3367, %swap3A_3368], %swap3A_3371 {strides = array<i32>} : memref<10x128xi32, #tpu.memory_space<vmem>>, vector<1x16xi32>,
      %scan3A_3372 = arith.constant 5 : i32
      %mul3A_3373 = arith.constant 16 : i32
      %mul3A_3374 = arith.muli %scan3A_3372, %mul3A_3373 : i32
      %get3A_3375 = arith.constant 9 : i32
      %get3A_3376 = arith.index_cast %get3A_3375 : i32 to index
      %get3A_3377 = arith.index_cast %mul3A_3374 : i32 to index
      %get3A_3378 = tpu.vector_load %arg8[%get3A_3376, %get3A_3377] {strides = array<i32>} : memref<10x128xi32, #tpu.memory_space<vmem>>, vector<1x16xi32>,
      %get3A_3379 = vector.shape_cast %get3A_3378 : vector<1x16xi32> to vector<16xi32>
      %add3A_3380 = arith.constant 2304 : i32
      %add3A_3381 = vector.broadcast %add3A_3380 : i32 to vector<16xi32>
      %add3A_3382 = arith.addi %get3A_3379, %add3A_3381 : vector<16xi32>
      %swap3A_3383 = arith.constant 9 : i32
      %swap3A_3384 = arith.index_cast %swap3A_3383 : i32 to index
      %swap3A_3385 = arith.index_cast %mul3A_3374 : i32 to index
      %swap3A_3386 = tpu.vector_load %arg9[%swap3A_3384, %swap3A_3385] {strides = array<i32>} : memref<10x128xi32, #tpu.memory_space<vmem>>, vector<1x16xi32>,
      %swap3A_3387 = vector.shape_cast %swap3A_3386 : vector<1x16xi32> to vector<16xi32>
      %swap3A_3388 = vector.shape_cast %add3A_3382 : vector<16xi32> to vector<1x16xi32>
      tpu.vector_store %arg9[%swap3A_3384, %swap3A_3385], %swap3A_3388 {strides = array<i32>} : memref<10x128xi32, #tpu.memory_space<vmem>>, vector<1x16xi32>,
      %scan3A_3389 = arith.constant 6 : i32
      %mul3A_3390 = arith.constant 16 : i32
      %mul3A_3391 = arith.muli %scan3A_3389, %mul3A_3390 : i32
      %get3A_3392 = arith.constant 9 : i32
      %get3A_3393 = arith.index_cast %get3A_3392 : i32 to index
      %get3A_3394 = arith.index_cast %mul3A_3391 : i32 to index
      %get3A_3395 = tpu.vector_load %arg8[%get3A_3393, %get3A_3394] {strides = array<i32>} : memref<10x128xi32, #tpu.memory_space<vmem>>, vector<1x16xi32>,
      %get3A_3396 = vector.shape_cast %get3A_3395 : vector<1x16xi32> to vector<16xi32>
      %add3A_3397 = arith.constant 2304 : i32
      %add3A_3398 = vector.broadcast %add3A_3397 : i32 to vector<16xi32>
      %add3A_3399 = arith.addi %get3A_3396, %add3A_3398 : vector<16xi32>
      %swap3A_3400 = arith.constant 9 : i32
      %swap3A_3401 = arith.index_cast %swap3A_3400 : i32 to index
      %swap3A_3402 = arith.index_cast %mul3A_3391 : i32 to index
      %swap3A_3403 = tpu.vector_load %arg9[%swap3A_3401, %swap3A_3402] {strides = array<i32>} : memref<10x128xi32, #tpu.memory_space<vmem>>, vector<1x16xi32>,
      %swap3A_3404 = vector.shape_cast %swap3A_3403 : vector<1x16xi32> to vector<16xi32>
      %swap3A_3405 = vector.shape_cast %add3A_3399 : vector<16xi32> to vector<1x16xi32>
      tpu.vector_store %arg9[%swap3A_3401, %swap3A_3402], %swap3A_3405 {strides = array<i32>} : memref<10x128xi32, #tpu.memory_space<vmem>>, vector<1x16xi32>,
      %scan3A_3406 = arith.constant 7 : i32
      %mul3A_3407 = arith.constant 16 : i32
      %mul3A_3408 = arith.muli %scan3A_3406, %mul3A_3407 : i32
      %get3A_3409 = arith.constant 9 : i32
      %get3A_3410 = arith.index_cast %get3A_3409 : i32 to index
      %get3A_3411 = arith.index_cast %mul3A_3408 : i32 to index
      %get3A_3412 = tpu.vector_load %arg8[%get3A_3410, %get3A_3411] {strides = array<i32>} : memref<10x128xi32, #tpu.memory_space<vmem>>, vector<1x16xi32>,
      %get3A_3413 = vector.shape_cast %get3A_3412 : vector<1x16xi32> to vector<16xi32>
      %add3A_3414 = arith.constant 2304 : i32
      %add3A_3415 = vector.broadcast %add3A_3414 : i32 to vector<16xi32>
      %add3A_3416 = arith.addi %get3A_3413, %add3A_3415 : vector<16xi32>
      %swap3A_3417 = arith.constant 9 : i32
      %swap3A_3418 = arith.index_cast %swap3A_3417 : i32 to index
      %swap3A_3419 = arith.index_cast %mul3A_3408 : i32 to index
      %swap3A_3420 = tpu.vector_load %arg9[%swap3A_3418, %swap3A_3419] {strides = array<i32>} : memref<10x128xi32, #tpu.memory_space<vmem>>, vector<1x16xi32>,
      %swap3A_3421 = vector.shape_cast %swap3A_3420 : vector<1x16xi32> to vector<16xi32>
      %swap3A_3422 = vector.shape_cast %add3A_3416 : vector<16xi32> to vector<1x16xi32>
      tpu.vector_store %arg9[%swap3A_3418, %swap3A_3419], %swap3A_3422 {strides = array<i32>} : memref<10x128xi32, #tpu.memory_space<vmem>>, vector<1x16xi32>,
      %scan3A_3423 = arith.constant 8 : i32
      %gt3A = arith.constant 0 : i32
      %gt3A_3424 = arith.cmpi sgt, %scan3A_141, %gt3A : i32
      %convert_element_type3A_3425 = arith.extui %gt3A_3424 : i1 to i32
      %cond3A_3426 = arith.constant 0 : i32
      %cond3A_3427 = arith.cmpi ne, %convert_element_type3A_3425, %cond3A_3426 : i32
      scf.if %cond3A_3427 {
        %sub3A = arith.constant 128 : i32
        %sub3A_3798 = arith.subi %add3A_144, %sub3A : i32
        %dma_wait3A_3799 = arith.constant 0 : i32
        %dma_wait3A_3800 = arith.constant 0 : i32
        %dma_wait3A_3801 = arith.constant 0 : i32
        %dma_wait3A_3802 = tpu.memref_slice %arg10[%dma_wait3A_3799, %dma_wait3A_3800, %dma_wait3A_3801] : memref<10x128x32xf32, #tpu.memory_space<vmem>> -> memref<1x128x32xf32, #tpu.memory_space<vmem>>
        %dma_wait3A_3803 = tpu.memref_squeeze %dma_wait3A_3802 : memref<1x128x32xf32, #tpu.memory_space<vmem>> -> memref<128x32xf32, #tpu.memory_space<vmem>>
        %dma_wait3A_3804 = arith.constant 0 : i32
        %dma_wait3A_3805 = tpu.memref_slice %arg5[%sub3A_3798, %dma_wait3A_3804] : memref<204800x320xf32, #tpu.memory_space<hbm>> -> memref<128x32xf32, #tpu.memory_space<hbm>>
        %dma_wait3A_3806 = arith.constant 0 : i32
        %dma_wait3A_3807 = tpu.memref_slice %arg5[%sub3A_3798, %dma_wait3A_3806] : memref<204800x320xf32, #tpu.memory_space<hbm>> -> memref<128x32xf32, #tpu.memory_space<hbm>>
        %dma_wait3A_3808 = arith.constant 0 : i32
        %dma_wait3A_3809 = arith.constant 0 : i32
        %dma_wait3A_3810 = tpu.memref_slice %arg10[%dma_wait3A_3799, %dma_wait3A_3808, %dma_wait3A_3809] : memref<10x128x32xf32, #tpu.memory_space<vmem>> -> memref<1x128x32xf32, #tpu.memory_space<vmem>>
        %dma_wait3A_3811 = tpu.memref_squeeze %dma_wait3A_3810 : memref<1x128x32xf32, #tpu.memory_space<vmem>> -> memref<128x32xf32, #tpu.memory_space<vmem>>
        tpu.wait_dma2 semaphore(%arg15 : memref<!tpu.dma_semaphore, #tpu.memory_space<semaphore_mem>>) src(%dma_wait3A_3811 : memref<128x32xf32, #tpu.memory_space<vmem>>) dst(%dma_wait3A_3807 : memref<128x32xf32, #tpu.memory_space<hbm>>)
        %sub3A_3812 = arith.constant 128 : i32
        %sub3A_3813 = arith.subi %add3A_144, %sub3A_3812 : i32
        %dma_wait3A_3814 = arith.constant 1 : i32
        %dma_wait3A_3815 = arith.constant 0 : i32
        %dma_wait3A_3816 = arith.constant 0 : i32
        %dma_wait3A_3817 = tpu.memref_slice %arg10[%dma_wait3A_3814, %dma_wait3A_3815, %dma_wait3A_3816] : memref<10x128x32xf32, #tpu.memory_space<vmem>> -> memref<1x128x32xf32, #tpu.memory_space<vmem>>
        %dma_wait3A_3818 = tpu.memref_squeeze %dma_wait3A_3817 : memref<1x128x32xf32, #tpu.memory_space<vmem>> -> memref<128x32xf32, #tpu.memory_space<vmem>>
        %dma_wait3A_3819 = arith.constant 32 : i32
        %dma_wait3A_3820 = tpu.memref_slice %arg5[%sub3A_3813, %dma_wait3A_3819] : memref<204800x320xf32, #tpu.memory_space<hbm>> -> memref<128x32xf32, #tpu.memory_space<hbm>>
        %dma_wait3A_3821 = arith.constant 32 : i32
        %dma_wait3A_3822 = tpu.memref_slice %arg5[%sub3A_3813, %dma_wait3A_3821] : memref<204800x320xf32, #tpu.memory_space<hbm>> -> memref<128x32xf32, #tpu.memory_space<hbm>>
        %dma_wait3A_3823 = arith.constant 0 : i32
        %dma_wait3A_3824 = arith.constant 0 : i32
        %dma_wait3A_3825 = tpu.memref_slice %arg10[%dma_wait3A_3814, %dma_wait3A_3823, %dma_wait3A_3824] : memref<10x128x32xf32, #tpu.memory_space<vmem>> -> memref<1x128x32xf32, #tpu.memory_space<vmem>>
        %dma_wait3A_3826 = tpu.memref_squeeze %dma_wait3A_3825 : memref<1x128x32xf32, #tpu.memory_space<vmem>> -> memref<128x32xf32, #tpu.memory_space<vmem>>
        tpu.wait_dma2 semaphore(%arg15 : memref<!tpu.dma_semaphore, #tpu.memory_space<semaphore_mem>>) src(%dma_wait3A_3826 : memref<128x32xf32, #tpu.memory_space<vmem>>) dst(%dma_wait3A_3822 : memref<128x32xf32, #tpu.memory_space<hbm>>)
        %sub3A_3827 = arith.constant 128 : i32
        %sub3A_3828 = arith.subi %add3A_144, %sub3A_3827 : i32
        %dma_wait3A_3829 = arith.constant 2 : i32
        %dma_wait3A_3830 = arith.constant 0 : i32
        %dma_wait3A_3831 = arith.constant 0 : i32
        %dma_wait3A_3832 = tpu.memref_slice %arg10[%dma_wait3A_3829, %dma_wait3A_3830, %dma_wait3A_3831] : memref<10x128x32xf32, #tpu.memory_space<vmem>> -> memref<1x128x32xf32, #tpu.memory_space<vmem>>
        %dma_wait3A_3833 = tpu.memref_squeeze %dma_wait3A_3832 : memref<1x128x32xf32, #tpu.memory_space<vmem>> -> memref<128x32xf32, #tpu.memory_space<vmem>>
        %dma_wait3A_3834 = arith.constant 64 : i32
        %dma_wait3A_3835 = tpu.memref_slice %arg5[%sub3A_3828, %dma_wait3A_3834] : memref<204800x320xf32, #tpu.memory_space<hbm>> -> memref<128x32xf32, #tpu.memory_space<hbm>>
        %dma_wait3A_3836 = arith.constant 64 : i32
        %dma_wait3A_3837 = tpu.memref_slice %arg5[%sub3A_3828, %dma_wait3A_3836] : memref<204800x320xf32, #tpu.memory_space<hbm>> -> memref<128x32xf32, #tpu.memory_space<hbm>>
        %dma_wait3A_3838 = arith.constant 0 : i32
        %dma_wait3A_3839 = arith.constant 0 : i32
        %dma_wait3A_3840 = tpu.memref_slice %arg10[%dma_wait3A_3829, %dma_wait3A_3838, %dma_wait3A_3839] : memref<10x128x32xf32, #tpu.memory_space<vmem>> -> memref<1x128x32xf32, #tpu.memory_space<vmem>>
        %dma_wait3A_3841 = tpu.memref_squeeze %dma_wait3A_3840 : memref<1x128x32xf32, #tpu.memory_space<vmem>> -> memref<128x32xf32, #tpu.memory_space<vmem>>
        tpu.wait_dma2 semaphore(%arg15 : memref<!tpu.dma_semaphore, #tpu.memory_space<semaphore_mem>>) src(%dma_wait3A_3841 : memref<128x32xf32, #tpu.memory_space<vmem>>) dst(%dma_wait3A_3837 : memref<128x32xf32, #tpu.memory_space<hbm>>)
        %sub3A_3842 = arith.constant 128 : i32
        %sub3A_3843 = arith.subi %add3A_144, %sub3A_3842 : i32
        %dma_wait3A_3844 = arith.constant 3 : i32
        %dma_wait3A_3845 = arith.constant 0 : i32
        %dma_wait3A_3846 = arith.constant 0 : i32
        %dma_wait3A_3847 = tpu.memref_slice %arg10[%dma_wait3A_3844, %dma_wait3A_3845, %dma_wait3A_3846] : memref<10x128x32xf32, #tpu.memory_space<vmem>> -> memref<1x128x32xf32, #tpu.memory_space<vmem>>
        %dma_wait3A_3848 = tpu.memref_squeeze %dma_wait3A_3847 : memref<1x128x32xf32, #tpu.memory_space<vmem>> -> memref<128x32xf32, #tpu.memory_space<vmem>>
        %dma_wait3A_3849 = arith.constant 96 : i32
        %dma_wait3A_3850 = tpu.memref_slice %arg5[%sub3A_3843, %dma_wait3A_3849] : memref<204800x320xf32, #tpu.memory_space<hbm>> -> memref<128x32xf32, #tpu.memory_space<hbm>>
        %dma_wait3A_3851 = arith.constant 96 : i32
        %dma_wait3A_3852 = tpu.memref_slice %arg5[%sub3A_3843, %dma_wait3A_3851] : memref<204800x320xf32, #tpu.memory_space<hbm>> -> memref<128x32xf32, #tpu.memory_space<hbm>>
        %dma_wait3A_3853 = arith.constant 0 : i32
        %dma_wait3A_3854 = arith.constant 0 : i32
        %dma_wait3A_3855 = tpu.memref_slice %arg10[%dma_wait3A_3844, %dma_wait3A_3853, %dma_wait3A_3854] : memref<10x128x32xf32, #tpu.memory_space<vmem>> -> memref<1x128x32xf32, #tpu.memory_space<vmem>>
        %dma_wait3A_3856 = tpu.memref_squeeze %dma_wait3A_3855 : memref<1x128x32xf32, #tpu.memory_space<vmem>> -> memref<128x32xf32, #tpu.memory_space<vmem>>
        tpu.wait_dma2 semaphore(%arg15 : memref<!tpu.dma_semaphore, #tpu.memory_space<semaphore_mem>>) src(%dma_wait3A_3856 : memref<128x32xf32, #tpu.memory_space<vmem>>) dst(%dma_wait3A_3852 : memref<128x32xf32, #tpu.memory_space<hbm>>)
        %sub3A_3857 = arith.constant 128 : i32
        %sub3A_3858 = arith.subi %add3A_144, %sub3A_3857 : i32
        %dma_wait3A_3859 = arith.constant 4 : i32
        %dma_wait3A_3860 = arith.constant 0 : i32
        %dma_wait3A_3861 = arith.constant 0 : i32
        %dma_wait3A_3862 = tpu.memref_slice %arg10[%dma_wait3A_3859, %dma_wait3A_3860, %dma_wait3A_3861] : memref<10x128x32xf32, #tpu.memory_space<vmem>> -> memref<1x128x32xf32, #tpu.memory_space<vmem>>
        %dma_wait3A_3863 = tpu.memref_squeeze %dma_wait3A_3862 : memref<1x128x32xf32, #tpu.memory_space<vmem>> -> memref<128x32xf32, #tpu.memory_space<vmem>>
        %dma_wait3A_3864 = arith.constant 128 : i32
        %dma_wait3A_3865 = tpu.memref_slice %arg5[%sub3A_3858, %dma_wait3A_3864] : memref<204800x320xf32, #tpu.memory_space<hbm>> -> memref<128x32xf32, #tpu.memory_space<hbm>>
        %dma_wait3A_3866 = arith.constant 128 : i32
        %dma_wait3A_3867 = tpu.memref_slice %arg5[%sub3A_3858, %dma_wait3A_3866] : memref<204800x320xf32, #tpu.memory_space<hbm>> -> memref<128x32xf32, #tpu.memory_space<hbm>>
        %dma_wait3A_3868 = arith.constant 0 : i32
        %dma_wait3A_3869 = arith.constant 0 : i32
        %dma_wait3A_3870 = tpu.memref_slice %arg10[%dma_wait3A_3859, %dma_wait3A_3868, %dma_wait3A_3869] : memref<10x128x32xf32, #tpu.memory_space<vmem>> -> memref<1x128x32xf32, #tpu.memory_space<vmem>>
        %dma_wait3A_3871 = tpu.memref_squeeze %dma_wait3A_3870 : memref<1x128x32xf32, #tpu.memory_space<vmem>> -> memref<128x32xf32, #tpu.memory_space<vmem>>
        tpu.wait_dma2 semaphore(%arg15 : memref<!tpu.dma_semaphore, #tpu.memory_space<semaphore_mem>>) src(%dma_wait3A_3871 : memref<128x32xf32, #tpu.memory_space<vmem>>) dst(%dma_wait3A_3867 : memref<128x32xf32, #tpu.memory_space<hbm>>)
        %sub3A_3872 = arith.constant 128 : i32
        %sub3A_3873 = arith.subi %add3A_144, %sub3A_3872 : i32
        %dma_wait3A_3874 = arith.constant 5 : i32
        %dma_wait3A_3875 = arith.constant 0 : i32
        %dma_wait3A_3876 = arith.constant 0 : i32
        %dma_wait3A_3877 = tpu.memref_slice %arg10[%dma_wait3A_3874, %dma_wait3A_3875, %dma_wait3A_3876] : memref<10x128x32xf32, #tpu.memory_space<vmem>> -> memref<1x128x32xf32, #tpu.memory_space<vmem>>
        %dma_wait3A_3878 = tpu.memref_squeeze %dma_wait3A_3877 : memref<1x128x32xf32, #tpu.memory_space<vmem>> -> memref<128x32xf32, #tpu.memory_space<vmem>>
        %dma_wait3A_3879 = arith.constant 160 : i32
        %dma_wait3A_3880 = tpu.memref_slice %arg5[%sub3A_3873, %dma_wait3A_3879] : memref<204800x320xf32, #tpu.memory_space<hbm>> -> memref<128x32xf32, #tpu.memory_space<hbm>>
        %dma_wait3A_3881 = arith.constant 160 : i32
        %dma_wait3A_3882 = tpu.memref_slice %arg5[%sub3A_3873, %dma_wait3A_3881] : memref<204800x320xf32, #tpu.memory_space<hbm>> -> memref<128x32xf32, #tpu.memory_space<hbm>>
        %dma_wait3A_3883 = arith.constant 0 : i32
        %dma_wait3A_3884 = arith.constant 0 : i32
        %dma_wait3A_3885 = tpu.memref_slice %arg10[%dma_wait3A_3874, %dma_wait3A_3883, %dma_wait3A_3884] : memref<10x128x32xf32, #tpu.memory_space<vmem>> -> memref<1x128x32xf32, #tpu.memory_space<vmem>>
        %dma_wait3A_3886 = tpu.memref_squeeze %dma_wait3A_3885 : memref<1x128x32xf32, #tpu.memory_space<vmem>> -> memref<128x32xf32, #tpu.memory_space<vmem>>
        tpu.wait_dma2 semaphore(%arg15 : memref<!tpu.dma_semaphore, #tpu.memory_space<semaphore_mem>>) src(%dma_wait3A_3886 : memref<128x32xf32, #tpu.memory_space<vmem>>) dst(%dma_wait3A_3882 : memref<128x32xf32, #tpu.memory_space<hbm>>)
        %sub3A_3887 = arith.constant 128 : i32
        %sub3A_3888 = arith.subi %add3A_144, %sub3A_3887 : i32
        %dma_wait3A_3889 = arith.constant 6 : i32
        %dma_wait3A_3890 = arith.constant 0 : i32
        %dma_wait3A_3891 = arith.constant 0 : i32
        %dma_wait3A_3892 = tpu.memref_slice %arg10[%dma_wait3A_3889, %dma_wait3A_3890, %dma_wait3A_3891] : memref<10x128x32xf32, #tpu.memory_space<vmem>> -> memref<1x128x32xf32, #tpu.memory_space<vmem>>
        %dma_wait3A_3893 = tpu.memref_squeeze %dma_wait3A_3892 : memref<1x128x32xf32, #tpu.memory_space<vmem>> -> memref<128x32xf32, #tpu.memory_space<vmem>>
        %dma_wait3A_3894 = arith.constant 192 : i32
        %dma_wait3A_3895 = tpu.memref_slice %arg5[%sub3A_3888, %dma_wait3A_3894] : memref<204800x320xf32, #tpu.memory_space<hbm>> -> memref<128x32xf32, #tpu.memory_space<hbm>>
        %dma_wait3A_3896 = arith.constant 192 : i32
        %dma_wait3A_3897 = tpu.memref_slice %arg5[%sub3A_3888, %dma_wait3A_3896] : memref<204800x320xf32, #tpu.memory_space<hbm>> -> memref<128x32xf32, #tpu.memory_space<hbm>>
        %dma_wait3A_3898 = arith.constant 0 : i32
        %dma_wait3A_3899 = arith.constant 0 : i32
        %dma_wait3A_3900 = tpu.memref_slice %arg10[%dma_wait3A_3889, %dma_wait3A_3898, %dma_wait3A_3899] : memref<10x128x32xf32, #tpu.memory_space<vmem>> -> memref<1x128x32xf32, #tpu.memory_space<vmem>>
        %dma_wait3A_3901 = tpu.memref_squeeze %dma_wait3A_3900 : memref<1x128x32xf32, #tpu.memory_space<vmem>> -> memref<128x32xf32, #tpu.memory_space<vmem>>
        tpu.wait_dma2 semaphore(%arg15 : memref<!tpu.dma_semaphore, #tpu.memory_space<semaphore_mem>>) src(%dma_wait3A_3901 : memref<128x32xf32, #tpu.memory_space<vmem>>) dst(%dma_wait3A_3897 : memref<128x32xf32, #tpu.memory_space<hbm>>)
        %sub3A_3902 = arith.constant 128 : i32
        %sub3A_3903 = arith.subi %add3A_144, %sub3A_3902 : i32
        %dma_wait3A_3904 = arith.constant 7 : i32
        %dma_wait3A_3905 = arith.constant 0 : i32
        %dma_wait3A_3906 = arith.constant 0 : i32
        %dma_wait3A_3907 = tpu.memref_slice %arg10[%dma_wait3A_3904, %dma_wait3A_3905, %dma_wait3A_3906] : memref<10x128x32xf32, #tpu.memory_space<vmem>> -> memref<1x128x32xf32, #tpu.memory_space<vmem>>
        %dma_wait3A_3908 = tpu.memref_squeeze %dma_wait3A_3907 : memref<1x128x32xf32, #tpu.memory_space<vmem>> -> memref<128x32xf32, #tpu.memory_space<vmem>>
        %dma_wait3A_3909 = arith.constant 224 : i32
        %dma_wait3A_3910 = tpu.memref_slice %arg5[%sub3A_3903, %dma_wait3A_3909] : memref<204800x320xf32, #tpu.memory_space<hbm>> -> memref<128x32xf32, #tpu.memory_space<hbm>>
        %dma_wait3A_3911 = arith.constant 224 : i32
        %dma_wait3A_3912 = tpu.memref_slice %arg5[%sub3A_3903, %dma_wait3A_3911] : memref<204800x320xf32, #tpu.memory_space<hbm>> -> memref<128x32xf32, #tpu.memory_space<hbm>>
        %dma_wait3A_3913 = arith.constant 0 : i32
        %dma_wait3A_3914 = arith.constant 0 : i32
        %dma_wait3A_3915 = tpu.memref_slice %arg10[%dma_wait3A_3904, %dma_wait3A_3913, %dma_wait3A_3914] : memref<10x128x32xf32, #tpu.memory_space<vmem>> -> memref<1x128x32xf32, #tpu.memory_space<vmem>>
        %dma_wait3A_3916 = tpu.memref_squeeze %dma_wait3A_3915 : memref<1x128x32xf32, #tpu.memory_space<vmem>> -> memref<128x32xf32, #tpu.memory_space<vmem>>
        tpu.wait_dma2 semaphore(%arg15 : memref<!tpu.dma_semaphore, #tpu.memory_space<semaphore_mem>>) src(%dma_wait3A_3916 : memref<128x32xf32, #tpu.memory_space<vmem>>) dst(%dma_wait3A_3912 : memref<128x32xf32, #tpu.memory_space<hbm>>)
        %sub3A_3917 = arith.constant 128 : i32
        %sub3A_3918 = arith.subi %add3A_144, %sub3A_3917 : i32
        %dma_wait3A_3919 = arith.constant 8 : i32
        %dma_wait3A_3920 = arith.constant 0 : i32
        %dma_wait3A_3921 = arith.constant 0 : i32
        %dma_wait3A_3922 = tpu.memref_slice %arg10[%dma_wait3A_3919, %dma_wait3A_3920, %dma_wait3A_3921] : memref<10x128x32xf32, #tpu.memory_space<vmem>> -> memref<1x128x32xf32, #tpu.memory_space<vmem>>
        %dma_wait3A_3923 = tpu.memref_squeeze %dma_wait3A_3922 : memref<1x128x32xf32, #tpu.memory_space<vmem>> -> memref<128x32xf32, #tpu.memory_space<vmem>>
        %dma_wait3A_3924 = arith.constant 256 : i32
        %dma_wait3A_3925 = tpu.memref_slice %arg5[%sub3A_3918, %dma_wait3A_3924] : memref<204800x320xf32, #tpu.memory_space<hbm>> -> memref<128x32xf32, #tpu.memory_space<hbm>>
        %dma_wait3A_3926 = arith.constant 256 : i32
        %dma_wait3A_3927 = tpu.memref_slice %arg5[%sub3A_3918, %dma_wait3A_3926] : memref<204800x320xf32, #tpu.memory_space<hbm>> -> memref<128x32xf32, #tpu.memory_space<hbm>>
        %dma_wait3A_3928 = arith.constant 0 : i32
        %dma_wait3A_3929 = arith.constant 0 : i32
        %dma_wait3A_3930 = tpu.memref_slice %arg10[%dma_wait3A_3919, %dma_wait3A_3928, %dma_wait3A_3929] : memref<10x128x32xf32, #tpu.memory_space<vmem>> -> memref<1x128x32xf32, #tpu.memory_space<vmem>>
        %dma_wait3A_3931 = tpu.memref_squeeze %dma_wait3A_3930 : memref<1x128x32xf32, #tpu.memory_space<vmem>> -> memref<128x32xf32, #tpu.memory_space<vmem>>
        tpu.wait_dma2 semaphore(%arg15 : memref<!tpu.dma_semaphore, #tpu.memory_space<semaphore_mem>>) src(%dma_wait3A_3931 : memref<128x32xf32, #tpu.memory_space<vmem>>) dst(%dma_wait3A_3927 : memref<128x32xf32, #tpu.memory_space<hbm>>)
        %sub3A_3932 = arith.constant 128 : i32
        %sub3A_3933 = arith.subi %add3A_144, %sub3A_3932 : i32
        %dma_wait3A_3934 = arith.constant 9 : i32
        %dma_wait3A_3935 = arith.constant 0 : i32
        %dma_wait3A_3936 = arith.constant 0 : i32
        %dma_wait3A_3937 = tpu.memref_slice %arg10[%dma_wait3A_3934, %dma_wait3A_3935, %dma_wait3A_3936] : memref<10x128x32xf32, #tpu.memory_space<vmem>> -> memref<1x128x32xf32, #tpu.memory_space<vmem>>
        %dma_wait3A_3938 = tpu.memref_squeeze %dma_wait3A_3937 : memref<1x128x32xf32, #tpu.memory_space<vmem>> -> memref<128x32xf32, #tpu.memory_space<vmem>>
        %dma_wait3A_3939 = arith.constant 288 : i32
        %dma_wait3A_3940 = tpu.memref_slice %arg5[%sub3A_3933, %dma_wait3A_3939] : memref<204800x320xf32, #tpu.memory_space<hbm>> -> memref<128x32xf32, #tpu.memory_space<hbm>>
        %dma_wait3A_3941 = arith.constant 288 : i32
        %dma_wait3A_3942 = tpu.memref_slice %arg5[%sub3A_3933, %dma_wait3A_3941] : memref<204800x320xf32, #tpu.memory_space<hbm>> -> memref<128x32xf32, #tpu.memory_space<hbm>>
        %dma_wait3A_3943 = arith.constant 0 : i32
        %dma_wait3A_3944 = arith.constant 0 : i32
        %dma_wait3A_3945 = tpu.memref_slice %arg10[%dma_wait3A_3934, %dma_wait3A_3943, %dma_wait3A_3944] : memref<10x128x32xf32, #tpu.memory_space<vmem>> -> memref<1x128x32xf32, #tpu.memory_space<vmem>>
        %dma_wait3A_3946 = tpu.memref_squeeze %dma_wait3A_3945 : memref<1x128x32xf32, #tpu.memory_space<vmem>> -> memref<128x32xf32, #tpu.memory_space<vmem>>
        tpu.wait_dma2 semaphore(%arg15 : memref<!tpu.dma_semaphore, #tpu.memory_space<semaphore_mem>>) src(%dma_wait3A_3946 : memref<128x32xf32, #tpu.memory_space<vmem>>) dst(%dma_wait3A_3942 : memref<128x32xf32, #tpu.memory_space<hbm>>)
      } else {
      }
      %dma_start3A_3428 = arith.constant 0 : i32
      %dma_start3A_3429 = arith.constant 0 : i32
      %dma_start3A_3430 = arith.constant 0 : i32
      %dma_start3A_3431 = arith.constant 0 : i32
      %dma_start3A_3432 = tpu.memref_slice %arg10[%dma_start3A_3429, %dma_start3A_3430, %dma_start3A_3431] : memref<10x128x32xf32, #tpu.memory_space<vmem>> -> memref<1x128x32xf32, #tpu.memory_space<vmem>>
      %dma_start3A_3433 = tpu.memref_squeeze %dma_start3A_3432 : memref<1x128x32xf32, #tpu.memory_space<vmem>> -> memref<128x32xf32, #tpu.memory_space<vmem>>
      %dma_start3A_3434 = arith.constant 0 : i32
      %dma_start3A_3435 = tpu.memref_slice %arg9[%dma_start3A_3428, %dma_start3A_3434] : memref<10x128xi32, #tpu.memory_space<vmem>> -> memref<1x128xi32, #tpu.memory_space<vmem>>
      %dma_start3A_3436 = tpu.memref_squeeze %dma_start3A_3435 : memref<1x128xi32, #tpu.memory_space<vmem>> -> memref<128xi32, #tpu.memory_space<vmem>>
      %dma_start3A_3437 = arith.constant 0 : i32
      %dma_start3A_3438 = arith.constant 0 : i32
      %dma_start3A_3439 = tpu.memref_slice %arg12[%dma_start3A_3437, %dma_start3A_3438] : memref<2560x32xf32, #tpu.memory_space<vmem_shared>> -> memref<2560x32xf32, #tpu.memory_space<vmem_shared>>
      tpu.enqueue_indirect_dma source(%dma_start3A_3439 : memref<2560x32xf32, #tpu.memory_space<vmem_shared>>) target(%dma_start3A_3433 : memref<128x32xf32, #tpu.memory_space<vmem>>) offsets(%dma_start3A_3436 : memref<128xi32, #tpu.memory_space<vmem>>) semaphore(%arg14 : memref<!tpu.dma_semaphore, #tpu.memory_space<semaphore_mem>>)
      %dma_start3A_3440 = arith.constant 1 : i32
      %dma_start3A_3441 = arith.constant 1 : i32
      %dma_start3A_3442 = arith.constant 0 : i32
      %dma_start3A_3443 = arith.constant 0 : i32
      %dma_start3A_3444 = tpu.memref_slice %arg10[%dma_start3A_3441, %dma_start3A_3442, %dma_start3A_3443] : memref<10x128x32xf32, #tpu.memory_space<vmem>> -> memref<1x128x32xf32, #tpu.memory_space<vmem>>
      %dma_start3A_3445 = tpu.memref_squeeze %dma_start3A_3444 : memref<1x128x32xf32, #tpu.memory_space<vmem>> -> memref<128x32xf32, #tpu.memory_space<vmem>>
      %dma_start3A_3446 = arith.constant 0 : i32
      %dma_start3A_3447 = tpu.memref_slice %arg9[%dma_start3A_3440, %dma_start3A_3446] : memref<10x128xi32, #tpu.memory_space<vmem>> -> memref<1x128xi32, #tpu.memory_space<vmem>>
      %dma_start3A_3448 = tpu.memref_squeeze %dma_start3A_3447 : memref<1x128xi32, #tpu.memory_space<vmem>> -> memref<128xi32, #tpu.memory_space<vmem>>
      %dma_start3A_3449 = arith.constant 0 : i32
      %dma_start3A_3450 = arith.constant 0 : i32
      %dma_start3A_3451 = tpu.memref_slice %arg12[%dma_start3A_3449, %dma_start3A_3450] : memref<2560x32xf32, #tpu.memory_space<vmem_shared>> -> memref<2560x32xf32, #tpu.memory_space<vmem_shared>>
      tpu.enqueue_indirect_dma source(%dma_start3A_3451 : memref<2560x32xf32, #tpu.memory_space<vmem_shared>>) target(%dma_start3A_3445 : memref<128x32xf32, #tpu.memory_space<vmem>>) offsets(%dma_start3A_3448 : memref<128xi32, #tpu.memory_space<vmem>>) semaphore(%arg14 : memref<!tpu.dma_semaphore, #tpu.memory_space<semaphore_mem>>)
      %dma_start3A_3452 = arith.constant 2 : i32
      %dma_start3A_3453 = arith.constant 2 : i32
      %dma_start3A_3454 = arith.constant 0 : i32
      %dma_start3A_3455 = arith.constant 0 : i32
      %dma_start3A_3456 = tpu.memref_slice %arg10[%dma_start3A_3453, %dma_start3A_3454, %dma_start3A_3455] : memref<10x128x32xf32, #tpu.memory_space<vmem>> -> memref<1x128x32xf32, #tpu.memory_space<vmem>>
      %dma_start3A_3457 = tpu.memref_squeeze %dma_start3A_3456 : memref<1x128x32xf32, #tpu.memory_space<vmem>> -> memref<128x32xf32, #tpu.memory_space<vmem>>
      %dma_start3A_3458 = arith.constant 0 : i32
      %dma_start3A_3459 = tpu.memref_slice %arg9[%dma_start3A_3452, %dma_start3A_3458] : memref<10x128xi32, #tpu.memory_space<vmem>> -> memref<1x128xi32, #tpu.memory_space<vmem>>
      %dma_start3A_3460 = tpu.memref_squeeze %dma_start3A_3459 : memref<1x128xi32, #tpu.memory_space<vmem>> -> memref<128xi32, #tpu.memory_space<vmem>>
      %dma_start3A_3461 = arith.constant 0 : i32
      %dma_start3A_3462 = arith.constant 0 : i32
      %dma_start3A_3463 = tpu.memref_slice %arg12[%dma_start3A_3461, %dma_start3A_3462] : memref<2560x32xf32, #tpu.memory_space<vmem_shared>> -> memref<2560x32xf32, #tpu.memory_space<vmem_shared>>
      tpu.enqueue_indirect_dma source(%dma_start3A_3463 : memref<2560x32xf32, #tpu.memory_space<vmem_shared>>) target(%dma_start3A_3457 : memref<128x32xf32, #tpu.memory_space<vmem>>) offsets(%dma_start3A_3460 : memref<128xi32, #tpu.memory_space<vmem>>) semaphore(%arg14 : memref<!tpu.dma_semaphore, #tpu.memory_space<semaphore_mem>>)
      %dma_start3A_3464 = arith.constant 3 : i32
      %dma_start3A_3465 = arith.constant 3 : i32
      %dma_start3A_3466 = arith.constant 0 : i32
      %dma_start3A_3467 = arith.constant 0 : i32
      %dma_start3A_3468 = tpu.memref_slice %arg10[%dma_start3A_3465, %dma_start3A_3466, %dma_start3A_3467] : memref<10x128x32xf32, #tpu.memory_space<vmem>> -> memref<1x128x32xf32, #tpu.memory_space<vmem>>
      %dma_start3A_3469 = tpu.memref_squeeze %dma_start3A_3468 : memref<1x128x32xf32, #tpu.memory_space<vmem>> -> memref<128x32xf32, #tpu.memory_space<vmem>>
      %dma_start3A_3470 = arith.constant 0 : i32
      %dma_start3A_3471 = tpu.memref_slice %arg9[%dma_start3A_3464, %dma_start3A_3470] : memref<10x128xi32, #tpu.memory_space<vmem>> -> memref<1x128xi32, #tpu.memory_space<vmem>>
      %dma_start3A_3472 = tpu.memref_squeeze %dma_start3A_3471 : memref<1x128xi32, #tpu.memory_space<vmem>> -> memref<128xi32, #tpu.memory_space<vmem>>
      %dma_start3A_3473 = arith.constant 0 : i32
      %dma_start3A_3474 = arith.constant 0 : i32
      %dma_start3A_3475 = tpu.memref_slice %arg12[%dma_start3A_3473, %dma_start3A_3474] : memref<2560x32xf32, #tpu.memory_space<vmem_shared>> -> memref<2560x32xf32, #tpu.memory_space<vmem_shared>>
      tpu.enqueue_indirect_dma source(%dma_start3A_3475 : memref<2560x32xf32, #tpu.memory_space<vmem_shared>>) target(%dma_start3A_3469 : memref<128x32xf32, #tpu.memory_space<vmem>>) offsets(%dma_start3A_3472 : memref<128xi32, #tpu.memory_space<vmem>>) semaphore(%arg14 : memref<!tpu.dma_semaphore, #tpu.memory_space<semaphore_mem>>)
      %dma_start3A_3476 = arith.constant 4 : i32
      %dma_start3A_3477 = arith.constant 4 : i32
      %dma_start3A_3478 = arith.constant 0 : i32
      %dma_start3A_3479 = arith.constant 0 : i32
      %dma_start3A_3480 = tpu.memref_slice %arg10[%dma_start3A_3477, %dma_start3A_3478, %dma_start3A_3479] : memref<10x128x32xf32, #tpu.memory_space<vmem>> -> memref<1x128x32xf32, #tpu.memory_space<vmem>>
      %dma_start3A_3481 = tpu.memref_squeeze %dma_start3A_3480 : memref<1x128x32xf32, #tpu.memory_space<vmem>> -> memref<128x32xf32, #tpu.memory_space<vmem>>
      %dma_start3A_3482 = arith.constant 0 : i32
      %dma_start3A_3483 = tpu.memref_slice %arg9[%dma_start3A_3476, %dma_start3A_3482] : memref<10x128xi32, #tpu.memory_space<vmem>> -> memref<1x128xi32, #tpu.memory_space<vmem>>
      %dma_start3A_3484 = tpu.memref_squeeze %dma_start3A_3483 : memref<1x128xi32, #tpu.memory_space<vmem>> -> memref<128xi32, #tpu.memory_space<vmem>>
      %dma_start3A_3485 = arith.constant 0 : i32
      %dma_start3A_3486 = arith.constant 0 : i32
      %dma_start3A_3487 = tpu.memref_slice %arg12[%dma_start3A_3485, %dma_start3A_3486] : memref<2560x32xf32, #tpu.memory_space<vmem_shared>> -> memref<2560x32xf32, #tpu.memory_space<vmem_shared>>
      tpu.enqueue_indirect_dma source(%dma_start3A_3487 : memref<2560x32xf32, #tpu.memory_space<vmem_shared>>) target(%dma_start3A_3481 : memref<128x32xf32, #tpu.memory_space<vmem>>) offsets(%dma_start3A_3484 : memref<128xi32, #tpu.memory_space<vmem>>) semaphore(%arg14 : memref<!tpu.dma_semaphore, #tpu.memory_space<semaphore_mem>>)
      %dma_start3A_3488 = arith.constant 5 : i32
      %dma_start3A_3489 = arith.constant 5 : i32
      %dma_start3A_3490 = arith.constant 0 : i32
      %dma_start3A_3491 = arith.constant 0 : i32
      %dma_start3A_3492 = tpu.memref_slice %arg10[%dma_start3A_3489, %dma_start3A_3490, %dma_start3A_3491] : memref<10x128x32xf32, #tpu.memory_space<vmem>> -> memref<1x128x32xf32, #tpu.memory_space<vmem>>
      %dma_start3A_3493 = tpu.memref_squeeze %dma_start3A_3492 : memref<1x128x32xf32, #tpu.memory_space<vmem>> -> memref<128x32xf32, #tpu.memory_space<vmem>>
      %dma_start3A_3494 = arith.constant 0 : i32
      %dma_start3A_3495 = tpu.memref_slice %arg9[%dma_start3A_3488, %dma_start3A_3494] : memref<10x128xi32, #tpu.memory_space<vmem>> -> memref<1x128xi32, #tpu.memory_space<vmem>>
      %dma_start3A_3496 = tpu.memref_squeeze %dma_start3A_3495 : memref<1x128xi32, #tpu.memory_space<vmem>> -> memref<128xi32, #tpu.memory_space<vmem>>
      %dma_start3A_3497 = arith.constant 0 : i32
      %dma_start3A_3498 = arith.constant 0 : i32
      %dma_start3A_3499 = tpu.memref_slice %arg12[%dma_start3A_3497, %dma_start3A_3498] : memref<2560x32xf32, #tpu.memory_space<vmem_shared>> -> memref<2560x32xf32, #tpu.memory_space<vmem_shared>>
      tpu.enqueue_indirect_dma source(%dma_start3A_3499 : memref<2560x32xf32, #tpu.memory_space<vmem_shared>>) target(%dma_start3A_3493 : memref<128x32xf32, #tpu.memory_space<vmem>>) offsets(%dma_start3A_3496 : memref<128xi32, #tpu.memory_space<vmem>>) semaphore(%arg14 : memref<!tpu.dma_semaphore, #tpu.memory_space<semaphore_mem>>)
      %dma_start3A_3500 = arith.constant 6 : i32
      %dma_start3A_3501 = arith.constant 6 : i32
      %dma_start3A_3502 = arith.constant 0 : i32
      %dma_start3A_3503 = arith.constant 0 : i32
      %dma_start3A_3504 = tpu.memref_slice %arg10[%dma_start3A_3501, %dma_start3A_3502, %dma_start3A_3503] : memref<10x128x32xf32, #tpu.memory_space<vmem>> -> memref<1x128x32xf32, #tpu.memory_space<vmem>>
      %dma_start3A_3505 = tpu.memref_squeeze %dma_start3A_3504 : memref<1x128x32xf32, #tpu.memory_space<vmem>> -> memref<128x32xf32, #tpu.memory_space<vmem>>
      %dma_start3A_3506 = arith.constant 0 : i32
      %dma_start3A_3507 = tpu.memref_slice %arg9[%dma_start3A_3500, %dma_start3A_3506] : memref<10x128xi32, #tpu.memory_space<vmem>> -> memref<1x128xi32, #tpu.memory_space<vmem>>
      %dma_start3A_3508 = tpu.memref_squeeze %dma_start3A_3507 : memref<1x128xi32, #tpu.memory_space<vmem>> -> memref<128xi32, #tpu.memory_space<vmem>>
      %dma_start3A_3509 = arith.constant 0 : i32
      %dma_start3A_3510 = arith.constant 0 : i32
      %dma_start3A_3511 = tpu.memref_slice %arg12[%dma_start3A_3509, %dma_start3A_3510] : memref<2560x32xf32, #tpu.memory_space<vmem_shared>> -> memref<2560x32xf32, #tpu.memory_space<vmem_shared>>
      tpu.enqueue_indirect_dma source(%dma_start3A_3511 : memref<2560x32xf32, #tpu.memory_space<vmem_shared>>) target(%dma_start3A_3505 : memref<128x32xf32, #tpu.memory_space<vmem>>) offsets(%dma_start3A_3508 : memref<128xi32, #tpu.memory_space<vmem>>) semaphore(%arg14 : memref<!tpu.dma_semaphore, #tpu.memory_space<semaphore_mem>>)
      %dma_start3A_3512 = arith.constant 7 : i32
      %dma_start3A_3513 = arith.constant 7 : i32
      %dma_start3A_3514 = arith.constant 0 : i32
      %dma_start3A_3515 = arith.constant 0 : i32
      %dma_start3A_3516 = tpu.memref_slice %arg10[%dma_start3A_3513, %dma_start3A_3514, %dma_start3A_3515] : memref<10x128x32xf32, #tpu.memory_space<vmem>> -> memref<1x128x32xf32, #tpu.memory_space<vmem>>
      %dma_start3A_3517 = tpu.memref_squeeze %dma_start3A_3516 : memref<1x128x32xf32, #tpu.memory_space<vmem>> -> memref<128x32xf32, #tpu.memory_space<vmem>>
      %dma_start3A_3518 = arith.constant 0 : i32
      %dma_start3A_3519 = tpu.memref_slice %arg9[%dma_start3A_3512, %dma_start3A_3518] : memref<10x128xi32, #tpu.memory_space<vmem>> -> memref<1x128xi32, #tpu.memory_space<vmem>>
      %dma_start3A_3520 = tpu.memref_squeeze %dma_start3A_3519 : memref<1x128xi32, #tpu.memory_space<vmem>> -> memref<128xi32, #tpu.memory_space<vmem>>
      %dma_start3A_3521 = arith.constant 0 : i32
      %dma_start3A_3522 = arith.constant 0 : i32
      %dma_start3A_3523 = tpu.memref_slice %arg12[%dma_start3A_3521, %dma_start3A_3522] : memref<2560x32xf32, #tpu.memory_space<vmem_shared>> -> memref<2560x32xf32, #tpu.memory_space<vmem_shared>>
      tpu.enqueue_indirect_dma source(%dma_start3A_3523 : memref<2560x32xf32, #tpu.memory_space<vmem_shared>>) target(%dma_start3A_3517 : memref<128x32xf32, #tpu.memory_space<vmem>>) offsets(%dma_start3A_3520 : memref<128xi32, #tpu.memory_space<vmem>>) semaphore(%arg14 : memref<!tpu.dma_semaphore, #tpu.memory_space<semaphore_mem>>)
      %dma_start3A_3524 = arith.constant 8 : i32
      %dma_start3A_3525 = arith.constant 8 : i32
      %dma_start3A_3526 = arith.constant 0 : i32
      %dma_start3A_3527 = arith.constant 0 : i32
      %dma_start3A_3528 = tpu.memref_slice %arg10[%dma_start3A_3525, %dma_start3A_3526, %dma_start3A_3527] : memref<10x128x32xf32, #tpu.memory_space<vmem>> -> memref<1x128x32xf32, #tpu.memory_space<vmem>>
      %dma_start3A_3529 = tpu.memref_squeeze %dma_start3A_3528 : memref<1x128x32xf32, #tpu.memory_space<vmem>> -> memref<128x32xf32, #tpu.memory_space<vmem>>
      %dma_start3A_3530 = arith.constant 0 : i32
      %dma_start3A_3531 = tpu.memref_slice %arg9[%dma_start3A_3524, %dma_start3A_3530] : memref<10x128xi32, #tpu.memory_space<vmem>> -> memref<1x128xi32, #tpu.memory_space<vmem>>
      %dma_start3A_3532 = tpu.memref_squeeze %dma_start3A_3531 : memref<1x128xi32, #tpu.memory_space<vmem>> -> memref<128xi32, #tpu.memory_space<vmem>>
      %dma_start3A_3533 = arith.constant 0 : i32
      %dma_start3A_3534 = arith.constant 0 : i32
      %dma_start3A_3535 = tpu.memref_slice %arg12[%dma_start3A_3533, %dma_start3A_3534] : memref<2560x32xf32, #tpu.memory_space<vmem_shared>> -> memref<2560x32xf32, #tpu.memory_space<vmem_shared>>
      tpu.enqueue_indirect_dma source(%dma_start3A_3535 : memref<2560x32xf32, #tpu.memory_space<vmem_shared>>) target(%dma_start3A_3529 : memref<128x32xf32, #tpu.memory_space<vmem>>) offsets(%dma_start3A_3532 : memref<128xi32, #tpu.memory_space<vmem>>) semaphore(%arg14 : memref<!tpu.dma_semaphore, #tpu.memory_space<semaphore_mem>>)
      %dma_start3A_3536 = arith.constant 9 : i32
      %dma_start3A_3537 = arith.constant 9 : i32
      %dma_start3A_3538 = arith.constant 0 : i32
      %dma_start3A_3539 = arith.constant 0 : i32
      %dma_start3A_3540 = tpu.memref_slice %arg10[%dma_start3A_3537, %dma_start3A_3538, %dma_start3A_3539] : memref<10x128x32xf32, #tpu.memory_space<vmem>> -> memref<1x128x32xf32, #tpu.memory_space<vmem>>
      %dma_start3A_3541 = tpu.memref_squeeze %dma_start3A_3540 : memref<1x128x32xf32, #tpu.memory_space<vmem>> -> memref<128x32xf32, #tpu.memory_space<vmem>>
      %dma_start3A_3542 = arith.constant 0 : i32
      %dma_start3A_3543 = tpu.memref_slice %arg9[%dma_start3A_3536, %dma_start3A_3542] : memref<10x128xi32, #tpu.memory_space<vmem>> -> memref<1x128xi32, #tpu.memory_space<vmem>>
      %dma_start3A_3544 = tpu.memref_squeeze %dma_start3A_3543 : memref<1x128xi32, #tpu.memory_space<vmem>> -> memref<128xi32, #tpu.memory_space<vmem>>
      %dma_start3A_3545 = arith.constant 0 : i32
      %dma_start3A_3546 = arith.constant 0 : i32
      %dma_start3A_3547 = tpu.memref_slice %arg12[%dma_start3A_3545, %dma_start3A_3546] : memref<2560x32xf32, #tpu.memory_space<vmem_shared>> -> memref<2560x32xf32, #tpu.memory_space<vmem_shared>>
      tpu.enqueue_indirect_dma source(%dma_start3A_3547 : memref<2560x32xf32, #tpu.memory_space<vmem_shared>>) target(%dma_start3A_3541 : memref<128x32xf32, #tpu.memory_space<vmem>>) offsets(%dma_start3A_3544 : memref<128xi32, #tpu.memory_space<vmem>>) semaphore(%arg14 : memref<!tpu.dma_semaphore, #tpu.memory_space<semaphore_mem>>)
      %dma_wait3A_3548 = arith.constant 0 : i32
      %dma_wait3A_3549 = arith.constant 0 : i32
      %dma_wait3A_3550 = arith.constant 0 : i32
      %dma_wait3A_3551 = arith.constant 0 : i32
      %dma_wait3A_3552 = tpu.memref_slice %arg10[%dma_wait3A_3549, %dma_wait3A_3550, %dma_wait3A_3551] : memref<10x128x32xf32, #tpu.memory_space<vmem>> -> memref<1x128x32xf32, #tpu.memory_space<vmem>>
      %dma_wait3A_3553 = tpu.memref_squeeze %dma_wait3A_3552 : memref<1x128x32xf32, #tpu.memory_space<vmem>> -> memref<128x32xf32, #tpu.memory_space<vmem>>
      %dma_wait3A_3554 = arith.constant 0 : i32
      %dma_wait3A_3555 = tpu.memref_slice %arg9[%dma_wait3A_3548, %dma_wait3A_3554] : memref<10x128xi32, #tpu.memory_space<vmem>> -> memref<1x128xi32, #tpu.memory_space<vmem>>
      %dma_wait3A_3556 = tpu.memref_squeeze %dma_wait3A_3555 : memref<1x128xi32, #tpu.memory_space<vmem>> -> memref<128xi32, #tpu.memory_space<vmem>>
      %dma_wait3A_3557 = arith.constant 0 : i32
      %dma_wait3A_3558 = arith.constant 0 : i32
      %dma_wait3A_3559 = tpu.memref_slice %arg12[%dma_wait3A_3557, %dma_wait3A_3558] : memref<2560x32xf32, #tpu.memory_space<vmem_shared>> -> memref<2560x32xf32, #tpu.memory_space<vmem_shared>>
      tpu.wait_indirect_dma semaphore(%arg14 : memref<!tpu.dma_semaphore, #tpu.memory_space<semaphore_mem>>) src(%dma_wait3A_3559 : memref<2560x32xf32, #tpu.memory_space<vmem_shared>>) dst(%dma_wait3A_3553 : memref<128x32xf32, #tpu.memory_space<vmem>>)
      %dma_wait3A_3560 = arith.constant 1 : i32
      %dma_wait3A_3561 = arith.constant 1 : i32
      %dma_wait3A_3562 = arith.constant 0 : i32
      %dma_wait3A_3563 = arith.constant 0 : i32
      %dma_wait3A_3564 = tpu.memref_slice %arg10[%dma_wait3A_3561, %dma_wait3A_3562, %dma_wait3A_3563] : memref<10x128x32xf32, #tpu.memory_space<vmem>> -> memref<1x128x32xf32, #tpu.memory_space<vmem>>
      %dma_wait3A_3565 = tpu.memref_squeeze %dma_wait3A_3564 : memref<1x128x32xf32, #tpu.memory_space<vmem>> -> memref<128x32xf32, #tpu.memory_space<vmem>>
      %dma_wait3A_3566 = arith.constant 0 : i32
      %dma_wait3A_3567 = tpu.memref_slice %arg9[%dma_wait3A_3560, %dma_wait3A_3566] : memref<10x128xi32, #tpu.memory_space<vmem>> -> memref<1x128xi32, #tpu.memory_space<vmem>>
      %dma_wait3A_3568 = tpu.memref_squeeze %dma_wait3A_3567 : memref<1x128xi32, #tpu.memory_space<vmem>> -> memref<128xi32, #tpu.memory_space<vmem>>
      %dma_wait3A_3569 = arith.constant 0 : i32
      %dma_wait3A_3570 = arith.constant 0 : i32
      %dma_wait3A_3571 = tpu.memref_slice %arg12[%dma_wait3A_3569, %dma_wait3A_3570] : memref<2560x32xf32, #tpu.memory_space<vmem_shared>> -> memref<2560x32xf32, #tpu.memory_space<vmem_shared>>
      tpu.wait_indirect_dma semaphore(%arg14 : memref<!tpu.dma_semaphore, #tpu.memory_space<semaphore_mem>>) src(%dma_wait3A_3571 : memref<2560x32xf32, #tpu.memory_space<vmem_shared>>) dst(%dma_wait3A_3565 : memref<128x32xf32, #tpu.memory_space<vmem>>)
      %dma_wait3A_3572 = arith.constant 2 : i32
      %dma_wait3A_3573 = arith.constant 2 : i32
      %dma_wait3A_3574 = arith.constant 0 : i32
      %dma_wait3A_3575 = arith.constant 0 : i32
      %dma_wait3A_3576 = tpu.memref_slice %arg10[%dma_wait3A_3573, %dma_wait3A_3574, %dma_wait3A_3575] : memref<10x128x32xf32, #tpu.memory_space<vmem>> -> memref<1x128x32xf32, #tpu.memory_space<vmem>>
      %dma_wait3A_3577 = tpu.memref_squeeze %dma_wait3A_3576 : memref<1x128x32xf32, #tpu.memory_space<vmem>> -> memref<128x32xf32, #tpu.memory_space<vmem>>
      %dma_wait3A_3578 = arith.constant 0 : i32
      %dma_wait3A_3579 = tpu.memref_slice %arg9[%dma_wait3A_3572, %dma_wait3A_3578] : memref<10x128xi32, #tpu.memory_space<vmem>> -> memref<1x128xi32, #tpu.memory_space<vmem>>
      %dma_wait3A_3580 = tpu.memref_squeeze %dma_wait3A_3579 : memref<1x128xi32, #tpu.memory_space<vmem>> -> memref<128xi32, #tpu.memory_space<vmem>>
      %dma_wait3A_3581 = arith.constant 0 : i32
      %dma_wait3A_3582 = arith.constant 0 : i32
      %dma_wait3A_3583 = tpu.memref_slice %arg12[%dma_wait3A_3581, %dma_wait3A_3582] : memref<2560x32xf32, #tpu.memory_space<vmem_shared>> -> memref<2560x32xf32, #tpu.memory_space<vmem_shared>>
      tpu.wait_indirect_dma semaphore(%arg14 : memref<!tpu.dma_semaphore, #tpu.memory_space<semaphore_mem>>) src(%dma_wait3A_3583 : memref<2560x32xf32, #tpu.memory_space<vmem_shared>>) dst(%dma_wait3A_3577 : memref<128x32xf32, #tpu.memory_space<vmem>>)
      %dma_wait3A_3584 = arith.constant 3 : i32
      %dma_wait3A_3585 = arith.constant 3 : i32
      %dma_wait3A_3586 = arith.constant 0 : i32
      %dma_wait3A_3587 = arith.constant 0 : i32
      %dma_wait3A_3588 = tpu.memref_slice %arg10[%dma_wait3A_3585, %dma_wait3A_3586, %dma_wait3A_3587] : memref<10x128x32xf32, #tpu.memory_space<vmem>> -> memref<1x128x32xf32, #tpu.memory_space<vmem>>
      %dma_wait3A_3589 = tpu.memref_squeeze %dma_wait3A_3588 : memref<1x128x32xf32, #tpu.memory_space<vmem>> -> memref<128x32xf32, #tpu.memory_space<vmem>>
      %dma_wait3A_3590 = arith.constant 0 : i32
      %dma_wait3A_3591 = tpu.memref_slice %arg9[%dma_wait3A_3584, %dma_wait3A_3590] : memref<10x128xi32, #tpu.memory_space<vmem>> -> memref<1x128xi32, #tpu.memory_space<vmem>>
      %dma_wait3A_3592 = tpu.memref_squeeze %dma_wait3A_3591 : memref<1x128xi32, #tpu.memory_space<vmem>> -> memref<128xi32, #tpu.memory_space<vmem>>
      %dma_wait3A_3593 = arith.constant 0 : i32
      %dma_wait3A_3594 = arith.constant 0 : i32
      %dma_wait3A_3595 = tpu.memref_slice %arg12[%dma_wait3A_3593, %dma_wait3A_3594] : memref<2560x32xf32, #tpu.memory_space<vmem_shared>> -> memref<2560x32xf32, #tpu.memory_space<vmem_shared>>
      tpu.wait_indirect_dma semaphore(%arg14 : memref<!tpu.dma_semaphore, #tpu.memory_space<semaphore_mem>>) src(%dma_wait3A_3595 : memref<2560x32xf32, #tpu.memory_space<vmem_shared>>) dst(%dma_wait3A_3589 : memref<128x32xf32, #tpu.memory_space<vmem>>)
      %dma_wait3A_3596 = arith.constant 4 : i32
      %dma_wait3A_3597 = arith.constant 4 : i32
      %dma_wait3A_3598 = arith.constant 0 : i32
      %dma_wait3A_3599 = arith.constant 0 : i32
      %dma_wait3A_3600 = tpu.memref_slice %arg10[%dma_wait3A_3597, %dma_wait3A_3598, %dma_wait3A_3599] : memref<10x128x32xf32, #tpu.memory_space<vmem>> -> memref<1x128x32xf32, #tpu.memory_space<vmem>>
      %dma_wait3A_3601 = tpu.memref_squeeze %dma_wait3A_3600 : memref<1x128x32xf32, #tpu.memory_space<vmem>> -> memref<128x32xf32, #tpu.memory_space<vmem>>
      %dma_wait3A_3602 = arith.constant 0 : i32
      %dma_wait3A_3603 = tpu.memref_slice %arg9[%dma_wait3A_3596, %dma_wait3A_3602] : memref<10x128xi32, #tpu.memory_space<vmem>> -> memref<1x128xi32, #tpu.memory_space<vmem>>
      %dma_wait3A_3604 = tpu.memref_squeeze %dma_wait3A_3603 : memref<1x128xi32, #tpu.memory_space<vmem>> -> memref<128xi32, #tpu.memory_space<vmem>>
      %dma_wait3A_3605 = arith.constant 0 : i32
      %dma_wait3A_3606 = arith.constant 0 : i32
      %dma_wait3A_3607 = tpu.memref_slice %arg12[%dma_wait3A_3605, %dma_wait3A_3606] : memref<2560x32xf32, #tpu.memory_space<vmem_shared>> -> memref<2560x32xf32, #tpu.memory_space<vmem_shared>>
      tpu.wait_indirect_dma semaphore(%arg14 : memref<!tpu.dma_semaphore, #tpu.memory_space<semaphore_mem>>) src(%dma_wait3A_3607 : memref<2560x32xf32, #tpu.memory_space<vmem_shared>>) dst(%dma_wait3A_3601 : memref<128x32xf32, #tpu.memory_space<vmem>>)
      %dma_wait3A_3608 = arith.constant 5 : i32
      %dma_wait3A_3609 = arith.constant 5 : i32
      %dma_wait3A_3610 = arith.constant 0 : i32
      %dma_wait3A_3611 = arith.constant 0 : i32
      %dma_wait3A_3612 = tpu.memref_slice %arg10[%dma_wait3A_3609, %dma_wait3A_3610, %dma_wait3A_3611] : memref<10x128x32xf32, #tpu.memory_space<vmem>> -> memref<1x128x32xf32, #tpu.memory_space<vmem>>
      %dma_wait3A_3613 = tpu.memref_squeeze %dma_wait3A_3612 : memref<1x128x32xf32, #tpu.memory_space<vmem>> -> memref<128x32xf32, #tpu.memory_space<vmem>>
      %dma_wait3A_3614 = arith.constant 0 : i32
      %dma_wait3A_3615 = tpu.memref_slice %arg9[%dma_wait3A_3608, %dma_wait3A_3614] : memref<10x128xi32, #tpu.memory_space<vmem>> -> memref<1x128xi32, #tpu.memory_space<vmem>>
      %dma_wait3A_3616 = tpu.memref_squeeze %dma_wait3A_3615 : memref<1x128xi32, #tpu.memory_space<vmem>> -> memref<128xi32, #tpu.memory_space<vmem>>
      %dma_wait3A_3617 = arith.constant 0 : i32
      %dma_wait3A_3618 = arith.constant 0 : i32
      %dma_wait3A_3619 = tpu.memref_slice %arg12[%dma_wait3A_3617, %dma_wait3A_3618] : memref<2560x32xf32, #tpu.memory_space<vmem_shared>> -> memref<2560x32xf32, #tpu.memory_space<vmem_shared>>
      tpu.wait_indirect_dma semaphore(%arg14 : memref<!tpu.dma_semaphore, #tpu.memory_space<semaphore_mem>>) src(%dma_wait3A_3619 : memref<2560x32xf32, #tpu.memory_space<vmem_shared>>) dst(%dma_wait3A_3613 : memref<128x32xf32, #tpu.memory_space<vmem>>)
      %dma_wait3A_3620 = arith.constant 6 : i32
      %dma_wait3A_3621 = arith.constant 6 : i32
      %dma_wait3A_3622 = arith.constant 0 : i32
      %dma_wait3A_3623 = arith.constant 0 : i32
      %dma_wait3A_3624 = tpu.memref_slice %arg10[%dma_wait3A_3621, %dma_wait3A_3622, %dma_wait3A_3623] : memref<10x128x32xf32, #tpu.memory_space<vmem>> -> memref<1x128x32xf32, #tpu.memory_space<vmem>>
      %dma_wait3A_3625 = tpu.memref_squeeze %dma_wait3A_3624 : memref<1x128x32xf32, #tpu.memory_space<vmem>> -> memref<128x32xf32, #tpu.memory_space<vmem>>
      %dma_wait3A_3626 = arith.constant 0 : i32
      %dma_wait3A_3627 = tpu.memref_slice %arg9[%dma_wait3A_3620, %dma_wait3A_3626] : memref<10x128xi32, #tpu.memory_space<vmem>> -> memref<1x128xi32, #tpu.memory_space<vmem>>
      %dma_wait3A_3628 = tpu.memref_squeeze %dma_wait3A_3627 : memref<1x128xi32, #tpu.memory_space<vmem>> -> memref<128xi32, #tpu.memory_space<vmem>>
      %dma_wait3A_3629 = arith.constant 0 : i32
      %dma_wait3A_3630 = arith.constant 0 : i32
      %dma_wait3A_3631 = tpu.memref_slice %arg12[%dma_wait3A_3629, %dma_wait3A_3630] : memref<2560x32xf32, #tpu.memory_space<vmem_shared>> -> memref<2560x32xf32, #tpu.memory_space<vmem_shared>>
      tpu.wait_indirect_dma semaphore(%arg14 : memref<!tpu.dma_semaphore, #tpu.memory_space<semaphore_mem>>) src(%dma_wait3A_3631 : memref<2560x32xf32, #tpu.memory_space<vmem_shared>>) dst(%dma_wait3A_3625 : memref<128x32xf32, #tpu.memory_space<vmem>>)
      %dma_wait3A_3632 = arith.constant 7 : i32
      %dma_wait3A_3633 = arith.constant 7 : i32
      %dma_wait3A_3634 = arith.constant 0 : i32
      %dma_wait3A_3635 = arith.constant 0 : i32
      %dma_wait3A_3636 = tpu.memref_slice %arg10[%dma_wait3A_3633, %dma_wait3A_3634, %dma_wait3A_3635] : memref<10x128x32xf32, #tpu.memory_space<vmem>> -> memref<1x128x32xf32, #tpu.memory_space<vmem>>
      %dma_wait3A_3637 = tpu.memref_squeeze %dma_wait3A_3636 : memref<1x128x32xf32, #tpu.memory_space<vmem>> -> memref<128x32xf32, #tpu.memory_space<vmem>>
      %dma_wait3A_3638 = arith.constant 0 : i32
      %dma_wait3A_3639 = tpu.memref_slice %arg9[%dma_wait3A_3632, %dma_wait3A_3638] : memref<10x128xi32, #tpu.memory_space<vmem>> -> memref<1x128xi32, #tpu.memory_space<vmem>>
      %dma_wait3A_3640 = tpu.memref_squeeze %dma_wait3A_3639 : memref<1x128xi32, #tpu.memory_space<vmem>> -> memref<128xi32, #tpu.memory_space<vmem>>
      %dma_wait3A_3641 = arith.constant 0 : i32
      %dma_wait3A_3642 = arith.constant 0 : i32
      %dma_wait3A_3643 = tpu.memref_slice %arg12[%dma_wait3A_3641, %dma_wait3A_3642] : memref<2560x32xf32, #tpu.memory_space<vmem_shared>> -> memref<2560x32xf32, #tpu.memory_space<vmem_shared>>
      tpu.wait_indirect_dma semaphore(%arg14 : memref<!tpu.dma_semaphore, #tpu.memory_space<semaphore_mem>>) src(%dma_wait3A_3643 : memref<2560x32xf32, #tpu.memory_space<vmem_shared>>) dst(%dma_wait3A_3637 : memref<128x32xf32, #tpu.memory_space<vmem>>)
      %dma_wait3A_3644 = arith.constant 8 : i32
      %dma_wait3A_3645 = arith.constant 8 : i32
      %dma_wait3A_3646 = arith.constant 0 : i32
      %dma_wait3A_3647 = arith.constant 0 : i32
      %dma_wait3A_3648 = tpu.memref_slice %arg10[%dma_wait3A_3645, %dma_wait3A_3646, %dma_wait3A_3647] : memref<10x128x32xf32, #tpu.memory_space<vmem>> -> memref<1x128x32xf32, #tpu.memory_space<vmem>>
      %dma_wait3A_3649 = tpu.memref_squeeze %dma_wait3A_3648 : memref<1x128x32xf32, #tpu.memory_space<vmem>> -> memref<128x32xf32, #tpu.memory_space<vmem>>
      %dma_wait3A_3650 = arith.constant 0 : i32
      %dma_wait3A_3651 = tpu.memref_slice %arg9[%dma_wait3A_3644, %dma_wait3A_3650] : memref<10x128xi32, #tpu.memory_space<vmem>> -> memref<1x128xi32, #tpu.memory_space<vmem>>
      %dma_wait3A_3652 = tpu.memref_squeeze %dma_wait3A_3651 : memref<1x128xi32, #tpu.memory_space<vmem>> -> memref<128xi32, #tpu.memory_space<vmem>>
      %dma_wait3A_3653 = arith.constant 0 : i32
      %dma_wait3A_3654 = arith.constant 0 : i32
      %dma_wait3A_3655 = tpu.memref_slice %arg12[%dma_wait3A_3653, %dma_wait3A_3654] : memref<2560x32xf32, #tpu.memory_space<vmem_shared>> -> memref<2560x32xf32, #tpu.memory_space<vmem_shared>>
      tpu.wait_indirect_dma semaphore(%arg14 : memref<!tpu.dma_semaphore, #tpu.memory_space<semaphore_mem>>) src(%dma_wait3A_3655 : memref<2560x32xf32, #tpu.memory_space<vmem_shared>>) dst(%dma_wait3A_3649 : memref<128x32xf32, #tpu.memory_space<vmem>>)
      %dma_wait3A_3656 = arith.constant 9 : i32
      %dma_wait3A_3657 = arith.constant 9 : i32
      %dma_wait3A_3658 = arith.constant 0 : i32
      %dma_wait3A_3659 = arith.constant 0 : i32
      %dma_wait3A_3660 = tpu.memref_slice %arg10[%dma_wait3A_3657, %dma_wait3A_3658, %dma_wait3A_3659] : memref<10x128x32xf32, #tpu.memory_space<vmem>> -> memref<1x128x32xf32, #tpu.memory_space<vmem>>
      %dma_wait3A_3661 = tpu.memref_squeeze %dma_wait3A_3660 : memref<1x128x32xf32, #tpu.memory_space<vmem>> -> memref<128x32xf32, #tpu.memory_space<vmem>>
      %dma_wait3A_3662 = arith.constant 0 : i32
      %dma_wait3A_3663 = tpu.memref_slice %arg9[%dma_wait3A_3656, %dma_wait3A_3662] : memref<10x128xi32, #tpu.memory_space<vmem>> -> memref<1x128xi32, #tpu.memory_space<vmem>>
      %dma_wait3A_3664 = tpu.memref_squeeze %dma_wait3A_3663 : memref<1x128xi32, #tpu.memory_space<vmem>> -> memref<128xi32, #tpu.memory_space<vmem>>
      %dma_wait3A_3665 = arith.constant 0 : i32
      %dma_wait3A_3666 = arith.constant 0 : i32
      %dma_wait3A_3667 = tpu.memref_slice %arg12[%dma_wait3A_3665, %dma_wait3A_3666] : memref<2560x32xf32, #tpu.memory_space<vmem_shared>> -> memref<2560x32xf32, #tpu.memory_space<vmem_shared>>
      tpu.wait_indirect_dma semaphore(%arg14 : memref<!tpu.dma_semaphore, #tpu.memory_space<semaphore_mem>>) src(%dma_wait3A_3667 : memref<2560x32xf32, #tpu.memory_space<vmem_shared>>) dst(%dma_wait3A_3661 : memref<128x32xf32, #tpu.memory_space<vmem>>)
      %dma_start3A_3668 = arith.constant 0 : i32
      %dma_start3A_3669 = arith.constant 0 : i32
      %dma_start3A_3670 = arith.constant 0 : i32
      %dma_start3A_3671 = tpu.memref_slice %arg10[%dma_start3A_3668, %dma_start3A_3669, %dma_start3A_3670] : memref<10x128x32xf32, #tpu.memory_space<vmem>> -> memref<1x128x32xf32, #tpu.memory_space<vmem>>
      %dma_start3A_3672 = tpu.memref_squeeze %dma_start3A_3671 : memref<1x128x32xf32, #tpu.memory_space<vmem>> -> memref<128x32xf32, #tpu.memory_space<vmem>>
      %dma_start3A_3673 = arith.constant 0 : i32
      %dma_start3A_3674 = tpu.memref_slice %arg5[%add3A_144, %dma_start3A_3673] : memref<204800x320xf32, #tpu.memory_space<hbm>> -> memref<128x32xf32, #tpu.memory_space<hbm>>
      %dma_start3A_3675 = arith.constant 0 : i32
      %dma_start3A_3676 = tpu.memref_slice %arg5[%add3A_144, %dma_start3A_3675] : memref<204800x320xf32, #tpu.memory_space<hbm>> -> memref<128x32xf32, #tpu.memory_space<hbm>>
      %dma_start3A_3677 = arith.constant 0 : i32
      %dma_start3A_3678 = arith.constant 0 : i32
      %dma_start3A_3679 = tpu.memref_slice %arg10[%dma_start3A_3668, %dma_start3A_3677, %dma_start3A_3678] : memref<10x128x32xf32, #tpu.memory_space<vmem>> -> memref<1x128x32xf32, #tpu.memory_space<vmem>>
      %dma_start3A_3680 = tpu.memref_squeeze %dma_start3A_3679 : memref<1x128x32xf32, #tpu.memory_space<vmem>> -> memref<128x32xf32, #tpu.memory_space<vmem>>
      tpu.enqueue_dma source(%dma_start3A_3680 : memref<128x32xf32, #tpu.memory_space<vmem>>) target(%dma_start3A_3676 : memref<128x32xf32, #tpu.memory_space<hbm>>) target_semaphore(%arg15 : memref<!tpu.dma_semaphore, #tpu.memory_space<semaphore_mem>>)
      %dma_start3A_3681 = arith.constant 1 : i32
      %dma_start3A_3682 = arith.constant 0 : i32
      %dma_start3A_3683 = arith.constant 0 : i32
      %dma_start3A_3684 = tpu.memref_slice %arg10[%dma_start3A_3681, %dma_start3A_3682, %dma_start3A_3683] : memref<10x128x32xf32, #tpu.memory_space<vmem>> -> memref<1x128x32xf32, #tpu.memory_space<vmem>>
      %dma_start3A_3685 = tpu.memref_squeeze %dma_start3A_3684 : memref<1x128x32xf32, #tpu.memory_space<vmem>> -> memref<128x32xf32, #tpu.memory_space<vmem>>
      %dma_start3A_3686 = arith.constant 32 : i32
      %dma_start3A_3687 = tpu.memref_slice %arg5[%add3A_144, %dma_start3A_3686] : memref<204800x320xf32, #tpu.memory_space<hbm>> -> memref<128x32xf32, #tpu.memory_space<hbm>>
      %dma_start3A_3688 = arith.constant 32 : i32
      %dma_start3A_3689 = tpu.memref_slice %arg5[%add3A_144, %dma_start3A_3688] : memref<204800x320xf32, #tpu.memory_space<hbm>> -> memref<128x32xf32, #tpu.memory_space<hbm>>
      %dma_start3A_3690 = arith.constant 0 : i32
      %dma_start3A_3691 = arith.constant 0 : i32
      %dma_start3A_3692 = tpu.memref_slice %arg10[%dma_start3A_3681, %dma_start3A_3690, %dma_start3A_3691] : memref<10x128x32xf32, #tpu.memory_space<vmem>> -> memref<1x128x32xf32, #tpu.memory_space<vmem>>
      %dma_start3A_3693 = tpu.memref_squeeze %dma_start3A_3692 : memref<1x128x32xf32, #tpu.memory_space<vmem>> -> memref<128x32xf32, #tpu.memory_space<vmem>>
      tpu.enqueue_dma source(%dma_start3A_3693 : memref<128x32xf32, #tpu.memory_space<vmem>>) target(%dma_start3A_3689 : memref<128x32xf32, #tpu.memory_space<hbm>>) target_semaphore(%arg15 : memref<!tpu.dma_semaphore, #tpu.memory_space<semaphore_mem>>)
      %dma_start3A_3694 = arith.constant 2 : i32
      %dma_start3A_3695 = arith.constant 0 : i32
      %dma_start3A_3696 = arith.constant 0 : i32
      %dma_start3A_3697 = tpu.memref_slice %arg10[%dma_start3A_3694, %dma_start3A_3695, %dma_start3A_3696] : memref<10x128x32xf32, #tpu.memory_space<vmem>> -> memref<1x128x32xf32, #tpu.memory_space<vmem>>
      %dma_start3A_3698 = tpu.memref_squeeze %dma_start3A_3697 : memref<1x128x32xf32, #tpu.memory_space<vmem>> -> memref<128x32xf32, #tpu.memory_space<vmem>>
      %dma_start3A_3699 = arith.constant 64 : i32
      %dma_start3A_3700 = tpu.memref_slice %arg5[%add3A_144, %dma_start3A_3699] : memref<204800x320xf32, #tpu.memory_space<hbm>> -> memref<128x32xf32, #tpu.memory_space<hbm>>
      %dma_start3A_3701 = arith.constant 64 : i32
      %dma_start3A_3702 = tpu.memref_slice %arg5[%add3A_144, %dma_start3A_3701] : memref<204800x320xf32, #tpu.memory_space<hbm>> -> memref<128x32xf32, #tpu.memory_space<hbm>>
      %dma_start3A_3703 = arith.constant 0 : i32
      %dma_start3A_3704 = arith.constant 0 : i32
      %dma_start3A_3705 = tpu.memref_slice %arg10[%dma_start3A_3694, %dma_start3A_3703, %dma_start3A_3704] : memref<10x128x32xf32, #tpu.memory_space<vmem>> -> memref<1x128x32xf32, #tpu.memory_space<vmem>>
      %dma_start3A_3706 = tpu.memref_squeeze %dma_start3A_3705 : memref<1x128x32xf32, #tpu.memory_space<vmem>> -> memref<128x32xf32, #tpu.memory_space<vmem>>
      tpu.enqueue_dma source(%dma_start3A_3706 : memref<128x32xf32, #tpu.memory_space<vmem>>) target(%dma_start3A_3702 : memref<128x32xf32, #tpu.memory_space<hbm>>) target_semaphore(%arg15 : memref<!tpu.dma_semaphore, #tpu.memory_space<semaphore_mem>>)
      %dma_start3A_3707 = arith.constant 3 : i32
      %dma_start3A_3708 = arith.constant 0 : i32
      %dma_start3A_3709 = arith.constant 0 : i32
      %dma_start3A_3710 = tpu.memref_slice %arg10[%dma_start3A_3707, %dma_start3A_3708, %dma_start3A_3709] : memref<10x128x32xf32, #tpu.memory_space<vmem>> -> memref<1x128x32xf32, #tpu.memory_space<vmem>>
      %dma_start3A_3711 = tpu.memref_squeeze %dma_start3A_3710 : memref<1x128x32xf32, #tpu.memory_space<vmem>> -> memref<128x32xf32, #tpu.memory_space<vmem>>
      %dma_start3A_3712 = arith.constant 96 : i32
      %dma_start3A_3713 = tpu.memref_slice %arg5[%add3A_144, %dma_start3A_3712] : memref<204800x320xf32, #tpu.memory_space<hbm>> -> memref<128x32xf32, #tpu.memory_space<hbm>>
      %dma_start3A_3714 = arith.constant 96 : i32
      %dma_start3A_3715 = tpu.memref_slice %arg5[%add3A_144, %dma_start3A_3714] : memref<204800x320xf32, #tpu.memory_space<hbm>> -> memref<128x32xf32, #tpu.memory_space<hbm>>
      %dma_start3A_3716 = arith.constant 0 : i32
      %dma_start3A_3717 = arith.constant 0 : i32
      %dma_start3A_3718 = tpu.memref_slice %arg10[%dma_start3A_3707, %dma_start3A_3716, %dma_start3A_3717] : memref<10x128x32xf32, #tpu.memory_space<vmem>> -> memref<1x128x32xf32, #tpu.memory_space<vmem>>
      %dma_start3A_3719 = tpu.memref_squeeze %dma_start3A_3718 : memref<1x128x32xf32, #tpu.memory_space<vmem>> -> memref<128x32xf32, #tpu.memory_space<vmem>>
      tpu.enqueue_dma source(%dma_start3A_3719 : memref<128x32xf32, #tpu.memory_space<vmem>>) target(%dma_start3A_3715 : memref<128x32xf32, #tpu.memory_space<hbm>>) target_semaphore(%arg15 : memref<!tpu.dma_semaphore, #tpu.memory_space<semaphore_mem>>)
      %dma_start3A_3720 = arith.constant 4 : i32
      %dma_start3A_3721 = arith.constant 0 : i32
      %dma_start3A_3722 = arith.constant 0 : i32
      %dma_start3A_3723 = tpu.memref_slice %arg10[%dma_start3A_3720, %dma_start3A_3721, %dma_start3A_3722] : memref<10x128x32xf32, #tpu.memory_space<vmem>> -> memref<1x128x32xf32, #tpu.memory_space<vmem>>
      %dma_start3A_3724 = tpu.memref_squeeze %dma_start3A_3723 : memref<1x128x32xf32, #tpu.memory_space<vmem>> -> memref<128x32xf32, #tpu.memory_space<vmem>>
      %dma_start3A_3725 = arith.constant 128 : i32
      %dma_start3A_3726 = tpu.memref_slice %arg5[%add3A_144, %dma_start3A_3725] : memref<204800x320xf32, #tpu.memory_space<hbm>> -> memref<128x32xf32, #tpu.memory_space<hbm>>
      %dma_start3A_3727 = arith.constant 128 : i32
      %dma_start3A_3728 = tpu.memref_slice %arg5[%add3A_144, %dma_start3A_3727] : memref<204800x320xf32, #tpu.memory_space<hbm>> -> memref<128x32xf32, #tpu.memory_space<hbm>>
      %dma_start3A_3729 = arith.constant 0 : i32
      %dma_start3A_3730 = arith.constant 0 : i32
      %dma_start3A_3731 = tpu.memref_slice %arg10[%dma_start3A_3720, %dma_start3A_3729, %dma_start3A_3730] : memref<10x128x32xf32, #tpu.memory_space<vmem>> -> memref<1x128x32xf32, #tpu.memory_space<vmem>>
      %dma_start3A_3732 = tpu.memref_squeeze %dma_start3A_3731 : memref<1x128x32xf32, #tpu.memory_space<vmem>> -> memref<128x32xf32, #tpu.memory_space<vmem>>
      tpu.enqueue_dma source(%dma_start3A_3732 : memref<128x32xf32, #tpu.memory_space<vmem>>) target(%dma_start3A_3728 : memref<128x32xf32, #tpu.memory_space<hbm>>) target_semaphore(%arg15 : memref<!tpu.dma_semaphore, #tpu.memory_space<semaphore_mem>>)
      %dma_start3A_3733 = arith.constant 5 : i32
      %dma_start3A_3734 = arith.constant 0 : i32
      %dma_start3A_3735 = arith.constant 0 : i32
      %dma_start3A_3736 = tpu.memref_slice %arg10[%dma_start3A_3733, %dma_start3A_3734, %dma_start3A_3735] : memref<10x128x32xf32, #tpu.memory_space<vmem>> -> memref<1x128x32xf32, #tpu.memory_space<vmem>>
      %dma_start3A_3737 = tpu.memref_squeeze %dma_start3A_3736 : memref<1x128x32xf32, #tpu.memory_space<vmem>> -> memref<128x32xf32, #tpu.memory_space<vmem>>
      %dma_start3A_3738 = arith.constant 160 : i32
      %dma_start3A_3739 = tpu.memref_slice %arg5[%add3A_144, %dma_start3A_3738] : memref<204800x320xf32, #tpu.memory_space<hbm>> -> memref<128x32xf32, #tpu.memory_space<hbm>>
      %dma_start3A_3740 = arith.constant 160 : i32
      %dma_start3A_3741 = tpu.memref_slice %arg5[%add3A_144, %dma_start3A_3740] : memref<204800x320xf32, #tpu.memory_space<hbm>> -> memref<128x32xf32, #tpu.memory_space<hbm>>
      %dma_start3A_3742 = arith.constant 0 : i32
      %dma_start3A_3743 = arith.constant 0 : i32
      %dma_start3A_3744 = tpu.memref_slice %arg10[%dma_start3A_3733, %dma_start3A_3742, %dma_start3A_3743] : memref<10x128x32xf32, #tpu.memory_space<vmem>> -> memref<1x128x32xf32, #tpu.memory_space<vmem>>
      %dma_start3A_3745 = tpu.memref_squeeze %dma_start3A_3744 : memref<1x128x32xf32, #tpu.memory_space<vmem>> -> memref<128x32xf32, #tpu.memory_space<vmem>>
      tpu.enqueue_dma source(%dma_start3A_3745 : memref<128x32xf32, #tpu.memory_space<vmem>>) target(%dma_start3A_3741 : memref<128x32xf32, #tpu.memory_space<hbm>>) target_semaphore(%arg15 : memref<!tpu.dma_semaphore, #tpu.memory_space<semaphore_mem>>)
      %dma_start3A_3746 = arith.constant 6 : i32
      %dma_start3A_3747 = arith.constant 0 : i32
      %dma_start3A_3748 = arith.constant 0 : i32
      %dma_start3A_3749 = tpu.memref_slice %arg10[%dma_start3A_3746, %dma_start3A_3747, %dma_start3A_3748] : memref<10x128x32xf32, #tpu.memory_space<vmem>> -> memref<1x128x32xf32, #tpu.memory_space<vmem>>
      %dma_start3A_3750 = tpu.memref_squeeze %dma_start3A_3749 : memref<1x128x32xf32, #tpu.memory_space<vmem>> -> memref<128x32xf32, #tpu.memory_space<vmem>>
      %dma_start3A_3751 = arith.constant 192 : i32
      %dma_start3A_3752 = tpu.memref_slice %arg5[%add3A_144, %dma_start3A_3751] : memref<204800x320xf32, #tpu.memory_space<hbm>> -> memref<128x32xf32, #tpu.memory_space<hbm>>
      %dma_start3A_3753 = arith.constant 192 : i32
      %dma_start3A_3754 = tpu.memref_slice %arg5[%add3A_144, %dma_start3A_3753] : memref<204800x320xf32, #tpu.memory_space<hbm>> -> memref<128x32xf32, #tpu.memory_space<hbm>>
      %dma_start3A_3755 = arith.constant 0 : i32
      %dma_start3A_3756 = arith.constant 0 : i32
      %dma_start3A_3757 = tpu.memref_slice %arg10[%dma_start3A_3746, %dma_start3A_3755, %dma_start3A_3756] : memref<10x128x32xf32, #tpu.memory_space<vmem>> -> memref<1x128x32xf32, #tpu.memory_space<vmem>>
      %dma_start3A_3758 = tpu.memref_squeeze %dma_start3A_3757 : memref<1x128x32xf32, #tpu.memory_space<vmem>> -> memref<128x32xf32, #tpu.memory_space<vmem>>
      tpu.enqueue_dma source(%dma_start3A_3758 : memref<128x32xf32, #tpu.memory_space<vmem>>) target(%dma_start3A_3754 : memref<128x32xf32, #tpu.memory_space<hbm>>) target_semaphore(%arg15 : memref<!tpu.dma_semaphore, #tpu.memory_space<semaphore_mem>>)
      %dma_start3A_3759 = arith.constant 7 : i32
      %dma_start3A_3760 = arith.constant 0 : i32
      %dma_start3A_3761 = arith.constant 0 : i32
      %dma_start3A_3762 = tpu.memref_slice %arg10[%dma_start3A_3759, %dma_start3A_3760, %dma_start3A_3761] : memref<10x128x32xf32, #tpu.memory_space<vmem>> -> memref<1x128x32xf32, #tpu.memory_space<vmem>>
      %dma_start3A_3763 = tpu.memref_squeeze %dma_start3A_3762 : memref<1x128x32xf32, #tpu.memory_space<vmem>> -> memref<128x32xf32, #tpu.memory_space<vmem>>
      %dma_start3A_3764 = arith.constant 224 : i32
      %dma_start3A_3765 = tpu.memref_slice %arg5[%add3A_144, %dma_start3A_3764] : memref<204800x320xf32, #tpu.memory_space<hbm>> -> memref<128x32xf32, #tpu.memory_space<hbm>>
      %dma_start3A_3766 = arith.constant 224 : i32
      %dma_start3A_3767 = tpu.memref_slice %arg5[%add3A_144, %dma_start3A_3766] : memref<204800x320xf32, #tpu.memory_space<hbm>> -> memref<128x32xf32, #tpu.memory_space<hbm>>
      %dma_start3A_3768 = arith.constant 0 : i32
      %dma_start3A_3769 = arith.constant 0 : i32
      %dma_start3A_3770 = tpu.memref_slice %arg10[%dma_start3A_3759, %dma_start3A_3768, %dma_start3A_3769] : memref<10x128x32xf32, #tpu.memory_space<vmem>> -> memref<1x128x32xf32, #tpu.memory_space<vmem>>
      %dma_start3A_3771 = tpu.memref_squeeze %dma_start3A_3770 : memref<1x128x32xf32, #tpu.memory_space<vmem>> -> memref<128x32xf32, #tpu.memory_space<vmem>>
      tpu.enqueue_dma source(%dma_start3A_3771 : memref<128x32xf32, #tpu.memory_space<vmem>>) target(%dma_start3A_3767 : memref<128x32xf32, #tpu.memory_space<hbm>>) target_semaphore(%arg15 : memref<!tpu.dma_semaphore, #tpu.memory_space<semaphore_mem>>)
      %dma_start3A_3772 = arith.constant 8 : i32
      %dma_start3A_3773 = arith.constant 0 : i32
      %dma_start3A_3774 = arith.constant 0 : i32
      %dma_start3A_3775 = tpu.memref_slice %arg10[%dma_start3A_3772, %dma_start3A_3773, %dma_start3A_3774] : memref<10x128x32xf32, #tpu.memory_space<vmem>> -> memref<1x128x32xf32, #tpu.memory_space<vmem>>
      %dma_start3A_3776 = tpu.memref_squeeze %dma_start3A_3775 : memref<1x128x32xf32, #tpu.memory_space<vmem>> -> memref<128x32xf32, #tpu.memory_space<vmem>>
      %dma_start3A_3777 = arith.constant 256 : i32
      %dma_start3A_3778 = tpu.memref_slice %arg5[%add3A_144, %dma_start3A_3777] : memref<204800x320xf32, #tpu.memory_space<hbm>> -> memref<128x32xf32, #tpu.memory_space<hbm>>
      %dma_start3A_3779 = arith.constant 256 : i32
      %dma_start3A_3780 = tpu.memref_slice %arg5[%add3A_144, %dma_start3A_3779] : memref<204800x320xf32, #tpu.memory_space<hbm>> -> memref<128x32xf32, #tpu.memory_space<hbm>>
      %dma_start3A_3781 = arith.constant 0 : i32
      %dma_start3A_3782 = arith.constant 0 : i32
      %dma_start3A_3783 = tpu.memref_slice %arg10[%dma_start3A_3772, %dma_start3A_3781, %dma_start3A_3782] : memref<10x128x32xf32, #tpu.memory_space<vmem>> -> memref<1x128x32xf32, #tpu.memory_space<vmem>>
      %dma_start3A_3784 = tpu.memref_squeeze %dma_start3A_3783 : memref<1x128x32xf32, #tpu.memory_space<vmem>> -> memref<128x32xf32, #tpu.memory_space<vmem>>
      tpu.enqueue_dma source(%dma_start3A_3784 : memref<128x32xf32, #tpu.memory_space<vmem>>) target(%dma_start3A_3780 : memref<128x32xf32, #tpu.memory_space<hbm>>) target_semaphore(%arg15 : memref<!tpu.dma_semaphore, #tpu.memory_space<semaphore_mem>>)
      %dma_start3A_3785 = arith.constant 9 : i32
      %dma_start3A_3786 = arith.constant 0 : i32
      %dma_start3A_3787 = arith.constant 0 : i32
      %dma_start3A_3788 = tpu.memref_slice %arg10[%dma_start3A_3785, %dma_start3A_3786, %dma_start3A_3787] : memref<10x128x32xf32, #tpu.memory_space<vmem>> -> memref<1x128x32xf32, #tpu.memory_space<vmem>>
      %dma_start3A_3789 = tpu.memref_squeeze %dma_start3A_3788 : memref<1x128x32xf32, #tpu.memory_space<vmem>> -> memref<128x32xf32, #tpu.memory_space<vmem>>
      %dma_start3A_3790 = arith.constant 288 : i32
      %dma_start3A_3791 = tpu.memref_slice %arg5[%add3A_144, %dma_start3A_3790] : memref<204800x320xf32, #tpu.memory_space<hbm>> -> memref<128x32xf32, #tpu.memory_space<hbm>>
      %dma_start3A_3792 = arith.constant 288 : i32
      %dma_start3A_3793 = tpu.memref_slice %arg5[%add3A_144, %dma_start3A_3792] : memref<204800x320xf32, #tpu.memory_space<hbm>> -> memref<128x32xf32, #tpu.memory_space<hbm>>
      %dma_start3A_3794 = arith.constant 0 : i32
      %dma_start3A_3795 = arith.constant 0 : i32
      %dma_start3A_3796 = tpu.memref_slice %arg10[%dma_start3A_3785, %dma_start3A_3794, %dma_start3A_3795] : memref<10x128x32xf32, #tpu.memory_space<vmem>> -> memref<1x128x32xf32, #tpu.memory_space<vmem>>
      %dma_start3A_3797 = tpu.memref_squeeze %dma_start3A_3796 : memref<1x128x32xf32, #tpu.memory_space<vmem>> -> memref<128x32xf32, #tpu.memory_space<vmem>>
      tpu.enqueue_dma source(%dma_start3A_3797 : memref<128x32xf32, #tpu.memory_space<vmem>>) target(%dma_start3A_3793 : memref<128x32xf32, #tpu.memory_space<hbm>>) target_semaphore(%arg15 : memref<!tpu.dma_semaphore, #tpu.memory_space<semaphore_mem>>)
    }
    %scan3A_9 = arith.constant 50 : i32
    %add3A_10 = arith.constant 6272 : i32
    %add3A_11 = arith.addi %mul3A_2, %add3A_10 : i32
    %dma_wait3A = arith.constant 0 : i32
    %dma_wait3A_12 = arith.constant 0 : i32
    %dma_wait3A_13 = arith.constant 0 : i32
    %dma_wait3A_14 = tpu.memref_slice %arg10[%dma_wait3A, %dma_wait3A_12, %dma_wait3A_13] : memref<10x128x32xf32, #tpu.memory_space<vmem>> -> memref<1x128x32xf32, #tpu.memory_space<vmem>>
    %dma_wait3A_15 = tpu.memref_squeeze %dma_wait3A_14 : memref<1x128x32xf32, #tpu.memory_space<vmem>> -> memref<128x32xf32, #tpu.memory_space<vmem>>
    %dma_wait3A_16 = arith.constant 0 : i32
    %dma_wait3A_17 = tpu.memref_slice %arg5[%add3A_11, %dma_wait3A_16] : memref<204800x320xf32, #tpu.memory_space<hbm>> -> memref<128x32xf32, #tpu.memory_space<hbm>>
    %dma_wait3A_18 = arith.constant 0 : i32
    %dma_wait3A_19 = tpu.memref_slice %arg5[%add3A_11, %dma_wait3A_18] : memref<204800x320xf32, #tpu.memory_space<hbm>> -> memref<128x32xf32, #tpu.memory_space<hbm>>
    %dma_wait3A_20 = arith.constant 0 : i32
    %dma_wait3A_21 = arith.constant 0 : i32
    %dma_wait3A_22 = tpu.memref_slice %arg10[%dma_wait3A, %dma_wait3A_20, %dma_wait3A_21] : memref<10x128x32xf32, #tpu.memory_space<vmem>> -> memref<1x128x32xf32, #tpu.memory_space<vmem>>
    %dma_wait3A_23 = tpu.memref_squeeze %dma_wait3A_22 : memref<1x128x32xf32, #tpu.memory_space<vmem>> -> memref<128x32xf32, #tpu.memory_space<vmem>>
    tpu.wait_dma2 semaphore(%arg15 : memref<!tpu.dma_semaphore, #tpu.memory_space<semaphore_mem>>) src(%dma_wait3A_23 : memref<128x32xf32, #tpu.memory_space<vmem>>) dst(%dma_wait3A_19 : memref<128x32xf32, #tpu.memory_space<hbm>>)
    %dma_wait3A_24 = arith.constant 1 : i32
    %dma_wait3A_25 = arith.constant 0 : i32
    %dma_wait3A_26 = arith.constant 0 : i32
    %dma_wait3A_27 = tpu.memref_slice %arg10[%dma_wait3A_24, %dma_wait3A_25, %dma_wait3A_26] : memref<10x128x32xf32, #tpu.memory_space<vmem>> -> memref<1x128x32xf32, #tpu.memory_space<vmem>>
    %dma_wait3A_28 = tpu.memref_squeeze %dma_wait3A_27 : memref<1x128x32xf32, #tpu.memory_space<vmem>> -> memref<128x32xf32, #tpu.memory_space<vmem>>
    %dma_wait3A_29 = arith.constant 32 : i32
    %dma_wait3A_30 = tpu.memref_slice %arg5[%add3A_11, %dma_wait3A_29] : memref<204800x320xf32, #tpu.memory_space<hbm>> -> memref<128x32xf32, #tpu.memory_space<hbm>>
    %dma_wait3A_31 = arith.constant 32 : i32
    %dma_wait3A_32 = tpu.memref_slice %arg5[%add3A_11, %dma_wait3A_31] : memref<204800x320xf32, #tpu.memory_space<hbm>> -> memref<128x32xf32, #tpu.memory_space<hbm>>
    %dma_wait3A_33 = arith.constant 0 : i32
    %dma_wait3A_34 = arith.constant 0 : i32
    %dma_wait3A_35 = tpu.memref_slice %arg10[%dma_wait3A_24, %dma_wait3A_33, %dma_wait3A_34] : memref<10x128x32xf32, #tpu.memory_space<vmem>> -> memref<1x128x32xf32, #tpu.memory_space<vmem>>
    %dma_wait3A_36 = tpu.memref_squeeze %dma_wait3A_35 : memref<1x128x32xf32, #tpu.memory_space<vmem>> -> memref<128x32xf32, #tpu.memory_space<vmem>>
    tpu.wait_dma2 semaphore(%arg15 : memref<!tpu.dma_semaphore, #tpu.memory_space<semaphore_mem>>) src(%dma_wait3A_36 : memref<128x32xf32, #tpu.memory_space<vmem>>) dst(%dma_wait3A_32 : memref<128x32xf32, #tpu.memory_space<hbm>>)
    %dma_wait3A_37 = arith.constant 2 : i32
    %dma_wait3A_38 = arith.constant 0 : i32
    %dma_wait3A_39 = arith.constant 0 : i32
    %dma_wait3A_40 = tpu.memref_slice %arg10[%dma_wait3A_37, %dma_wait3A_38, %dma_wait3A_39] : memref<10x128x32xf32, #tpu.memory_space<vmem>> -> memref<1x128x32xf32, #tpu.memory_space<vmem>>
    %dma_wait3A_41 = tpu.memref_squeeze %dma_wait3A_40 : memref<1x128x32xf32, #tpu.memory_space<vmem>> -> memref<128x32xf32, #tpu.memory_space<vmem>>
    %dma_wait3A_42 = arith.constant 64 : i32
    %dma_wait3A_43 = tpu.memref_slice %arg5[%add3A_11, %dma_wait3A_42] : memref<204800x320xf32, #tpu.memory_space<hbm>> -> memref<128x32xf32, #tpu.memory_space<hbm>>
    %dma_wait3A_44 = arith.constant 64 : i32
    %dma_wait3A_45 = tpu.memref_slice %arg5[%add3A_11, %dma_wait3A_44] : memref<204800x320xf32, #tpu.memory_space<hbm>> -> memref<128x32xf32, #tpu.memory_space<hbm>>
    %dma_wait3A_46 = arith.constant 0 : i32
    %dma_wait3A_47 = arith.constant 0 : i32
    %dma_wait3A_48 = tpu.memref_slice %arg10[%dma_wait3A_37, %dma_wait3A_46, %dma_wait3A_47] : memref<10x128x32xf32, #tpu.memory_space<vmem>> -> memref<1x128x32xf32, #tpu.memory_space<vmem>>
    %dma_wait3A_49 = tpu.memref_squeeze %dma_wait3A_48 : memref<1x128x32xf32, #tpu.memory_space<vmem>> -> memref<128x32xf32, #tpu.memory_space<vmem>>
    tpu.wait_dma2 semaphore(%arg15 : memref<!tpu.dma_semaphore, #tpu.memory_space<semaphore_mem>>) src(%dma_wait3A_49 : memref<128x32xf32, #tpu.memory_space<vmem>>) dst(%dma_wait3A_45 : memref<128x32xf32, #tpu.memory_space<hbm>>)
    %dma_wait3A_50 = arith.constant 3 : i32
    %dma_wait3A_51 = arith.constant 0 : i32
    %dma_wait3A_52 = arith.constant 0 : i32
    %dma_wait3A_53 = tpu.memref_slice %arg10[%dma_wait3A_50, %dma_wait3A_51, %dma_wait3A_52] : memref<10x128x32xf32, #tpu.memory_space<vmem>> -> memref<1x128x32xf32, #tpu.memory_space<vmem>>
    %dma_wait3A_54 = tpu.memref_squeeze %dma_wait3A_53 : memref<1x128x32xf32, #tpu.memory_space<vmem>> -> memref<128x32xf32, #tpu.memory_space<vmem>>
    %dma_wait3A_55 = arith.constant 96 : i32
    %dma_wait3A_56 = tpu.memref_slice %arg5[%add3A_11, %dma_wait3A_55] : memref<204800x320xf32, #tpu.memory_space<hbm>> -> memref<128x32xf32, #tpu.memory_space<hbm>>
    %dma_wait3A_57 = arith.constant 96 : i32
    %dma_wait3A_58 = tpu.memref_slice %arg5[%add3A_11, %dma_wait3A_57] : memref<204800x320xf32, #tpu.memory_space<hbm>> -> memref<128x32xf32, #tpu.memory_space<hbm>>
    %dma_wait3A_59 = arith.constant 0 : i32
    %dma_wait3A_60 = arith.constant 0 : i32
    %dma_wait3A_61 = tpu.memref_slice %arg10[%dma_wait3A_50, %dma_wait3A_59, %dma_wait3A_60] : memref<10x128x32xf32, #tpu.memory_space<vmem>> -> memref<1x128x32xf32, #tpu.memory_space<vmem>>
    %dma_wait3A_62 = tpu.memref_squeeze %dma_wait3A_61 : memref<1x128x32xf32, #tpu.memory_space<vmem>> -> memref<128x32xf32, #tpu.memory_space<vmem>>
    tpu.wait_dma2 semaphore(%arg15 : memref<!tpu.dma_semaphore, #tpu.memory_space<semaphore_mem>>) src(%dma_wait3A_62 : memref<128x32xf32, #tpu.memory_space<vmem>>) dst(%dma_wait3A_58 : memref<128x32xf32, #tpu.memory_space<hbm>>)
    %dma_wait3A_63 = arith.constant 4 : i32
    %dma_wait3A_64 = arith.constant 0 : i32
    %dma_wait3A_65 = arith.constant 0 : i32
    %dma_wait3A_66 = tpu.memref_slice %arg10[%dma_wait3A_63, %dma_wait3A_64, %dma_wait3A_65] : memref<10x128x32xf32, #tpu.memory_space<vmem>> -> memref<1x128x32xf32, #tpu.memory_space<vmem>>
    %dma_wait3A_67 = tpu.memref_squeeze %dma_wait3A_66 : memref<1x128x32xf32, #tpu.memory_space<vmem>> -> memref<128x32xf32, #tpu.memory_space<vmem>>
    %dma_wait3A_68 = arith.constant 128 : i32
    %dma_wait3A_69 = tpu.memref_slice %arg5[%add3A_11, %dma_wait3A_68] : memref<204800x320xf32, #tpu.memory_space<hbm>> -> memref<128x32xf32, #tpu.memory_space<hbm>>
    %dma_wait3A_70 = arith.constant 128 : i32
    %dma_wait3A_71 = tpu.memref_slice %arg5[%add3A_11, %dma_wait3A_70] : memref<204800x320xf32, #tpu.memory_space<hbm>> -> memref<128x32xf32, #tpu.memory_space<hbm>>
    %dma_wait3A_72 = arith.constant 0 : i32
    %dma_wait3A_73 = arith.constant 0 : i32
    %dma_wait3A_74 = tpu.memref_slice %arg10[%dma_wait3A_63, %dma_wait3A_72, %dma_wait3A_73] : memref<10x128x32xf32, #tpu.memory_space<vmem>> -> memref<1x128x32xf32, #tpu.memory_space<vmem>>
    %dma_wait3A_75 = tpu.memref_squeeze %dma_wait3A_74 : memref<1x128x32xf32, #tpu.memory_space<vmem>> -> memref<128x32xf32, #tpu.memory_space<vmem>>
    tpu.wait_dma2 semaphore(%arg15 : memref<!tpu.dma_semaphore, #tpu.memory_space<semaphore_mem>>) src(%dma_wait3A_75 : memref<128x32xf32, #tpu.memory_space<vmem>>) dst(%dma_wait3A_71 : memref<128x32xf32, #tpu.memory_space<hbm>>)
    %dma_wait3A_76 = arith.constant 5 : i32
    %dma_wait3A_77 = arith.constant 0 : i32
    %dma_wait3A_78 = arith.constant 0 : i32
    %dma_wait3A_79 = tpu.memref_slice %arg10[%dma_wait3A_76, %dma_wait3A_77, %dma_wait3A_78] : memref<10x128x32xf32, #tpu.memory_space<vmem>> -> memref<1x128x32xf32, #tpu.memory_space<vmem>>
    %dma_wait3A_80 = tpu.memref_squeeze %dma_wait3A_79 : memref<1x128x32xf32, #tpu.memory_space<vmem>> -> memref<128x32xf32, #tpu.memory_space<vmem>>
    %dma_wait3A_81 = arith.constant 160 : i32
    %dma_wait3A_82 = tpu.memref_slice %arg5[%add3A_11, %dma_wait3A_81] : memref<204800x320xf32, #tpu.memory_space<hbm>> -> memref<128x32xf32, #tpu.memory_space<hbm>>
    %dma_wait3A_83 = arith.constant 160 : i32
    %dma_wait3A_84 = tpu.memref_slice %arg5[%add3A_11, %dma_wait3A_83] : memref<204800x320xf32, #tpu.memory_space<hbm>> -> memref<128x32xf32, #tpu.memory_space<hbm>>
    %dma_wait3A_85 = arith.constant 0 : i32
    %dma_wait3A_86 = arith.constant 0 : i32
    %dma_wait3A_87 = tpu.memref_slice %arg10[%dma_wait3A_76, %dma_wait3A_85, %dma_wait3A_86] : memref<10x128x32xf32, #tpu.memory_space<vmem>> -> memref<1x128x32xf32, #tpu.memory_space<vmem>>
    %dma_wait3A_88 = tpu.memref_squeeze %dma_wait3A_87 : memref<1x128x32xf32, #tpu.memory_space<vmem>> -> memref<128x32xf32, #tpu.memory_space<vmem>>
    tpu.wait_dma2 semaphore(%arg15 : memref<!tpu.dma_semaphore, #tpu.memory_space<semaphore_mem>>) src(%dma_wait3A_88 : memref<128x32xf32, #tpu.memory_space<vmem>>) dst(%dma_wait3A_84 : memref<128x32xf32, #tpu.memory_space<hbm>>)
    %dma_wait3A_89 = arith.constant 6 : i32
    %dma_wait3A_90 = arith.constant 0 : i32
    %dma_wait3A_91 = arith.constant 0 : i32
    %dma_wait3A_92 = tpu.memref_slice %arg10[%dma_wait3A_89, %dma_wait3A_90, %dma_wait3A_91] : memref<10x128x32xf32, #tpu.memory_space<vmem>> -> memref<1x128x32xf32, #tpu.memory_space<vmem>>
    %dma_wait3A_93 = tpu.memref_squeeze %dma_wait3A_92 : memref<1x128x32xf32, #tpu.memory_space<vmem>> -> memref<128x32xf32, #tpu.memory_space<vmem>>
    %dma_wait3A_94 = arith.constant 192 : i32
    %dma_wait3A_95 = tpu.memref_slice %arg5[%add3A_11, %dma_wait3A_94] : memref<204800x320xf32, #tpu.memory_space<hbm>> -> memref<128x32xf32, #tpu.memory_space<hbm>>
    %dma_wait3A_96 = arith.constant 192 : i32
    %dma_wait3A_97 = tpu.memref_slice %arg5[%add3A_11, %dma_wait3A_96] : memref<204800x320xf32, #tpu.memory_space<hbm>> -> memref<128x32xf32, #tpu.memory_space<hbm>>
    %dma_wait3A_98 = arith.constant 0 : i32
    %dma_wait3A_99 = arith.constant 0 : i32
    %dma_wait3A_100 = tpu.memref_slice %arg10[%dma_wait3A_89, %dma_wait3A_98, %dma_wait3A_99] : memref<10x128x32xf32, #tpu.memory_space<vmem>> -> memref<1x128x32xf32, #tpu.memory_space<vmem>>
    %dma_wait3A_101 = tpu.memref_squeeze %dma_wait3A_100 : memref<1x128x32xf32, #tpu.memory_space<vmem>> -> memref<128x32xf32, #tpu.memory_space<vmem>>
    tpu.wait_dma2 semaphore(%arg15 : memref<!tpu.dma_semaphore, #tpu.memory_space<semaphore_mem>>) src(%dma_wait3A_101 : memref<128x32xf32, #tpu.memory_space<vmem>>) dst(%dma_wait3A_97 : memref<128x32xf32, #tpu.memory_space<hbm>>)
    %dma_wait3A_102 = arith.constant 7 : i32
    %dma_wait3A_103 = arith.constant 0 : i32
    %dma_wait3A_104 = arith.constant 0 : i32
    %dma_wait3A_105 = tpu.memref_slice %arg10[%dma_wait3A_102, %dma_wait3A_103, %dma_wait3A_104] : memref<10x128x32xf32, #tpu.memory_space<vmem>> -> memref<1x128x32xf32, #tpu.memory_space<vmem>>
    %dma_wait3A_106 = tpu.memref_squeeze %dma_wait3A_105 : memref<1x128x32xf32, #tpu.memory_space<vmem>> -> memref<128x32xf32, #tpu.memory_space<vmem>>
    %dma_wait3A_107 = arith.constant 224 : i32
    %dma_wait3A_108 = tpu.memref_slice %arg5[%add3A_11, %dma_wait3A_107] : memref<204800x320xf32, #tpu.memory_space<hbm>> -> memref<128x32xf32, #tpu.memory_space<hbm>>
    %dma_wait3A_109 = arith.constant 224 : i32
    %dma_wait3A_110 = tpu.memref_slice %arg5[%add3A_11, %dma_wait3A_109] : memref<204800x320xf32, #tpu.memory_space<hbm>> -> memref<128x32xf32, #tpu.memory_space<hbm>>
    %dma_wait3A_111 = arith.constant 0 : i32
    %dma_wait3A_112 = arith.constant 0 : i32
    %dma_wait3A_113 = tpu.memref_slice %arg10[%dma_wait3A_102, %dma_wait3A_111, %dma_wait3A_112] : memref<10x128x32xf32, #tpu.memory_space<vmem>> -> memref<1x128x32xf32, #tpu.memory_space<vmem>>
    %dma_wait3A_114 = tpu.memref_squeeze %dma_wait3A_113 : memref<1x128x32xf32, #tpu.memory_space<vmem>> -> memref<128x32xf32, #tpu.memory_space<vmem>>
    tpu.wait_dma2 semaphore(%arg15 : memref<!tpu.dma_semaphore, #tpu.memory_space<semaphore_mem>>) src(%dma_wait3A_114 : memref<128x32xf32, #tpu.memory_space<vmem>>) dst(%dma_wait3A_110 : memref<128x32xf32, #tpu.memory_space<hbm>>)
    %dma_wait3A_115 = arith.constant 8 : i32
    %dma_wait3A_116 = arith.constant 0 : i32
    %dma_wait3A_117 = arith.constant 0 : i32
    %dma_wait3A_118 = tpu.memref_slice %arg10[%dma_wait3A_115, %dma_wait3A_116, %dma_wait3A_117] : memref<10x128x32xf32, #tpu.memory_space<vmem>> -> memref<1x128x32xf32, #tpu.memory_space<vmem>>
    %dma_wait3A_119 = tpu.memref_squeeze %dma_wait3A_118 : memref<1x128x32xf32, #tpu.memory_space<vmem>> -> memref<128x32xf32, #tpu.memory_space<vmem>>
    %dma_wait3A_120 = arith.constant 256 : i32
    %dma_wait3A_121 = tpu.memref_slice %arg5[%add3A_11, %dma_wait3A_120] : memref<204800x320xf32, #tpu.memory_space<hbm>> -> memref<128x32xf32, #tpu.memory_space<hbm>>
    %dma_wait3A_122 = arith.constant 256 : i32
    %dma_wait3A_123 = tpu.memref_slice %arg5[%add3A_11, %dma_wait3A_122] : memref<204800x320xf32, #tpu.memory_space<hbm>> -> memref<128x32xf32, #tpu.memory_space<hbm>>
    %dma_wait3A_124 = arith.constant 0 : i32
    %dma_wait3A_125 = arith.constant 0 : i32
    %dma_wait3A_126 = tpu.memref_slice %arg10[%dma_wait3A_115, %dma_wait3A_124, %dma_wait3A_125] : memref<10x128x32xf32, #tpu.memory_space<vmem>> -> memref<1x128x32xf32, #tpu.memory_space<vmem>>
    %dma_wait3A_127 = tpu.memref_squeeze %dma_wait3A_126 : memref<1x128x32xf32, #tpu.memory_space<vmem>> -> memref<128x32xf32, #tpu.memory_space<vmem>>
    tpu.wait_dma2 semaphore(%arg15 : memref<!tpu.dma_semaphore, #tpu.memory_space<semaphore_mem>>) src(%dma_wait3A_127 : memref<128x32xf32, #tpu.memory_space<vmem>>) dst(%dma_wait3A_123 : memref<128x32xf32, #tpu.memory_space<hbm>>)
    %dma_wait3A_128 = arith.constant 9 : i32
    %dma_wait3A_129 = arith.constant 0 : i32
    %dma_wait3A_130 = arith.constant 0 : i32
    %dma_wait3A_131 = tpu.memref_slice %arg10[%dma_wait3A_128, %dma_wait3A_129, %dma_wait3A_130] : memref<10x128x32xf32, #tpu.memory_space<vmem>> -> memref<1x128x32xf32, #tpu.memory_space<vmem>>
    %dma_wait3A_132 = tpu.memref_squeeze %dma_wait3A_131 : memref<1x128x32xf32, #tpu.memory_space<vmem>> -> memref<128x32xf32, #tpu.memory_space<vmem>>
    %dma_wait3A_133 = arith.constant 288 : i32
    %dma_wait3A_134 = tpu.memref_slice %arg5[%add3A_11, %dma_wait3A_133] : memref<204800x320xf32, #tpu.memory_space<hbm>> -> memref<128x32xf32, #tpu.memory_space<hbm>>
    %dma_wait3A_135 = arith.constant 288 : i32
    %dma_wait3A_136 = tpu.memref_slice %arg5[%add3A_11, %dma_wait3A_135] : memref<204800x320xf32, #tpu.memory_space<hbm>> -> memref<128x32xf32, #tpu.memory_space<hbm>>
    %dma_wait3A_137 = arith.constant 0 : i32
    %dma_wait3A_138 = arith.constant 0 : i32
    %dma_wait3A_139 = tpu.memref_slice %arg10[%dma_wait3A_128, %dma_wait3A_137, %dma_wait3A_138] : memref<10x128x32xf32, #tpu.memory_space<vmem>> -> memref<1x128x32xf32, #tpu.memory_space<vmem>>
    %dma_wait3A_140 = tpu.memref_squeeze %dma_wait3A_139 : memref<1x128x32xf32, #tpu.memory_space<vmem>> -> memref<128x32xf32, #tpu.memory_space<vmem>>
    tpu.wait_dma2 semaphore(%arg15 : memref<!tpu.dma_semaphore, #tpu.memory_space<semaphore_mem>>) src(%dma_wait3A_140 : memref<128x32xf32, #tpu.memory_space<vmem>>) dst(%dma_wait3A_136 : memref<128x32xf32, #tpu.memory_space<hbm>>)
    return
  }
}

module attributes {stable_mosaic.version = 14 : i64} {
  func.func @body(%arg0: i32, %arg1: memref<3200x320xf32, #tpu.memory_space<vmem>>, %arg2: memref<64x50x300xf32, #tpu.memory_space<vmem>>) attributes {dimension_semantics = [#tpu.dimension_semantics<arbitrary>], iteration_bounds = array<i64: 64>, scalar_prefetch = 0 : i64, scratch_operands = 0 : i64, tpu.core_type = #tpu.core_type<tc>, window_params = [{transform_indices = @transform_0, window_bounds = array<i64: 3200, 320>}, {transform_indices = @transform_1, window_bounds = array<i64: 64, 50, 300>}]} {
    %get3A = arith.constant 0 : index
    %get3A_0 = arith.constant 0 : index
    %get3A_1 = vector.load %arg1[%get3A, %get3A_0] : memref<3200x320xf32, #tpu.memory_space<vmem>>, vector<3200x320xf32>
    %slice3A = vector.extract_strided_slice %get3A_1 {offsets = [0, 0], sizes = [3200, 30], strides = [1, 1]} : vector<3200x320xf32> to vector<3200x30xf32>
    %slice3A_2 = vector.extract_strided_slice %get3A_1 {offsets = [0, 32], sizes = [3200, 30], strides = [1, 1]} : vector<3200x320xf32> to vector<3200x30xf32>
    %slice3A_3 = vector.extract_strided_slice %get3A_1 {offsets = [0, 64], sizes = [3200, 30], strides = [1, 1]} : vector<3200x320xf32> to vector<3200x30xf32>
    %slice3A_4 = vector.extract_strided_slice %get3A_1 {offsets = [0, 96], sizes = [3200, 30], strides = [1, 1]} : vector<3200x320xf32> to vector<3200x30xf32>
    %slice3A_5 = vector.extract_strided_slice %get3A_1 {offsets = [0, 128], sizes = [3200, 30], strides = [1, 1]} : vector<3200x320xf32> to vector<3200x30xf32>
    %slice3A_6 = vector.extract_strided_slice %get3A_1 {offsets = [0, 160], sizes = [3200, 30], strides = [1, 1]} : vector<3200x320xf32> to vector<3200x30xf32>
    %slice3A_7 = vector.extract_strided_slice %get3A_1 {offsets = [0, 192], sizes = [3200, 30], strides = [1, 1]} : vector<3200x320xf32> to vector<3200x30xf32>
    %slice3A_8 = vector.extract_strided_slice %get3A_1 {offsets = [0, 224], sizes = [3200, 30], strides = [1, 1]} : vector<3200x320xf32> to vector<3200x30xf32>
    %slice3A_9 = vector.extract_strided_slice %get3A_1 {offsets = [0, 256], sizes = [3200, 30], strides = [1, 1]} : vector<3200x320xf32> to vector<3200x30xf32>
    %slice3A_10 = vector.extract_strided_slice %get3A_1 {offsets = [0, 288], sizes = [3200, 30], strides = [1, 1]} : vector<3200x320xf32> to vector<3200x30xf32>
    %concatenate3A = tpu.concatenate %slice3A, %slice3A_2, %slice3A_3, %slice3A_4, %slice3A_5, %slice3A_6, %slice3A_7, %slice3A_8, %slice3A_9, %slice3A_10 in 1 : vector<3200x30xf32>, vector<3200x30xf32>, vector<3200x30xf32>, vector<3200x30xf32>, vector<3200x30xf32>, vector<3200x30xf32>, vector<3200x30xf32>, vector<3200x30xf32>, vector<3200x30xf32>, vector<3200x30xf32> -> vector<3200x300xf32>
    %reshape3A = vector.shape_cast %concatenate3A : vector<3200x300xf32> to vector<64x50x300xf32>
    %swap3A = arith.constant 0 : index
    %swap3A_11 = arith.constant 0 : index
    %swap3A_12 = arith.constant 0 : index
    %swap3A_13 = vector.load %arg2[%swap3A, %swap3A_11, %swap3A_12] : memref<64x50x300xf32, #tpu.memory_space<vmem>>, vector<64x50x300xf32>
    tpu.vector_store %arg2[%swap3A, %swap3A_11, %swap3A_12], %reshape3A {strides = array<i32>} : memref<64x50x300xf32, #tpu.memory_space<vmem>>, vector<64x50x300xf32>,
    return
  }
  func.func @transform_0(%arg0: i32) -> (i32, i32) {
    %c0_i32 = arith.constant 0 : i32
    %c0_i32_0 = arith.constant 0 : i32
    return %arg0, %c0_i32 : i32, i32
  }
  func.func @transform_1(%arg0: i32) -> (i32, i32, i32) {
    %c0_i32 = arith.constant 0 : i32
    %c0_i32_0 = arith.constant 0 : i32
    %c0_i32_1 = arith.constant 0 : i32
    return %arg0, %c0_i32, %c0_i32_0 : i32, i32, i32
  }
}

</mosaic_0001>

<sc_bundles>
// kernel: kernel.4.cloned.1.call-start
scs
__scs_entry_jumppad:
0x0: {  	(pc) =	sbr.rel $0x88, $3  }
0x1: {  	(tag) =	ssettag $0x0;
	lr =	simm.s32 $0x1  }
0x2: {  	[smem:$0x3F9E] =	sst lr;
	_ =	strace $0xD0000000  }
0x3: {  	_ = 	snop  }
0x4: {  	_ = 	snop  }
0x5: {  	_ = 	snop  }
0x6: {  	_ = 	snop  }
0x7: {  	_ = 	snop  }
__scs_overlays_trampoline_lowered:
0x8: {  	[smem:$0x3FAD] =	sst s0  }
0x9: {  	[smem:$0x3FAE] =	sst s1  }
0xa: {  	[smem:$0x3FAF] =	sst s2  }
0xb: {  	[smem:$0x3FB0] =	sst s3  }
0xc: {  	[smem:$0x3FB1] =	sst s4  }
0xd: {  	[smem:$0x3FB2] =	sst s5  }
0xe: {  	[smem:$0x3FB3] =	sst s6  }
0xf: {  	[smem:$0x3FB4] =	sst s7  }
0x10: {  	[smem:$0x3FB5] =	sst s8  }
0x11: {  	[smem:$0x3FB6] =	sst s9;
	s0 =	simm.s32 @!p0 $0x0  }
0x12: {  	s1 =	sld [smem:$0x3F9C];
	s0 =	simm.s32 @p0 $0x1  }
0x13: {  	[smem:$0x3FB7] =	sst s0;
	s0 =	simm.s32 @!p1 $0x0  }
0x14: {  	s2 =	sld [smem:$0x3F9B];
	s0 =	simm.s32 @p1 $0x1  }
0x15: {  	[smem:$0x3FB8] =	sst s0;
	s0 =	simm.s32 @!p2 $0x0  }
0x16: {  	s3 =	sld [smem:$0x3FDB];
	s0 =	simm.s32 @p2 $0x1  }
0x17: {  	s4 =	simm.s32 $0x1BF5;
	[smem:$0x3FBA] =	sst s0  }
0x18: {  	s0 =	sld [smem:$0x3F9D];
	_ =	swait.ge [sflag:s4], $0x0  }
0x19: {  	s7 =	sld [smem:$0x3F9E]  }
0x1a: {  	s8 =	sadd.s32 $0xFFFFE003, lr  }
0x1b: {  	s9 =	sadd.s32 $0xFFFFFEF7, lr;
	s5 =	simm.s32 $0xFFFFFFFF;
	p2 =	slt.u32 s8, $0xFFFFF086  }
0x1c: {  	p1 =	slt.u32 s9, $0xF7A;
	s5 =	simm.s32 @!p2 $0x0  }
0x1d: {  	s5 =	simm.s32 @p1 $0x1;
	p0 =	seq.s32 s7, s2  }
0x1e: {  	s7 =	smul.u32 @!p0 $0xF7A, s2;
	p2 =	seq.s32 @!p0 s5, $0x0  }
0x1f: {  	s9 =	smul.u32 $0xF7A, s1;
	s8 =	simm.s32 @!p0 $0x1BF5;
	p2 =	por !p2, p0  }
0x20: {  	[sflag:s8] =	ssyncset.s32 @!p0 $0xFFFFF086;
	s6 =	sadd.s32 @!p0 s3, s7;
	s7 =	simm.s32 @!p0 $0x108  }
0x21: {  	s3 =	sadd.s32 s3, s9;
	s6 =	sadd.s32 @!p0 $0x88, s6;
	s7 =	simm.s32 @p2 $0x1082  }
0x22: {  	[simem:s7], [sflag:s8] =	dma.local @!p0 [hbm:s6], $0xF7A  }
0x23: {  	s9 =	sor.u32 $0xD0000000, s2;
	s6 =	simm.s32 $0x108;
	_ =	swait.ge @!p0 [sflag:s8], $0x0  }
0x24: {  	s3 =	sadd.s32 $0x88, s3;
	s6 =	simm.s32 @!p1 $0x1082;
	[sflag:s4] =	ssyncset.s32 $0xFFFFF086  }
0x25: {  	[simem:s6], [sflag:s4] =	dma.local [hbm:s3], $0xF7A  }
0x26: {  	[smem:$0x3F9E] =	sst s1;
	(tag) =	ssettag s2;
	_ =	strace s9  }
0x27: {  	s1 =	sld [smem:$0x3FAE]  }
0x28: {  	s2 =	sld [smem:$0x3FAF]  }
0x29: {  	s4 =	sld [smem:$0x3FB1]  }
0x2a: {  	p0 =	seq.s32 s5, $0x0;
	s5 =	sld [smem:$0x3FB2]  }
0x2b: {  	s6 =	sld [smem:$0x3FB3]  }
0x2c: {  	s7 =	sld [smem:$0x3FB4]  }
0x2d: {  	s3 =	simm.s32 $0x108;
	s8 =	sld [smem:$0x3FB5]  }
0x2e: {  	s3 =	simm.s32 @!p0 $0x1082;
	s9 =	sld [smem:$0x3FB6]  }
0x2f: {  	lr =	sadd.s32 s0, s3;
	s0 =	sld [smem:$0x3FAD]  }
0x30: {  	s3 =	sld [smem:$0x3FB0]  }
0x31: {  	[smem:$0x3FB9] =	sst s10  }
0x32: {  	s10 =	sld [smem:$0x3FB7];
	_ =	sdelay $0x3  }
0x33: {  	p0 =	seq.s32 s10, $0x1;
	s10 =	sld [smem:$0x3FB9];
	_ =	sdelay $0x3  }
0x34: {  	[smem:$0x3FB9] =	sst s10  }
0x35: {  	s10 =	sld [smem:$0x3FB8];
	_ =	sdelay $0x3  }
0x36: {  	p1 =	seq.s32 s10, $0x1;
	s10 =	sld [smem:$0x3FB9];
	_ =	sdelay $0x3  }
0x37: {  	[smem:$0x3FB9] =	sst s10  }
0x38: {  	s10 =	sld [smem:$0x3FBA]  }
0x39: {  	_ = 	snop;
	(pc) =	sbr.ind lr, $3  }
0x3a: {  	_ = 	snop  }
0x3b: {  	_ = 	snop  }
0x3c: {  	p2 =	seq.s32 s10, $0x1;
	s10 =	sld [smem:$0x3FB9]  }
0x3d: {  	_ =	shalt  }
0x3e: {  	_ =	shalt  }
0x3f: {  	_ =	shalt  }
0x40: {  	_ =	shalt  }
0x41: {  	_ =	shalt  }
0x42: {  	_ =	shalt  }
0x43: {  	_ =	shalt  }
0x44: {  	_ =	shalt  }
0x45: {  	_ =	shalt  }
0x46: {  	_ =	shalt  }
0x47: {  	_ =	shalt  }
0x48: {  	_ =	shalt  }
0x49: {  	_ =	shalt  }
0x4a: {  	_ =	shalt  }
0x4b: {  	_ =	shalt  }
0x4c: {  	_ =	shalt  }
0x4d: {  	_ =	shalt  }
0x4e: {  	_ =	shalt  }
0x4f: {  	_ =	shalt  }
0x50: {  	_ =	shalt  }
0x51: {  	_ =	shalt  }
0x52: {  	_ =	shalt  }
0x53: {  	_ =	shalt  }
0x54: {  	_ =	shalt  }
0x55: {  	_ =	shalt  }
0x56: {  	_ =	shalt  }
0x57: {  	_ =	shalt  }
0x58: {  	_ =	shalt  }
0x59: {  	_ =	shalt  }
0x5a: {  	_ =	shalt  }
0x5b: {  	_ =	shalt  }
0x5c: {  	_ =	shalt  }
0x5d: {  	_ =	shalt  }
0x5e: {  	_ =	shalt  }
0x5f: {  	_ =	shalt  }
0x60: {  	_ =	shalt  }
0x61: {  	_ =	shalt  }
0x62: {  	_ =	shalt  }
0x63: {  	_ =	shalt  }
0x64: {  	_ =	shalt  }
0x65: {  	_ =	shalt  }
0x66: {  	_ =	shalt  }
0x67: {  	_ =	shalt  }
0x68: {  	_ =	shalt  }
0x69: {  	_ =	shalt  }
0x6a: {  	_ =	shalt  }
0x6b: {  	_ =	shalt  }
0x6c: {  	_ =	shalt  }
0x6d: {  	_ =	shalt  }
0x6e: {  	_ =	shalt  }
0x6f: {  	_ =	shalt  }
0x70: {  	_ =	shalt  }
0x71: {  	_ =	shalt  }
0x72: {  	_ =	shalt  }
0x73: {  	_ =	shalt  }
0x74: {  	_ =	shalt  }
0x75: {  	_ =	shalt  }
0x76: {  	_ =	shalt  }
0x77: {  	_ =	shalt  }
0x78: {  	_ =	shalt  }
0x79: {  	_ =	shalt  }
0x7a: {  	_ =	shalt  }
0x7b: {  	_ =	shalt  }
0x7c: {  	_ =	shalt  }
0x7d: {  	_ =	shalt  }
0x7e: {  	_ =	shalt  }
0x7f: {  	_ =	shalt  }
0x80: {  	_ =	shalt  }
0x81: {  	_ =	shalt  }
0x82: {  	_ =	shalt  }
0x83: {  	_ =	shalt  }
0x84: {  	_ =	shalt  }
0x85: {  	_ =	shalt  }
0x86: {  	_ =	shalt  }
0x87: {  	_ =	shalt  }
.Lfunc_end0:
.L_simem_size_0:
called_computation_lowered:
.L_overlay_start_0:
0x88: {  	s2 =	sld [smem:$0x3FD9]  }
0x89: {  	s3 =	sld [smem:$0x3FFE];
	_ =	sdelay $0x1  }
0x8a: {  	s1 =	srdreg.scid  }
0x8b: {  	s0 =	sand.u32 $0x1, s1  }
0x8c: {  	s16 =	sshll.u32 s0, $0xA;
	s2 =	sadd.s32 s3, s2  }
0x8d: {  	s2 =	sadd.s32 s2, s16  }
0x8e: {  	[smem:$0x3FC5] =	sst s2  }
0x8f: {  	_ = 	snop  }
0x90: {  	(tm) =	ssettm $0x1  }
0x91: {  	s17 =	sld [smem:$0x3FFB];
	_ =	sdelay $0x3  }
0x92: {  	_ =	strace s17  }
0x93: {  	s2 =	sld [smem:$0x3FFC];
	_ =	sdelay $0x3  }
0x94: {  	_ =	strace s2  }
0x95: {  	s2 =	sld [smem:$0x3FFD];
	_ =	sdelay $0x3  }
0x96: {  	_ =	strace s2  }
0x97: {  	_ =	strace $0x8FFFFFFF  }
0x98: {  	s18 =	sld [smem:$0x3FDB];
	_ =	sdelay $0x1  }
0x99: {  	s19 =	simm.s32 $_scs_section_size  }
0x9a: {  	s4 =	simm.s32 $_size__tile_overlayer_lowered;
	s5 =	simm.s32 $_tile_overlayer_lowered  }
0x9b: {  	s22 =	simm.s32 $0x1BFF;
	s21 =	sshll.u32 s5, $0x1;
	s2 =	sadd.s32 s19, s18  }
0x9c: {  	s6 =	simm.s32 $0x0;
	s20 =	sshll.u32 s4, $0x1;
	s4 =	sadd.s32 s21, s2  }
0x9d: {  	[timem:s6], [sflag:s22] =	dma.local [hbm:s4], s20  }
0x9e: {  	_ =	swait.ge [sflag:s22], s20  }
0x9f: {  	s3 =	ssub.s32 $0x0, s20;
	[sflag:s22] =	ssyncset.done $0x0  }
0xa0: {  	[sflag:s22] =	ssyncadd.s32 s3;
	_ =	sdelay $0x1  }
0xa1: {  	s23 =	simm.s32 $0x1B8B  }
0xa2: {  	_ =	swait.ge [sflag:s23], $0x1  }
0xa3: {  	[sflag:s23] =	ssyncset.done $0x0  }
0xa4: {  	s25 =	simm.s32 $0x1B8E;
	s24 =	sld [smem:$0x3FFE];
	[sflag:s23] =	ssyncadd.s32 $0xFFFFFFFF  }
0xa5: {  	s26 =	simm.s32 $execute0_lowered;
	[smem:$0x3FD2] =	sst s25  }
0xa6: {  	s4 =	sshll.u32 s26, $0x1;
	_ =	strace $0x80000046;
	[dreg:$0x1] =	wrdreg $0xFFFFFFFF  }
0xa7: {  	s28 =	simm.s32 $_size_execute0_lowered;
	s2 =	sadd.s32 s2, s4;
	[dreg:$0x0] =	wrdreg $0x0  }
0xa8: {  	s4 =	sshll.u32 s28, $0x1;
	[dreg:$0x2] =	wrdreg s2  }
0xa9: {  	[dreg:$0x3] =	wrdreg s4  }
0xaa: {  	[dreg:$0x4] =	wrdreg $0xC0  }
0xab: {  	_ =	task [dreg:s6], $0x5FFFF  }
0xac: {  	[dreg:$0x1] =	wrdreg $0xFFFFFFFF  }
0xad: {  	[dreg:$0x0] =	wrdreg $0x60  }
0xae: {  	[dreg:$0x2] =	wrdreg s24  }
0xaf: {  	[dreg:$0x3] =	wrdreg $0xC8000  }
0xb0: {  	[dreg:$0x4] =	wrdreg $0x1BC280  }
0xb1: {  	[dreg:$0x5] =	wrdreg $0x9  }
0xb2: {  	_ =	task.clear_ibuf [dreg:s6], $0x6FFFF;
	_ =	strace $0x90000046  }
0xb3: {  	s29 =	simm.s32 $0x9;
	_ =	strace $0x80000048  }
0xb4: {  	_ =	swait.ge [sflag:s29], $0x1  }
0xb5: {  	[sflag:s29] =	ssyncadd.s32 $0xFFFFFFFF  }
0xb6: {  	_ =	strace $0x90000048  }
0xb7: {  	_ =	sfence  }
0xb8: {  	s30 =	sld [smem:$0x0];
	_ =	sdelay $0x2  }
0xb9: {  	s31 =	sshll.u32 s1, $0xD;
	s1 =	sshrl.u32 s1, $0x2  }
0xba: {  	s3 =	sand.u32 $0x4000, s31;
	s1 =	sadd.s32 s1, s30  }
0xbb: {  	s0 =	sor.u32 s3, s0;
	s1 =	sshll.u32 s1, $0x11  }
0xbc: {  	s0 =	sor.u32 s1, s0  }
0xbd: {  	s0 =	sadd.s32 $0x8F2B, s0  }
0xbe: {  	[sflag:s0] =	ssyncadd.remote.s32 $0x1  }
0xbf: {  	_ =	sfence.sel $0xFFFF  }
0xc0: {  	[dreg:$0x0] =	wrdreg $0xFFFFFFFF;
	(pc) =	sbr.abs _section_cstart, $3  }
0xc1: {  	[dreg:$0x1] =	wrdreg $0xFFFFFFFF  }
0xc2: {  	_ =	task.clear_ibuf [dreg:s6], $0x2FFFF;
	_ =	strace $0x9FFFFFFF  }
0xc3: {  	(tm) =	ssettm $0x7FFFFFFF  }
tec
execute0_lowered:
.L_overlay_start_1:
0x0: {  	(tag) =	ssettag $0x1  }
0x1: {  	s5 =	rddreg [dreg:$0x0]  }
0x2: {  	s1 =	rddreg [dreg:$0x1]  }
0x3: {  	s2 =	rddreg [dreg:$0x2];
	s3 =	simm.s32 $0x0  }
0x4: {  	s9 =	simm.s32 $0x1900;
	[smem:$0x7FF] =	sst s3  }
0x5: {  	s10 =	simm.s32 $0x1E00;
	_ =	strace $0x80000047;
	[dreg:$0x5] =	wrdreg s9  }
0x6: {  	s12 =	simm.s32 $0x1980;
	[dreg:$0x6] =	wrdreg s10  }
0x7: {  	s13 =	simm.s32 $0x1E80;
	[dreg:$0x7] =	wrdreg s12  }
0x8: {  	s14 =	simm.s32 $0x1A00;
	[dreg:$0x8] =	wrdreg s13  }
0x9: {  	s15 =	simm.s32 $0x1F00;
	[dreg:$0x9] =	wrdreg s14  }
0xa: {  	s16 =	simm.s32 $0x1A80;
	[dreg:$0xa] =	wrdreg s15  }
0xb: {  	s0 =	srdreg.scid;
	s17 =	sadd.s32 $0x9000, s5;
	[dreg:$0xb] =	wrdreg s16  }
0xc: {  	s8 =	stileid.u32;
	s19 =	sadd.s32 $0x400, s5;
	[smem:$0x7FA] =	sst s17  }
0xd: {  	s18 =	simm.s32 $0x1B00;
	s20 =	simm.s32 $0x2000;
	[smem:$0x7FB] =	sst s19  }
0xe: {  	s21 =	simm.s32 $0x1B80;
	s22 =	simm.s32 $0x2080;
	[dreg:$0xd] =	wrdreg s18  }
0xf: {  	s23 =	simm.s32 $0x1C00;
	s24 =	simm.s32 $0x2100;
	[dreg:$0xe] =	wrdreg s20  }
0x10: {  	s25 =	simm.s32 $0x1C80;
	s26 =	simm.s32 $0x2180;
	[dreg:$0xf] =	wrdreg s21  }
0x11: {  	s30 =	simm.s32 $0x1D00;
	s31 =	simm.s32 $0x2280;
	[dreg:$0x10] =	wrdreg s22  }
0x12: {  	s28 =	simm.s32 $0x3;
	s29 =	simm.s32 $0x0;
	[dreg:$0x11] =	wrdreg s23  }
0x13: {  	s6 =	sand.u32 $0x1, s0;
	s4 =	smul.u32 $0x7D000, s8;
	[dreg:$0x12] =	wrdreg s24  }
0x14: {  	s11 =	sshll.u32 s8, $0x1;
	p0 =	sne.s32 s8, $0x0;
	[dreg:$0x13] =	wrdreg s25  }
0x15: {  	s7 =	smul.u32 $0x3E800, s6;
	s9 =	simm.s32 $0x1F80;
	[dreg:$0x14] =	wrdreg s26  }
0x16: {  	s8 =	sshrl.u32 @!p0 s1, $0x3;
	[dreg:$0x15] =	wrdreg s30;
	s12 =	simm.s32 $0x1D80  }
0x17: {  	[dreg:$0x18] =	wrdreg s31;
	s13 =	simm.s32 $0x2300;
	s14 =	simm.s32 $0x2380  }
0x18: {  	s15 =	simm.s32 $0x2400;
	s16 =	simm.s32 $0x2480;
	s17 =	simm.s32 $0x2500  }
0x19: {  	s18 =	simm.s32 $0x2580;
	s19 =	simm.s32 $0x2600;
	[dreg:$0xc] =	wrdreg s9  }
0x1a: {  	s20 =	simm.s32 $0x2680;
	s21 =	simm.s32 $0x2700;
	[dreg:$0x17] =	wrdreg s12  }
0x1b: {  	s22 =	simm.s32 $0x2780;
	s23 =	simm.s32 $0xB800;
	[dreg:$0x19] =	wrdreg s13  }
0x1c: {  	s24 =	simm.s32 $0x2;
	s25 =	simm.s32 $0x20;
	[dreg:$0x1a] =	wrdreg s14  }
0x1d: {  	s26 =	simm.s32 $0x140;
	s4 =	sadd.s32 s4, s5;
	[dreg:$0x1b] =	wrdreg s15  }
0x1e: {  	s9 =	sshrl.u32 @!p0 s2, $0x3;
	s12 =	simm.s32 $0x1;
	[dreg:$0x1c] =	wrdreg s16  }
0x1f: {  	s13 =	simm.s32 $0x2800;
	s14 =	simm.s32 $0x3800;
	[dreg:$0x1d] =	wrdreg s17  }
0x20: {  	s15 =	simm.s32 $0x4800;
	s16 =	simm.s32 $0x5800;
	[dreg:$0x1e] =	wrdreg s18  }
0x21: {  	s17 =	simm.s32 $0x6800;
	s18 =	simm.s32 $0x7800;
	[dreg:$0x1f] =	wrdreg s19  }
0x22: {  	s19 =	simm.s32 $0x8800;
	[smem:$0x7FC] =	sst s20;
	s20 =	simm.s32 $0x9800  }
0x23: {  	[smem:$0x7FD] =	sst s21;
	s4 =	sadd.s32 s7, s4;
	s7 =	sor.u32 s6, s11  }
0x24: {  	s21 =	simm.s32 $0xA800;
	s6 =	ssub.s32 $0x2, s6;
	s7 =	smul.u32 $0x1900, s7  }
0x25: {  	s11 =	simm.s32 $0x2200;
	s4 =	sadd.s32 $0x27A00, s4;
	s10 =	sshrl.u32 s6, $0x1  }
0x26: {  	[dreg:$0x16] =	wrdreg s11;
	s11 =	simm.s32 $0x80;
	s7 =	sshrl.u32 s7, $0x3  }
0x27: {  	[dreg:$0x4] =	wrdreg s4;
	s10 =	ssub.s32 s6, s10;
	s7 =	sadd.s32 s7, s5  }
0x28: {  	s6 =	sadd.s32 $0x2C00, s7;
	s7 =	smax.u32 s10, $0x1;
	s10 =	simm.s32 $0x4  }
.LBB2_1:
0x29: {  	s0 =	sld [smem:$0x7FA];
	_ =	sdelay $0x1  }
0x2a: {  	s30 =	simm.s32 @!p0 $0x1C04;
	s31 =	simm.s32 @!p0 $0x4  }
0x2b: {  	[spmem:s8], [sflag:s30] =	dma.local @!p0 [hbm:s0], $0x1E848  }
0x2c: {  	_ =	swait.ge @!p0 [sflag:s31], $0x1E848  }
0x2d: {  	s0 =	sld [smem:$0x7FB]  }
0x2e: {  	[sflag:s31] =	ssyncset.done @!p0 $0x0  }
0x2f: {  	[sflag:s31] =	ssyncadd.s32 @!p0 $0xFFFE17B8  }
0x30: {  	[spmem:s9], [sflag:s30] =	dma.local @!p0 [hbm:s0], $0x2800  }
0x31: {  	_ =	swait.ge @!p0 [sflag:s31], $0x2800  }
0x32: {  	[sflag:s31] =	ssyncset.done @!p0 $0x0  }
0x33: {  	[sflag:s31] =	ssyncadd.s32 @!p0 $0xFFFFD800  }
0x34: {  	s5 =	simm.s32 $0x0;
	[bflag:$0x0] =	sbarrier.arrive $0xFFFF  }
0x35: {  	[tilespmem:s5], [sflag:$0x4] =	stream.linear.gather [hbm4b:s6+s5], $0x1900, $0x38;
	[tilespmem:$0x1D028] =	vst v63  }
0x36: {  	_ =	swait.ge [sflag:s10], $0x1900  }
0x37: {  	[sflag:s10] =	ssyncset.done $0x0  }
0x38: {  	s30 =	simm.s32 $0x40;
	s31 =	simm.s32 $0x0;
	[sflag:s10] =	ssyncadd.s32 $0xFFFFE700  }
.LBB2_2:
0x39: {  	v0 =	vld [tilespmem:s30+$0xFFFFFFC0];
	_ =	sdelay $0x4  }
0x3a: {  	v0 =	vmul.u32 $0xA, v0;
	_ =	sdelay $0x1  }
0x3b: {  	[tilespmem:$0x1900] =	vst v0  }
0x3c: {  	v0 =	vld [tilespmem:s30+$0xFFFFFFD0];
	_ =	sdelay $0x4  }
0x3d: {  	v0 =	vmul.u32 $0xA, v0;
	_ =	sdelay $0x1  }
0x3e: {  	[tilespmem:$0x1910] =	vst v0  }
0x3f: {  	v0 =	vld [tilespmem:s30+$0xFFFFFFE0];
	_ =	sdelay $0x4  }
0x40: {  	v0 =	vmul.u32 $0xA, v0;
	_ =	sdelay $0x1  }
0x41: {  	[tilespmem:$0x1920] =	vst v0  }
0x42: {  	v0 =	vld [tilespmem:s30+$0xFFFFFFF0];
	_ =	sdelay $0x4  }
0x43: {  	v0 =	vmul.u32 $0xA, v0;
	_ =	sdelay $0x1  }
0x44: {  	[tilespmem:$0x1930] =	vst v0  }
0x45: {  	v0 =	vld [tilespmem:s30+$0x0];
	_ =	sdelay $0x4  }
0x46: {  	v0 =	vmul.u32 $0xA, v0;
	_ =	sdelay $0x1  }
0x47: {  	[tilespmem:$0x1940] =	vst v0  }
0x48: {  	v0 =	vld [tilespmem:s30+$0x10];
	_ =	sdelay $0x4  }
0x49: {  	v0 =	vmul.u32 $0xA, v0;
	_ =	sdelay $0x1  }
0x4a: {  	[tilespmem:$0x1950] =	vst v0  }
0x4b: {  	v0 =	vld [tilespmem:s30+$0x20];
	_ =	sdelay $0x4  }
0x4c: {  	v0 =	vmul.u32 $0xA, v0;
	_ =	sdelay $0x1  }
0x4d: {  	[tilespmem:$0x1960] =	vst v0  }
0x4e: {  	v0 =	vld [tilespmem:s30+$0x30];
	_ =	sdelay $0x4  }
0x4f: {  	v0 =	vmul.u32 $0xA, v0;
	_ =	sdelay $0x1  }
0x50: {  	[tilespmem:$0x1970] =	vst v0  }
0x51: {  	v0 =	vld [tilespmem:s30+$0xFFFFFFC0];
	_ =	sdelay $0x4  }
0x52: {  	v0 =	vmul.u32 $0xA, v0;
	_ =	sdelay $0x1  }
0x53: {  	v0 =	vor.u32 $0x1, v0  }
0x54: {  	[tilespmem:$0x1980] =	vst v0  }
0x55: {  	v0 =	vld [tilespmem:s30+$0xFFFFFFD0];
	_ =	sdelay $0x4  }
0x56: {  	v0 =	vmul.u32 $0xA, v0;
	_ =	sdelay $0x1  }
0x57: {  	v0 =	vor.u32 $0x1, v0  }
0x58: {  	[tilespmem:$0x1990] =	vst v0  }
0x59: {  	v0 =	vld [tilespmem:s30+$0xFFFFFFE0];
	_ =	sdelay $0x4  }
0x5a: {  	v0 =	vmul.u32 $0xA, v0;
	_ =	sdelay $0x1  }
0x5b: {  	v0 =	vor.u32 $0x1, v0  }
0x5c: {  	[tilespmem:$0x19A0] =	vst v0  }
0x5d: {  	v0 =	vld [tilespmem:s30+$0xFFFFFFF0];
	_ =	sdelay $0x4  }
0x5e: {  	v0 =	vmul.u32 $0xA, v0;
	_ =	sdelay $0x1  }
0x5f: {  	v0 =	vor.u32 $0x1, v0  }
0x60: {  	[tilespmem:$0x19B0] =	vst v0  }
0x61: {  	v0 =	vld [tilespmem:s30+$0x0];
	_ =	sdelay $0x4  }
0x62: {  	v0 =	vmul.u32 $0xA, v0;
	_ =	sdelay $0x1  }
0x63: {  	v0 =	vor.u32 $0x1, v0  }
0x64: {  	[tilespmem:$0x19C0] =	vst v0  }
0x65: {  	v0 =	vld [tilespmem:s30+$0x10];
	_ =	sdelay $0x4  }
0x66: {  	v0 =	vmul.u32 $0xA, v0;
	_ =	sdelay $0x1  }
0x67: {  	v0 =	vor.u32 $0x1, v0  }
0x68: {  	[tilespmem:$0x19D0] =	vst v0  }
0x69: {  	v0 =	vld [tilespmem:s30+$0x20];
	_ =	sdelay $0x4  }
0x6a: {  	v0 =	vmul.u32 $0xA, v0;
	_ =	sdelay $0x1  }
0x6b: {  	v0 =	vor.u32 $0x1, v0  }
0x6c: {  	[tilespmem:$0x19E0] =	vst v0  }
0x6d: {  	v0 =	vld [tilespmem:s30+$0x30];
	_ =	sdelay $0x4  }
0x6e: {  	v0 =	vmul.u32 $0xA, v0;
	_ =	sdelay $0x1  }
0x6f: {  	v0 =	vor.u32 $0x1, v0  }
0x70: {  	[tilespmem:$0x19F0] =	vst v0  }
0x71: {  	v0 =	vld [tilespmem:s30+$0xFFFFFFC0];
	_ =	sdelay $0x4  }
0x72: {  	v0 =	vmul.u32 $0xA, v0;
	_ =	sdelay $0x1  }
0x73: {  	v0 =	vadd.s32 $0x2, v0  }
0x74: {  	[tilespmem:$0x1A00] =	vst v0  }
0x75: {  	v0 =	vld [tilespmem:s30+$0xFFFFFFD0];
	_ =	sdelay $0x4  }
0x76: {  	v0 =	vmul.u32 $0xA, v0;
	_ =	sdelay $0x1  }
0x77: {  	v0 =	vadd.s32 $0x2, v0  }
0x78: {  	[tilespmem:$0x1A10] =	vst v0  }
0x79: {  	v0 =	vld [tilespmem:s30+$0xFFFFFFE0];
	_ =	sdelay $0x4  }
0x7a: {  	v0 =	vmul.u32 $0xA, v0;
	_ =	sdelay $0x1  }
0x7b: {  	v0 =	vadd.s32 $0x2, v0  }
0x7c: {  	[tilespmem:$0x1A20] =	vst v0  }
0x7d: {  	v0 =	vld [tilespmem:s30+$0xFFFFFFF0];
	_ =	sdelay $0x4  }
0x7e: {  	v0 =	vmul.u32 $0xA, v0;
	_ =	sdelay $0x1  }
0x7f: {  	v0 =	vadd.s32 $0x2, v0  }
0x80: {  	[tilespmem:$0x1A30] =	vst v0  }
0x81: {  	v0 =	vld [tilespmem:s30+$0x0];
	_ =	sdelay $0x4  }
0x82: {  	v0 =	vmul.u32 $0xA, v0;
	_ =	sdelay $0x1  }
0x83: {  	v0 =	vadd.s32 $0x2, v0  }
0x84: {  	[tilespmem:$0x1A40] =	vst v0  }
0x85: {  	v0 =	vld [tilespmem:s30+$0x10];
	_ =	sdelay $0x4  }
0x86: {  	v0 =	vmul.u32 $0xA, v0;
	_ =	sdelay $0x1  }
0x87: {  	v0 =	vadd.s32 $0x2, v0  }
0x88: {  	[tilespmem:$0x1A50] =	vst v0  }
0x89: {  	v0 =	vld [tilespmem:s30+$0x20];
	_ =	sdelay $0x4  }
0x8a: {  	v0 =	vmul.u32 $0xA, v0;
	_ =	sdelay $0x1  }
0x8b: {  	v0 =	vadd.s32 $0x2, v0  }
0x8c: {  	[tilespmem:$0x1A60] =	vst v0  }
0x8d: {  	v0 =	vld [tilespmem:s30+$0x30];
	_ =	sdelay $0x4  }
0x8e: {  	v0 =	vmul.u32 $0xA, v0;
	_ =	sdelay $0x1  }
0x8f: {  	v0 =	vadd.s32 $0x2, v0  }
0x90: {  	[tilespmem:$0x1A70] =	vst v0  }
0x91: {  	v0 =	vld [tilespmem:s30+$0xFFFFFFC0];
	_ =	sdelay $0x4  }
0x92: {  	v0 =	vmul.u32 $0xA, v0;
	_ =	sdelay $0x1  }
0x93: {  	v0 =	vadd.s32 $0x3, v0  }
0x94: {  	[tilespmem:$0x1A80] =	vst v0  }
0x95: {  	v0 =	vld [tilespmem:s30+$0xFFFFFFD0];
	_ =	sdelay $0x4  }
0x96: {  	v0 =	vmul.u32 $0xA, v0;
	_ =	sdelay $0x1  }
0x97: {  	v0 =	vadd.s32 $0x3, v0  }
0x98: {  	[tilespmem:$0x1A90] =	vst v0  }
0x99: {  	v0 =	vld [tilespmem:s30+$0xFFFFFFE0];
	_ =	sdelay $0x4  }
0x9a: {  	v0 =	vmul.u32 $0xA, v0;
	_ =	sdelay $0x1  }
0x9b: {  	v0 =	vadd.s32 $0x3, v0  }
0x9c: {  	[tilespmem:$0x1AA0] =	vst v0  }
0x9d: {  	v0 =	vld [tilespmem:s30+$0xFFFFFFF0];
	_ =	sdelay $0x4  }
0x9e: {  	v0 =	vmul.u32 $0xA, v0;
	_ =	sdelay $0x1  }
0x9f: {  	v0 =	vadd.s32 $0x3, v0  }
0xa0: {  	[tilespmem:$0x1AB0] =	vst v0  }
0xa1: {  	v0 =	vld [tilespmem:s30+$0x0];
	_ =	sdelay $0x4  }
0xa2: {  	v0 =	vmul.u32 $0xA, v0;
	_ =	sdelay $0x1  }
0xa3: {  	v0 =	vadd.s32 $0x3, v0  }
0xa4: {  	[tilespmem:$0x1AC0] =	vst v0  }
0xa5: {  	v0 =	vld [tilespmem:s30+$0x10];
	_ =	sdelay $0x4  }
0xa6: {  	v0 =	vmul.u32 $0xA, v0;
	_ =	sdelay $0x1  }
0xa7: {  	v0 =	vadd.s32 $0x3, v0  }
0xa8: {  	[tilespmem:$0x1AD0] =	vst v0  }
0xa9: {  	v0 =	vld [tilespmem:s30+$0x20];
	_ =	sdelay $0x4  }
0xaa: {  	v0 =	vmul.u32 $0xA, v0;
	_ =	sdelay $0x1  }
0xab: {  	v0 =	vadd.s32 $0x3, v0  }
0xac: {  	[tilespmem:$0x1AE0] =	vst v0  }
0xad: {  	v0 =	vld [tilespmem:s30+$0x30];
	_ =	sdelay $0x4  }
0xae: {  	v0 =	vmul.u32 $0xA, v0;
	_ =	sdelay $0x1  }
0xaf: {  	v0 =	vadd.s32 $0x3, v0  }
0xb0: {  	[tilespmem:$0x1AF0] =	vst v0  }
0xb1: {  	v0 =	vld [tilespmem:s30+$0xFFFFFFC0];
	_ =	sdelay $0x4  }
0xb2: {  	v0 =	vmul.u32 $0xA, v0;
	_ =	sdelay $0x1  }
0xb3: {  	v0 =	vadd.s32 $0x4, v0  }
0xb4: {  	[tilespmem:$0x1B00] =	vst v0  }
0xb5: {  	v0 =	vld [tilespmem:s30+$0xFFFFFFD0];
	_ =	sdelay $0x4  }
0xb6: {  	v0 =	vmul.u32 $0xA, v0;
	_ =	sdelay $0x1  }
0xb7: {  	v0 =	vadd.s32 $0x4, v0  }
0xb8: {  	[tilespmem:$0x1B10] =	vst v0  }
0xb9: {  	v0 =	vld [tilespmem:s30+$0xFFFFFFE0];
	_ =	sdelay $0x4  }
0xba: {  	v0 =	vmul.u32 $0xA, v0;
	_ =	sdelay $0x1  }
0xbb: {  	v0 =	vadd.s32 $0x4, v0  }
0xbc: {  	[tilespmem:$0x1B20] =	vst v0  }
0xbd: {  	v0 =	vld [tilespmem:s30+$0xFFFFFFF0];
	_ =	sdelay $0x4  }
0xbe: {  	v0 =	vmul.u32 $0xA, v0;
	_ =	sdelay $0x1  }
0xbf: {  	v0 =	vadd.s32 $0x4, v0  }
0xc0: {  	[tilespmem:$0x1B30] =	vst v0  }
0xc1: {  	v0 =	vld [tilespmem:s30+$0x0];
	_ =	sdelay $0x4  }
0xc2: {  	v0 =	vmul.u32 $0xA, v0;
	_ =	sdelay $0x1  }
0xc3: {  	v0 =	vadd.s32 $0x4, v0  }
0xc4: {  	[tilespmem:$0x1B40] =	vst v0  }
0xc5: {  	v0 =	vld [tilespmem:s30+$0x10];
	_ =	sdelay $0x4  }
0xc6: {  	v0 =	vmul.u32 $0xA, v0;
	_ =	sdelay $0x1  }
0xc7: {  	v0 =	vadd.s32 $0x4, v0  }
0xc8: {  	[tilespmem:$0x1B50] =	vst v0  }
0xc9: {  	v0 =	vld [tilespmem:s30+$0x20];
	_ =	sdelay $0x4  }
0xca: {  	v0 =	vmul.u32 $0xA, v0;
	_ =	sdelay $0x1  }
0xcb: {  	v0 =	vadd.s32 $0x4, v0  }
0xcc: {  	[tilespmem:$0x1B60] =	vst v0  }
0xcd: {  	v0 =	vld [tilespmem:s30+$0x30];
	_ =	sdelay $0x4  }
0xce: {  	v0 =	vmul.u32 $0xA, v0;
	_ =	sdelay $0x1  }
0xcf: {  	v0 =	vadd.s32 $0x4, v0  }
0xd0: {  	[tilespmem:$0x1B70] =	vst v0  }
0xd1: {  	v0 =	vld [tilespmem:s30+$0xFFFFFFC0];
	_ =	sdelay $0x4  }
0xd2: {  	v0 =	vmul.u32 $0xA, v0;
	_ =	sdelay $0x1  }
0xd3: {  	v0 =	vadd.s32 $0x5, v0  }
0xd4: {  	[tilespmem:$0x1B80] =	vst v0  }
0xd5: {  	v0 =	vld [tilespmem:s30+$0xFFFFFFD0];
	_ =	sdelay $0x4  }
0xd6: {  	v0 =	vmul.u32 $0xA, v0;
	_ =	sdelay $0x1  }
0xd7: {  	v0 =	vadd.s32 $0x5, v0  }
0xd8: {  	[tilespmem:$0x1B90] =	vst v0  }
0xd9: {  	v0 =	vld [tilespmem:s30+$0xFFFFFFE0];
	_ =	sdelay $0x4  }
0xda: {  	v0 =	vmul.u32 $0xA, v0;
	_ =	sdelay $0x1  }
0xdb: {  	v0 =	vadd.s32 $0x5, v0  }
0xdc: {  	[tilespmem:$0x1BA0] =	vst v0  }
0xdd: {  	v0 =	vld [tilespmem:s30+$0xFFFFFFF0];
	_ =	sdelay $0x4  }
0xde: {  	v0 =	vmul.u32 $0xA, v0;
	_ =	sdelay $0x1  }
0xdf: {  	v0 =	vadd.s32 $0x5, v0  }
0xe0: {  	[tilespmem:$0x1BB0] =	vst v0  }
0xe1: {  	v0 =	vld [tilespmem:s30+$0x0];
	_ =	sdelay $0x4  }
0xe2: {  	v0 =	vmul.u32 $0xA, v0;
	_ =	sdelay $0x1  }
0xe3: {  	v0 =	vadd.s32 $0x5, v0  }
0xe4: {  	[tilespmem:$0x1BC0] =	vst v0  }
0xe5: {  	v0 =	vld [tilespmem:s30+$0x10];
	_ =	sdelay $0x4  }
0xe6: {  	v0 =	vmul.u32 $0xA, v0;
	_ =	sdelay $0x1  }
0xe7: {  	v0 =	vadd.s32 $0x5, v0  }
0xe8: {  	[tilespmem:$0x1BD0] =	vst v0  }
0xe9: {  	v0 =	vld [tilespmem:s30+$0x20];
	_ =	sdelay $0x4  }
0xea: {  	v0 =	vmul.u32 $0xA, v0;
	_ =	sdelay $0x1  }
0xeb: {  	v0 =	vadd.s32 $0x5, v0  }
0xec: {  	[tilespmem:$0x1BE0] =	vst v0  }
0xed: {  	v0 =	vld [tilespmem:s30+$0x30];
	_ =	sdelay $0x4  }
0xee: {  	v0 =	vmul.u32 $0xA, v0;
	_ =	sdelay $0x1  }
0xef: {  	v0 =	vadd.s32 $0x5, v0  }
0xf0: {  	[tilespmem:$0x1BF0] =	vst v0  }
0xf1: {  	v0 =	vld [tilespmem:s30+$0xFFFFFFC0];
	_ =	sdelay $0x4  }
0xf2: {  	v0 =	vmul.u32 $0xA, v0;
	_ =	sdelay $0x1  }
0xf3: {  	v0 =	vadd.s32 $0x6, v0  }
0xf4: {  	[tilespmem:$0x1C00] =	vst v0  }
0xf5: {  	v0 =	vld [tilespmem:s30+$0xFFFFFFD0];
	_ =	sdelay $0x4  }
0xf6: {  	v0 =	vmul.u32 $0xA, v0;
	_ =	sdelay $0x1  }
0xf7: {  	v0 =	vadd.s32 $0x6, v0  }
0xf8: {  	[tilespmem:$0x1C10] =	vst v0  }
0xf9: {  	v0 =	vld [tilespmem:s30+$0xFFFFFFE0];
	_ =	sdelay $0x4  }
0xfa: {  	v0 =	vmul.u32 $0xA, v0;
	_ =	sdelay $0x1  }
0xfb: {  	v0 =	vadd.s32 $0x6, v0  }
0xfc: {  	[tilespmem:$0x1C20] =	vst v0  }
0xfd: {  	v0 =	vld [tilespmem:s30+$0xFFFFFFF0];
	_ =	sdelay $0x4  }
0xfe: {  	v0 =	vmul.u32 $0xA, v0;
	_ =	sdelay $0x1  }
0xff: {  	v0 =	vadd.s32 $0x6, v0  }
0x100: {  	[tilespmem:$0x1C30] =	vst v0  }
0x101: {  	v0 =	vld [tilespmem:s30+$0x0];
	_ =	sdelay $0x4  }
0x102: {  	v0 =	vmul.u32 $0xA, v0;
	_ =	sdelay $0x1  }
0x103: {  	v0 =	vadd.s32 $0x6, v0  }
0x104: {  	[tilespmem:$0x1C40] =	vst v0  }
0x105: {  	v0 =	vld [tilespmem:s30+$0x10];
	_ =	sdelay $0x4  }
0x106: {  	v0 =	vmul.u32 $0xA, v0;
	_ =	sdelay $0x1  }
0x107: {  	v0 =	vadd.s32 $0x6, v0  }
0x108: {  	[tilespmem:$0x1C50] =	vst v0  }
0x109: {  	v0 =	vld [tilespmem:s30+$0x20];
	_ =	sdelay $0x4  }
0x10a: {  	v0 =	vmul.u32 $0xA, v0;
	_ =	sdelay $0x1  }
0x10b: {  	v0 =	vadd.s32 $0x6, v0  }
0x10c: {  	[tilespmem:$0x1C60] =	vst v0  }
0x10d: {  	v0 =	vld [tilespmem:s30+$0x30];
	_ =	sdelay $0x4  }
0x10e: {  	v0 =	vmul.u32 $0xA, v0;
	_ =	sdelay $0x1  }
0x10f: {  	v0 =	vadd.s32 $0x6, v0  }
0x110: {  	[tilespmem:$0x1C70] =	vst v0  }
0x111: {  	v0 =	vld [tilespmem:s30+$0xFFFFFFC0];
	_ =	sdelay $0x4  }
0x112: {  	v0 =	vmul.u32 $0xA, v0;
	_ =	sdelay $0x1  }
0x113: {  	v0 =	vadd.s32 $0x7, v0  }
0x114: {  	[tilespmem:$0x1C80] =	vst v0  }
0x115: {  	v0 =	vld [tilespmem:s30+$0xFFFFFFD0];
	_ =	sdelay $0x4  }
0x116: {  	v0 =	vmul.u32 $0xA, v0;
	_ =	sdelay $0x1  }
0x117: {  	v0 =	vadd.s32 $0x7, v0  }
0x118: {  	[tilespmem:$0x1C90] =	vst v0  }
0x119: {  	v0 =	vld [tilespmem:s30+$0xFFFFFFE0];
	_ =	sdelay $0x4  }
0x11a: {  	v0 =	vmul.u32 $0xA, v0;
	_ =	sdelay $0x1  }
0x11b: {  	v0 =	vadd.s32 $0x7, v0  }
0x11c: {  	[tilespmem:$0x1CA0] =	vst v0  }
0x11d: {  	v0 =	vld [tilespmem:s30+$0xFFFFFFF0];
	_ =	sdelay $0x4  }
0x11e: {  	v0 =	vmul.u32 $0xA, v0;
	_ =	sdelay $0x1  }
0x11f: {  	v0 =	vadd.s32 $0x7, v0  }
0x120: {  	[tilespmem:$0x1CB0] =	vst v0  }
0x121: {  	v0 =	vld [tilespmem:s30+$0x0];
	_ =	sdelay $0x4  }
0x122: {  	v0 =	vmul.u32 $0xA, v0;
	_ =	sdelay $0x1  }
0x123: {  	v0 =	vadd.s32 $0x7, v0  }
0x124: {  	[tilespmem:$0x1CC0] =	vst v0  }
0x125: {  	v0 =	vld [tilespmem:s30+$0x10];
	_ =	sdelay $0x4  }
0x126: {  	v0 =	vmul.u32 $0xA, v0;
	_ =	sdelay $0x1  }
0x127: {  	v0 =	vadd.s32 $0x7, v0  }
0x128: {  	[tilespmem:$0x1CD0] =	vst v0  }
0x129: {  	v0 =	vld [tilespmem:s30+$0x20];
	_ =	sdelay $0x4  }
0x12a: {  	v0 =	vmul.u32 $0xA, v0;
	_ =	sdelay $0x1  }
0x12b: {  	v0 =	vadd.s32 $0x7, v0  }
0x12c: {  	[tilespmem:$0x1CE0] =	vst v0  }
0x12d: {  	v0 =	vld [tilespmem:s30+$0x30];
	_ =	sdelay $0x4  }
0x12e: {  	v0 =	vmul.u32 $0xA, v0;
	_ =	sdelay $0x1  }
0x12f: {  	v0 =	vadd.s32 $0x7, v0  }
0x130: {  	[tilespmem:$0x1CF0] =	vst v0  }
0x131: {  	v0 =	vld [tilespmem:s30+$0xFFFFFFC0];
	_ =	sdelay $0x4  }
0x132: {  	v0 =	vmul.u32 $0xA, v0;
	_ =	sdelay $0x1  }
0x133: {  	v0 =	vadd.s32 $0x8, v0  }
0x134: {  	[tilespmem:$0x1D00] =	vst v0  }
0x135: {  	v0 =	vld [tilespmem:s30+$0xFFFFFFD0];
	_ =	sdelay $0x4  }
0x136: {  	v0 =	vmul.u32 $0xA, v0;
	_ =	sdelay $0x1  }
0x137: {  	v0 =	vadd.s32 $0x8, v0  }
0x138: {  	[tilespmem:$0x1D10] =	vst v0  }
0x139: {  	v0 =	vld [tilespmem:s30+$0xFFFFFFE0];
	_ =	sdelay $0x4  }
0x13a: {  	v0 =	vmul.u32 $0xA, v0;
	_ =	sdelay $0x1  }
0x13b: {  	v0 =	vadd.s32 $0x8, v0  }
0x13c: {  	[tilespmem:$0x1D20] =	vst v0  }
0x13d: {  	v0 =	vld [tilespmem:s30+$0xFFFFFFF0];
	_ =	sdelay $0x4  }
0x13e: {  	v0 =	vmul.u32 $0xA, v0;
	_ =	sdelay $0x1  }
0x13f: {  	v0 =	vadd.s32 $0x8, v0  }
0x140: {  	[tilespmem:$0x1D30] =	vst v0  }
0x141: {  	v0 =	vld [tilespmem:s30+$0x0];
	_ =	sdelay $0x4  }
0x142: {  	v0 =	vmul.u32 $0xA, v0;
	_ =	sdelay $0x1  }
0x143: {  	v0 =	vadd.s32 $0x8, v0  }
0x144: {  	[tilespmem:$0x1D40] =	vst v0  }
0x145: {  	v0 =	vld [tilespmem:s30+$0x10];
	_ =	sdelay $0x4  }
0x146: {  	v0 =	vmul.u32 $0xA, v0;
	_ =	sdelay $0x1  }
0x147: {  	v0 =	vadd.s32 $0x8, v0  }
0x148: {  	[tilespmem:$0x1D50] =	vst v0  }
0x149: {  	v0 =	vld [tilespmem:s30+$0x20];
	_ =	sdelay $0x4  }
0x14a: {  	v0 =	vmul.u32 $0xA, v0;
	_ =	sdelay $0x1  }
0x14b: {  	v0 =	vadd.s32 $0x8, v0  }
0x14c: {  	[tilespmem:$0x1D60] =	vst v0  }
0x14d: {  	v0 =	vld [tilespmem:s30+$0x30];
	_ =	sdelay $0x4  }
0x14e: {  	v0 =	vmul.u32 $0xA, v0;
	_ =	sdelay $0x1  }
0x14f: {  	v0 =	vadd.s32 $0x8, v0  }
0x150: {  	[tilespmem:$0x1D70] =	vst v0  }
0x151: {  	v0 =	vld [tilespmem:s30+$0xFFFFFFC0];
	_ =	sdelay $0x4  }
0x152: {  	v0 =	vmul.u32 $0xA, v0;
	_ =	sdelay $0x1  }
0x153: {  	v0 =	vadd.s32 $0x9, v0  }
0x154: {  	[tilespmem:$0x1D80] =	vst v0  }
0x155: {  	v0 =	vld [tilespmem:s30+$0xFFFFFFD0];
	_ =	sdelay $0x4  }
0x156: {  	v0 =	vmul.u32 $0xA, v0;
	_ =	sdelay $0x1  }
0x157: {  	v0 =	vadd.s32 $0x9, v0  }
0x158: {  	[tilespmem:$0x1D90] =	vst v0  }
0x159: {  	v0 =	vld [tilespmem:s30+$0xFFFFFFE0];
	_ =	sdelay $0x4  }
0x15a: {  	v0 =	vmul.u32 $0xA, v0;
	_ =	sdelay $0x1  }
0x15b: {  	v0 =	vadd.s32 $0x9, v0  }
0x15c: {  	[tilespmem:$0x1DA0] =	vst v0  }
0x15d: {  	v0 =	vld [tilespmem:s30+$0xFFFFFFF0];
	_ =	sdelay $0x4  }
0x15e: {  	v0 =	vmul.u32 $0xA, v0;
	_ =	sdelay $0x1  }
0x15f: {  	v0 =	vadd.s32 $0x9, v0  }
0x160: {  	[tilespmem:$0x1DB0] =	vst v0  }
0x161: {  	v0 =	vld [tilespmem:s30+$0x0];
	_ =	sdelay $0x4  }
0x162: {  	v0 =	vmul.u32 $0xA, v0;
	_ =	sdelay $0x1  }
0x163: {  	v0 =	vadd.s32 $0x9, v0  }
0x164: {  	[tilespmem:$0x1DC0] =	vst v0  }
0x165: {  	v0 =	vld [tilespmem:s30+$0x10];
	_ =	sdelay $0x4  }
0x166: {  	v0 =	vmul.u32 $0xA, v0;
	_ =	sdelay $0x1  }
0x167: {  	v0 =	vadd.s32 $0x9, v0  }
0x168: {  	[tilespmem:$0x1DD0] =	vst v0  }
0x169: {  	v0 =	vld [tilespmem:s30+$0x20];
	_ =	sdelay $0x4  }
0x16a: {  	v0 =	vmul.u32 $0xA, v0;
	_ =	sdelay $0x1  }
0x16b: {  	v0 =	vadd.s32 $0x9, v0  }
0x16c: {  	[tilespmem:$0x1DE0] =	vst v0  }
0x16d: {  	v0 =	vld [tilespmem:s30+$0x30];
	_ =	sdelay $0x4  }
0x16e: {  	s0 =	rddreg [dreg:$0x5];
	v0 =	vmul.u32 $0xA, v0  }
0x16f: {  	s3 =	rddreg [dreg:$0x6]  }
0x170: {  	s4 =	rddreg [dreg:$0x7];
	v0 =	vadd.s32 $0x9, v0  }
0x171: {  	s5 =	rddreg [dreg:$0x8];
	[tilespmem:$0x1DF0] =	vst v0  }
0x172: {  	[tilespmem:s3], [sflag:$0x1] =	stream.indirect.gather [spmem:s1], $0x1, s0, s11, $0xb8;
	[tilespmem:$0x1D028] =	vst v63  }
0x173: {  	s0 =	rddreg [dreg:$0x9]  }
0x174: {  	s3 =	rddreg [dreg:$0xa]  }
0x175: {  	[tilespmem:s5], [sflag:$0x1] =	stream.indirect.gather [spmem:s1], $0x1, s4, s11, $0xb8;
	[tilespmem:$0x1D028] =	vst v63  }
0x176: {  	s4 =	rddreg [dreg:$0xb]  }
0x177: {  	s5 =	rddreg [dreg:$0xc]  }
0x178: {  	[tilespmem:s3], [sflag:$0x1] =	stream.indirect.gather [spmem:s1], $0x1, s0, s11, $0xb8;
	[tilespmem:$0x1D028] =	vst v63  }
0x179: {  	s0 =	rddreg [dreg:$0xd]  }
0x17a: {  	s3 =	rddreg [dreg:$0xe]  }
0x17b: {  	[tilespmem:s5], [sflag:$0x1] =	stream.indirect.gather [spmem:s1], $0x1, s4, s11, $0xb8;
	[tilespmem:$0x1D028] =	vst v63  }
0x17c: {  	s4 =	rddreg [dreg:$0xf]  }
0x17d: {  	s5 =	rddreg [dreg:$0x10]  }
0x17e: {  	[tilespmem:s3], [sflag:$0x1] =	stream.indirect.gather [spmem:s1], $0x1, s0, s11, $0xb8;
	[tilespmem:$0x1D028] =	vst v63  }
0x17f: {  	s0 =	rddreg [dreg:$0x11]  }
0x180: {  	s3 =	rddreg [dreg:$0x12]  }
0x181: {  	[tilespmem:s5], [sflag:$0x1] =	stream.indirect.gather [spmem:s1], $0x1, s4, s11, $0xb8;
	[tilespmem:$0x1D028] =	vst v63  }
0x182: {  	s4 =	rddreg [dreg:$0x13]  }
0x183: {  	s5 =	rddreg [dreg:$0x14]  }
0x184: {  	[tilespmem:s3], [sflag:$0x1] =	stream.indirect.gather [spmem:s1], $0x1, s0, s11, $0xb8;
	[tilespmem:$0x1D028] =	vst v63  }
0x185: {  	s0 =	rddreg [dreg:$0x15]  }
0x186: {  	s3 =	rddreg [dreg:$0x16]  }
0x187: {  	[tilespmem:s5], [sflag:$0x1] =	stream.indirect.gather [spmem:s1], $0x1, s4, s11, $0xb8;
	[tilespmem:$0x1D028] =	vst v63  }
0x188: {  	s4 =	rddreg [dreg:$0x17]  }
0x189: {  	[tilespmem:s3], [sflag:$0x1] =	stream.indirect.gather [spmem:s1], $0x1, s0, s11, $0xb8;
	[tilespmem:$0x1D028] =	vst v63  }
0x18a: {  	s5 =	rddreg [dreg:$0x18]  }
0x18b: {  	[tilespmem:s5], [sflag:$0x1] =	stream.indirect.gather [spmem:s1], $0x1, s4, s11, $0xb8;
	[tilespmem:$0x1D028] =	vst v63  }
0x18c: {  	_ =	swait.ge [sflag:s12], $0x80  }
0x18d: {  	[sflag:s12] =	ssyncset.done $0x0  }
0x18e: {  	[sflag:s12] =	ssyncadd.s32 $0xFFFFFF80  }
0x18f: {  	_ =	swait.ge [sflag:s12], $0x80  }
0x190: {  	[sflag:s12] =	ssyncset.done $0x0  }
0x191: {  	[sflag:s12] =	ssyncadd.s32 $0xFFFFFF80  }
0x192: {  	_ =	swait.ge [sflag:s12], $0x80  }
0x193: {  	[sflag:s12] =	ssyncset.done $0x0  }
0x194: {  	[sflag:s12] =	ssyncadd.s32 $0xFFFFFF80  }
0x195: {  	_ =	swait.ge [sflag:s12], $0x80  }
0x196: {  	[sflag:s12] =	ssyncset.done $0x0  }
0x197: {  	[sflag:s12] =	ssyncadd.s32 $0xFFFFFF80  }
0x198: {  	_ =	swait.ge [sflag:s12], $0x80  }
0x199: {  	[sflag:s12] =	ssyncset.done $0x0  }
0x19a: {  	[sflag:s12] =	ssyncadd.s32 $0xFFFFFF80  }
0x19b: {  	_ =	swait.ge [sflag:s12], $0x80  }
0x19c: {  	[sflag:s12] =	ssyncset.done $0x0  }
0x19d: {  	[sflag:s12] =	ssyncadd.s32 $0xFFFFFF80  }
0x19e: {  	_ =	swait.ge [sflag:s12], $0x80  }
0x19f: {  	[sflag:s12] =	ssyncset.done $0x0  }
0x1a0: {  	[sflag:s12] =	ssyncadd.s32 $0xFFFFFF80  }
0x1a1: {  	_ =	swait.ge [sflag:s12], $0x80  }
0x1a2: {  	[sflag:s12] =	ssyncset.done $0x0  }
0x1a3: {  	[sflag:s12] =	ssyncadd.s32 $0xFFFFFF80  }
0x1a4: {  	_ =	swait.ge [sflag:s12], $0x80  }
0x1a5: {  	[sflag:s12] =	ssyncset.done $0x0  }
0x1a6: {  	[sflag:s12] =	ssyncadd.s32 $0xFFFFFF80  }
0x1a7: {  	_ =	swait.ge [sflag:s12], $0x80  }
0x1a8: {  	[sflag:s12] =	ssyncset.done $0x0  }
0x1a9: {  	[sflag:s12] =	ssyncadd.s32 $0xFFFFFF80  }
0x1aa: {  	v31 =	vld [tilespmem:$0x1E00]  }
0x1ab: {  	v1 =	vld [tilespmem:$0x1E10]  }
0x1ac: {  	v2 =	vld [tilespmem:$0x1E20]  }
0x1ad: {  	v3 =	vld [tilespmem:$0x1E30]  }
0x1ae: {  	v4 =	vld [tilespmem:$0x1E40]  }
0x1af: {  	v5 =	vld [tilespmem:$0x1E50]  }
0x1b0: {  	v32 =	vld [tilespmem:$0x1E60];
	[tilespmem:$0x2300] =	vst v31  }
0x1b1: {  	v33 =	vld [tilespmem:$0x1E70];
	[tilespmem:$0x2310] =	vst v1  }
0x1b2: {  	v34 =	vld [tilespmem:$0x1E80];
	[tilespmem:$0x2320] =	vst v2  }
0x1b3: {  	v35 =	vld [tilespmem:$0x1E90];
	[tilespmem:$0x2330] =	vst v3  }
0x1b4: {  	v36 =	vld [tilespmem:$0x1EA0];
	[tilespmem:$0x2340] =	vst v4  }
0x1b5: {  	v37 =	vld [tilespmem:$0x1EB0];
	[tilespmem:$0x2350] =	vst v5  }
0x1b6: {  	v38 =	vld [tilespmem:$0x1EC0];
	[tilespmem:$0x2360] =	vst v32  }
0x1b7: {  	v40 =	vld [tilespmem:$0x1ED0];
	[tilespmem:$0x2370] =	vst v33;
	v39 =	vadd.s32 $0x100, v34  }
0x1b8: {  	v42 =	vld [tilespmem:$0x1EE0];
	v41 =	vadd.s32 $0x100, v35;
	[tilespmem:$0x2380] =	vst v39  }
0x1b9: {  	v44 =	vld [tilespmem:$0x1EF0];
	v43 =	vadd.s32 $0x100, v36;
	[tilespmem:$0x2390] =	vst v41  }
0x1ba: {  	v46 =	vld [tilespmem:$0x1F00];
	v45 =	vadd.s32 $0x100, v37;
	[tilespmem:$0x23A0] =	vst v43  }
0x1bb: {  	v47 =	vld [tilespmem:$0x1F10];
	v0 =	vadd.s32 $0x100, v38;
	[tilespmem:$0x23B0] =	vst v45  }
0x1bc: {  	v49 =	vld [tilespmem:$0x1F20];
	v48 =	vadd.s32 $0x100, v40;
	[tilespmem:$0x23C0] =	vst v0  }
0x1bd: {  	v51 =	vld [tilespmem:$0x1F30];
	v50 =	vadd.s32 $0x100, v42;
	[tilespmem:$0x23D0] =	vst v48  }
0x1be: {  	v53 =	vld [tilespmem:$0x1F40];
	v52 =	vadd.s32 $0x100, v44;
	[tilespmem:$0x23E0] =	vst v50  }
0x1bf: {  	v55 =	vld [tilespmem:$0x1F50];
	v54 =	vadd.s32 $0x200, v46;
	[tilespmem:$0x23F0] =	vst v52  }
0x1c0: {  	v57 =	vld [tilespmem:$0x1F60];
	v56 =	vadd.s32 $0x200, v47;
	[tilespmem:$0x2400] =	vst v54  }
0x1c1: {  	v59 =	vld [tilespmem:$0x1F70];
	v58 =	vadd.s32 $0x200, v49;
	[tilespmem:$0x2410] =	vst v56  }
0x1c2: {  	v61 =	vld [tilespmem:$0x1F80];
	v60 =	vadd.s32 $0x200, v51;
	[tilespmem:$0x2420] =	vst v58  }
0x1c3: {  	v63 =	vld [tilespmem:$0x1F90];
	v62 =	vadd.s32 $0x200, v53;
	[tilespmem:$0x2430] =	vst v60  }
0x1c4: {  	v9 =	vld [tilespmem:$0x1FA0];
	v8 =	vadd.s32 $0x200, v55;
	[tilespmem:$0x2440] =	vst v62  }
0x1c5: {  	v11 =	vld [tilespmem:$0x1FB0];
	v10 =	vadd.s32 $0x200, v57;
	[tilespmem:$0x2450] =	vst v8  }
0x1c6: {  	v13 =	vld [tilespmem:$0x1FC0];
	v12 =	vadd.s32 $0x200, v59;
	[tilespmem:$0x2460] =	vst v10  }
0x1c7: {  	v15 =	vld [tilespmem:$0x1FD0];
	v14 =	vadd.s32 $0x300, v61;
	[tilespmem:$0x2470] =	vst v12  }
0x1c8: {  	v17 =	vld [tilespmem:$0x1FE0];
	v16 =	vadd.s32 $0x300, v63;
	[tilespmem:$0x2480] =	vst v14  }
0x1c9: {  	v19 =	vld [tilespmem:$0x1FF0];
	v18 =	vadd.s32 $0x300, v9;
	[tilespmem:$0x2490] =	vst v16  }
0x1ca: {  	v21 =	vld [tilespmem:$0x2000];
	v20 =	vadd.s32 $0x300, v11;
	[tilespmem:$0x24A0] =	vst v18  }
0x1cb: {  	v23 =	vld [tilespmem:$0x2010];
	v22 =	vadd.s32 $0x300, v13;
	[tilespmem:$0x24B0] =	vst v20  }
0x1cc: {  	v25 =	vld [tilespmem:$0x2020];
	v24 =	vadd.s32 $0x300, v15;
	[tilespmem:$0x24C0] =	vst v22  }
0x1cd: {  	v27 =	vld [tilespmem:$0x2030];
	v26 =	vadd.s32 $0x300, v17;
	[tilespmem:$0x24D0] =	vst v24  }
0x1ce: {  	v29 =	vld [tilespmem:$0x2040];
	v28 =	vadd.s32 $0x300, v19;
	[tilespmem:$0x24E0] =	vst v26  }
0x1cf: {  	v30 =	vadd.s32 $0x400, v21;
	v31 =	vld [tilespmem:$0x2050];
	[tilespmem:$0x24F0] =	vst v28  }
0x1d0: {  	v32 =	vadd.s32 $0x400, v23;
	v33 =	vld [tilespmem:$0x2060];
	[tilespmem:$0x2500] =	vst v30  }
0x1d1: {  	v34 =	vadd.s32 $0x400, v25;
	v35 =	vld [tilespmem:$0x2070];
	[tilespmem:$0x2510] =	vst v32  }
0x1d2: {  	v36 =	vadd.s32 $0x400, v27;
	v37 =	vld [tilespmem:$0x2080];
	[tilespmem:$0x2520] =	vst v34  }
0x1d3: {  	v38 =	vadd.s32 $0x400, v29;
	v47 =	vld [tilespmem:$0x20D0];
	[tilespmem:$0x2530] =	vst v36  }
0x1d4: {  	v49 =	vld [tilespmem:$0x20E0];
	[tilespmem:$0x2540] =	vst v38;
	v40 =	vadd.s32 $0x400, v31  }
0x1d5: {  	v51 =	vld [tilespmem:$0x20F0];
	v42 =	vadd.s32 $0x400, v33;
	[tilespmem:$0x2550] =	vst v40  }
0x1d6: {  	v53 =	vld [tilespmem:$0x2100];
	v44 =	vadd.s32 $0x400, v35;
	[tilespmem:$0x2560] =	vst v42  }
0x1d7: {  	v55 =	vld [tilespmem:$0x2110];
	v46 =	vadd.s32 $0x500, v37;
	[tilespmem:$0x2570] =	vst v44  }
0x1d8: {  	v57 =	vld [tilespmem:$0x2120];
	v56 =	vadd.s32 $0x500, v47;
	[tilespmem:$0x2580] =	vst v46  }
0x1d9: {  	v59 =	vld [tilespmem:$0x2130];
	v58 =	vadd.s32 $0x500, v49;
	[tilespmem:$0x25D0] =	vst v56  }
0x1da: {  	v61 =	vld [tilespmem:$0x2140];
	v60 =	vadd.s32 $0x500, v51;
	[tilespmem:$0x25E0] =	vst v58  }
0x1db: {  	v63 =	vld [tilespmem:$0x2150];
	v62 =	vadd.s32 $0x600, v53;
	[tilespmem:$0x25F0] =	vst v60  }
0x1dc: {  	v39 =	vld [tilespmem:$0x2090];
	v7 =	vadd.s32 $0x600, v55;
	[tilespmem:$0x2600] =	vst v62  }
0x1dd: {  	v41 =	vld [tilespmem:$0x20A0];
	v9 =	vadd.s32 $0x600, v57;
	[tilespmem:$0x2610] =	vst v7  }
0x1de: {  	v43 =	vld [tilespmem:$0x20B0];
	v11 =	vadd.s32 $0x600, v59;
	[tilespmem:$0x2620] =	vst v9  }
0x1df: {  	v45 =	vld [tilespmem:$0x20C0];
	v13 =	vadd.s32 $0x600, v61;
	[tilespmem:$0x2630] =	vst v11  }
0x1e0: {  	v8 =	vld [tilespmem:$0x2160];
	v15 =	vadd.s32 $0x600, v63;
	[tilespmem:$0x2640] =	vst v13  }
0x1e1: {  	v10 =	vld [tilespmem:$0x2170];
	v48 =	vadd.s32 $0x500, v39;
	[tilespmem:$0x2650] =	vst v15  }
0x1e2: {  	v12 =	vld [tilespmem:$0x2180];
	v50 =	vadd.s32 $0x500, v41;
	[tilespmem:$0x2590] =	vst v48  }
0x1e3: {  	v14 =	vld [tilespmem:$0x2190];
	v52 =	vadd.s32 $0x500, v43;
	[tilespmem:$0x25A0] =	vst v50  }
0x1e4: {  	v16 =	vld [tilespmem:$0x21A0];
	v54 =	vadd.s32 $0x500, v45;
	[tilespmem:$0x25B0] =	vst v52  }
0x1e5: {  	v18 =	vld [tilespmem:$0x21B0];
	v17 =	vadd.s32 $0x600, v8;
	[tilespmem:$0x25C0] =	vst v54  }
0x1e6: {  	v20 =	vld [tilespmem:$0x21C0];
	v19 =	vadd.s32 $0x600, v10;
	[tilespmem:$0x2660] =	vst v17  }
0x1e7: {  	v22 =	vld [tilespmem:$0x21D0];
	v21 =	vadd.s32 $0x700, v12;
	[tilespmem:$0x2670] =	vst v19  }
0x1e8: {  	v24 =	vld [tilespmem:$0x21E0];
	v23 =	vadd.s32 $0x700, v14;
	[tilespmem:$0x2680] =	vst v21  }
0x1e9: {  	v26 =	vld [tilespmem:$0x21F0];
	v25 =	vadd.s32 $0x700, v16;
	[tilespmem:$0x2690] =	vst v23  }
0x1ea: {  	v28 =	vld [tilespmem:$0x2200];
	v27 =	vadd.s32 $0x700, v18;
	[tilespmem:$0x26A0] =	vst v25  }
0x1eb: {  	v30 =	vld [tilespmem:$0x2210];
	v29 =	vadd.s32 $0x700, v20;
	[tilespmem:$0x26B0] =	vst v27  }
0x1ec: {  	v32 =	vld [tilespmem:$0x2220];
	v31 =	vadd.s32 $0x700, v22;
	[tilespmem:$0x26C0] =	vst v29  }
0x1ed: {  	v34 =	vld [tilespmem:$0x2230];
	v33 =	vadd.s32 $0x700, v24;
	[tilespmem:$0x26D0] =	vst v31  }
0x1ee: {  	v36 =	vld [tilespmem:$0x2240];
	v35 =	vadd.s32 $0x700, v26;
	[tilespmem:$0x26E0] =	vst v33  }
0x1ef: {  	v38 =	vld [tilespmem:$0x2250];
	v37 =	vadd.s32 $0x800, v28;
	[tilespmem:$0x26F0] =	vst v35  }
0x1f0: {  	v39 =	vadd.s32 $0x800, v30;
	v40 =	vld [tilespmem:$0x2260];
	[tilespmem:$0x2700] =	vst v37  }
0x1f1: {  	v41 =	vadd.s32 $0x800, v32;
	v42 =	vld [tilespmem:$0x2270];
	[tilespmem:$0x2710] =	vst v39  }
0x1f2: {  	v43 =	vadd.s32 $0x800, v34;
	v44 =	vld [tilespmem:$0x2280];
	[tilespmem:$0x2720] =	vst v41  }
0x1f3: {  	v45 =	vadd.s32 $0x800, v36;
	v46 =	vld [tilespmem:$0x2290];
	[tilespmem:$0x2730] =	vst v43  }
0x1f4: {  	v47 =	vadd.s32 $0x800, v38;
	v56 =	vld [tilespmem:$0x22E0];
	[tilespmem:$0x2740] =	vst v45  }
0x1f5: {  	v58 =	vld [tilespmem:$0x22F0];
	[tilespmem:$0x2750] =	vst v47;
	v49 =	vadd.s32 $0x800, v40  }
0x1f6: {  	v48 =	vld [tilespmem:$0x22A0];
	v51 =	vadd.s32 $0x800, v42;
	[tilespmem:$0x2760] =	vst v49  }
0x1f7: {  	v50 =	vld [tilespmem:$0x22B0];
	v53 =	vadd.s32 $0x900, v44;
	[tilespmem:$0x2770] =	vst v51  }
0x1f8: {  	v52 =	vld [tilespmem:$0x22C0];
	v55 =	vadd.s32 $0x900, v46;
	[tilespmem:$0x2780] =	vst v53  }
0x1f9: {  	v54 =	vld [tilespmem:$0x22D0];
	v62 =	vadd.s32 $0x900, v56;
	[tilespmem:$0x2790] =	vst v55  }
0x1fa: {  	v63 =	vadd.s32 $0x900, v58;
	[tilespmem:$0x27E0] =	vst v62  }
0x1fb: {  	v57 =	vadd.s32 $0x900, v48;
	[tilespmem:$0x27F0] =	vst v63  }
0x1fc: {  	v59 =	vadd.s32 $0x900, v50;
	[tilespmem:$0x27A0] =	vst v57  }
0x1fd: {  	v60 =	vadd.s32 $0x900, v52;
	[tilespmem:$0x27B0] =	vst v59  }
0x1fe: {  	p1 =	seq.s32 s31, $0x0;
	v61 =	vadd.s32 $0x900, v54;
	[tilespmem:$0x27C0] =	vst v60  }
0x1ff: {  	s0 =	simm.s32 @!p1 $0x3;
	[tilespmem:$0x27D0] =	vst v61  }
0x200: {  	_ =	swait.ge @!p1 [sflag:s0], $0x1000  }
0x201: {  	[sflag:s0] =	ssyncset.done @!p1 $0x0  }
0x202: {  	[sflag:s0] =	ssyncadd.s32 @!p1 $0xFFFFF000  }
0x203: {  	_ =	swait.ge @!p1 [sflag:s0], $0x1000  }
0x204: {  	[sflag:s0] =	ssyncset.done @!p1 $0x0  }
0x205: {  	[sflag:s0] =	ssyncadd.s32 @!p1 $0xFFFFF000  }
0x206: {  	_ =	swait.ge @!p1 [sflag:s0], $0x1000  }
0x207: {  	[sflag:s0] =	ssyncset.done @!p1 $0x0  }
0x208: {  	[sflag:s0] =	ssyncadd.s32 @!p1 $0xFFFFF000  }
0x209: {  	_ =	swait.ge @!p1 [sflag:s0], $0x1000  }
0x20a: {  	[sflag:s0] =	ssyncset.done @!p1 $0x0  }
0x20b: {  	[sflag:s0] =	ssyncadd.s32 @!p1 $0xFFFFF000  }
0x20c: {  	_ =	swait.ge @!p1 [sflag:s0], $0x1000  }
0x20d: {  	[sflag:s0] =	ssyncset.done @!p1 $0x0  }
0x20e: {  	[sflag:s0] =	ssyncadd.s32 @!p1 $0xFFFFF000  }
0x20f: {  	_ =	swait.ge @!p1 [sflag:s0], $0x1000  }
0x210: {  	[sflag:s0] =	ssyncset.done @!p1 $0x0  }
0x211: {  	[sflag:s0] =	ssyncadd.s32 @!p1 $0xFFFFF000  }
0x212: {  	_ =	swait.ge @!p1 [sflag:s0], $0x1000  }
0x213: {  	[sflag:s0] =	ssyncset.done @!p1 $0x0  }
0x214: {  	[sflag:s0] =	ssyncadd.s32 @!p1 $0xFFFFF000  }
0x215: {  	_ =	swait.ge @!p1 [sflag:s0], $0x1000  }
0x216: {  	[sflag:s0] =	ssyncset.done @!p1 $0x0  }
0x217: {  	[sflag:s0] =	ssyncadd.s32 @!p1 $0xFFFFF000  }
0x218: {  	_ =	swait.ge @!p1 [sflag:s0], $0x1000  }
0x219: {  	[sflag:s0] =	ssyncset.done @!p1 $0x0  }
0x21a: {  	[sflag:s0] =	ssyncadd.s32 @!p1 $0xFFFFF000  }
0x21b: {  	_ =	swait.ge @!p1 [sflag:s0], $0x1000  }
0x21c: {  	s5 =	rddreg [dreg:$0x19];
	[sflag:s0] =	ssyncset.done @!p1 $0x0  }
0x21d: {  	s4 =	rddreg [dreg:$0x1a];
	[sflag:s0] =	ssyncadd.s32 @!p1 $0xFFFFF000  }
0x21e: {  	[tilespmem:s13], [sflag:$0x2] =	stream.indirect.gather [spmem:s2], $0x20, s5, s11, $0xb8;
	[tilespmem:$0x1D028] =	vst v63  }
0x21f: {  	s5 =	rddreg [dreg:$0x1b]  }
0x220: {  	[tilespmem:s14], [sflag:$0x2] =	stream.indirect.gather [spmem:s2], $0x20, s4, s11, $0xb8;
	[tilespmem:$0x1D028] =	vst v63  }
0x221: {  	s4 =	rddreg [dreg:$0x1c]  }
0x222: {  	[tilespmem:s15], [sflag:$0x2] =	stream.indirect.gather [spmem:s2], $0x20, s5, s11, $0xb8;
	[tilespmem:$0x1D028] =	vst v63  }
0x223: {  	s5 =	rddreg [dreg:$0x1d]  }
0x224: {  	[tilespmem:s16], [sflag:$0x2] =	stream.indirect.gather [spmem:s2], $0x20, s4, s11, $0xb8;
	[tilespmem:$0x1D028] =	vst v63  }
0x225: {  	s4 =	rddreg [dreg:$0x1e]  }
0x226: {  	[tilespmem:s17], [sflag:$0x2] =	stream.indirect.gather [spmem:s2], $0x20, s5, s11, $0xb8;
	[tilespmem:$0x1D028] =	vst v63  }
0x227: {  	s5 =	rddreg [dreg:$0x1f]  }
0x228: {  	[tilespmem:s18], [sflag:$0x2] =	stream.indirect.gather [spmem:s2], $0x20, s4, s11, $0xb8;
	[tilespmem:$0x1D028] =	vst v63  }
0x229: {  	s4 =	sld [smem:$0x7FC]  }
0x22a: {  	[tilespmem:s19], [sflag:$0x2] =	stream.indirect.gather [spmem:s2], $0x20, s5, s11, $0xb8;
	[tilespmem:$0x1D028] =	vst v63  }
0x22b: {  	s5 =	sld [smem:$0x7FD]  }
0x22c: {  	[tilespmem:s20], [sflag:$0x2] =	stream.indirect.gather [spmem:s2], $0x20, s4, s11, $0xb8;
	[tilespmem:$0x1D028] =	vst v63  }
0x22d: {  	_ = 	snop  }
0x22e: {  	[tilespmem:s21], [sflag:$0x2] =	stream.indirect.gather [spmem:s2], $0x20, s5, s11, $0xb8;
	[tilespmem:$0x1D028] =	vst v63  }
0x22f: {  	_ = 	snop  }
0x230: {  	[tilespmem:s23], [sflag:$0x2] =	stream.indirect.gather [spmem:s2], $0x20, s22, s11, $0xb8;
	[tilespmem:$0x1D028] =	vst v63  }
0x231: {  	_ =	swait.ge [sflag:s24], $0x1000  }
0x232: {  	[sflag:s24] =	ssyncset.done $0x0  }
0x233: {  	[sflag:s24] =	ssyncadd.s32 $0xFFFFF000  }
0x234: {  	_ =	swait.ge [sflag:s24], $0x1000  }
0x235: {  	[sflag:s24] =	ssyncset.done $0x0  }
0x236: {  	[sflag:s24] =	ssyncadd.s32 $0xFFFFF000  }
0x237: {  	_ =	swait.ge [sflag:s24], $0x1000  }
0x238: {  	[sflag:s24] =	ssyncset.done $0x0  }
0x239: {  	[sflag:s24] =	ssyncadd.s32 $0xFFFFF000  }
0x23a: {  	_ =	swait.ge [sflag:s24], $0x1000  }
0x23b: {  	[sflag:s24] =	ssyncset.done $0x0  }
0x23c: {  	[sflag:s24] =	ssyncadd.s32 $0xFFFFF000  }
0x23d: {  	_ =	swait.ge [sflag:s24], $0x1000  }
0x23e: {  	[sflag:s24] =	ssyncset.done $0x0  }
0x23f: {  	[sflag:s24] =	ssyncadd.s32 $0xFFFFF000  }
0x240: {  	_ =	swait.ge [sflag:s24], $0x1000  }
0x241: {  	[sflag:s24] =	ssyncset.done $0x0  }
0x242: {  	[sflag:s24] =	ssyncadd.s32 $0xFFFFF000  }
0x243: {  	_ =	swait.ge [sflag:s24], $0x1000  }
0x244: {  	[sflag:s24] =	ssyncset.done $0x0  }
0x245: {  	[sflag:s24] =	ssyncadd.s32 $0xFFFFF000  }
0x246: {  	_ =	swait.ge [sflag:s24], $0x1000  }
0x247: {  	[sflag:s24] =	ssyncset.done $0x0  }
0x248: {  	[sflag:s24] =	ssyncadd.s32 $0xFFFFF000  }
0x249: {  	_ =	swait.ge [sflag:s24], $0x1000  }
0x24a: {  	[sflag:s24] =	ssyncset.done $0x0  }
0x24b: {  	[sflag:s24] =	ssyncadd.s32 $0xFFFFF000  }
0x24c: {  	_ =	swait.ge [sflag:s24], $0x1000  }
0x24d: {  	s3 =	rddreg [dreg:$0x4];
	[sflag:s24] =	ssyncset.done $0x0  }
0x24e: {  	[sflag:s24] =	ssyncadd.s32 $0xFFFFF000;
	s0 =	sadd.s32 s31, s3  }
0x24f: {  	[hbm4b:s0+s25] =	stream.strided.scatter [tilespmem:s13], [sflag:$0x3], $0x1000, s26, s25, $0x38;
	[tilespmem:$0x1D028] =	vst v63  }
0x250: {  	s4 =	sadd.s32 $0x4, s0  }
0x251: {  	[hbm4b:s4+s25] =	stream.strided.scatter [tilespmem:s14], [sflag:$0x3], $0x1000, s26, s25, $0x38;
	[tilespmem:$0x1D028] =	vst v63  }
0x252: {  	s5 =	sadd.s32 $0x8, s0  }
0x253: {  	[hbm4b:s5+s25] =	stream.strided.scatter [tilespmem:s15], [sflag:$0x3], $0x1000, s26, s25, $0x38;
	[tilespmem:$0x1D028] =	vst v63  }
0x254: {  	s4 =	sadd.s32 $0xC, s0  }
0x255: {  	[hbm4b:s4+s25] =	stream.strided.scatter [tilespmem:s16], [sflag:$0x3], $0x1000, s26, s25, $0x38;
	[tilespmem:$0x1D028] =	vst v63  }
0x256: {  	s5 =	sadd.s32 $0x10, s0  }
0x257: {  	[hbm4b:s5+s25] =	stream.strided.scatter [tilespmem:s17], [sflag:$0x3], $0x1000, s26, s25, $0x38;
	[tilespmem:$0x1D028] =	vst v63  }
0x258: {  	s4 =	sadd.s32 $0x14, s0  }
0x259: {  	[hbm4b:s4+s25] =	stream.strided.scatter [tilespmem:s18], [sflag:$0x3], $0x1000, s26, s25, $0x38;
	[tilespmem:$0x1D028] =	vst v63  }
0x25a: {  	s31 =	sadd.s32 $0x1400, s31;
	s5 =	sadd.s32 $0x18, s0  }
0x25b: {  	[hbm4b:s5+s25] =	stream.strided.scatter [tilespmem:s19], [sflag:$0x3], $0x1000, s26, s25, $0x38;
	[tilespmem:$0x1D028] =	vst v63  }
0x25c: {  	p1 =	sne.s32 s31, $0x3E800;
	s4 =	sadd.s32 $0x1C, s0  }
0x25d: {  	[hbm4b:s4+s25] =	stream.strided.scatter [tilespmem:s20], [sflag:$0x3], $0x1000, s26, s25, $0x38;
	[tilespmem:$0x1D028] =	vst v63  }
.Ltmp0:
0x25e: {  	_ = 	snop;
	(pc) =	sbr.rel @p1 .LBB2_2-.Ltmp0, $4  }
0x25f: {  	s5 =	sadd.s32 $0x20, s0  }
0x260: {  	[hbm4b:s5+s25] =	stream.strided.scatter [tilespmem:s21], [sflag:$0x3], $0x1000, s26, s25, $0x38;
	[tilespmem:$0x1D028] =	vst v63  }
0x261: {  	s30 =	sadd.s32 $0x80, s30;
	s0 =	sadd.s32 $0x24, s0  }
0x262: {  	[hbm4b:s0+s25] =	stream.strided.scatter [tilespmem:s23], [sflag:$0x3], $0x1000, s26, s25, $0x38;
	[tilespmem:$0x1D028] =	vst v63  }
0x263: {  	_ =	swait.ge [sflag:s28], $0x1000  }
0x264: {  	[sflag:s28] =	ssyncset.done $0x0  }
0x265: {  	[sflag:s28] =	ssyncadd.s32 $0xFFFFF000  }
0x266: {  	_ =	swait.ge [sflag:s28], $0x1000  }
0x267: {  	[sflag:s28] =	ssyncset.done $0x0  }
0x268: {  	[sflag:s28] =	ssyncadd.s32 $0xFFFFF000  }
0x269: {  	_ =	swait.ge [sflag:s28], $0x1000  }
0x26a: {  	[sflag:s28] =	ssyncset.done $0x0  }
0x26b: {  	[sflag:s28] =	ssyncadd.s32 $0xFFFFF000  }
0x26c: {  	_ =	swait.ge [sflag:s28], $0x1000  }
0x26d: {  	[sflag:s28] =	ssyncset.done $0x0  }
0x26e: {  	[sflag:s28] =	ssyncadd.s32 $0xFFFFF000  }
0x26f: {  	_ =	swait.ge [sflag:s28], $0x1000  }
0x270: {  	[sflag:s28] =	ssyncset.done $0x0  }
0x271: {  	[sflag:s28] =	ssyncadd.s32 $0xFFFFF000  }
0x272: {  	_ =	swait.ge [sflag:s28], $0x1000  }
0x273: {  	[sflag:s28] =	ssyncset.done $0x0  }
0x274: {  	[sflag:s28] =	ssyncadd.s32 $0xFFFFF000  }
0x275: {  	_ =	swait.ge [sflag:s28], $0x1000  }
0x276: {  	[sflag:s28] =	ssyncset.done $0x0  }
0x277: {  	[sflag:s28] =	ssyncadd.s32 $0xFFFFF000  }
0x278: {  	_ =	swait.ge [sflag:s28], $0x1000  }
0x279: {  	[sflag:s28] =	ssyncset.done $0x0  }
0x27a: {  	s29 =	sadd.s32 $0x1, s29;
	[sflag:s28] =	ssyncadd.s32 $0xFFFFF000  }
0x27b: {  	p1 =	sne.s32 s29, s7;
	_ =	swait.ge [sflag:s28], $0x1000  }
.Ltmp1:
0x27c: {  	[sflag:s28] =	ssyncset.done $0x0;
	(pc) =	sbr.rel @p1 .LBB2_1-.Ltmp1, $4  }
0x27d: {  	[sflag:s28] =	ssyncadd.s32 $0xFFFFF000  }
0x27e: {  	_ =	swait.ge [sflag:s28], $0x1000  }
0x27f: {  	[sflag:s28] =	ssyncset.done $0x0  }
0x280: {  	[sflag:s28] =	ssyncadd.s32 $0xFFFFF000  }
0x281: {  	_ =	sfence.sel $0x180000  }
0x282: {  	[bflag:$0x0] =	sbarrier.arrive $0xFFFF  }
0x283: {  	_ =	strace $0x90000047  }
0x284: {  	[bflag:$0x2] =	sbarrier.arrive $0xFFFF  }
0x285: {  	s0 =	rddreg [dreg:$0x3]  }
0x286: {  	s0 =	sadd.s32 @!p0 $0x100000, s0  }
0x287: {  	[sflag:s0] =	ssyncadd.tile.s32 @!p0 $0x1;
	_ =	shalt  }
.Lfunc_end2:
_tile_overlayer_lowered:
.L_overlay_start_2:
0x288: {  	(tag) =	ssettag $0x2  }
0x289: {  	s0 =	rddreg [dreg:$0x0];
	s2 =	stileid.u32  }
0x28a: {  	s1 =	rddreg [dreg:$0x1];
	p0 =	sne.s32 s2, $0x0  }
0x28b: {  	s3 =	rddreg [dreg:$0x2];
	[bflag:$0x3] =	sbarrier.arrive $0xFFFF;
	s2 =	simm.s32 @!p0 $0x1C04  }
0x28c: {  	[timem:s3], [sflag:s2] =	dma.local @!p0 [hbm:s0], s1  }
0x28d: {  	s0 =	simm.s32 @!p0 $0x4  }
0x28e: {  	_ =	swait.ge @!p0 [sflag:s0], s1  }
0x28f: {  	s1 =	ssub.s32 @!p0 $0x0, s1;
	[sflag:s0] =	ssyncset.done @!p0 $0x0  }
0x290: {  	[sflag:s0] =	ssyncadd.s32 @!p0 s1  }
0x291: {  	[bflag:$0x3] =	sbarrier.arrive $0xFFFF  }
0x292: {  	_ =	shalt  }

</sc_bundles>
